<compile_context>
chip_gen: v7x
topology: tpu7x:2x2x1
jax: 0.10.2.dev20260603
libtpu: 0.0.44.dev20260713+nightly
codegen_flags: <defaults>
</compile_context>

<pallas_src>
import jax
import jax.numpy as jnp
from jax import lax
from jax.experimental import pallas as pl
from jax.experimental.pallas import tpu as pltpu
from jax.experimental.pallas import tpu_sc as plsc

N_NODES = 10000
N_EDGES = 320000
IN_DIM = 128
HEADS = 4
OUT_DIM = 32
HD = HEADS * OUT_DIM

NP = 10240
ROWS_PER_TILE = NP // 16
DEN_WORDS = NP * HEADS
N_WORKERS = 32
EDGES_PER_TILE = N_EDGES // N_WORKERS
CHUNK = 80
WCHUNK = CHUNK * HEADS
N_CHUNKS = EDGES_PER_TILE // CHUNK


def _proj_body(x_ref, wt_ref, acat_ref, xp_ref, s_ref):
    p = jnp.dot(x_ref[...], wt_ref[...], preferred_element_type=jnp.float32)
    xp_ref[...] = p
    s_ref[...] = jnp.dot(p, acat_ref[...], preferred_element_type=jnp.float32)


def _sc_logits_body(s_hbm, src_hbm, dst_hbm,
                    w_hbm, outd_hbm,
                    s_v, den_v, srcb0, dstb0, wb0, srcb1, dstb1, wb1,
                    sem0, sem1):
    c = lax.axis_index("c")
    s = lax.axis_index("s")
    wid = s * 2 + c

    pltpu.sync_copy(s_hbm, s_v)

    def zero_den(i, carry):
        den_v[pl.ds(i * 16, 16)] = jnp.zeros((16,), jnp.float32)
        return carry
    lax.fori_loop(0, DEN_WORDS // 16, zero_den, 0)

    ebase = wid * EDGES_PER_TILE
    lane = lax.iota(jnp.int32, 16)
    bufa = (srcb0, dstb0, wb0, sem0)
    bufb = (srcb1, dstb1, wb1, sem1)

    def stage(k, buf):
        srcb, dstb, wb, sem = buf
        base = ebase + k * CHUNK
        pltpu.async_copy(src_hbm.at[pl.ds(base, CHUNK)], srcb, sem)
        pltpu.async_copy(dst_hbm.at[pl.ds(base, CHUNK)], dstb, sem)

    def process(k, buf):
        srcb, dstb, wb, sem = buf
        base = ebase + k * CHUNK
        pltpu.make_async_copy(src_hbm.at[pl.ds(base, CHUNK)], srcb, sem).wait()
        pltpu.make_async_copy(dst_hbm.at[pl.ds(base, CHUNK)], dstb, sem).wait()
        for g in range(CHUNK // 16):
            sv = srcb[pl.ds(g * 16, 16)] * (2 * HEADS)
            dvu = dstb[pl.ds(g * 16, 16)]
            dv = dvu * (2 * HEADS)
            rl4 = (lane + g * 16) * HEADS
            for h in range(HEADS):
                a = plsc.load_gather(s_v, [sv + h])
                b = plsc.load_gather(s_v, [dv + (HEADS + h)])
                att = a + b
                att = jnp.where(att >= 0.0, att, att * jnp.float32(0.2))
                w = jnp.exp(att)
                plsc.addupdate_scatter(den_v, [dvu + h * NP], w)
                plsc.store_scatter(wb, [rl4 + h], w)
        pltpu.sync_copy(wb, w_hbm.at[pl.ds(base * HEADS, WCHUNK)])

    stage(0, bufa)
    stage(1, bufb)

    def pair_step(j, carry):
        k0 = 2 * j
        process(k0, bufa)
        stage(k0 + 2, bufa)
        process(k0 + 1, bufb)

        @pl.when(k0 + 3 < N_CHUNKS)
        def _():
            stage(k0 + 3, bufb)
        return carry

    lax.fori_loop(0, (N_CHUNKS - 1) // 2, pair_step, 0)
    process(N_CHUNKS - 1, bufa)

    pltpu.sync_copy(den_v, outd_hbm.at[wid])


def _sc_scatter_body(xp_hbm, w_hbm, src_hbm, dst_hbm, z_hbm,
                     outm_hbm,
                     acc_sh, srcb0, dstb0, rowb0, wb0,
                     srcb1, dstb1, rowb1, wb1,
                     semi0, semg0, semi1, semg1):
    c = lax.axis_index("c")
    s = lax.axis_index("s")
    wid = s * 2 + c
    rows0 = s * ROWS_PER_TILE

    for j in range(ROWS_PER_TILE // 128):
        pltpu.sync_copy(z_hbm, acc_sh.at[pl.ds(rows0 + j * 128, 128)])

    plsc.subcore_barrier()

    ebase = wid * EDGES_PER_TILE
    bufa = (srcb0, dstb0, rowb0, wb0, semi0, semg0)
    bufb = (srcb1, dstb1, rowb1, wb1, semi1, semg1)

    def stage_idx(k, buf):
        srcb, dstb, rowb, wb, semi, semg = buf
        base = ebase + k * CHUNK
        pltpu.async_copy(src_hbm.at[pl.ds(base, CHUNK)], srcb, semi)
        pltpu.async_copy(dst_hbm.at[pl.ds(base, CHUNK)], dstb, semi)
        pltpu.async_copy(w_hbm.at[pl.ds(base * HEADS, WCHUNK)], wb, semi)

    def launch(k, buf):
        srcb, dstb, rowb, wb, semi, semg = buf
        base = ebase + k * CHUNK
        pltpu.make_async_copy(src_hbm.at[pl.ds(base, CHUNK)], srcb,
                              semi).wait()
        pltpu.make_async_copy(dst_hbm.at[pl.ds(base, CHUNK)], dstb,
                              semi).wait()
        pltpu.make_async_copy(w_hbm.at[pl.ds(base * HEADS, WCHUNK)], wb,
                              semi).wait()
        pltpu.async_copy(xp_hbm.at[srcb], rowb, semg)

    def process(buf):
        srcb, dstb, rowb, wb, semi, semg = buf
        pltpu.make_async_copy(xp_hbm.at[srcb], rowb, semg).wait()

        def scale(g4, carry2):
            wv = wb[pl.ds(g4 * 16, 16)]
            for le in range(4):
                e = g4 * 4 + le
                for h in range(HEADS):
                    ws = wv[le * HEADS + h]
                    for q in range(2):
                        sl = pl.ds(h * OUT_DIM + q * 16, 16)
                        rowb[e, sl] = rowb[e, sl] * ws
            return carry2
        lax.fori_loop(0, WCHUNK // 16, scale, 0)

        pltpu.sync_copy(rowb, acc_sh.at[dstb], add=True)

    stage_idx(0, bufa)
    launch(0, bufa)
    stage_idx(1, bufb)
    launch(1, bufb)

    def pair_step(j, carry):
        k0 = 2 * j
        process(bufa)
        stage_idx(k0 + 2, bufa)
        launch(k0 + 2, bufa)
        process(bufb)

        @pl.when(k0 + 3 < N_CHUNKS)
        def _():
            stage_idx(k0 + 3, bufb)
            launch(k0 + 3, bufb)
        return carry

    lax.fori_loop(0, (N_CHUNKS - 1) // 2, pair_step, 0)
    process(bufa)

    plsc.subcore_barrier()

    pltpu.sync_copy(acc_sh.at[pl.ds(rows0, ROWS_PER_TILE)],
                    outm_hbm.at[c, pl.ds(rows0, ROWS_PER_TILE)])


def _fin_body(accm_ref, accd_ref, bias_ref, r_ref, o_ref):
    m = accm_ref[0] + accm_ref[1]
    d = jnp.sum(accd_ref[...], axis=0)
    drep = lax.dot_general(d, r_ref[...], (((0,), (0,)), ((), ())),
                           preferred_element_type=jnp.float32)
    o_ref[...] = m / (drep + jnp.float32(1e-12)) + bias_ref[...]


def kernel(x, edge_index, W, att_src, att_dst, bias):
    f32 = jnp.float32
    rows = jnp.arange(HD)
    cols = jnp.repeat(jnp.arange(HEADS), OUT_DIM)
    asrc = jnp.zeros((HD, HEADS), f32).at[rows, cols].set(att_src.reshape(-1))
    adst = jnp.zeros((HD, HEADS), f32).at[rows, cols].set(att_dst.reshape(-1))
    acat = jnp.concatenate([asrc, adst], axis=1)

    bm = 2000
    xp, s_tab = pl.pallas_call(
        _proj_body,
        grid=(N_NODES // bm,),
        in_specs=[
            pl.BlockSpec((bm, IN_DIM), lambda i: (i, 0)),
            pl.BlockSpec((IN_DIM, HD), lambda i: (0, 0)),
            pl.BlockSpec((HD, 2 * HEADS), lambda i: (0, 0)),
        ],
        out_specs=[
            pl.BlockSpec((bm, HD), lambda i: (i, 0)),
            pl.BlockSpec((bm, 2 * HEADS), lambda i: (i, 0)),
        ],
        out_shape=[
            jax.ShapeDtypeStruct((N_NODES, HD), f32),
            jax.ShapeDtypeStruct((N_NODES, 2 * HEADS), f32),
        ],
    )(x, W.T, acat)

    s_flat = s_tab.reshape(-1)
    src = edge_index[0]
    dst = edge_index[1]

    mesh = plsc.VectorSubcoreMesh(core_axis_name="c", subcore_axis_name="s")

    sc_logits = pl.kernel(
        _sc_logits_body,
        out_type=[
            jax.ShapeDtypeStruct((N_EDGES * HEADS,), f32),
            jax.ShapeDtypeStruct((N_WORKERS, DEN_WORDS), f32),
        ],
        mesh=mesh,
        compiler_params=pltpu.CompilerParams(needs_layout_passes=False),
        scratch_types=[
            pltpu.VMEM((N_NODES * 2 * HEADS,), f32),
            pltpu.VMEM((DEN_WORDS,), f32),
            pltpu.VMEM((CHUNK,), jnp.int32),
            pltpu.VMEM((CHUNK,), jnp.int32),
            pltpu.VMEM((WCHUNK,), f32),
            pltpu.VMEM((CHUNK,), jnp.int32),
            pltpu.VMEM((CHUNK,), jnp.int32),
            pltpu.VMEM((WCHUNK,), f32),
            pltpu.SemaphoreType.DMA,
            pltpu.SemaphoreType.DMA,
        ],
    )
    w_edge, accd = sc_logits(s_flat, src, dst)

    z = jnp.zeros((128, HD), f32)
    sc_scatter = pl.kernel(
        _sc_scatter_body,
        out_type=jax.ShapeDtypeStruct((2, NP, HD), f32),
        mesh=mesh,
        scratch_types=[
            pltpu.VMEM_SHARED((NP, HD), f32),
            pltpu.VMEM((CHUNK,), jnp.int32),
            pltpu.VMEM((CHUNK,), jnp.int32),
            pltpu.VMEM((CHUNK, HD), f32),
            pltpu.VMEM((WCHUNK,), f32),
            pltpu.VMEM((CHUNK,), jnp.int32),
            pltpu.VMEM((CHUNK,), jnp.int32),
            pltpu.VMEM((CHUNK, HD), f32),
            pltpu.VMEM((WCHUNK,), f32),
            pltpu.SemaphoreType.DMA,
            pltpu.SemaphoreType.DMA,
            pltpu.SemaphoreType.DMA,
            pltpu.SemaphoreType.DMA,
        ],
    )
    accm = sc_scatter(xp, w_edge, src, dst, z)

    accd = accd.reshape(N_WORKERS, HEADS, NP)
    r4 = jnp.zeros((HEADS, HD), f32).at[cols, rows].set(1.0)
    bias2d = bias.reshape(1, HD)
    bn = 2048
    out = pl.pallas_call(
        _fin_body,
        grid=(NP // bn,),
        in_specs=[
            pl.BlockSpec((2, bn, HD), lambda i: (0, i, 0)),
            pl.BlockSpec((N_WORKERS, HEADS, bn), lambda i: (0, 0, i)),
            pl.BlockSpec((1, HD), lambda i: (0, 0)),
            pl.BlockSpec((HEADS, HD), lambda i: (0, 0)),
        ],
        out_specs=pl.BlockSpec((bn, HD), lambda i: (i, 0)),
        out_shape=jax.ShapeDtypeStruct((NP, HD), f32),
    )(accm, accd, bias2d, r4)

    return out[:N_NODES]

# --- scband reference (transcript-rebuilt; emitter-appended) ---
"""Pipeline reference for scband-sparse-gatlayer-66932770340994 (READ-ONLY COPY).

The authoritative reference and input builder live on the scoring server;
editing this copy changes nothing except your own understanding.
"""

import jax
import jax.numpy as jnp
import numpy as np

N_NODES = 10000
N_EDGES = 320000
IN_DIM = 128
HEADS = 4
OUT_DIM = 32


def setup_inputs(seed: int = 0) -> dict:
    key = jax.random.key(seed)
    k1, k2, k3, k4, k5 = jax.random.split(key, 5)
    x = jax.random.normal(k1, (N_NODES, IN_DIM), dtype=jnp.float32)
    edge_index = jax.random.randint(k2, (2, N_EDGES), 0, N_NODES, dtype=jnp.int32)
    # Linear weight (heads*out_dim, in_dim), xavier-uniform-like scale
    lim_w = float(np.sqrt(6.0 / (IN_DIM + HEADS * OUT_DIM)))
    W = jax.random.uniform(k3, (HEADS * OUT_DIM, IN_DIM), dtype=jnp.float32, minval=-lim_w, maxval=lim_w)
    lim_a = float(np.sqrt(6.0 / (HEADS + OUT_DIM)))
    att_src = jax.random.uniform(k4, (HEADS, OUT_DIM), dtype=jnp.float32, minval=-lim_a, maxval=lim_a)
    att_dst = jax.random.uniform(k5, (HEADS, OUT_DIM), dtype=jnp.float32, minval=-lim_a, maxval=lim_a)
    bias = jnp.zeros((HEADS * OUT_DIM,), dtype=jnp.float32)
    return {"x": x, "edge_index": edge_index, "W": W, "att_src": att_src, "att_dst": att_dst, "bias": bias}


def reference(x, edge_index, W, att_src, att_dst, bias):
    n_nodes = x.shape[0]
    heads, out_dim = att_src.shape
    src = edge_index[0]
    dst = edge_index[1]
    # x_proj = lin(x) -> [N, H, D]
    x_proj = (x @ W.T).reshape(n_nodes, heads, out_dim)
    # per-edge attention logits (gather)
    x_src = x_proj[src]  # [E, H, D]
    x_dst = x_proj[dst]  # [E, H, D]
    att = (x_src * att_src[None, :, :]).sum(axis=-1) + (x_dst * att_dst[None, :, :]).sum(axis=-1)
    att = jax.nn.leaky_relu(att, negative_slope=0.2)
    # segment softmax over dst
    max_per_node = jax.ops.segment_max(att, dst, num_segments=n_nodes)
    max_per_node = jnp.where(jnp.isfinite(max_per_node), max_per_node, jnp.float32(-1e15))
    norm_scores = att - max_per_node[dst]
    exp_scores = jnp.exp(norm_scores)
    denom = jax.ops.segment_sum(exp_scores, dst, num_segments=n_nodes)
    alpha = exp_scores / (denom[dst] + 1e-12)
    # dropout: eval mode (p effectively 0, identity)
    messages = x_src * alpha[:, :, None]
    out = jax.ops.segment_sum(messages, dst, num_segments=n_nodes)
    out = out.reshape(n_nodes, heads * out_dim)
    out = out + bias
    return out

if __name__ == "__main__":
    import jax
    _d = setup_inputs()
    print(jax.jit(kernel)(*tuple(_d.values())))

</pallas_src>

<mosaic_0001>
#map = affine_map<(d0, d1) -> (0, 0)>
#map1 = affine_map<(d0, d1) -> (0)>
#map2 = affine_map<(d0, d1) -> (0, 0, 0)>
module attributes {stable_mosaic.version = 14 : i64} {
  func.func @_sc_scatter_body(%arg0: i32, %arg1: i32, %arg2: memref<10000x128xf32, #tpu.memory_space<hbm>>, %arg3: memref<1280000xf32, #tpu.memory_space<hbm>>, %arg4: memref<320000xi32, #tpu.memory_space<hbm>>, %arg5: memref<320000xi32, #tpu.memory_space<hbm>>, %arg6: memref<128x128xf32, #tpu.memory_space<hbm>>, %arg7: memref<2x10240x128xf32, #tpu.memory_space<hbm>>, %arg8: memref<10240x128xf32, #tpu.memory_space<vmem_shared>>, %arg9: memref<80xi32, #tpu.memory_space<vmem>>, %arg10: memref<80xi32, #tpu.memory_space<vmem>>, %arg11: memref<80x128xf32, #tpu.memory_space<vmem>>, %arg12: memref<320xf32, #tpu.memory_space<vmem>>, %arg13: memref<80xi32, #tpu.memory_space<vmem>>, %arg14: memref<80xi32, #tpu.memory_space<vmem>>, %arg15: memref<80x128xf32, #tpu.memory_space<vmem>>, %arg16: memref<320xf32, #tpu.memory_space<vmem>>, %arg17: memref<!tpu.dma_semaphore, #tpu.memory_space<semaphore_mem>>, %arg18: memref<!tpu.dma_semaphore, #tpu.memory_space<semaphore_mem>>, %arg19: memref<!tpu.dma_semaphore, #tpu.memory_space<semaphore_mem>>, %arg20: memref<!tpu.dma_semaphore, #tpu.memory_space<semaphore_mem>>) attributes {dimension_semantics = [#tpu.dimension_semantics<core_parallel>, #tpu.dimension_semantics<subcore_parallel>], iteration_bounds = array<i64: 2, 16>, scalar_prefetch = 0 : i64, scratch_operands = 13 : i64, tpu.core_type = #tpu.core_type<sc_vector_subcore>, window_params = [{transform_indices = #map}, {transform_indices = #map1}, {transform_indices = #map1}, {transform_indices = #map1}, {transform_indices = #map}, {transform_indices = #map2}]} {
    %mul3A = arith.constant 2 : i32
    %mul3A_0 = arith.muli %arg1, %mul3A : i32
    %add3A = arith.addi %mul3A_0, %arg0 : i32
    %mul3A_1 = arith.constant 640 : i32
    %mul3A_2 = arith.muli %arg1, %mul3A_1 : i32
    %add3A_3 = arith.constant 0 : i32
    %add3A_4 = arith.addi %mul3A_2, %add3A_3 : i32
    "tpu.region"() ({
      %run_scoped3A = tpu.sem_alloc : memref<!tpu.dma_semaphore, #tpu.memory_space<semaphore_mem>>
      %dma_start3A_74 = arith.constant 0 : i32
      %dma_start3A_75 = tpu.memref_slice %arg8[%add3A_4, %dma_start3A_74] : memref<10240x128xf32, #tpu.memory_space<vmem_shared>> -> memref<128x128xf32, #tpu.memory_space<vmem_shared>>
      tpu.enqueue_dma source(%arg6 : memref<128x128xf32, #tpu.memory_space<hbm>>) target(%dma_start3A_75 : memref<128x128xf32, #tpu.memory_space<vmem_shared>>) target_semaphore(%run_scoped3A : memref<!tpu.dma_semaphore, #tpu.memory_space<semaphore_mem>>)
      %dma_wait3A_76 = arith.constant 0 : i32
      %dma_wait3A_77 = tpu.memref_slice %arg8[%add3A_4, %dma_wait3A_76] : memref<10240x128xf32, #tpu.memory_space<vmem_shared>> -> memref<128x128xf32, #tpu.memory_space<vmem_shared>>
      tpu.wait_dma2 semaphore(%run_scoped3A : memref<!tpu.dma_semaphore, #tpu.memory_space<semaphore_mem>>) src(%arg6 : memref<128x128xf32, #tpu.memory_space<hbm>>) dst(%dma_wait3A_77 : memref<128x128xf32, #tpu.memory_space<vmem_shared>>)
      tpu.yield
    }) : () -> ()
    %add3A_5 = arith.constant 128 : i32
    %add3A_6 = arith.addi %mul3A_2, %add3A_5 : i32
    "tpu.region"() ({
      %run_scoped3A = tpu.sem_alloc : memref<!tpu.dma_semaphore, #tpu.memory_space<semaphore_mem>>
      %dma_start3A_74 = arith.constant 0 : i32
      %dma_start3A_75 = tpu.memref_slice %arg8[%add3A_6, %dma_start3A_74] : memref<10240x128xf32, #tpu.memory_space<vmem_shared>> -> memref<128x128xf32, #tpu.memory_space<vmem_shared>>
      tpu.enqueue_dma source(%arg6 : memref<128x128xf32, #tpu.memory_space<hbm>>) target(%dma_start3A_75 : memref<128x128xf32, #tpu.memory_space<vmem_shared>>) target_semaphore(%run_scoped3A : memref<!tpu.dma_semaphore, #tpu.memory_space<semaphore_mem>>)
      %dma_wait3A_76 = arith.constant 0 : i32
      %dma_wait3A_77 = tpu.memref_slice %arg8[%add3A_6, %dma_wait3A_76] : memref<10240x128xf32, #tpu.memory_space<vmem_shared>> -> memref<128x128xf32, #tpu.memory_space<vmem_shared>>
      tpu.wait_dma2 semaphore(%run_scoped3A : memref<!tpu.dma_semaphore, #tpu.memory_space<semaphore_mem>>) src(%arg6 : memref<128x128xf32, #tpu.memory_space<hbm>>) dst(%dma_wait3A_77 : memref<128x128xf32, #tpu.memory_space<vmem_shared>>)
      tpu.yield
    }) : () -> ()
    %add3A_7 = arith.constant 256 : i32
    %add3A_8 = arith.addi %mul3A_2, %add3A_7 : i32
    "tpu.region"() ({
      %run_scoped3A = tpu.sem_alloc : memref<!tpu.dma_semaphore, #tpu.memory_space<semaphore_mem>>
      %dma_start3A_74 = arith.constant 0 : i32
      %dma_start3A_75 = tpu.memref_slice %arg8[%add3A_8, %dma_start3A_74] : memref<10240x128xf32, #tpu.memory_space<vmem_shared>> -> memref<128x128xf32, #tpu.memory_space<vmem_shared>>
      tpu.enqueue_dma source(%arg6 : memref<128x128xf32, #tpu.memory_space<hbm>>) target(%dma_start3A_75 : memref<128x128xf32, #tpu.memory_space<vmem_shared>>) target_semaphore(%run_scoped3A : memref<!tpu.dma_semaphore, #tpu.memory_space<semaphore_mem>>)
      %dma_wait3A_76 = arith.constant 0 : i32
      %dma_wait3A_77 = tpu.memref_slice %arg8[%add3A_8, %dma_wait3A_76] : memref<10240x128xf32, #tpu.memory_space<vmem_shared>> -> memref<128x128xf32, #tpu.memory_space<vmem_shared>>
      tpu.wait_dma2 semaphore(%run_scoped3A : memref<!tpu.dma_semaphore, #tpu.memory_space<semaphore_mem>>) src(%arg6 : memref<128x128xf32, #tpu.memory_space<hbm>>) dst(%dma_wait3A_77 : memref<128x128xf32, #tpu.memory_space<vmem_shared>>)
      tpu.yield
    }) : () -> ()
    %add3A_9 = arith.constant 384 : i32
    %add3A_10 = arith.addi %mul3A_2, %add3A_9 : i32
    "tpu.region"() ({
      %run_scoped3A = tpu.sem_alloc : memref<!tpu.dma_semaphore, #tpu.memory_space<semaphore_mem>>
      %dma_start3A_74 = arith.constant 0 : i32
      %dma_start3A_75 = tpu.memref_slice %arg8[%add3A_10, %dma_start3A_74] : memref<10240x128xf32, #tpu.memory_space<vmem_shared>> -> memref<128x128xf32, #tpu.memory_space<vmem_shared>>
      tpu.enqueue_dma source(%arg6 : memref<128x128xf32, #tpu.memory_space<hbm>>) target(%dma_start3A_75 : memref<128x128xf32, #tpu.memory_space<vmem_shared>>) target_semaphore(%run_scoped3A : memref<!tpu.dma_semaphore, #tpu.memory_space<semaphore_mem>>)
      %dma_wait3A_76 = arith.constant 0 : i32
      %dma_wait3A_77 = tpu.memref_slice %arg8[%add3A_10, %dma_wait3A_76] : memref<10240x128xf32, #tpu.memory_space<vmem_shared>> -> memref<128x128xf32, #tpu.memory_space<vmem_shared>>
      tpu.wait_dma2 semaphore(%run_scoped3A : memref<!tpu.dma_semaphore, #tpu.memory_space<semaphore_mem>>) src(%arg6 : memref<128x128xf32, #tpu.memory_space<hbm>>) dst(%dma_wait3A_77 : memref<128x128xf32, #tpu.memory_space<vmem_shared>>)
      tpu.yield
    }) : () -> ()
    %add3A_11 = arith.constant 512 : i32
    %add3A_12 = arith.addi %mul3A_2, %add3A_11 : i32
    "tpu.region"() ({
      %run_scoped3A = tpu.sem_alloc : memref<!tpu.dma_semaphore, #tpu.memory_space<semaphore_mem>>
      %dma_start3A_74 = arith.constant 0 : i32
      %dma_start3A_75 = tpu.memref_slice %arg8[%add3A_12, %dma_start3A_74] : memref<10240x128xf32, #tpu.memory_space<vmem_shared>> -> memref<128x128xf32, #tpu.memory_space<vmem_shared>>
      tpu.enqueue_dma source(%arg6 : memref<128x128xf32, #tpu.memory_space<hbm>>) target(%dma_start3A_75 : memref<128x128xf32, #tpu.memory_space<vmem_shared>>) target_semaphore(%run_scoped3A : memref<!tpu.dma_semaphore, #tpu.memory_space<semaphore_mem>>)
      %dma_wait3A_76 = arith.constant 0 : i32
      %dma_wait3A_77 = tpu.memref_slice %arg8[%add3A_12, %dma_wait3A_76] : memref<10240x128xf32, #tpu.memory_space<vmem_shared>> -> memref<128x128xf32, #tpu.memory_space<vmem_shared>>
      tpu.wait_dma2 semaphore(%run_scoped3A : memref<!tpu.dma_semaphore, #tpu.memory_space<semaphore_mem>>) src(%arg6 : memref<128x128xf32, #tpu.memory_space<hbm>>) dst(%dma_wait3A_77 : memref<128x128xf32, #tpu.memory_space<vmem_shared>>)
      tpu.yield
    }) : () -> ()
    %barrier3A = arith.constant 0 : index
    tpu.barrier barrier_id(%barrier3A)
    %mul3A_13 = arith.constant 10000 : i32
    %mul3A_14 = arith.muli %add3A, %mul3A_13 : i32
    %add3A_15 = arith.constant 0 : i32
    %add3A_16 = arith.addi %mul3A_14, %add3A_15 : i32
    %dma_start3A = tpu.memref_slice %arg4[%add3A_16] : memref<320000xi32, #tpu.memory_space<hbm>> -> memref<80xi32, #tpu.memory_space<hbm>>
    %dma_start3A_17 = tpu.memref_slice %arg4[%add3A_16] : memref<320000xi32, #tpu.memory_space<hbm>> -> memref<80xi32, #tpu.memory_space<hbm>>
    tpu.enqueue_dma source(%dma_start3A_17 : memref<80xi32, #tpu.memory_space<hbm>>) target(%arg9 : memref<80xi32, #tpu.memory_space<vmem>>) target_semaphore(%arg17 : memref<!tpu.dma_semaphore, #tpu.memory_space<semaphore_mem>>)
    %dma_start3A_18 = tpu.memref_slice %arg5[%add3A_16] : memref<320000xi32, #tpu.memory_space<hbm>> -> memref<80xi32, #tpu.memory_space<hbm>>
    %dma_start3A_19 = tpu.memref_slice %arg5[%add3A_16] : memref<320000xi32, #tpu.memory_space<hbm>> -> memref<80xi32, #tpu.memory_space<hbm>>
    tpu.enqueue_dma source(%dma_start3A_19 : memref<80xi32, #tpu.memory_space<hbm>>) target(%arg10 : memref<80xi32, #tpu.memory_space<vmem>>) target_semaphore(%arg17 : memref<!tpu.dma_semaphore, #tpu.memory_space<semaphore_mem>>)
    %mul3A_20 = arith.constant 4 : i32
    %mul3A_21 = arith.muli %add3A_16, %mul3A_20 : i32
    %dma_start3A_22 = tpu.memref_slice %arg3[%mul3A_21] : memref<1280000xf32, #tpu.memory_space<hbm>> -> memref<320xf32, #tpu.memory_space<hbm>>
    %dma_start3A_23 = tpu.memref_slice %arg3[%mul3A_21] : memref<1280000xf32, #tpu.memory_space<hbm>> -> memref<320xf32, #tpu.memory_space<hbm>>
    tpu.enqueue_dma source(%dma_start3A_23 : memref<320xf32, #tpu.memory_space<hbm>>) target(%arg12 : memref<320xf32, #tpu.memory_space<vmem>>) target_semaphore(%arg17 : memref<!tpu.dma_semaphore, #tpu.memory_space<semaphore_mem>>)
    %add3A_24 = arith.constant 0 : i32
    %add3A_25 = arith.addi %mul3A_14, %add3A_24 : i32
    %dma_wait3A = tpu.memref_slice %arg4[%add3A_25] : memref<320000xi32, #tpu.memory_space<hbm>> -> memref<80xi32, #tpu.memory_space<hbm>>
    %dma_wait3A_26 = tpu.memref_slice %arg4[%add3A_25] : memref<320000xi32, #tpu.memory_space<hbm>> -> memref<80xi32, #tpu.memory_space<hbm>>
    tpu.wait_dma2 semaphore(%arg17 : memref<!tpu.dma_semaphore, #tpu.memory_space<semaphore_mem>>) src(%dma_wait3A_26 : memref<80xi32, #tpu.memory_space<hbm>>) dst(%arg9 : memref<80xi32, #tpu.memory_space<vmem>>)
    %dma_wait3A_27 = tpu.memref_slice %arg5[%add3A_25] : memref<320000xi32, #tpu.memory_space<hbm>> -> memref<80xi32, #tpu.memory_space<hbm>>
    %dma_wait3A_28 = tpu.memref_slice %arg5[%add3A_25] : memref<320000xi32, #tpu.memory_space<hbm>> -> memref<80xi32, #tpu.memory_space<hbm>>
    tpu.wait_dma2 semaphore(%arg17 : memref<!tpu.dma_semaphore, #tpu.memory_space<semaphore_mem>>) src(%dma_wait3A_28 : memref<80xi32, #tpu.memory_space<hbm>>) dst(%arg10 : memref<80xi32, #tpu.memory_space<vmem>>)
    %mul3A_29 = arith.constant 4 : i32
    %mul3A_30 = arith.muli %add3A_25, %mul3A_29 : i32
    %dma_wait3A_31 = tpu.memref_slice %arg3[%mul3A_30] : memref<1280000xf32, #tpu.memory_space<hbm>> -> memref<320xf32, #tpu.memory_space<hbm>>
    %dma_wait3A_32 = tpu.memref_slice %arg3[%mul3A_30] : memref<1280000xf32, #tpu.memory_space<hbm>> -> memref<320xf32, #tpu.memory_space<hbm>>
    tpu.wait_dma2 semaphore(%arg17 : memref<!tpu.dma_semaphore, #tpu.memory_space<semaphore_mem>>) src(%dma_wait3A_32 : memref<320xf32, #tpu.memory_space<hbm>>) dst(%arg12 : memref<320xf32, #tpu.memory_space<vmem>>)
    %dma_start3A_33 = arith.constant 0 : i32
    %dma_start3A_34 = arith.constant 0 : i32
    %dma_start3A_35 = tpu.memref_slice %arg2[%dma_start3A_33, %dma_start3A_34] : memref<10000x128xf32, #tpu.memory_space<hbm>> -> memref<10000x128xf32, #tpu.memory_space<hbm>>
    tpu.enqueue_indirect_dma source(%dma_start3A_35 : memref<10000x128xf32, #tpu.memory_space<hbm>>) target(%arg11 : memref<80x128xf32, #tpu.memory_space<vmem>>) offsets(%arg9 : memref<80xi32, #tpu.memory_space<vmem>>) semaphore(%arg18 : memref<!tpu.dma_semaphore, #tpu.memory_space<semaphore_mem>>)
    %add3A_36 = arith.constant 80 : i32
    %add3A_37 = arith.addi %mul3A_14, %add3A_36 : i32
    %dma_start3A_38 = tpu.memref_slice %arg4[%add3A_37] : memref<320000xi32, #tpu.memory_space<hbm>> -> memref<80xi32, #tpu.memory_space<hbm>>
    %dma_start3A_39 = tpu.memref_slice %arg4[%add3A_37] : memref<320000xi32, #tpu.memory_space<hbm>> -> memref<80xi32, #tpu.memory_space<hbm>>
    tpu.enqueue_dma source(%dma_start3A_39 : memref<80xi32, #tpu.memory_space<hbm>>) target(%arg13 : memref<80xi32, #tpu.memory_space<vmem>>) target_semaphore(%arg19 : memref<!tpu.dma_semaphore, #tpu.memory_space<semaphore_mem>>)
    %dma_start3A_40 = tpu.memref_slice %arg5[%add3A_37] : memref<320000xi32, #tpu.memory_space<hbm>> -> memref<80xi32, #tpu.memory_space<hbm>>
    %dma_start3A_41 = tpu.memref_slice %arg5[%add3A_37] : memref<320000xi32, #tpu.memory_space<hbm>> -> memref<80xi32, #tpu.memory_space<hbm>>
    tpu.enqueue_dma source(%dma_start3A_41 : memref<80xi32, #tpu.memory_space<hbm>>) target(%arg14 : memref<80xi32, #tpu.memory_space<vmem>>) target_semaphore(%arg19 : memref<!tpu.dma_semaphore, #tpu.memory_space<semaphore_mem>>)
    %mul3A_42 = arith.constant 4 : i32
    %mul3A_43 = arith.muli %add3A_37, %mul3A_42 : i32
    %dma_start3A_44 = tpu.memref_slice %arg3[%mul3A_43] : memref<1280000xf32, #tpu.memory_space<hbm>> -> memref<320xf32, #tpu.memory_space<hbm>>
    %dma_start3A_45 = tpu.memref_slice %arg3[%mul3A_43] : memref<1280000xf32, #tpu.memory_space<hbm>> -> memref<320xf32, #tpu.memory_space<hbm>>
    tpu.enqueue_dma source(%dma_start3A_45 : memref<320xf32, #tpu.memory_space<hbm>>) target(%arg16 : memref<320xf32, #tpu.memory_space<vmem>>) target_semaphore(%arg19 : memref<!tpu.dma_semaphore, #tpu.memory_space<semaphore_mem>>)
    %add3A_46 = arith.constant 80 : i32
    %add3A_47 = arith.addi %mul3A_14, %add3A_46 : i32
    %dma_wait3A_48 = tpu.memref_slice %arg4[%add3A_47] : memref<320000xi32, #tpu.memory_space<hbm>> -> memref<80xi32, #tpu.memory_space<hbm>>
    %dma_wait3A_49 = tpu.memref_slice %arg4[%add3A_47] : memref<320000xi32, #tpu.memory_space<hbm>> -> memref<80xi32, #tpu.memory_space<hbm>>
    tpu.wait_dma2 semaphore(%arg19 : memref<!tpu.dma_semaphore, #tpu.memory_space<semaphore_mem>>) src(%dma_wait3A_49 : memref<80xi32, #tpu.memory_space<hbm>>) dst(%arg13 : memref<80xi32, #tpu.memory_space<vmem>>)
    %dma_wait3A_50 = tpu.memref_slice %arg5[%add3A_47] : memref<320000xi32, #tpu.memory_space<hbm>> -> memref<80xi32, #tpu.memory_space<hbm>>
    %dma_wait3A_51 = tpu.memref_slice %arg5[%add3A_47] : memref<320000xi32, #tpu.memory_space<hbm>> -> memref<80xi32, #tpu.memory_space<hbm>>
    tpu.wait_dma2 semaphore(%arg19 : memref<!tpu.dma_semaphore, #tpu.memory_space<semaphore_mem>>) src(%dma_wait3A_51 : memref<80xi32, #tpu.memory_space<hbm>>) dst(%arg14 : memref<80xi32, #tpu.memory_space<vmem>>)
    %mul3A_52 = arith.constant 4 : i32
    %mul3A_53 = arith.muli %add3A_47, %mul3A_52 : i32
    %dma_wait3A_54 = tpu.memref_slice %arg3[%mul3A_53] : memref<1280000xf32, #tpu.memory_space<hbm>> -> memref<320xf32, #tpu.memory_space<hbm>>
    %dma_wait3A_55 = tpu.memref_slice %arg3[%mul3A_53] : memref<1280000xf32, #tpu.memory_space<hbm>> -> memref<320xf32, #tpu.memory_space<hbm>>
    tpu.wait_dma2 semaphore(%arg19 : memref<!tpu.dma_semaphore, #tpu.memory_space<semaphore_mem>>) src(%dma_wait3A_55 : memref<320xf32, #tpu.memory_space<hbm>>) dst(%arg16 : memref<320xf32, #tpu.memory_space<vmem>>)
    %dma_start3A_56 = arith.constant 0 : i32
    %dma_start3A_57 = arith.constant 0 : i32
    %dma_start3A_58 = tpu.memref_slice %arg2[%dma_start3A_56, %dma_start3A_57] : memref<10000x128xf32, #tpu.memory_space<hbm>> -> memref<10000x128xf32, #tpu.memory_space<hbm>>
    tpu.enqueue_indirect_dma source(%dma_start3A_58 : memref<10000x128xf32, #tpu.memory_space<hbm>>) target(%arg15 : memref<80x128xf32, #tpu.memory_space<vmem>>) offsets(%arg13 : memref<80xi32, #tpu.memory_space<vmem>>) semaphore(%arg20 : memref<!tpu.dma_semaphore, #tpu.memory_space<semaphore_mem>>)
    %scan3A = arith.constant 0 : i32
    %scan3A_59 = arith.constant 0 : i32
    %scan3A_60 = arith.constant 62 : i32
    %scan3A_61 = arith.addi %scan3A_59, %scan3A_60 : i32
    %scan3A_62 = arith.constant 1 : i32
    scf.for %scan3A_74 = %scan3A_59 to %scan3A_61 step %scan3A_62  : i32 {
      %mul3A_75 = arith.constant 2 : i32
      %mul3A_76 = arith.muli %mul3A_75, %scan3A_74 : i32
      %dma_wait3A_77 = arith.constant 0 : i32
      %dma_wait3A_78 = arith.constant 0 : i32
      %dma_wait3A_79 = tpu.memref_slice %arg2[%dma_wait3A_77, %dma_wait3A_78] : memref<10000x128xf32, #tpu.memory_space<hbm>> -> memref<10000x128xf32, #tpu.memory_space<hbm>>
      tpu.wait_indirect_dma semaphore(%arg18 : memref<!tpu.dma_semaphore, #tpu.memory_space<semaphore_mem>>) src(%dma_wait3A_79 : memref<10000x128xf32, #tpu.memory_space<hbm>>) dst(%arg11 : memref<80x128xf32, #tpu.memory_space<vmem>>)
      %scan3A_80 = arith.constant 0 : i32
      %scan3A_81 = arith.constant 0 : i32
      %scan3A_82 = arith.constant 20 : i32
      %scan3A_83 = arith.addi %scan3A_81, %scan3A_82 : i32
      %scan3A_84 = arith.constant 1 : i32
      scf.for %scan3A_128 = %scan3A_81 to %scan3A_83 step %scan3A_84  : i32 {
        %mul3A_129 = arith.constant 16 : i32
        %mul3A_130 = arith.muli %scan3A_128, %mul3A_129 : i32
        %get3A = arith.index_cast %mul3A_130 : i32 to index
        %get3A_131 = tpu.vector_load %arg12[%get3A] {strides = array<i32>} : memref<320xf32, #tpu.memory_space<vmem>>, vector<16xf32>,
        %get3A_132 = vector.shape_cast %get3A_131 : vector<16xf32> to vector<16xf32>
        %mul3A_133 = arith.constant 4 : i32
        %mul3A_134 = arith.muli %scan3A_128, %mul3A_133 : i32
        %add3A_135 = arith.constant 0 : i32
        %add3A_136 = arith.addi %mul3A_134, %add3A_135 : i32
        %slice3A = vector.extract_strided_slice %get3A_132 {offsets = [0], sizes = [1], strides = [1]} : vector<16xf32> to vector<1xf32>
        %squeeze3A = vector.extract %slice3A[0] : f32 from vector<1xf32>
        %get3A_137 = arith.index_cast %add3A_136 : i32 to index
        %get3A_138 = arith.constant 0 : index
        %get3A_139 = tpu.vector_load %arg11[%get3A_137, %get3A_138] {strides = array<i32>} : memref<80x128xf32, #tpu.memory_space<vmem>>, vector<1x16xf32>,
        %get3A_140 = vector.shape_cast %get3A_139 : vector<1x16xf32> to vector<16xf32>
        %mul3A_141 = vector.broadcast %squeeze3A : f32 to vector<16xf32>
        %mul3A_142 = arith.mulf %get3A_140, %mul3A_141 : vector<16xf32>
        %swap3A = arith.index_cast %add3A_136 : i32 to index
        %swap3A_143 = arith.constant 0 : index
        %swap3A_144 = tpu.vector_load %arg11[%swap3A, %swap3A_143] {strides = array<i32>} : memref<80x128xf32, #tpu.memory_space<vmem>>, vector<1x16xf32>,
        %swap3A_145 = vector.shape_cast %swap3A_144 : vector<1x16xf32> to vector<16xf32>
        %swap3A_146 = vector.shape_cast %mul3A_142 : vector<16xf32> to vector<1x16xf32>
        tpu.vector_store %arg11[%swap3A, %swap3A_143], %swap3A_146 {strides = array<i32>} : memref<80x128xf32, #tpu.memory_space<vmem>>, vector<1x16xf32>,
        %get3A_147 = arith.index_cast %add3A_136 : i32 to index
        %get3A_148 = arith.constant 16 : index
        %get3A_149 = tpu.vector_load %arg11[%get3A_147, %get3A_148] {strides = array<i32>} : memref<80x128xf32, #tpu.memory_space<vmem>>, vector<1x16xf32>,
        %get3A_150 = vector.shape_cast %get3A_149 : vector<1x16xf32> to vector<16xf32>
        %mul3A_151 = vector.broadcast %squeeze3A : f32 to vector<16xf32>
        %mul3A_152 = arith.mulf %get3A_150, %mul3A_151 : vector<16xf32>
        %swap3A_153 = arith.index_cast %add3A_136 : i32 to index
        %swap3A_154 = arith.constant 16 : index
        %swap3A_155 = tpu.vector_load %arg11[%swap3A_153, %swap3A_154] {strides = array<i32>} : memref<80x128xf32, #tpu.memory_space<vmem>>, vector<1x16xf32>,
        %swap3A_156 = vector.shape_cast %swap3A_155 : vector<1x16xf32> to vector<16xf32>
        %swap3A_157 = vector.shape_cast %mul3A_152 : vector<16xf32> to vector<1x16xf32>
        tpu.vector_store %arg11[%swap3A_153, %swap3A_154], %swap3A_157 {strides = array<i32>} : memref<80x128xf32, #tpu.memory_space<vmem>>, vector<1x16xf32>,
        %slice3A_158 = vector.extract_strided_slice %get3A_132 {offsets = [1], sizes = [1], strides = [1]} : vector<16xf32> to vector<1xf32>
        %squeeze3A_159 = vector.extract %slice3A_158[0] : f32 from vector<1xf32>
        %get3A_160 = arith.index_cast %add3A_136 : i32 to index
        %get3A_161 = arith.constant 32 : index
        %get3A_162 = tpu.vector_load %arg11[%get3A_160, %get3A_161] {strides = array<i32>} : memref<80x128xf32, #tpu.memory_space<vmem>>, vector<1x16xf32>,
        %get3A_163 = vector.shape_cast %get3A_162 : vector<1x16xf32> to vector<16xf32>
        %mul3A_164 = vector.broadcast %squeeze3A_159 : f32 to vector<16xf32>
        %mul3A_165 = arith.mulf %get3A_163, %mul3A_164 : vector<16xf32>
        %swap3A_166 = arith.index_cast %add3A_136 : i32 to index
        %swap3A_167 = arith.constant 32 : index
        %swap3A_168 = tpu.vector_load %arg11[%swap3A_166, %swap3A_167] {strides = array<i32>} : memref<80x128xf32, #tpu.memory_space<vmem>>, vector<1x16xf32>,
        %swap3A_169 = vector.shape_cast %swap3A_168 : vector<1x16xf32> to vector<16xf32>
        %swap3A_170 = vector.shape_cast %mul3A_165 : vector<16xf32> to vector<1x16xf32>
        tpu.vector_store %arg11[%swap3A_166, %swap3A_167], %swap3A_170 {strides = array<i32>} : memref<80x128xf32, #tpu.memory_space<vmem>>, vector<1x16xf32>,
        %get3A_171 = arith.index_cast %add3A_136 : i32 to index
        %get3A_172 = arith.constant 48 : index
        %get3A_173 = tpu.vector_load %arg11[%get3A_171, %get3A_172] {strides = array<i32>} : memref<80x128xf32, #tpu.memory_space<vmem>>, vector<1x16xf32>,
        %get3A_174 = vector.shape_cast %get3A_173 : vector<1x16xf32> to vector<16xf32>
        %mul3A_175 = vector.broadcast %squeeze3A_159 : f32 to vector<16xf32>
        %mul3A_176 = arith.mulf %get3A_174, %mul3A_175 : vector<16xf32>
        %swap3A_177 = arith.index_cast %add3A_136 : i32 to index
        %swap3A_178 = arith.constant 48 : index
        %swap3A_179 = tpu.vector_load %arg11[%swap3A_177, %swap3A_178] {strides = array<i32>} : memref<80x128xf32, #tpu.memory_space<vmem>>, vector<1x16xf32>,
        %swap3A_180 = vector.shape_cast %swap3A_179 : vector<1x16xf32> to vector<16xf32>
        %swap3A_181 = vector.shape_cast %mul3A_176 : vector<16xf32> to vector<1x16xf32>
        tpu.vector_store %arg11[%swap3A_177, %swap3A_178], %swap3A_181 {strides = array<i32>} : memref<80x128xf32, #tpu.memory_space<vmem>>, vector<1x16xf32>,
        %slice3A_182 = vector.extract_strided_slice %get3A_132 {offsets = [2], sizes = [1], strides = [1]} : vector<16xf32> to vector<1xf32>
        %squeeze3A_183 = vector.extract %slice3A_182[0] : f32 from vector<1xf32>
        %get3A_184 = arith.index_cast %add3A_136 : i32 to index
        %get3A_185 = arith.constant 64 : index
        %get3A_186 = tpu.vector_load %arg11[%get3A_184, %get3A_185] {strides = array<i32>} : memref<80x128xf32, #tpu.memory_space<vmem>>, vector<1x16xf32>,
        %get3A_187 = vector.shape_cast %get3A_186 : vector<1x16xf32> to vector<16xf32>
        %mul3A_188 = vector.broadcast %squeeze3A_183 : f32 to vector<16xf32>
        %mul3A_189 = arith.mulf %get3A_187, %mul3A_188 : vector<16xf32>
        %swap3A_190 = arith.index_cast %add3A_136 : i32 to index
        %swap3A_191 = arith.constant 64 : index
        %swap3A_192 = tpu.vector_load %arg11[%swap3A_190, %swap3A_191] {strides = array<i32>} : memref<80x128xf32, #tpu.memory_space<vmem>>, vector<1x16xf32>,
        %swap3A_193 = vector.shape_cast %swap3A_192 : vector<1x16xf32> to vector<16xf32>
        %swap3A_194 = vector.shape_cast %mul3A_189 : vector<16xf32> to vector<1x16xf32>
        tpu.vector_store %arg11[%swap3A_190, %swap3A_191], %swap3A_194 {strides = array<i32>} : memref<80x128xf32, #tpu.memory_space<vmem>>, vector<1x16xf32>,
        %get3A_195 = arith.index_cast %add3A_136 : i32 to index
        %get3A_196 = arith.constant 80 : index
        %get3A_197 = tpu.vector_load %arg11[%get3A_195, %get3A_196] {strides = array<i32>} : memref<80x128xf32, #tpu.memory_space<vmem>>, vector<1x16xf32>,
        %get3A_198 = vector.shape_cast %get3A_197 : vector<1x16xf32> to vector<16xf32>
        %mul3A_199 = vector.broadcast %squeeze3A_183 : f32 to vector<16xf32>
        %mul3A_200 = arith.mulf %get3A_198, %mul3A_199 : vector<16xf32>
        %swap3A_201 = arith.index_cast %add3A_136 : i32 to index
        %swap3A_202 = arith.constant 80 : index
        %swap3A_203 = tpu.vector_load %arg11[%swap3A_201, %swap3A_202] {strides = array<i32>} : memref<80x128xf32, #tpu.memory_space<vmem>>, vector<1x16xf32>,
        %swap3A_204 = vector.shape_cast %swap3A_203 : vector<1x16xf32> to vector<16xf32>
        %swap3A_205 = vector.shape_cast %mul3A_200 : vector<16xf32> to vector<1x16xf32>
        tpu.vector_store %arg11[%swap3A_201, %swap3A_202], %swap3A_205 {strides = array<i32>} : memref<80x128xf32, #tpu.memory_space<vmem>>, vector<1x16xf32>,
        %slice3A_206 = vector.extract_strided_slice %get3A_132 {offsets = [3], sizes = [1], strides = [1]} : vector<16xf32> to vector<1xf32>
        %squeeze3A_207 = vector.extract %slice3A_206[0] : f32 from vector<1xf32>
        %get3A_208 = arith.index_cast %add3A_136 : i32 to index
        %get3A_209 = arith.constant 96 : index
        %get3A_210 = tpu.vector_load %arg11[%get3A_208, %get3A_209] {strides = array<i32>} : memref<80x128xf32, #tpu.memory_space<vmem>>, vector<1x16xf32>,
        %get3A_211 = vector.shape_cast %get3A_210 : vector<1x16xf32> to vector<16xf32>
        %mul3A_212 = vector.broadcast %squeeze3A_207 : f32 to vector<16xf32>
        %mul3A_213 = arith.mulf %get3A_211, %mul3A_212 : vector<16xf32>
        %swap3A_214 = arith.index_cast %add3A_136 : i32 to index
        %swap3A_215 = arith.constant 96 : index
        %swap3A_216 = tpu.vector_load %arg11[%swap3A_214, %swap3A_215] {strides = array<i32>} : memref<80x128xf32, #tpu.memory_space<vmem>>, vector<1x16xf32>,
        %swap3A_217 = vector.shape_cast %swap3A_216 : vector<1x16xf32> to vector<16xf32>
        %swap3A_218 = vector.shape_cast %mul3A_213 : vector<16xf32> to vector<1x16xf32>
        tpu.vector_store %arg11[%swap3A_214, %swap3A_215], %swap3A_218 {strides = array<i32>} : memref<80x128xf32, #tpu.memory_space<vmem>>, vector<1x16xf32>,
        %get3A_219 = arith.index_cast %add3A_136 : i32 to index
        %get3A_220 = arith.constant 112 : index
        %get3A_221 = tpu.vector_load %arg11[%get3A_219, %get3A_220] {strides = array<i32>} : memref<80x128xf32, #tpu.memory_space<vmem>>, vector<1x16xf32>,
        %get3A_222 = vector.shape_cast %get3A_221 : vector<1x16xf32> to vector<16xf32>
        %mul3A_223 = vector.broadcast %squeeze3A_207 : f32 to vector<16xf32>
        %mul3A_224 = arith.mulf %get3A_222, %mul3A_223 : vector<16xf32>
        %swap3A_225 = arith.index_cast %add3A_136 : i32 to index
        %swap3A_226 = arith.constant 112 : index
        %swap3A_227 = tpu.vector_load %arg11[%swap3A_225, %swap3A_226] {strides = array<i32>} : memref<80x128xf32, #tpu.memory_space<vmem>>, vector<1x16xf32>,
        %swap3A_228 = vector.shape_cast %swap3A_227 : vector<1x16xf32> to vector<16xf32>
        %swap3A_229 = vector.shape_cast %mul3A_224 : vector<16xf32> to vector<1x16xf32>
        tpu.vector_store %arg11[%swap3A_225, %swap3A_226], %swap3A_229 {strides = array<i32>} : memref<80x128xf32, #tpu.memory_space<vmem>>, vector<1x16xf32>,
        %mul3A_230 = arith.constant 4 : i32
        %mul3A_231 = arith.muli %scan3A_128, %mul3A_230 : i32
        %add3A_232 = arith.constant 1 : i32
        %add3A_233 = arith.addi %mul3A_231, %add3A_232 : i32
        %slice3A_234 = vector.extract_strided_slice %get3A_132 {offsets = [4], sizes = [1], strides = [1]} : vector<16xf32> to vector<1xf32>
        %squeeze3A_235 = vector.extract %slice3A_234[0] : f32 from vector<1xf32>
        %get3A_236 = arith.index_cast %add3A_233 : i32 to index
        %get3A_237 = arith.constant 0 : index
        %get3A_238 = tpu.vector_load %arg11[%get3A_236, %get3A_237] {strides = array<i32>} : memref<80x128xf32, #tpu.memory_space<vmem>>, vector<1x16xf32>,
        %get3A_239 = vector.shape_cast %get3A_238 : vector<1x16xf32> to vector<16xf32>
        %mul3A_240 = vector.broadcast %squeeze3A_235 : f32 to vector<16xf32>
        %mul3A_241 = arith.mulf %get3A_239, %mul3A_240 : vector<16xf32>
        %swap3A_242 = arith.index_cast %add3A_233 : i32 to index
        %swap3A_243 = arith.constant 0 : index
        %swap3A_244 = tpu.vector_load %arg11[%swap3A_242, %swap3A_243] {strides = array<i32>} : memref<80x128xf32, #tpu.memory_space<vmem>>, vector<1x16xf32>,
        %swap3A_245 = vector.shape_cast %swap3A_244 : vector<1x16xf32> to vector<16xf32>
        %swap3A_246 = vector.shape_cast %mul3A_241 : vector<16xf32> to vector<1x16xf32>
        tpu.vector_store %arg11[%swap3A_242, %swap3A_243], %swap3A_246 {strides = array<i32>} : memref<80x128xf32, #tpu.memory_space<vmem>>, vector<1x16xf32>,
        %get3A_247 = arith.index_cast %add3A_233 : i32 to index
        %get3A_248 = arith.constant 16 : index
        %get3A_249 = tpu.vector_load %arg11[%get3A_247, %get3A_248] {strides = array<i32>} : memref<80x128xf32, #tpu.memory_space<vmem>>, vector<1x16xf32>,
        %get3A_250 = vector.shape_cast %get3A_249 : vector<1x16xf32> to vector<16xf32>
        %mul3A_251 = vector.broadcast %squeeze3A_235 : f32 to vector<16xf32>
        %mul3A_252 = arith.mulf %get3A_250, %mul3A_251 : vector<16xf32>
        %swap3A_253 = arith.index_cast %add3A_233 : i32 to index
        %swap3A_254 = arith.constant 16 : index
        %swap3A_255 = tpu.vector_load %arg11[%swap3A_253, %swap3A_254] {strides = array<i32>} : memref<80x128xf32, #tpu.memory_space<vmem>>, vector<1x16xf32>,
        %swap3A_256 = vector.shape_cast %swap3A_255 : vector<1x16xf32> to vector<16xf32>
        %swap3A_257 = vector.shape_cast %mul3A_252 : vector<16xf32> to vector<1x16xf32>
        tpu.vector_store %arg11[%swap3A_253, %swap3A_254], %swap3A_257 {strides = array<i32>} : memref<80x128xf32, #tpu.memory_space<vmem>>, vector<1x16xf32>,
        %slice3A_258 = vector.extract_strided_slice %get3A_132 {offsets = [5], sizes = [1], strides = [1]} : vector<16xf32> to vector<1xf32>
        %squeeze3A_259 = vector.extract %slice3A_258[0] : f32 from vector<1xf32>
        %get3A_260 = arith.index_cast %add3A_233 : i32 to index
        %get3A_261 = arith.constant 32 : index
        %get3A_262 = tpu.vector_load %arg11[%get3A_260, %get3A_261] {strides = array<i32>} : memref<80x128xf32, #tpu.memory_space<vmem>>, vector<1x16xf32>,
        %get3A_263 = vector.shape_cast %get3A_262 : vector<1x16xf32> to vector<16xf32>
        %mul3A_264 = vector.broadcast %squeeze3A_259 : f32 to vector<16xf32>
        %mul3A_265 = arith.mulf %get3A_263, %mul3A_264 : vector<16xf32>
        %swap3A_266 = arith.index_cast %add3A_233 : i32 to index
        %swap3A_267 = arith.constant 32 : index
        %swap3A_268 = tpu.vector_load %arg11[%swap3A_266, %swap3A_267] {strides = array<i32>} : memref<80x128xf32, #tpu.memory_space<vmem>>, vector<1x16xf32>,
        %swap3A_269 = vector.shape_cast %swap3A_268 : vector<1x16xf32> to vector<16xf32>
        %swap3A_270 = vector.shape_cast %mul3A_265 : vector<16xf32> to vector<1x16xf32>
        tpu.vector_store %arg11[%swap3A_266, %swap3A_267], %swap3A_270 {strides = array<i32>} : memref<80x128xf32, #tpu.memory_space<vmem>>, vector<1x16xf32>,
        %get3A_271 = arith.index_cast %add3A_233 : i32 to index
        %get3A_272 = arith.constant 48 : index
        %get3A_273 = tpu.vector_load %arg11[%get3A_271, %get3A_272] {strides = array<i32>} : memref<80x128xf32, #tpu.memory_space<vmem>>, vector<1x16xf32>,
        %get3A_274 = vector.shape_cast %get3A_273 : vector<1x16xf32> to vector<16xf32>
        %mul3A_275 = vector.broadcast %squeeze3A_259 : f32 to vector<16xf32>
        %mul3A_276 = arith.mulf %get3A_274, %mul3A_275 : vector<16xf32>
        %swap3A_277 = arith.index_cast %add3A_233 : i32 to index
        %swap3A_278 = arith.constant 48 : index
        %swap3A_279 = tpu.vector_load %arg11[%swap3A_277, %swap3A_278] {strides = array<i32>} : memref<80x128xf32, #tpu.memory_space<vmem>>, vector<1x16xf32>,
        %swap3A_280 = vector.shape_cast %swap3A_279 : vector<1x16xf32> to vector<16xf32>
        %swap3A_281 = vector.shape_cast %mul3A_276 : vector<16xf32> to vector<1x16xf32>
        tpu.vector_store %arg11[%swap3A_277, %swap3A_278], %swap3A_281 {strides = array<i32>} : memref<80x128xf32, #tpu.memory_space<vmem>>, vector<1x16xf32>,
        %slice3A_282 = vector.extract_strided_slice %get3A_132 {offsets = [6], sizes = [1], strides = [1]} : vector<16xf32> to vector<1xf32>
        %squeeze3A_283 = vector.extract %slice3A_282[0] : f32 from vector<1xf32>
        %get3A_284 = arith.index_cast %add3A_233 : i32 to index
        %get3A_285 = arith.constant 64 : index
        %get3A_286 = tpu.vector_load %arg11[%get3A_284, %get3A_285] {strides = array<i32>} : memref<80x128xf32, #tpu.memory_space<vmem>>, vector<1x16xf32>,
        %get3A_287 = vector.shape_cast %get3A_286 : vector<1x16xf32> to vector<16xf32>
        %mul3A_288 = vector.broadcast %squeeze3A_283 : f32 to vector<16xf32>
        %mul3A_289 = arith.mulf %get3A_287, %mul3A_288 : vector<16xf32>
        %swap3A_290 = arith.index_cast %add3A_233 : i32 to index
        %swap3A_291 = arith.constant 64 : index
        %swap3A_292 = tpu.vector_load %arg11[%swap3A_290, %swap3A_291] {strides = array<i32>} : memref<80x128xf32, #tpu.memory_space<vmem>>, vector<1x16xf32>,
        %swap3A_293 = vector.shape_cast %swap3A_292 : vector<1x16xf32> to vector<16xf32>
        %swap3A_294 = vector.shape_cast %mul3A_289 : vector<16xf32> to vector<1x16xf32>
        tpu.vector_store %arg11[%swap3A_290, %swap3A_291], %swap3A_294 {strides = array<i32>} : memref<80x128xf32, #tpu.memory_space<vmem>>, vector<1x16xf32>,
        %get3A_295 = arith.index_cast %add3A_233 : i32 to index
        %get3A_296 = arith.constant 80 : index
        %get3A_297 = tpu.vector_load %arg11[%get3A_295, %get3A_296] {strides = array<i32>} : memref<80x128xf32, #tpu.memory_space<vmem>>, vector<1x16xf32>,
        %get3A_298 = vector.shape_cast %get3A_297 : vector<1x16xf32> to vector<16xf32>
        %mul3A_299 = vector.broadcast %squeeze3A_283 : f32 to vector<16xf32>
        %mul3A_300 = arith.mulf %get3A_298, %mul3A_299 : vector<16xf32>
        %swap3A_301 = arith.index_cast %add3A_233 : i32 to index
        %swap3A_302 = arith.constant 80 : index
        %swap3A_303 = tpu.vector_load %arg11[%swap3A_301, %swap3A_302] {strides = array<i32>} : memref<80x128xf32, #tpu.memory_space<vmem>>, vector<1x16xf32>,
        %swap3A_304 = vector.shape_cast %swap3A_303 : vector<1x16xf32> to vector<16xf32>
        %swap3A_305 = vector.shape_cast %mul3A_300 : vector<16xf32> to vector<1x16xf32>
        tpu.vector_store %arg11[%swap3A_301, %swap3A_302], %swap3A_305 {strides = array<i32>} : memref<80x128xf32, #tpu.memory_space<vmem>>, vector<1x16xf32>,
        %slice3A_306 = vector.extract_strided_slice %get3A_132 {offsets = [7], sizes = [1], strides = [1]} : vector<16xf32> to vector<1xf32>
        %squeeze3A_307 = vector.extract %slice3A_306[0] : f32 from vector<1xf32>
        %get3A_308 = arith.index_cast %add3A_233 : i32 to index
        %get3A_309 = arith.constant 96 : index
        %get3A_310 = tpu.vector_load %arg11[%get3A_308, %get3A_309] {strides = array<i32>} : memref<80x128xf32, #tpu.memory_space<vmem>>, vector<1x16xf32>,
        %get3A_311 = vector.shape_cast %get3A_310 : vector<1x16xf32> to vector<16xf32>
        %mul3A_312 = vector.broadcast %squeeze3A_307 : f32 to vector<16xf32>
        %mul3A_313 = arith.mulf %get3A_311, %mul3A_312 : vector<16xf32>
        %swap3A_314 = arith.index_cast %add3A_233 : i32 to index
        %swap3A_315 = arith.constant 96 : index
        %swap3A_316 = tpu.vector_load %arg11[%swap3A_314, %swap3A_315] {strides = array<i32>} : memref<80x128xf32, #tpu.memory_space<vmem>>, vector<1x16xf32>,
        %swap3A_317 = vector.shape_cast %swap3A_316 : vector<1x16xf32> to vector<16xf32>
        %swap3A_318 = vector.shape_cast %mul3A_313 : vector<16xf32> to vector<1x16xf32>
        tpu.vector_store %arg11[%swap3A_314, %swap3A_315], %swap3A_318 {strides = array<i32>} : memref<80x128xf32, #tpu.memory_space<vmem>>, vector<1x16xf32>,
        %get3A_319 = arith.index_cast %add3A_233 : i32 to index
        %get3A_320 = arith.constant 112 : index
        %get3A_321 = tpu.vector_load %arg11[%get3A_319, %get3A_320] {strides = array<i32>} : memref<80x128xf32, #tpu.memory_space<vmem>>, vector<1x16xf32>,
        %get3A_322 = vector.shape_cast %get3A_321 : vector<1x16xf32> to vector<16xf32>
        %mul3A_323 = vector.broadcast %squeeze3A_307 : f32 to vector<16xf32>
        %mul3A_324 = arith.mulf %get3A_322, %mul3A_323 : vector<16xf32>
        %swap3A_325 = arith.index_cast %add3A_233 : i32 to index
        %swap3A_326 = arith.constant 112 : index
        %swap3A_327 = tpu.vector_load %arg11[%swap3A_325, %swap3A_326] {strides = array<i32>} : memref<80x128xf32, #tpu.memory_space<vmem>>, vector<1x16xf32>,
        %swap3A_328 = vector.shape_cast %swap3A_327 : vector<1x16xf32> to vector<16xf32>
        %swap3A_329 = vector.shape_cast %mul3A_324 : vector<16xf32> to vector<1x16xf32>
        tpu.vector_store %arg11[%swap3A_325, %swap3A_326], %swap3A_329 {strides = array<i32>} : memref<80x128xf32, #tpu.memory_space<vmem>>, vector<1x16xf32>,
        %mul3A_330 = arith.constant 4 : i32
        %mul3A_331 = arith.muli %scan3A_128, %mul3A_330 : i32
        %add3A_332 = arith.constant 2 : i32
        %add3A_333 = arith.addi %mul3A_331, %add3A_332 : i32
        %slice3A_334 = vector.extract_strided_slice %get3A_132 {offsets = [8], sizes = [1], strides = [1]} : vector<16xf32> to vector<1xf32>
        %squeeze3A_335 = vector.extract %slice3A_334[0] : f32 from vector<1xf32>
        %get3A_336 = arith.index_cast %add3A_333 : i32 to index
        %get3A_337 = arith.constant 0 : index
        %get3A_338 = tpu.vector_load %arg11[%get3A_336, %get3A_337] {strides = array<i32>} : memref<80x128xf32, #tpu.memory_space<vmem>>, vector<1x16xf32>,
        %get3A_339 = vector.shape_cast %get3A_338 : vector<1x16xf32> to vector<16xf32>
        %mul3A_340 = vector.broadcast %squeeze3A_335 : f32 to vector<16xf32>
        %mul3A_341 = arith.mulf %get3A_339, %mul3A_340 : vector<16xf32>
        %swap3A_342 = arith.index_cast %add3A_333 : i32 to index
        %swap3A_343 = arith.constant 0 : index
        %swap3A_344 = tpu.vector_load %arg11[%swap3A_342, %swap3A_343] {strides = array<i32>} : memref<80x128xf32, #tpu.memory_space<vmem>>, vector<1x16xf32>,
        %swap3A_345 = vector.shape_cast %swap3A_344 : vector<1x16xf32> to vector<16xf32>
        %swap3A_346 = vector.shape_cast %mul3A_341 : vector<16xf32> to vector<1x16xf32>
        tpu.vector_store %arg11[%swap3A_342, %swap3A_343], %swap3A_346 {strides = array<i32>} : memref<80x128xf32, #tpu.memory_space<vmem>>, vector<1x16xf32>,
        %get3A_347 = arith.index_cast %add3A_333 : i32 to index
        %get3A_348 = arith.constant 16 : index
        %get3A_349 = tpu.vector_load %arg11[%get3A_347, %get3A_348] {strides = array<i32>} : memref<80x128xf32, #tpu.memory_space<vmem>>, vector<1x16xf32>,
        %get3A_350 = vector.shape_cast %get3A_349 : vector<1x16xf32> to vector<16xf32>
        %mul3A_351 = vector.broadcast %squeeze3A_335 : f32 to vector<16xf32>
        %mul3A_352 = arith.mulf %get3A_350, %mul3A_351 : vector<16xf32>
        %swap3A_353 = arith.index_cast %add3A_333 : i32 to index
        %swap3A_354 = arith.constant 16 : index
        %swap3A_355 = tpu.vector_load %arg11[%swap3A_353, %swap3A_354] {strides = array<i32>} : memref<80x128xf32, #tpu.memory_space<vmem>>, vector<1x16xf32>,
        %swap3A_356 = vector.shape_cast %swap3A_355 : vector<1x16xf32> to vector<16xf32>
        %swap3A_357 = vector.shape_cast %mul3A_352 : vector<16xf32> to vector<1x16xf32>
        tpu.vector_store %arg11[%swap3A_353, %swap3A_354], %swap3A_357 {strides = array<i32>} : memref<80x128xf32, #tpu.memory_space<vmem>>, vector<1x16xf32>,
        %slice3A_358 = vector.extract_strided_slice %get3A_132 {offsets = [9], sizes = [1], strides = [1]} : vector<16xf32> to vector<1xf32>
        %squeeze3A_359 = vector.extract %slice3A_358[0] : f32 from vector<1xf32>
        %get3A_360 = arith.index_cast %add3A_333 : i32 to index
        %get3A_361 = arith.constant 32 : index
        %get3A_362 = tpu.vector_load %arg11[%get3A_360, %get3A_361] {strides = array<i32>} : memref<80x128xf32, #tpu.memory_space<vmem>>, vector<1x16xf32>,
        %get3A_363 = vector.shape_cast %get3A_362 : vector<1x16xf32> to vector<16xf32>
        %mul3A_364 = vector.broadcast %squeeze3A_359 : f32 to vector<16xf32>
        %mul3A_365 = arith.mulf %get3A_363, %mul3A_364 : vector<16xf32>
        %swap3A_366 = arith.index_cast %add3A_333 : i32 to index
        %swap3A_367 = arith.constant 32 : index
        %swap3A_368 = tpu.vector_load %arg11[%swap3A_366, %swap3A_367] {strides = array<i32>} : memref<80x128xf32, #tpu.memory_space<vmem>>, vector<1x16xf32>,
        %swap3A_369 = vector.shape_cast %swap3A_368 : vector<1x16xf32> to vector<16xf32>
        %swap3A_370 = vector.shape_cast %mul3A_365 : vector<16xf32> to vector<1x16xf32>
        tpu.vector_store %arg11[%swap3A_366, %swap3A_367], %swap3A_370 {strides = array<i32>} : memref<80x128xf32, #tpu.memory_space<vmem>>, vector<1x16xf32>,
        %get3A_371 = arith.index_cast %add3A_333 : i32 to index
        %get3A_372 = arith.constant 48 : index
        %get3A_373 = tpu.vector_load %arg11[%get3A_371, %get3A_372] {strides = array<i32>} : memref<80x128xf32, #tpu.memory_space<vmem>>, vector<1x16xf32>,
        %get3A_374 = vector.shape_cast %get3A_373 : vector<1x16xf32> to vector<16xf32>
        %mul3A_375 = vector.broadcast %squeeze3A_359 : f32 to vector<16xf32>
        %mul3A_376 = arith.mulf %get3A_374, %mul3A_375 : vector<16xf32>
        %swap3A_377 = arith.index_cast %add3A_333 : i32 to index
        %swap3A_378 = arith.constant 48 : index
        %swap3A_379 = tpu.vector_load %arg11[%swap3A_377, %swap3A_378] {strides = array<i32>} : memref<80x128xf32, #tpu.memory_space<vmem>>, vector<1x16xf32>,
        %swap3A_380 = vector.shape_cast %swap3A_379 : vector<1x16xf32> to vector<16xf32>
        %swap3A_381 = vector.shape_cast %mul3A_376 : vector<16xf32> to vector<1x16xf32>
        tpu.vector_store %arg11[%swap3A_377, %swap3A_378], %swap3A_381 {strides = array<i32>} : memref<80x128xf32, #tpu.memory_space<vmem>>, vector<1x16xf32>,
        %slice3A_382 = vector.extract_strided_slice %get3A_132 {offsets = [10], sizes = [1], strides = [1]} : vector<16xf32> to vector<1xf32>
        %squeeze3A_383 = vector.extract %slice3A_382[0] : f32 from vector<1xf32>
        %get3A_384 = arith.index_cast %add3A_333 : i32 to index
        %get3A_385 = arith.constant 64 : index
        %get3A_386 = tpu.vector_load %arg11[%get3A_384, %get3A_385] {strides = array<i32>} : memref<80x128xf32, #tpu.memory_space<vmem>>, vector<1x16xf32>,
        %get3A_387 = vector.shape_cast %get3A_386 : vector<1x16xf32> to vector<16xf32>
        %mul3A_388 = vector.broadcast %squeeze3A_383 : f32 to vector<16xf32>
        %mul3A_389 = arith.mulf %get3A_387, %mul3A_388 : vector<16xf32>
        %swap3A_390 = arith.index_cast %add3A_333 : i32 to index
        %swap3A_391 = arith.constant 64 : index
        %swap3A_392 = tpu.vector_load %arg11[%swap3A_390, %swap3A_391] {strides = array<i32>} : memref<80x128xf32, #tpu.memory_space<vmem>>, vector<1x16xf32>,
        %swap3A_393 = vector.shape_cast %swap3A_392 : vector<1x16xf32> to vector<16xf32>
        %swap3A_394 = vector.shape_cast %mul3A_389 : vector<16xf32> to vector<1x16xf32>
        tpu.vector_store %arg11[%swap3A_390, %swap3A_391], %swap3A_394 {strides = array<i32>} : memref<80x128xf32, #tpu.memory_space<vmem>>, vector<1x16xf32>,
        %get3A_395 = arith.index_cast %add3A_333 : i32 to index
        %get3A_396 = arith.constant 80 : index
        %get3A_397 = tpu.vector_load %arg11[%get3A_395, %get3A_396] {strides = array<i32>} : memref<80x128xf32, #tpu.memory_space<vmem>>, vector<1x16xf32>,
        %get3A_398 = vector.shape_cast %get3A_397 : vector<1x16xf32> to vector<16xf32>
        %mul3A_399 = vector.broadcast %squeeze3A_383 : f32 to vector<16xf32>
        %mul3A_400 = arith.mulf %get3A_398, %mul3A_399 : vector<16xf32>
        %swap3A_401 = arith.index_cast %add3A_333 : i32 to index
        %swap3A_402 = arith.constant 80 : index
        %swap3A_403 = tpu.vector_load %arg11[%swap3A_401, %swap3A_402] {strides = array<i32>} : memref<80x128xf32, #tpu.memory_space<vmem>>, vector<1x16xf32>,
        %swap3A_404 = vector.shape_cast %swap3A_403 : vector<1x16xf32> to vector<16xf32>
        %swap3A_405 = vector.shape_cast %mul3A_400 : vector<16xf32> to vector<1x16xf32>
        tpu.vector_store %arg11[%swap3A_401, %swap3A_402], %swap3A_405 {strides = array<i32>} : memref<80x128xf32, #tpu.memory_space<vmem>>, vector<1x16xf32>,
        %slice3A_406 = vector.extract_strided_slice %get3A_132 {offsets = [11], sizes = [1], strides = [1]} : vector<16xf32> to vector<1xf32>
        %squeeze3A_407 = vector.extract %slice3A_406[0] : f32 from vector<1xf32>
        %get3A_408 = arith.index_cast %add3A_333 : i32 to index
        %get3A_409 = arith.constant 96 : index
        %get3A_410 = tpu.vector_load %arg11[%get3A_408, %get3A_409] {strides = array<i32>} : memref<80x128xf32, #tpu.memory_space<vmem>>, vector<1x16xf32>,
        %get3A_411 = vector.shape_cast %get3A_410 : vector<1x16xf32> to vector<16xf32>
        %mul3A_412 = vector.broadcast %squeeze3A_407 : f32 to vector<16xf32>
        %mul3A_413 = arith.mulf %get3A_411, %mul3A_412 : vector<16xf32>
        %swap3A_414 = arith.index_cast %add3A_333 : i32 to index
        %swap3A_415 = arith.constant 96 : index
        %swap3A_416 = tpu.vector_load %arg11[%swap3A_414, %swap3A_415] {strides = array<i32>} : memref<80x128xf32, #tpu.memory_space<vmem>>, vector<1x16xf32>,
        %swap3A_417 = vector.shape_cast %swap3A_416 : vector<1x16xf32> to vector<16xf32>
        %swap3A_418 = vector.shape_cast %mul3A_413 : vector<16xf32> to vector<1x16xf32>
        tpu.vector_store %arg11[%swap3A_414, %swap3A_415], %swap3A_418 {strides = array<i32>} : memref<80x128xf32, #tpu.memory_space<vmem>>, vector<1x16xf32>,
        %get3A_419 = arith.index_cast %add3A_333 : i32 to index
        %get3A_420 = arith.constant 112 : index
        %get3A_421 = tpu.vector_load %arg11[%get3A_419, %get3A_420] {strides = array<i32>} : memref<80x128xf32, #tpu.memory_space<vmem>>, vector<1x16xf32>,
        %get3A_422 = vector.shape_cast %get3A_421 : vector<1x16xf32> to vector<16xf32>
        %mul3A_423 = vector.broadcast %squeeze3A_407 : f32 to vector<16xf32>
        %mul3A_424 = arith.mulf %get3A_422, %mul3A_423 : vector<16xf32>
        %swap3A_425 = arith.index_cast %add3A_333 : i32 to index
        %swap3A_426 = arith.constant 112 : index
        %swap3A_427 = tpu.vector_load %arg11[%swap3A_425, %swap3A_426] {strides = array<i32>} : memref<80x128xf32, #tpu.memory_space<vmem>>, vector<1x16xf32>,
        %swap3A_428 = vector.shape_cast %swap3A_427 : vector<1x16xf32> to vector<16xf32>
        %swap3A_429 = vector.shape_cast %mul3A_424 : vector<16xf32> to vector<1x16xf32>
        tpu.vector_store %arg11[%swap3A_425, %swap3A_426], %swap3A_429 {strides = array<i32>} : memref<80x128xf32, #tpu.memory_space<vmem>>, vector<1x16xf32>,
        %mul3A_430 = arith.constant 4 : i32
        %mul3A_431 = arith.muli %scan3A_128, %mul3A_430 : i32
        %add3A_432 = arith.constant 3 : i32
        %add3A_433 = arith.addi %mul3A_431, %add3A_432 : i32
        %slice3A_434 = vector.extract_strided_slice %get3A_132 {offsets = [12], sizes = [1], strides = [1]} : vector<16xf32> to vector<1xf32>
        %squeeze3A_435 = vector.extract %slice3A_434[0] : f32 from vector<1xf32>
        %get3A_436 = arith.index_cast %add3A_433 : i32 to index
        %get3A_437 = arith.constant 0 : index
        %get3A_438 = tpu.vector_load %arg11[%get3A_436, %get3A_437] {strides = array<i32>} : memref<80x128xf32, #tpu.memory_space<vmem>>, vector<1x16xf32>,
        %get3A_439 = vector.shape_cast %get3A_438 : vector<1x16xf32> to vector<16xf32>
        %mul3A_440 = vector.broadcast %squeeze3A_435 : f32 to vector<16xf32>
        %mul3A_441 = arith.mulf %get3A_439, %mul3A_440 : vector<16xf32>
        %swap3A_442 = arith.index_cast %add3A_433 : i32 to index
        %swap3A_443 = arith.constant 0 : index
        %swap3A_444 = tpu.vector_load %arg11[%swap3A_442, %swap3A_443] {strides = array<i32>} : memref<80x128xf32, #tpu.memory_space<vmem>>, vector<1x16xf32>,
        %swap3A_445 = vector.shape_cast %swap3A_444 : vector<1x16xf32> to vector<16xf32>
        %swap3A_446 = vector.shape_cast %mul3A_441 : vector<16xf32> to vector<1x16xf32>
        tpu.vector_store %arg11[%swap3A_442, %swap3A_443], %swap3A_446 {strides = array<i32>} : memref<80x128xf32, #tpu.memory_space<vmem>>, vector<1x16xf32>,
        %get3A_447 = arith.index_cast %add3A_433 : i32 to index
        %get3A_448 = arith.constant 16 : index
        %get3A_449 = tpu.vector_load %arg11[%get3A_447, %get3A_448] {strides = array<i32>} : memref<80x128xf32, #tpu.memory_space<vmem>>, vector<1x16xf32>,
        %get3A_450 = vector.shape_cast %get3A_449 : vector<1x16xf32> to vector<16xf32>
        %mul3A_451 = vector.broadcast %squeeze3A_435 : f32 to vector<16xf32>
        %mul3A_452 = arith.mulf %get3A_450, %mul3A_451 : vector<16xf32>
        %swap3A_453 = arith.index_cast %add3A_433 : i32 to index
        %swap3A_454 = arith.constant 16 : index
        %swap3A_455 = tpu.vector_load %arg11[%swap3A_453, %swap3A_454] {strides = array<i32>} : memref<80x128xf32, #tpu.memory_space<vmem>>, vector<1x16xf32>,
        %swap3A_456 = vector.shape_cast %swap3A_455 : vector<1x16xf32> to vector<16xf32>
        %swap3A_457 = vector.shape_cast %mul3A_452 : vector<16xf32> to vector<1x16xf32>
        tpu.vector_store %arg11[%swap3A_453, %swap3A_454], %swap3A_457 {strides = array<i32>} : memref<80x128xf32, #tpu.memory_space<vmem>>, vector<1x16xf32>,
        %slice3A_458 = vector.extract_strided_slice %get3A_132 {offsets = [13], sizes = [1], strides = [1]} : vector<16xf32> to vector<1xf32>
        %squeeze3A_459 = vector.extract %slice3A_458[0] : f32 from vector<1xf32>
        %get3A_460 = arith.index_cast %add3A_433 : i32 to index
        %get3A_461 = arith.constant 32 : index
        %get3A_462 = tpu.vector_load %arg11[%get3A_460, %get3A_461] {strides = array<i32>} : memref<80x128xf32, #tpu.memory_space<vmem>>, vector<1x16xf32>,
        %get3A_463 = vector.shape_cast %get3A_462 : vector<1x16xf32> to vector<16xf32>
        %mul3A_464 = vector.broadcast %squeeze3A_459 : f32 to vector<16xf32>
        %mul3A_465 = arith.mulf %get3A_463, %mul3A_464 : vector<16xf32>
        %swap3A_466 = arith.index_cast %add3A_433 : i32 to index
        %swap3A_467 = arith.constant 32 : index
        %swap3A_468 = tpu.vector_load %arg11[%swap3A_466, %swap3A_467] {strides = array<i32>} : memref<80x128xf32, #tpu.memory_space<vmem>>, vector<1x16xf32>,
        %swap3A_469 = vector.shape_cast %swap3A_468 : vector<1x16xf32> to vector<16xf32>
        %swap3A_470 = vector.shape_cast %mul3A_465 : vector<16xf32> to vector<1x16xf32>
        tpu.vector_store %arg11[%swap3A_466, %swap3A_467], %swap3A_470 {strides = array<i32>} : memref<80x128xf32, #tpu.memory_space<vmem>>, vector<1x16xf32>,
        %get3A_471 = arith.index_cast %add3A_433 : i32 to index
        %get3A_472 = arith.constant 48 : index
        %get3A_473 = tpu.vector_load %arg11[%get3A_471, %get3A_472] {strides = array<i32>} : memref<80x128xf32, #tpu.memory_space<vmem>>, vector<1x16xf32>,
        %get3A_474 = vector.shape_cast %get3A_473 : vector<1x16xf32> to vector<16xf32>
        %mul3A_475 = vector.broadcast %squeeze3A_459 : f32 to vector<16xf32>
        %mul3A_476 = arith.mulf %get3A_474, %mul3A_475 : vector<16xf32>
        %swap3A_477 = arith.index_cast %add3A_433 : i32 to index
        %swap3A_478 = arith.constant 48 : index
        %swap3A_479 = tpu.vector_load %arg11[%swap3A_477, %swap3A_478] {strides = array<i32>} : memref<80x128xf32, #tpu.memory_space<vmem>>, vector<1x16xf32>,
        %swap3A_480 = vector.shape_cast %swap3A_479 : vector<1x16xf32> to vector<16xf32>
        %swap3A_481 = vector.shape_cast %mul3A_476 : vector<16xf32> to vector<1x16xf32>
        tpu.vector_store %arg11[%swap3A_477, %swap3A_478], %swap3A_481 {strides = array<i32>} : memref<80x128xf32, #tpu.memory_space<vmem>>, vector<1x16xf32>,
        %slice3A_482 = vector.extract_strided_slice %get3A_132 {offsets = [14], sizes = [1], strides = [1]} : vector<16xf32> to vector<1xf32>
        %squeeze3A_483 = vector.extract %slice3A_482[0] : f32 from vector<1xf32>
        %get3A_484 = arith.index_cast %add3A_433 : i32 to index
        %get3A_485 = arith.constant 64 : index
        %get3A_486 = tpu.vector_load %arg11[%get3A_484, %get3A_485] {strides = array<i32>} : memref<80x128xf32, #tpu.memory_space<vmem>>, vector<1x16xf32>,
        %get3A_487 = vector.shape_cast %get3A_486 : vector<1x16xf32> to vector<16xf32>
        %mul3A_488 = vector.broadcast %squeeze3A_483 : f32 to vector<16xf32>
        %mul3A_489 = arith.mulf %get3A_487, %mul3A_488 : vector<16xf32>
        %swap3A_490 = arith.index_cast %add3A_433 : i32 to index
        %swap3A_491 = arith.constant 64 : index
        %swap3A_492 = tpu.vector_load %arg11[%swap3A_490, %swap3A_491] {strides = array<i32>} : memref<80x128xf32, #tpu.memory_space<vmem>>, vector<1x16xf32>,
        %swap3A_493 = vector.shape_cast %swap3A_492 : vector<1x16xf32> to vector<16xf32>
        %swap3A_494 = vector.shape_cast %mul3A_489 : vector<16xf32> to vector<1x16xf32>
        tpu.vector_store %arg11[%swap3A_490, %swap3A_491], %swap3A_494 {strides = array<i32>} : memref<80x128xf32, #tpu.memory_space<vmem>>, vector<1x16xf32>,
        %get3A_495 = arith.index_cast %add3A_433 : i32 to index
        %get3A_496 = arith.constant 80 : index
        %get3A_497 = tpu.vector_load %arg11[%get3A_495, %get3A_496] {strides = array<i32>} : memref<80x128xf32, #tpu.memory_space<vmem>>, vector<1x16xf32>,
        %get3A_498 = vector.shape_cast %get3A_497 : vector<1x16xf32> to vector<16xf32>
        %mul3A_499 = vector.broadcast %squeeze3A_483 : f32 to vector<16xf32>
        %mul3A_500 = arith.mulf %get3A_498, %mul3A_499 : vector<16xf32>
        %swap3A_501 = arith.index_cast %add3A_433 : i32 to index
        %swap3A_502 = arith.constant 80 : index
        %swap3A_503 = tpu.vector_load %arg11[%swap3A_501, %swap3A_502] {strides = array<i32>} : memref<80x128xf32, #tpu.memory_space<vmem>>, vector<1x16xf32>,
        %swap3A_504 = vector.shape_cast %swap3A_503 : vector<1x16xf32> to vector<16xf32>
        %swap3A_505 = vector.shape_cast %mul3A_500 : vector<16xf32> to vector<1x16xf32>
        tpu.vector_store %arg11[%swap3A_501, %swap3A_502], %swap3A_505 {strides = array<i32>} : memref<80x128xf32, #tpu.memory_space<vmem>>, vector<1x16xf32>,
        %slice3A_506 = vector.extract_strided_slice %get3A_132 {offsets = [15], sizes = [1], strides = [1]} : vector<16xf32> to vector<1xf32>
        %squeeze3A_507 = vector.extract %slice3A_506[0] : f32 from vector<1xf32>
        %get3A_508 = arith.index_cast %add3A_433 : i32 to index
        %get3A_509 = arith.constant 96 : index
        %get3A_510 = tpu.vector_load %arg11[%get3A_508, %get3A_509] {strides = array<i32>} : memref<80x128xf32, #tpu.memory_space<vmem>>, vector<1x16xf32>,
        %get3A_511 = vector.shape_cast %get3A_510 : vector<1x16xf32> to vector<16xf32>
        %mul3A_512 = vector.broadcast %squeeze3A_507 : f32 to vector<16xf32>
        %mul3A_513 = arith.mulf %get3A_511, %mul3A_512 : vector<16xf32>
        %swap3A_514 = arith.index_cast %add3A_433 : i32 to index
        %swap3A_515 = arith.constant 96 : index
        %swap3A_516 = tpu.vector_load %arg11[%swap3A_514, %swap3A_515] {strides = array<i32>} : memref<80x128xf32, #tpu.memory_space<vmem>>, vector<1x16xf32>,
        %swap3A_517 = vector.shape_cast %swap3A_516 : vector<1x16xf32> to vector<16xf32>
        %swap3A_518 = vector.shape_cast %mul3A_513 : vector<16xf32> to vector<1x16xf32>
        tpu.vector_store %arg11[%swap3A_514, %swap3A_515], %swap3A_518 {strides = array<i32>} : memref<80x128xf32, #tpu.memory_space<vmem>>, vector<1x16xf32>,
        %get3A_519 = arith.index_cast %add3A_433 : i32 to index
        %get3A_520 = arith.constant 112 : index
        %get3A_521 = tpu.vector_load %arg11[%get3A_519, %get3A_520] {strides = array<i32>} : memref<80x128xf32, #tpu.memory_space<vmem>>, vector<1x16xf32>,
        %get3A_522 = vector.shape_cast %get3A_521 : vector<1x16xf32> to vector<16xf32>
        %mul3A_523 = vector.broadcast %squeeze3A_507 : f32 to vector<16xf32>
        %mul3A_524 = arith.mulf %get3A_522, %mul3A_523 : vector<16xf32>
        %swap3A_525 = arith.index_cast %add3A_433 : i32 to index
        %swap3A_526 = arith.constant 112 : index
        %swap3A_527 = tpu.vector_load %arg11[%swap3A_525, %swap3A_526] {strides = array<i32>} : memref<80x128xf32, #tpu.memory_space<vmem>>, vector<1x16xf32>,
        %swap3A_528 = vector.shape_cast %swap3A_527 : vector<1x16xf32> to vector<16xf32>
        %swap3A_529 = vector.shape_cast %mul3A_524 : vector<16xf32> to vector<1x16xf32>
        tpu.vector_store %arg11[%swap3A_525, %swap3A_526], %swap3A_529 {strides = array<i32>} : memref<80x128xf32, #tpu.memory_space<vmem>>, vector<1x16xf32>,
      }
      %scan3A_85 = arith.constant 20 : i32
      "tpu.region"() ({
        %run_scoped3A = tpu.sem_alloc : memref<!tpu.dma_semaphore, #tpu.memory_space<semaphore_mem>>
        %dma_start3A_128 = arith.constant 0 : i32
        %dma_start3A_129 = arith.constant 0 : i32
        %dma_start3A_130 = tpu.memref_slice %arg8[%dma_start3A_128, %dma_start3A_129] : memref<10240x128xf32, #tpu.memory_space<vmem_shared>> -> memref<10240x128xf32, #tpu.memory_space<vmem_shared>>
        tpu.enqueue_indirect_dma source(%arg11 : memref<80x128xf32, #tpu.memory_space<vmem>>) target(%dma_start3A_130 : memref<10240x128xf32, #tpu.memory_space<vmem_shared>>) offsets(%arg10 : memref<80xi32, #tpu.memory_space<vmem>>) semaphore(%run_scoped3A : memref<!tpu.dma_semaphore, #tpu.memory_space<semaphore_mem>>) {add = true}
        %dma_wait3A_131 = arith.constant 0 : i32
        %dma_wait3A_132 = arith.constant 0 : i32
        %dma_wait3A_133 = tpu.memref_slice %arg8[%dma_wait3A_131, %dma_wait3A_132] : memref<10240x128xf32, #tpu.memory_space<vmem_shared>> -> memref<10240x128xf32, #tpu.memory_space<vmem_shared>>
        tpu.wait_indirect_dma semaphore(%run_scoped3A : memref<!tpu.dma_semaphore, #tpu.memory_space<semaphore_mem>>) src(%arg11 : memref<80x128xf32, #tpu.memory_space<vmem>>) dst(%dma_wait3A_133 : memref<10240x128xf32, #tpu.memory_space<vmem_shared>>)
        tpu.yield
      }) : () -> ()
      %add3A_86 = arith.constant 2 : i32
      %add3A_87 = arith.addi %mul3A_76, %add3A_86 : i32
      %mul3A_88 = arith.constant 80 : i32
      %mul3A_89 = arith.muli %add3A_87, %mul3A_88 : i32
      %add3A_90 = arith.addi %mul3A_14, %mul3A_89 : i32
      %dma_start3A_91 = tpu.memref_slice %arg4[%add3A_90] : memref<320000xi32, #tpu.memory_space<hbm>> -> memref<80xi32, #tpu.memory_space<hbm>>
      %dma_start3A_92 = tpu.memref_slice %arg4[%add3A_90] : memref<320000xi32, #tpu.memory_space<hbm>> -> memref<80xi32, #tpu.memory_space<hbm>>
      tpu.enqueue_dma source(%dma_start3A_92 : memref<80xi32, #tpu.memory_space<hbm>>) target(%arg9 : memref<80xi32, #tpu.memory_space<vmem>>) target_semaphore(%arg17 : memref<!tpu.dma_semaphore, #tpu.memory_space<semaphore_mem>>)
      %dma_start3A_93 = tpu.memref_slice %arg5[%add3A_90] : memref<320000xi32, #tpu.memory_space<hbm>> -> memref<80xi32, #tpu.memory_space<hbm>>
      %dma_start3A_94 = tpu.memref_slice %arg5[%add3A_90] : memref<320000xi32, #tpu.memory_space<hbm>> -> memref<80xi32, #tpu.memory_space<hbm>>
      tpu.enqueue_dma source(%dma_start3A_94 : memref<80xi32, #tpu.memory_space<hbm>>) target(%arg10 : memref<80xi32, #tpu.memory_space<vmem>>) target_semaphore(%arg17 : memref<!tpu.dma_semaphore, #tpu.memory_space<semaphore_mem>>)
      %mul3A_95 = arith.constant 4 : i32
      %mul3A_96 = arith.muli %add3A_90, %mul3A_95 : i32
      %dma_start3A_97 = tpu.memref_slice %arg3[%mul3A_96] : memref<1280000xf32, #tpu.memory_space<hbm>> -> memref<320xf32, #tpu.memory_space<hbm>>
      %dma_start3A_98 = tpu.memref_slice %arg3[%mul3A_96] : memref<1280000xf32, #tpu.memory_space<hbm>> -> memref<320xf32, #tpu.memory_space<hbm>>
      tpu.enqueue_dma source(%dma_start3A_98 : memref<320xf32, #tpu.memory_space<hbm>>) target(%arg12 : memref<320xf32, #tpu.memory_space<vmem>>) target_semaphore(%arg17 : memref<!tpu.dma_semaphore, #tpu.memory_space<semaphore_mem>>)
      %add3A_99 = arith.constant 2 : i32
      %add3A_100 = arith.addi %mul3A_76, %add3A_99 : i32
      %mul3A_101 = arith.constant 80 : i32
      %mul3A_102 = arith.muli %add3A_100, %mul3A_101 : i32
      %add3A_103 = arith.addi %mul3A_14, %mul3A_102 : i32
      %dma_wait3A_104 = tpu.memref_slice %arg4[%add3A_103] : memref<320000xi32, #tpu.memory_space<hbm>> -> memref<80xi32, #tpu.memory_space<hbm>>
      %dma_wait3A_105 = tpu.memref_slice %arg4[%add3A_103] : memref<320000xi32, #tpu.memory_space<hbm>> -> memref<80xi32, #tpu.memory_space<hbm>>
      tpu.wait_dma2 semaphore(%arg17 : memref<!tpu.dma_semaphore, #tpu.memory_space<semaphore_mem>>) src(%dma_wait3A_105 : memref<80xi32, #tpu.memory_space<hbm>>) dst(%arg9 : memref<80xi32, #tpu.memory_space<vmem>>)
      %dma_wait3A_106 = tpu.memref_slice %arg5[%add3A_103] : memref<320000xi32, #tpu.memory_space<hbm>> -> memref<80xi32, #tpu.memory_space<hbm>>
      %dma_wait3A_107 = tpu.memref_slice %arg5[%add3A_103] : memref<320000xi32, #tpu.memory_space<hbm>> -> memref<80xi32, #tpu.memory_space<hbm>>
      tpu.wait_dma2 semaphore(%arg17 : memref<!tpu.dma_semaphore, #tpu.memory_space<semaphore_mem>>) src(%dma_wait3A_107 : memref<80xi32, #tpu.memory_space<hbm>>) dst(%arg10 : memref<80xi32, #tpu.memory_space<vmem>>)
      %mul3A_108 = arith.constant 4 : i32
      %mul3A_109 = arith.muli %add3A_103, %mul3A_108 : i32
      %dma_wait3A_110 = tpu.memref_slice %arg3[%mul3A_109] : memref<1280000xf32, #tpu.memory_space<hbm>> -> memref<320xf32, #tpu.memory_space<hbm>>
      %dma_wait3A_111 = tpu.memref_slice %arg3[%mul3A_109] : memref<1280000xf32, #tpu.memory_space<hbm>> -> memref<320xf32, #tpu.memory_space<hbm>>
      tpu.wait_dma2 semaphore(%arg17 : memref<!tpu.dma_semaphore, #tpu.memory_space<semaphore_mem>>) src(%dma_wait3A_111 : memref<320xf32, #tpu.memory_space<hbm>>) dst(%arg12 : memref<320xf32, #tpu.memory_space<vmem>>)
      %dma_start3A_112 = arith.constant 0 : i32
      %dma_start3A_113 = arith.constant 0 : i32
      %dma_start3A_114 = tpu.memref_slice %arg2[%dma_start3A_112, %dma_start3A_113] : memref<10000x128xf32, #tpu.memory_space<hbm>> -> memref<10000x128xf32, #tpu.memory_space<hbm>>
      tpu.enqueue_indirect_dma source(%dma_start3A_114 : memref<10000x128xf32, #tpu.memory_space<hbm>>) target(%arg11 : memref<80x128xf32, #tpu.memory_space<vmem>>) offsets(%arg9 : memref<80xi32, #tpu.memory_space<vmem>>) semaphore(%arg18 : memref<!tpu.dma_semaphore, #tpu.memory_space<semaphore_mem>>)
      %dma_wait3A_115 = arith.constant 0 : i32
      %dma_wait3A_116 = arith.constant 0 : i32
      %dma_wait3A_117 = tpu.memref_slice %arg2[%dma_wait3A_115, %dma_wait3A_116] : memref<10000x128xf32, #tpu.memory_space<hbm>> -> memref<10000x128xf32, #tpu.memory_space<hbm>>
      tpu.wait_indirect_dma semaphore(%arg20 : memref<!tpu.dma_semaphore, #tpu.memory_space<semaphore_mem>>) src(%dma_wait3A_117 : memref<10000x128xf32, #tpu.memory_space<hbm>>) dst(%arg15 : memref<80x128xf32, #tpu.memory_space<vmem>>)
      %scan3A_118 = arith.constant 0 : i32
      %scan3A_119 = arith.constant 0 : i32
      %scan3A_120 = arith.constant 20 : i32
      %scan3A_121 = arith.addi %scan3A_119, %scan3A_120 : i32
      %scan3A_122 = arith.constant 1 : i32
      scf.for %scan3A_128 = %scan3A_119 to %scan3A_121 step %scan3A_122  : i32 {
        %mul3A_129 = arith.constant 16 : i32
        %mul3A_130 = arith.muli %scan3A_128, %mul3A_129 : i32
        %get3A = arith.index_cast %mul3A_130 : i32 to index
        %get3A_131 = tpu.vector_load %arg16[%get3A] {strides = array<i32>} : memref<320xf32, #tpu.memory_space<vmem>>, vector<16xf32>,
        %get3A_132 = vector.shape_cast %get3A_131 : vector<16xf32> to vector<16xf32>
        %mul3A_133 = arith.constant 4 : i32
        %mul3A_134 = arith.muli %scan3A_128, %mul3A_133 : i32
        %add3A_135 = arith.constant 0 : i32
        %add3A_136 = arith.addi %mul3A_134, %add3A_135 : i32
        %slice3A = vector.extract_strided_slice %get3A_132 {offsets = [0], sizes = [1], strides = [1]} : vector<16xf32> to vector<1xf32>
        %squeeze3A = vector.extract %slice3A[0] : f32 from vector<1xf32>
        %get3A_137 = arith.index_cast %add3A_136 : i32 to index
        %get3A_138 = arith.constant 0 : index
        %get3A_139 = tpu.vector_load %arg15[%get3A_137, %get3A_138] {strides = array<i32>} : memref<80x128xf32, #tpu.memory_space<vmem>>, vector<1x16xf32>,
        %get3A_140 = vector.shape_cast %get3A_139 : vector<1x16xf32> to vector<16xf32>
        %mul3A_141 = vector.broadcast %squeeze3A : f32 to vector<16xf32>
        %mul3A_142 = arith.mulf %get3A_140, %mul3A_141 : vector<16xf32>
        %swap3A = arith.index_cast %add3A_136 : i32 to index
        %swap3A_143 = arith.constant 0 : index
        %swap3A_144 = tpu.vector_load %arg15[%swap3A, %swap3A_143] {strides = array<i32>} : memref<80x128xf32, #tpu.memory_space<vmem>>, vector<1x16xf32>,
        %swap3A_145 = vector.shape_cast %swap3A_144 : vector<1x16xf32> to vector<16xf32>
        %swap3A_146 = vector.shape_cast %mul3A_142 : vector<16xf32> to vector<1x16xf32>
        tpu.vector_store %arg15[%swap3A, %swap3A_143], %swap3A_146 {strides = array<i32>} : memref<80x128xf32, #tpu.memory_space<vmem>>, vector<1x16xf32>,
        %get3A_147 = arith.index_cast %add3A_136 : i32 to index
        %get3A_148 = arith.constant 16 : index
        %get3A_149 = tpu.vector_load %arg15[%get3A_147, %get3A_148] {strides = array<i32>} : memref<80x128xf32, #tpu.memory_space<vmem>>, vector<1x16xf32>,
        %get3A_150 = vector.shape_cast %get3A_149 : vector<1x16xf32> to vector<16xf32>
        %mul3A_151 = vector.broadcast %squeeze3A : f32 to vector<16xf32>
        %mul3A_152 = arith.mulf %get3A_150, %mul3A_151 : vector<16xf32>
        %swap3A_153 = arith.index_cast %add3A_136 : i32 to index
        %swap3A_154 = arith.constant 16 : index
        %swap3A_155 = tpu.vector_load %arg15[%swap3A_153, %swap3A_154] {strides = array<i32>} : memref<80x128xf32, #tpu.memory_space<vmem>>, vector<1x16xf32>,
        %swap3A_156 = vector.shape_cast %swap3A_155 : vector<1x16xf32> to vector<16xf32>
        %swap3A_157 = vector.shape_cast %mul3A_152 : vector<16xf32> to vector<1x16xf32>
        tpu.vector_store %arg15[%swap3A_153, %swap3A_154], %swap3A_157 {strides = array<i32>} : memref<80x128xf32, #tpu.memory_space<vmem>>, vector<1x16xf32>,
        %slice3A_158 = vector.extract_strided_slice %get3A_132 {offsets = [1], sizes = [1], strides = [1]} : vector<16xf32> to vector<1xf32>
        %squeeze3A_159 = vector.extract %slice3A_158[0] : f32 from vector<1xf32>
        %get3A_160 = arith.index_cast %add3A_136 : i32 to index
        %get3A_161 = arith.constant 32 : index
        %get3A_162 = tpu.vector_load %arg15[%get3A_160, %get3A_161] {strides = array<i32>} : memref<80x128xf32, #tpu.memory_space<vmem>>, vector<1x16xf32>,
        %get3A_163 = vector.shape_cast %get3A_162 : vector<1x16xf32> to vector<16xf32>
        %mul3A_164 = vector.broadcast %squeeze3A_159 : f32 to vector<16xf32>
        %mul3A_165 = arith.mulf %get3A_163, %mul3A_164 : vector<16xf32>
        %swap3A_166 = arith.index_cast %add3A_136 : i32 to index
        %swap3A_167 = arith.constant 32 : index
        %swap3A_168 = tpu.vector_load %arg15[%swap3A_166, %swap3A_167] {strides = array<i32>} : memref<80x128xf32, #tpu.memory_space<vmem>>, vector<1x16xf32>,
        %swap3A_169 = vector.shape_cast %swap3A_168 : vector<1x16xf32> to vector<16xf32>
        %swap3A_170 = vector.shape_cast %mul3A_165 : vector<16xf32> to vector<1x16xf32>
        tpu.vector_store %arg15[%swap3A_166, %swap3A_167], %swap3A_170 {strides = array<i32>} : memref<80x128xf32, #tpu.memory_space<vmem>>, vector<1x16xf32>,
        %get3A_171 = arith.index_cast %add3A_136 : i32 to index
        %get3A_172 = arith.constant 48 : index
        %get3A_173 = tpu.vector_load %arg15[%get3A_171, %get3A_172] {strides = array<i32>} : memref<80x128xf32, #tpu.memory_space<vmem>>, vector<1x16xf32>,
        %get3A_174 = vector.shape_cast %get3A_173 : vector<1x16xf32> to vector<16xf32>
        %mul3A_175 = vector.broadcast %squeeze3A_159 : f32 to vector<16xf32>
        %mul3A_176 = arith.mulf %get3A_174, %mul3A_175 : vector<16xf32>
        %swap3A_177 = arith.index_cast %add3A_136 : i32 to index
        %swap3A_178 = arith.constant 48 : index
        %swap3A_179 = tpu.vector_load %arg15[%swap3A_177, %swap3A_178] {strides = array<i32>} : memref<80x128xf32, #tpu.memory_space<vmem>>, vector<1x16xf32>,
        %swap3A_180 = vector.shape_cast %swap3A_179 : vector<1x16xf32> to vector<16xf32>
        %swap3A_181 = vector.shape_cast %mul3A_176 : vector<16xf32> to vector<1x16xf32>
        tpu.vector_store %arg15[%swap3A_177, %swap3A_178], %swap3A_181 {strides = array<i32>} : memref<80x128xf32, #tpu.memory_space<vmem>>, vector<1x16xf32>,
        %slice3A_182 = vector.extract_strided_slice %get3A_132 {offsets = [2], sizes = [1], strides = [1]} : vector<16xf32> to vector<1xf32>
        %squeeze3A_183 = vector.extract %slice3A_182[0] : f32 from vector<1xf32>
        %get3A_184 = arith.index_cast %add3A_136 : i32 to index
        %get3A_185 = arith.constant 64 : index
        %get3A_186 = tpu.vector_load %arg15[%get3A_184, %get3A_185] {strides = array<i32>} : memref<80x128xf32, #tpu.memory_space<vmem>>, vector<1x16xf32>,
        %get3A_187 = vector.shape_cast %get3A_186 : vector<1x16xf32> to vector<16xf32>
        %mul3A_188 = vector.broadcast %squeeze3A_183 : f32 to vector<16xf32>
        %mul3A_189 = arith.mulf %get3A_187, %mul3A_188 : vector<16xf32>
        %swap3A_190 = arith.index_cast %add3A_136 : i32 to index
        %swap3A_191 = arith.constant 64 : index
        %swap3A_192 = tpu.vector_load %arg15[%swap3A_190, %swap3A_191] {strides = array<i32>} : memref<80x128xf32, #tpu.memory_space<vmem>>, vector<1x16xf32>,
        %swap3A_193 = vector.shape_cast %swap3A_192 : vector<1x16xf32> to vector<16xf32>
        %swap3A_194 = vector.shape_cast %mul3A_189 : vector<16xf32> to vector<1x16xf32>
        tpu.vector_store %arg15[%swap3A_190, %swap3A_191], %swap3A_194 {strides = array<i32>} : memref<80x128xf32, #tpu.memory_space<vmem>>, vector<1x16xf32>,
        %get3A_195 = arith.index_cast %add3A_136 : i32 to index
        %get3A_196 = arith.constant 80 : index
        %get3A_197 = tpu.vector_load %arg15[%get3A_195, %get3A_196] {strides = array<i32>} : memref<80x128xf32, #tpu.memory_space<vmem>>, vector<1x16xf32>,
        %get3A_198 = vector.shape_cast %get3A_197 : vector<1x16xf32> to vector<16xf32>
        %mul3A_199 = vector.broadcast %squeeze3A_183 : f32 to vector<16xf32>
        %mul3A_200 = arith.mulf %get3A_198, %mul3A_199 : vector<16xf32>
        %swap3A_201 = arith.index_cast %add3A_136 : i32 to index
        %swap3A_202 = arith.constant 80 : index
        %swap3A_203 = tpu.vector_load %arg15[%swap3A_201, %swap3A_202] {strides = array<i32>} : memref<80x128xf32, #tpu.memory_space<vmem>>, vector<1x16xf32>,
        %swap3A_204 = vector.shape_cast %swap3A_203 : vector<1x16xf32> to vector<16xf32>
        %swap3A_205 = vector.shape_cast %mul3A_200 : vector<16xf32> to vector<1x16xf32>
        tpu.vector_store %arg15[%swap3A_201, %swap3A_202], %swap3A_205 {strides = array<i32>} : memref<80x128xf32, #tpu.memory_space<vmem>>, vector<1x16xf32>,
        %slice3A_206 = vector.extract_strided_slice %get3A_132 {offsets = [3], sizes = [1], strides = [1]} : vector<16xf32> to vector<1xf32>
        %squeeze3A_207 = vector.extract %slice3A_206[0] : f32 from vector<1xf32>
        %get3A_208 = arith.index_cast %add3A_136 : i32 to index
        %get3A_209 = arith.constant 96 : index
        %get3A_210 = tpu.vector_load %arg15[%get3A_208, %get3A_209] {strides = array<i32>} : memref<80x128xf32, #tpu.memory_space<vmem>>, vector<1x16xf32>,
        %get3A_211 = vector.shape_cast %get3A_210 : vector<1x16xf32> to vector<16xf32>
        %mul3A_212 = vector.broadcast %squeeze3A_207 : f32 to vector<16xf32>
        %mul3A_213 = arith.mulf %get3A_211, %mul3A_212 : vector<16xf32>
        %swap3A_214 = arith.index_cast %add3A_136 : i32 to index
        %swap3A_215 = arith.constant 96 : index
        %swap3A_216 = tpu.vector_load %arg15[%swap3A_214, %swap3A_215] {strides = array<i32>} : memref<80x128xf32, #tpu.memory_space<vmem>>, vector<1x16xf32>,
        %swap3A_217 = vector.shape_cast %swap3A_216 : vector<1x16xf32> to vector<16xf32>
        %swap3A_218 = vector.shape_cast %mul3A_213 : vector<16xf32> to vector<1x16xf32>
        tpu.vector_store %arg15[%swap3A_214, %swap3A_215], %swap3A_218 {strides = array<i32>} : memref<80x128xf32, #tpu.memory_space<vmem>>, vector<1x16xf32>,
        %get3A_219 = arith.index_cast %add3A_136 : i32 to index
        %get3A_220 = arith.constant 112 : index
        %get3A_221 = tpu.vector_load %arg15[%get3A_219, %get3A_220] {strides = array<i32>} : memref<80x128xf32, #tpu.memory_space<vmem>>, vector<1x16xf32>,
        %get3A_222 = vector.shape_cast %get3A_221 : vector<1x16xf32> to vector<16xf32>
        %mul3A_223 = vector.broadcast %squeeze3A_207 : f32 to vector<16xf32>
        %mul3A_224 = arith.mulf %get3A_222, %mul3A_223 : vector<16xf32>
        %swap3A_225 = arith.index_cast %add3A_136 : i32 to index
        %swap3A_226 = arith.constant 112 : index
        %swap3A_227 = tpu.vector_load %arg15[%swap3A_225, %swap3A_226] {strides = array<i32>} : memref<80x128xf32, #tpu.memory_space<vmem>>, vector<1x16xf32>,
        %swap3A_228 = vector.shape_cast %swap3A_227 : vector<1x16xf32> to vector<16xf32>
        %swap3A_229 = vector.shape_cast %mul3A_224 : vector<16xf32> to vector<1x16xf32>
        tpu.vector_store %arg15[%swap3A_225, %swap3A_226], %swap3A_229 {strides = array<i32>} : memref<80x128xf32, #tpu.memory_space<vmem>>, vector<1x16xf32>,
        %mul3A_230 = arith.constant 4 : i32
        %mul3A_231 = arith.muli %scan3A_128, %mul3A_230 : i32
        %add3A_232 = arith.constant 1 : i32
        %add3A_233 = arith.addi %mul3A_231, %add3A_232 : i32
        %slice3A_234 = vector.extract_strided_slice %get3A_132 {offsets = [4], sizes = [1], strides = [1]} : vector<16xf32> to vector<1xf32>
        %squeeze3A_235 = vector.extract %slice3A_234[0] : f32 from vector<1xf32>
        %get3A_236 = arith.index_cast %add3A_233 : i32 to index
        %get3A_237 = arith.constant 0 : index
        %get3A_238 = tpu.vector_load %arg15[%get3A_236, %get3A_237] {strides = array<i32>} : memref<80x128xf32, #tpu.memory_space<vmem>>, vector<1x16xf32>,
        %get3A_239 = vector.shape_cast %get3A_238 : vector<1x16xf32> to vector<16xf32>
        %mul3A_240 = vector.broadcast %squeeze3A_235 : f32 to vector<16xf32>
        %mul3A_241 = arith.mulf %get3A_239, %mul3A_240 : vector<16xf32>
        %swap3A_242 = arith.index_cast %add3A_233 : i32 to index
        %swap3A_243 = arith.constant 0 : index
        %swap3A_244 = tpu.vector_load %arg15[%swap3A_242, %swap3A_243] {strides = array<i32>} : memref<80x128xf32, #tpu.memory_space<vmem>>, vector<1x16xf32>,
        %swap3A_245 = vector.shape_cast %swap3A_244 : vector<1x16xf32> to vector<16xf32>
        %swap3A_246 = vector.shape_cast %mul3A_241 : vector<16xf32> to vector<1x16xf32>
        tpu.vector_store %arg15[%swap3A_242, %swap3A_243], %swap3A_246 {strides = array<i32>} : memref<80x128xf32, #tpu.memory_space<vmem>>, vector<1x16xf32>,
        %get3A_247 = arith.index_cast %add3A_233 : i32 to index
        %get3A_248 = arith.constant 16 : index
        %get3A_249 = tpu.vector_load %arg15[%get3A_247, %get3A_248] {strides = array<i32>} : memref<80x128xf32, #tpu.memory_space<vmem>>, vector<1x16xf32>,
        %get3A_250 = vector.shape_cast %get3A_249 : vector<1x16xf32> to vector<16xf32>
        %mul3A_251 = vector.broadcast %squeeze3A_235 : f32 to vector<16xf32>
        %mul3A_252 = arith.mulf %get3A_250, %mul3A_251 : vector<16xf32>
        %swap3A_253 = arith.index_cast %add3A_233 : i32 to index
        %swap3A_254 = arith.constant 16 : index
        %swap3A_255 = tpu.vector_load %arg15[%swap3A_253, %swap3A_254] {strides = array<i32>} : memref<80x128xf32, #tpu.memory_space<vmem>>, vector<1x16xf32>,
        %swap3A_256 = vector.shape_cast %swap3A_255 : vector<1x16xf32> to vector<16xf32>
        %swap3A_257 = vector.shape_cast %mul3A_252 : vector<16xf32> to vector<1x16xf32>
        tpu.vector_store %arg15[%swap3A_253, %swap3A_254], %swap3A_257 {strides = array<i32>} : memref<80x128xf32, #tpu.memory_space<vmem>>, vector<1x16xf32>,
        %slice3A_258 = vector.extract_strided_slice %get3A_132 {offsets = [5], sizes = [1], strides = [1]} : vector<16xf32> to vector<1xf32>
        %squeeze3A_259 = vector.extract %slice3A_258[0] : f32 from vector<1xf32>
        %get3A_260 = arith.index_cast %add3A_233 : i32 to index
        %get3A_261 = arith.constant 32 : index
        %get3A_262 = tpu.vector_load %arg15[%get3A_260, %get3A_261] {strides = array<i32>} : memref<80x128xf32, #tpu.memory_space<vmem>>, vector<1x16xf32>,
        %get3A_263 = vector.shape_cast %get3A_262 : vector<1x16xf32> to vector<16xf32>
        %mul3A_264 = vector.broadcast %squeeze3A_259 : f32 to vector<16xf32>
        %mul3A_265 = arith.mulf %get3A_263, %mul3A_264 : vector<16xf32>
        %swap3A_266 = arith.index_cast %add3A_233 : i32 to index
        %swap3A_267 = arith.constant 32 : index
        %swap3A_268 = tpu.vector_load %arg15[%swap3A_266, %swap3A_267] {strides = array<i32>} : memref<80x128xf32, #tpu.memory_space<vmem>>, vector<1x16xf32>,
        %swap3A_269 = vector.shape_cast %swap3A_268 : vector<1x16xf32> to vector<16xf32>
        %swap3A_270 = vector.shape_cast %mul3A_265 : vector<16xf32> to vector<1x16xf32>
        tpu.vector_store %arg15[%swap3A_266, %swap3A_267], %swap3A_270 {strides = array<i32>} : memref<80x128xf32, #tpu.memory_space<vmem>>, vector<1x16xf32>,
        %get3A_271 = arith.index_cast %add3A_233 : i32 to index
        %get3A_272 = arith.constant 48 : index
        %get3A_273 = tpu.vector_load %arg15[%get3A_271, %get3A_272] {strides = array<i32>} : memref<80x128xf32, #tpu.memory_space<vmem>>, vector<1x16xf32>,
        %get3A_274 = vector.shape_cast %get3A_273 : vector<1x16xf32> to vector<16xf32>
        %mul3A_275 = vector.broadcast %squeeze3A_259 : f32 to vector<16xf32>
        %mul3A_276 = arith.mulf %get3A_274, %mul3A_275 : vector<16xf32>
        %swap3A_277 = arith.index_cast %add3A_233 : i32 to index
        %swap3A_278 = arith.constant 48 : index
        %swap3A_279 = tpu.vector_load %arg15[%swap3A_277, %swap3A_278] {strides = array<i32>} : memref<80x128xf32, #tpu.memory_space<vmem>>, vector<1x16xf32>,
        %swap3A_280 = vector.shape_cast %swap3A_279 : vector<1x16xf32> to vector<16xf32>
        %swap3A_281 = vector.shape_cast %mul3A_276 : vector<16xf32> to vector<1x16xf32>
        tpu.vector_store %arg15[%swap3A_277, %swap3A_278], %swap3A_281 {strides = array<i32>} : memref<80x128xf32, #tpu.memory_space<vmem>>, vector<1x16xf32>,
        %slice3A_282 = vector.extract_strided_slice %get3A_132 {offsets = [6], sizes = [1], strides = [1]} : vector<16xf32> to vector<1xf32>
        %squeeze3A_283 = vector.extract %slice3A_282[0] : f32 from vector<1xf32>
        %get3A_284 = arith.index_cast %add3A_233 : i32 to index
        %get3A_285 = arith.constant 64 : index
        %get3A_286 = tpu.vector_load %arg15[%get3A_284, %get3A_285] {strides = array<i32>} : memref<80x128xf32, #tpu.memory_space<vmem>>, vector<1x16xf32>,
        %get3A_287 = vector.shape_cast %get3A_286 : vector<1x16xf32> to vector<16xf32>
        %mul3A_288 = vector.broadcast %squeeze3A_283 : f32 to vector<16xf32>
        %mul3A_289 = arith.mulf %get3A_287, %mul3A_288 : vector<16xf32>
        %swap3A_290 = arith.index_cast %add3A_233 : i32 to index
        %swap3A_291 = arith.constant 64 : index
        %swap3A_292 = tpu.vector_load %arg15[%swap3A_290, %swap3A_291] {strides = array<i32>} : memref<80x128xf32, #tpu.memory_space<vmem>>, vector<1x16xf32>,
        %swap3A_293 = vector.shape_cast %swap3A_292 : vector<1x16xf32> to vector<16xf32>
        %swap3A_294 = vector.shape_cast %mul3A_289 : vector<16xf32> to vector<1x16xf32>
        tpu.vector_store %arg15[%swap3A_290, %swap3A_291], %swap3A_294 {strides = array<i32>} : memref<80x128xf32, #tpu.memory_space<vmem>>, vector<1x16xf32>,
        %get3A_295 = arith.index_cast %add3A_233 : i32 to index
        %get3A_296 = arith.constant 80 : index
        %get3A_297 = tpu.vector_load %arg15[%get3A_295, %get3A_296] {strides = array<i32>} : memref<80x128xf32, #tpu.memory_space<vmem>>, vector<1x16xf32>,
        %get3A_298 = vector.shape_cast %get3A_297 : vector<1x16xf32> to vector<16xf32>
        %mul3A_299 = vector.broadcast %squeeze3A_283 : f32 to vector<16xf32>
        %mul3A_300 = arith.mulf %get3A_298, %mul3A_299 : vector<16xf32>
        %swap3A_301 = arith.index_cast %add3A_233 : i32 to index
        %swap3A_302 = arith.constant 80 : index
        %swap3A_303 = tpu.vector_load %arg15[%swap3A_301, %swap3A_302] {strides = array<i32>} : memref<80x128xf32, #tpu.memory_space<vmem>>, vector<1x16xf32>,
        %swap3A_304 = vector.shape_cast %swap3A_303 : vector<1x16xf32> to vector<16xf32>
        %swap3A_305 = vector.shape_cast %mul3A_300 : vector<16xf32> to vector<1x16xf32>
        tpu.vector_store %arg15[%swap3A_301, %swap3A_302], %swap3A_305 {strides = array<i32>} : memref<80x128xf32, #tpu.memory_space<vmem>>, vector<1x16xf32>,
        %slice3A_306 = vector.extract_strided_slice %get3A_132 {offsets = [7], sizes = [1], strides = [1]} : vector<16xf32> to vector<1xf32>
        %squeeze3A_307 = vector.extract %slice3A_306[0] : f32 from vector<1xf32>
        %get3A_308 = arith.index_cast %add3A_233 : i32 to index
        %get3A_309 = arith.constant 96 : index
        %get3A_310 = tpu.vector_load %arg15[%get3A_308, %get3A_309] {strides = array<i32>} : memref<80x128xf32, #tpu.memory_space<vmem>>, vector<1x16xf32>,
        %get3A_311 = vector.shape_cast %get3A_310 : vector<1x16xf32> to vector<16xf32>
        %mul3A_312 = vector.broadcast %squeeze3A_307 : f32 to vector<16xf32>
        %mul3A_313 = arith.mulf %get3A_311, %mul3A_312 : vector<16xf32>
        %swap3A_314 = arith.index_cast %add3A_233 : i32 to index
        %swap3A_315 = arith.constant 96 : index
        %swap3A_316 = tpu.vector_load %arg15[%swap3A_314, %swap3A_315] {strides = array<i32>} : memref<80x128xf32, #tpu.memory_space<vmem>>, vector<1x16xf32>,
        %swap3A_317 = vector.shape_cast %swap3A_316 : vector<1x16xf32> to vector<16xf32>
        %swap3A_318 = vector.shape_cast %mul3A_313 : vector<16xf32> to vector<1x16xf32>
        tpu.vector_store %arg15[%swap3A_314, %swap3A_315], %swap3A_318 {strides = array<i32>} : memref<80x128xf32, #tpu.memory_space<vmem>>, vector<1x16xf32>,
        %get3A_319 = arith.index_cast %add3A_233 : i32 to index
        %get3A_320 = arith.constant 112 : index
        %get3A_321 = tpu.vector_load %arg15[%get3A_319, %get3A_320] {strides = array<i32>} : memref<80x128xf32, #tpu.memory_space<vmem>>, vector<1x16xf32>,
        %get3A_322 = vector.shape_cast %get3A_321 : vector<1x16xf32> to vector<16xf32>
        %mul3A_323 = vector.broadcast %squeeze3A_307 : f32 to vector<16xf32>
        %mul3A_324 = arith.mulf %get3A_322, %mul3A_323 : vector<16xf32>
        %swap3A_325 = arith.index_cast %add3A_233 : i32 to index
        %swap3A_326 = arith.constant 112 : index
        %swap3A_327 = tpu.vector_load %arg15[%swap3A_325, %swap3A_326] {strides = array<i32>} : memref<80x128xf32, #tpu.memory_space<vmem>>, vector<1x16xf32>,
        %swap3A_328 = vector.shape_cast %swap3A_327 : vector<1x16xf32> to vector<16xf32>
        %swap3A_329 = vector.shape_cast %mul3A_324 : vector<16xf32> to vector<1x16xf32>
        tpu.vector_store %arg15[%swap3A_325, %swap3A_326], %swap3A_329 {strides = array<i32>} : memref<80x128xf32, #tpu.memory_space<vmem>>, vector<1x16xf32>,
        %mul3A_330 = arith.constant 4 : i32
        %mul3A_331 = arith.muli %scan3A_128, %mul3A_330 : i32
        %add3A_332 = arith.constant 2 : i32
        %add3A_333 = arith.addi %mul3A_331, %add3A_332 : i32
        %slice3A_334 = vector.extract_strided_slice %get3A_132 {offsets = [8], sizes = [1], strides = [1]} : vector<16xf32> to vector<1xf32>
        %squeeze3A_335 = vector.extract %slice3A_334[0] : f32 from vector<1xf32>
        %get3A_336 = arith.index_cast %add3A_333 : i32 to index
        %get3A_337 = arith.constant 0 : index
        %get3A_338 = tpu.vector_load %arg15[%get3A_336, %get3A_337] {strides = array<i32>} : memref<80x128xf32, #tpu.memory_space<vmem>>, vector<1x16xf32>,
        %get3A_339 = vector.shape_cast %get3A_338 : vector<1x16xf32> to vector<16xf32>
        %mul3A_340 = vector.broadcast %squeeze3A_335 : f32 to vector<16xf32>
        %mul3A_341 = arith.mulf %get3A_339, %mul3A_340 : vector<16xf32>
        %swap3A_342 = arith.index_cast %add3A_333 : i32 to index
        %swap3A_343 = arith.constant 0 : index
        %swap3A_344 = tpu.vector_load %arg15[%swap3A_342, %swap3A_343] {strides = array<i32>} : memref<80x128xf32, #tpu.memory_space<vmem>>, vector<1x16xf32>,
        %swap3A_345 = vector.shape_cast %swap3A_344 : vector<1x16xf32> to vector<16xf32>
        %swap3A_346 = vector.shape_cast %mul3A_341 : vector<16xf32> to vector<1x16xf32>
        tpu.vector_store %arg15[%swap3A_342, %swap3A_343], %swap3A_346 {strides = array<i32>} : memref<80x128xf32, #tpu.memory_space<vmem>>, vector<1x16xf32>,
        %get3A_347 = arith.index_cast %add3A_333 : i32 to index
        %get3A_348 = arith.constant 16 : index
        %get3A_349 = tpu.vector_load %arg15[%get3A_347, %get3A_348] {strides = array<i32>} : memref<80x128xf32, #tpu.memory_space<vmem>>, vector<1x16xf32>,
        %get3A_350 = vector.shape_cast %get3A_349 : vector<1x16xf32> to vector<16xf32>
        %mul3A_351 = vector.broadcast %squeeze3A_335 : f32 to vector<16xf32>
        %mul3A_352 = arith.mulf %get3A_350, %mul3A_351 : vector<16xf32>
        %swap3A_353 = arith.index_cast %add3A_333 : i32 to index
        %swap3A_354 = arith.constant 16 : index
        %swap3A_355 = tpu.vector_load %arg15[%swap3A_353, %swap3A_354] {strides = array<i32>} : memref<80x128xf32, #tpu.memory_space<vmem>>, vector<1x16xf32>,
        %swap3A_356 = vector.shape_cast %swap3A_355 : vector<1x16xf32> to vector<16xf32>
        %swap3A_357 = vector.shape_cast %mul3A_352 : vector<16xf32> to vector<1x16xf32>
        tpu.vector_store %arg15[%swap3A_353, %swap3A_354], %swap3A_357 {strides = array<i32>} : memref<80x128xf32, #tpu.memory_space<vmem>>, vector<1x16xf32>,
        %slice3A_358 = vector.extract_strided_slice %get3A_132 {offsets = [9], sizes = [1], strides = [1]} : vector<16xf32> to vector<1xf32>
        %squeeze3A_359 = vector.extract %slice3A_358[0] : f32 from vector<1xf32>
        %get3A_360 = arith.index_cast %add3A_333 : i32 to index
        %get3A_361 = arith.constant 32 : index
        %get3A_362 = tpu.vector_load %arg15[%get3A_360, %get3A_361] {strides = array<i32>} : memref<80x128xf32, #tpu.memory_space<vmem>>, vector<1x16xf32>,
        %get3A_363 = vector.shape_cast %get3A_362 : vector<1x16xf32> to vector<16xf32>
        %mul3A_364 = vector.broadcast %squeeze3A_359 : f32 to vector<16xf32>
        %mul3A_365 = arith.mulf %get3A_363, %mul3A_364 : vector<16xf32>
        %swap3A_366 = arith.index_cast %add3A_333 : i32 to index
        %swap3A_367 = arith.constant 32 : index
        %swap3A_368 = tpu.vector_load %arg15[%swap3A_366, %swap3A_367] {strides = array<i32>} : memref<80x128xf32, #tpu.memory_space<vmem>>, vector<1x16xf32>,
        %swap3A_369 = vector.shape_cast %swap3A_368 : vector<1x16xf32> to vector<16xf32>
        %swap3A_370 = vector.shape_cast %mul3A_365 : vector<16xf32> to vector<1x16xf32>
        tpu.vector_store %arg15[%swap3A_366, %swap3A_367], %swap3A_370 {strides = array<i32>} : memref<80x128xf32, #tpu.memory_space<vmem>>, vector<1x16xf32>,
        %get3A_371 = arith.index_cast %add3A_333 : i32 to index
        %get3A_372 = arith.constant 48 : index
        %get3A_373 = tpu.vector_load %arg15[%get3A_371, %get3A_372] {strides = array<i32>} : memref<80x128xf32, #tpu.memory_space<vmem>>, vector<1x16xf32>,
        %get3A_374 = vector.shape_cast %get3A_373 : vector<1x16xf32> to vector<16xf32>
        %mul3A_375 = vector.broadcast %squeeze3A_359 : f32 to vector<16xf32>
        %mul3A_376 = arith.mulf %get3A_374, %mul3A_375 : vector<16xf32>
        %swap3A_377 = arith.index_cast %add3A_333 : i32 to index
        %swap3A_378 = arith.constant 48 : index
        %swap3A_379 = tpu.vector_load %arg15[%swap3A_377, %swap3A_378] {strides = array<i32>} : memref<80x128xf32, #tpu.memory_space<vmem>>, vector<1x16xf32>,
        %swap3A_380 = vector.shape_cast %swap3A_379 : vector<1x16xf32> to vector<16xf32>
        %swap3A_381 = vector.shape_cast %mul3A_376 : vector<16xf32> to vector<1x16xf32>
        tpu.vector_store %arg15[%swap3A_377, %swap3A_378], %swap3A_381 {strides = array<i32>} : memref<80x128xf32, #tpu.memory_space<vmem>>, vector<1x16xf32>,
        %slice3A_382 = vector.extract_strided_slice %get3A_132 {offsets = [10], sizes = [1], strides = [1]} : vector<16xf32> to vector<1xf32>
        %squeeze3A_383 = vector.extract %slice3A_382[0] : f32 from vector<1xf32>
        %get3A_384 = arith.index_cast %add3A_333 : i32 to index
        %get3A_385 = arith.constant 64 : index
        %get3A_386 = tpu.vector_load %arg15[%get3A_384, %get3A_385] {strides = array<i32>} : memref<80x128xf32, #tpu.memory_space<vmem>>, vector<1x16xf32>,
        %get3A_387 = vector.shape_cast %get3A_386 : vector<1x16xf32> to vector<16xf32>
        %mul3A_388 = vector.broadcast %squeeze3A_383 : f32 to vector<16xf32>
        %mul3A_389 = arith.mulf %get3A_387, %mul3A_388 : vector<16xf32>
        %swap3A_390 = arith.index_cast %add3A_333 : i32 to index
        %swap3A_391 = arith.constant 64 : index
        %swap3A_392 = tpu.vector_load %arg15[%swap3A_390, %swap3A_391] {strides = array<i32>} : memref<80x128xf32, #tpu.memory_space<vmem>>, vector<1x16xf32>,
        %swap3A_393 = vector.shape_cast %swap3A_392 : vector<1x16xf32> to vector<16xf32>
        %swap3A_394 = vector.shape_cast %mul3A_389 : vector<16xf32> to vector<1x16xf32>
        tpu.vector_store %arg15[%swap3A_390, %swap3A_391], %swap3A_394 {strides = array<i32>} : memref<80x128xf32, #tpu.memory_space<vmem>>, vector<1x16xf32>,
        %get3A_395 = arith.index_cast %add3A_333 : i32 to index
        %get3A_396 = arith.constant 80 : index
        %get3A_397 = tpu.vector_load %arg15[%get3A_395, %get3A_396] {strides = array<i32>} : memref<80x128xf32, #tpu.memory_space<vmem>>, vector<1x16xf32>,
        %get3A_398 = vector.shape_cast %get3A_397 : vector<1x16xf32> to vector<16xf32>
        %mul3A_399 = vector.broadcast %squeeze3A_383 : f32 to vector<16xf32>
        %mul3A_400 = arith.mulf %get3A_398, %mul3A_399 : vector<16xf32>
        %swap3A_401 = arith.index_cast %add3A_333 : i32 to index
        %swap3A_402 = arith.constant 80 : index
        %swap3A_403 = tpu.vector_load %arg15[%swap3A_401, %swap3A_402] {strides = array<i32>} : memref<80x128xf32, #tpu.memory_space<vmem>>, vector<1x16xf32>,
        %swap3A_404 = vector.shape_cast %swap3A_403 : vector<1x16xf32> to vector<16xf32>
        %swap3A_405 = vector.shape_cast %mul3A_400 : vector<16xf32> to vector<1x16xf32>
        tpu.vector_store %arg15[%swap3A_401, %swap3A_402], %swap3A_405 {strides = array<i32>} : memref<80x128xf32, #tpu.memory_space<vmem>>, vector<1x16xf32>,
        %slice3A_406 = vector.extract_strided_slice %get3A_132 {offsets = [11], sizes = [1], strides = [1]} : vector<16xf32> to vector<1xf32>
        %squeeze3A_407 = vector.extract %slice3A_406[0] : f32 from vector<1xf32>
        %get3A_408 = arith.index_cast %add3A_333 : i32 to index
        %get3A_409 = arith.constant 96 : index
        %get3A_410 = tpu.vector_load %arg15[%get3A_408, %get3A_409] {strides = array<i32>} : memref<80x128xf32, #tpu.memory_space<vmem>>, vector<1x16xf32>,
        %get3A_411 = vector.shape_cast %get3A_410 : vector<1x16xf32> to vector<16xf32>
        %mul3A_412 = vector.broadcast %squeeze3A_407 : f32 to vector<16xf32>
        %mul3A_413 = arith.mulf %get3A_411, %mul3A_412 : vector<16xf32>
        %swap3A_414 = arith.index_cast %add3A_333 : i32 to index
        %swap3A_415 = arith.constant 96 : index
        %swap3A_416 = tpu.vector_load %arg15[%swap3A_414, %swap3A_415] {strides = array<i32>} : memref<80x128xf32, #tpu.memory_space<vmem>>, vector<1x16xf32>,
        %swap3A_417 = vector.shape_cast %swap3A_416 : vector<1x16xf32> to vector<16xf32>
        %swap3A_418 = vector.shape_cast %mul3A_413 : vector<16xf32> to vector<1x16xf32>
        tpu.vector_store %arg15[%swap3A_414, %swap3A_415], %swap3A_418 {strides = array<i32>} : memref<80x128xf32, #tpu.memory_space<vmem>>, vector<1x16xf32>,
        %get3A_419 = arith.index_cast %add3A_333 : i32 to index
        %get3A_420 = arith.constant 112 : index
        %get3A_421 = tpu.vector_load %arg15[%get3A_419, %get3A_420] {strides = array<i32>} : memref<80x128xf32, #tpu.memory_space<vmem>>, vector<1x16xf32>,
        %get3A_422 = vector.shape_cast %get3A_421 : vector<1x16xf32> to vector<16xf32>
        %mul3A_423 = vector.broadcast %squeeze3A_407 : f32 to vector<16xf32>
        %mul3A_424 = arith.mulf %get3A_422, %mul3A_423 : vector<16xf32>
        %swap3A_425 = arith.index_cast %add3A_333 : i32 to index
        %swap3A_426 = arith.constant 112 : index
        %swap3A_427 = tpu.vector_load %arg15[%swap3A_425, %swap3A_426] {strides = array<i32>} : memref<80x128xf32, #tpu.memory_space<vmem>>, vector<1x16xf32>,
        %swap3A_428 = vector.shape_cast %swap3A_427 : vector<1x16xf32> to vector<16xf32>
        %swap3A_429 = vector.shape_cast %mul3A_424 : vector<16xf32> to vector<1x16xf32>
        tpu.vector_store %arg15[%swap3A_425, %swap3A_426], %swap3A_429 {strides = array<i32>} : memref<80x128xf32, #tpu.memory_space<vmem>>, vector<1x16xf32>,
        %mul3A_430 = arith.constant 4 : i32
        %mul3A_431 = arith.muli %scan3A_128, %mul3A_430 : i32
        %add3A_432 = arith.constant 3 : i32
        %add3A_433 = arith.addi %mul3A_431, %add3A_432 : i32
        %slice3A_434 = vector.extract_strided_slice %get3A_132 {offsets = [12], sizes = [1], strides = [1]} : vector<16xf32> to vector<1xf32>
        %squeeze3A_435 = vector.extract %slice3A_434[0] : f32 from vector<1xf32>
        %get3A_436 = arith.index_cast %add3A_433 : i32 to index
        %get3A_437 = arith.constant 0 : index
        %get3A_438 = tpu.vector_load %arg15[%get3A_436, %get3A_437] {strides = array<i32>} : memref<80x128xf32, #tpu.memory_space<vmem>>, vector<1x16xf32>,
        %get3A_439 = vector.shape_cast %get3A_438 : vector<1x16xf32> to vector<16xf32>
        %mul3A_440 = vector.broadcast %squeeze3A_435 : f32 to vector<16xf32>
        %mul3A_441 = arith.mulf %get3A_439, %mul3A_440 : vector<16xf32>
        %swap3A_442 = arith.index_cast %add3A_433 : i32 to index
        %swap3A_443 = arith.constant 0 : index
        %swap3A_444 = tpu.vector_load %arg15[%swap3A_442, %swap3A_443] {strides = array<i32>} : memref<80x128xf32, #tpu.memory_space<vmem>>, vector<1x16xf32>,
        %swap3A_445 = vector.shape_cast %swap3A_444 : vector<1x16xf32> to vector<16xf32>
        %swap3A_446 = vector.shape_cast %mul3A_441 : vector<16xf32> to vector<1x16xf32>
        tpu.vector_store %arg15[%swap3A_442, %swap3A_443], %swap3A_446 {strides = array<i32>} : memref<80x128xf32, #tpu.memory_space<vmem>>, vector<1x16xf32>,
        %get3A_447 = arith.index_cast %add3A_433 : i32 to index
        %get3A_448 = arith.constant 16 : index
        %get3A_449 = tpu.vector_load %arg15[%get3A_447, %get3A_448] {strides = array<i32>} : memref<80x128xf32, #tpu.memory_space<vmem>>, vector<1x16xf32>,
        %get3A_450 = vector.shape_cast %get3A_449 : vector<1x16xf32> to vector<16xf32>
        %mul3A_451 = vector.broadcast %squeeze3A_435 : f32 to vector<16xf32>
        %mul3A_452 = arith.mulf %get3A_450, %mul3A_451 : vector<16xf32>
        %swap3A_453 = arith.index_cast %add3A_433 : i32 to index
        %swap3A_454 = arith.constant 16 : index
        %swap3A_455 = tpu.vector_load %arg15[%swap3A_453, %swap3A_454] {strides = array<i32>} : memref<80x128xf32, #tpu.memory_space<vmem>>, vector<1x16xf32>,
        %swap3A_456 = vector.shape_cast %swap3A_455 : vector<1x16xf32> to vector<16xf32>
        %swap3A_457 = vector.shape_cast %mul3A_452 : vector<16xf32> to vector<1x16xf32>
        tpu.vector_store %arg15[%swap3A_453, %swap3A_454], %swap3A_457 {strides = array<i32>} : memref<80x128xf32, #tpu.memory_space<vmem>>, vector<1x16xf32>,
        %slice3A_458 = vector.extract_strided_slice %get3A_132 {offsets = [13], sizes = [1], strides = [1]} : vector<16xf32> to vector<1xf32>
        %squeeze3A_459 = vector.extract %slice3A_458[0] : f32 from vector<1xf32>
        %get3A_460 = arith.index_cast %add3A_433 : i32 to index
        %get3A_461 = arith.constant 32 : index
        %get3A_462 = tpu.vector_load %arg15[%get3A_460, %get3A_461] {strides = array<i32>} : memref<80x128xf32, #tpu.memory_space<vmem>>, vector<1x16xf32>,
        %get3A_463 = vector.shape_cast %get3A_462 : vector<1x16xf32> to vector<16xf32>
        %mul3A_464 = vector.broadcast %squeeze3A_459 : f32 to vector<16xf32>
        %mul3A_465 = arith.mulf %get3A_463, %mul3A_464 : vector<16xf32>
        %swap3A_466 = arith.index_cast %add3A_433 : i32 to index
        %swap3A_467 = arith.constant 32 : index
        %swap3A_468 = tpu.vector_load %arg15[%swap3A_466, %swap3A_467] {strides = array<i32>} : memref<80x128xf32, #tpu.memory_space<vmem>>, vector<1x16xf32>,
        %swap3A_469 = vector.shape_cast %swap3A_468 : vector<1x16xf32> to vector<16xf32>
        %swap3A_470 = vector.shape_cast %mul3A_465 : vector<16xf32> to vector<1x16xf32>
        tpu.vector_store %arg15[%swap3A_466, %swap3A_467], %swap3A_470 {strides = array<i32>} : memref<80x128xf32, #tpu.memory_space<vmem>>, vector<1x16xf32>,
        %get3A_471 = arith.index_cast %add3A_433 : i32 to index
        %get3A_472 = arith.constant 48 : index
        %get3A_473 = tpu.vector_load %arg15[%get3A_471, %get3A_472] {strides = array<i32>} : memref<80x128xf32, #tpu.memory_space<vmem>>, vector<1x16xf32>,
        %get3A_474 = vector.shape_cast %get3A_473 : vector<1x16xf32> to vector<16xf32>
        %mul3A_475 = vector.broadcast %squeeze3A_459 : f32 to vector<16xf32>
        %mul3A_476 = arith.mulf %get3A_474, %mul3A_475 : vector<16xf32>
        %swap3A_477 = arith.index_cast %add3A_433 : i32 to index
        %swap3A_478 = arith.constant 48 : index
        %swap3A_479 = tpu.vector_load %arg15[%swap3A_477, %swap3A_478] {strides = array<i32>} : memref<80x128xf32, #tpu.memory_space<vmem>>, vector<1x16xf32>,
        %swap3A_480 = vector.shape_cast %swap3A_479 : vector<1x16xf32> to vector<16xf32>
        %swap3A_481 = vector.shape_cast %mul3A_476 : vector<16xf32> to vector<1x16xf32>
        tpu.vector_store %arg15[%swap3A_477, %swap3A_478], %swap3A_481 {strides = array<i32>} : memref<80x128xf32, #tpu.memory_space<vmem>>, vector<1x16xf32>,
        %slice3A_482 = vector.extract_strided_slice %get3A_132 {offsets = [14], sizes = [1], strides = [1]} : vector<16xf32> to vector<1xf32>
        %squeeze3A_483 = vector.extract %slice3A_482[0] : f32 from vector<1xf32>
        %get3A_484 = arith.index_cast %add3A_433 : i32 to index
        %get3A_485 = arith.constant 64 : index
        %get3A_486 = tpu.vector_load %arg15[%get3A_484, %get3A_485] {strides = array<i32>} : memref<80x128xf32, #tpu.memory_space<vmem>>, vector<1x16xf32>,
        %get3A_487 = vector.shape_cast %get3A_486 : vector<1x16xf32> to vector<16xf32>
        %mul3A_488 = vector.broadcast %squeeze3A_483 : f32 to vector<16xf32>
        %mul3A_489 = arith.mulf %get3A_487, %mul3A_488 : vector<16xf32>
        %swap3A_490 = arith.index_cast %add3A_433 : i32 to index
        %swap3A_491 = arith.constant 64 : index
        %swap3A_492 = tpu.vector_load %arg15[%swap3A_490, %swap3A_491] {strides = array<i32>} : memref<80x128xf32, #tpu.memory_space<vmem>>, vector<1x16xf32>,
        %swap3A_493 = vector.shape_cast %swap3A_492 : vector<1x16xf32> to vector<16xf32>
        %swap3A_494 = vector.shape_cast %mul3A_489 : vector<16xf32> to vector<1x16xf32>
        tpu.vector_store %arg15[%swap3A_490, %swap3A_491], %swap3A_494 {strides = array<i32>} : memref<80x128xf32, #tpu.memory_space<vmem>>, vector<1x16xf32>,
        %get3A_495 = arith.index_cast %add3A_433 : i32 to index
        %get3A_496 = arith.constant 80 : index
        %get3A_497 = tpu.vector_load %arg15[%get3A_495, %get3A_496] {strides = array<i32>} : memref<80x128xf32, #tpu.memory_space<vmem>>, vector<1x16xf32>,
        %get3A_498 = vector.shape_cast %get3A_497 : vector<1x16xf32> to vector<16xf32>
        %mul3A_499 = vector.broadcast %squeeze3A_483 : f32 to vector<16xf32>
        %mul3A_500 = arith.mulf %get3A_498, %mul3A_499 : vector<16xf32>
        %swap3A_501 = arith.index_cast %add3A_433 : i32 to index
        %swap3A_502 = arith.constant 80 : index
        %swap3A_503 = tpu.vector_load %arg15[%swap3A_501, %swap3A_502] {strides = array<i32>} : memref<80x128xf32, #tpu.memory_space<vmem>>, vector<1x16xf32>,
        %swap3A_504 = vector.shape_cast %swap3A_503 : vector<1x16xf32> to vector<16xf32>
        %swap3A_505 = vector.shape_cast %mul3A_500 : vector<16xf32> to vector<1x16xf32>
        tpu.vector_store %arg15[%swap3A_501, %swap3A_502], %swap3A_505 {strides = array<i32>} : memref<80x128xf32, #tpu.memory_space<vmem>>, vector<1x16xf32>,
        %slice3A_506 = vector.extract_strided_slice %get3A_132 {offsets = [15], sizes = [1], strides = [1]} : vector<16xf32> to vector<1xf32>
        %squeeze3A_507 = vector.extract %slice3A_506[0] : f32 from vector<1xf32>
        %get3A_508 = arith.index_cast %add3A_433 : i32 to index
        %get3A_509 = arith.constant 96 : index
        %get3A_510 = tpu.vector_load %arg15[%get3A_508, %get3A_509] {strides = array<i32>} : memref<80x128xf32, #tpu.memory_space<vmem>>, vector<1x16xf32>,
        %get3A_511 = vector.shape_cast %get3A_510 : vector<1x16xf32> to vector<16xf32>
        %mul3A_512 = vector.broadcast %squeeze3A_507 : f32 to vector<16xf32>
        %mul3A_513 = arith.mulf %get3A_511, %mul3A_512 : vector<16xf32>
        %swap3A_514 = arith.index_cast %add3A_433 : i32 to index
        %swap3A_515 = arith.constant 96 : index
        %swap3A_516 = tpu.vector_load %arg15[%swap3A_514, %swap3A_515] {strides = array<i32>} : memref<80x128xf32, #tpu.memory_space<vmem>>, vector<1x16xf32>,
        %swap3A_517 = vector.shape_cast %swap3A_516 : vector<1x16xf32> to vector<16xf32>
        %swap3A_518 = vector.shape_cast %mul3A_513 : vector<16xf32> to vector<1x16xf32>
        tpu.vector_store %arg15[%swap3A_514, %swap3A_515], %swap3A_518 {strides = array<i32>} : memref<80x128xf32, #tpu.memory_space<vmem>>, vector<1x16xf32>,
        %get3A_519 = arith.index_cast %add3A_433 : i32 to index
        %get3A_520 = arith.constant 112 : index
        %get3A_521 = tpu.vector_load %arg15[%get3A_519, %get3A_520] {strides = array<i32>} : memref<80x128xf32, #tpu.memory_space<vmem>>, vector<1x16xf32>,
        %get3A_522 = vector.shape_cast %get3A_521 : vector<1x16xf32> to vector<16xf32>
        %mul3A_523 = vector.broadcast %squeeze3A_507 : f32 to vector<16xf32>
        %mul3A_524 = arith.mulf %get3A_522, %mul3A_523 : vector<16xf32>
        %swap3A_525 = arith.index_cast %add3A_433 : i32 to index
        %swap3A_526 = arith.constant 112 : index
        %swap3A_527 = tpu.vector_load %arg15[%swap3A_525, %swap3A_526] {strides = array<i32>} : memref<80x128xf32, #tpu.memory_space<vmem>>, vector<1x16xf32>,
        %swap3A_528 = vector.shape_cast %swap3A_527 : vector<1x16xf32> to vector<16xf32>
        %swap3A_529 = vector.shape_cast %mul3A_524 : vector<16xf32> to vector<1x16xf32>
        tpu.vector_store %arg15[%swap3A_525, %swap3A_526], %swap3A_529 {strides = array<i32>} : memref<80x128xf32, #tpu.memory_space<vmem>>, vector<1x16xf32>,
      }
      %scan3A_123 = arith.constant 20 : i32
      "tpu.region"() ({
        %run_scoped3A = tpu.sem_alloc : memref<!tpu.dma_semaphore, #tpu.memory_space<semaphore_mem>>
        %dma_start3A_128 = arith.constant 0 : i32
        %dma_start3A_129 = arith.constant 0 : i32
        %dma_start3A_130 = tpu.memref_slice %arg8[%dma_start3A_128, %dma_start3A_129] : memref<10240x128xf32, #tpu.memory_space<vmem_shared>> -> memref<10240x128xf32, #tpu.memory_space<vmem_shared>>
        tpu.enqueue_indirect_dma source(%arg15 : memref<80x128xf32, #tpu.memory_space<vmem>>) target(%dma_start3A_130 : memref<10240x128xf32, #tpu.memory_space<vmem_shared>>) offsets(%arg14 : memref<80xi32, #tpu.memory_space<vmem>>) semaphore(%run_scoped3A : memref<!tpu.dma_semaphore, #tpu.memory_space<semaphore_mem>>) {add = true}
        %dma_wait3A_131 = arith.constant 0 : i32
        %dma_wait3A_132 = arith.constant 0 : i32
        %dma_wait3A_133 = tpu.memref_slice %arg8[%dma_wait3A_131, %dma_wait3A_132] : memref<10240x128xf32, #tpu.memory_space<vmem_shared>> -> memref<10240x128xf32, #tpu.memory_space<vmem_shared>>
        tpu.wait_indirect_dma semaphore(%run_scoped3A : memref<!tpu.dma_semaphore, #tpu.memory_space<semaphore_mem>>) src(%arg15 : memref<80x128xf32, #tpu.memory_space<vmem>>) dst(%dma_wait3A_133 : memref<10240x128xf32, #tpu.memory_space<vmem_shared>>)
        tpu.yield
      }) : () -> ()
      %add3A_124 = arith.constant 3 : i32
      %add3A_125 = arith.addi %mul3A_76, %add3A_124 : i32
      %lt3A = arith.constant 125 : i32
      %lt3A_126 = arith.cmpi slt, %add3A_125, %lt3A : i32
      %convert_element_type3A = arith.extui %lt3A_126 : i1 to i32
      %cond3A = arith.constant 0 : i32
      %cond3A_127 = arith.cmpi ne, %convert_element_type3A, %cond3A : i32
      scf.if %cond3A_127 {
        %add3A_128 = arith.constant 3 : i32
        %add3A_129 = arith.addi %mul3A_76, %add3A_128 : i32
        %mul3A_130 = arith.constant 80 : i32
        %mul3A_131 = arith.muli %add3A_129, %mul3A_130 : i32
        %add3A_132 = arith.addi %mul3A_14, %mul3A_131 : i32
        %dma_start3A_133 = tpu.memref_slice %arg4[%add3A_132] : memref<320000xi32, #tpu.memory_space<hbm>> -> memref<80xi32, #tpu.memory_space<hbm>>
        %dma_start3A_134 = tpu.memref_slice %arg4[%add3A_132] : memref<320000xi32, #tpu.memory_space<hbm>> -> memref<80xi32, #tpu.memory_space<hbm>>
        tpu.enqueue_dma source(%dma_start3A_134 : memref<80xi32, #tpu.memory_space<hbm>>) target(%arg13 : memref<80xi32, #tpu.memory_space<vmem>>) target_semaphore(%arg19 : memref<!tpu.dma_semaphore, #tpu.memory_space<semaphore_mem>>)
        %dma_start3A_135 = tpu.memref_slice %arg5[%add3A_132] : memref<320000xi32, #tpu.memory_space<hbm>> -> memref<80xi32, #tpu.memory_space<hbm>>
        %dma_start3A_136 = tpu.memref_slice %arg5[%add3A_132] : memref<320000xi32, #tpu.memory_space<hbm>> -> memref<80xi32, #tpu.memory_space<hbm>>
        tpu.enqueue_dma source(%dma_start3A_136 : memref<80xi32, #tpu.memory_space<hbm>>) target(%arg14 : memref<80xi32, #tpu.memory_space<vmem>>) target_semaphore(%arg19 : memref<!tpu.dma_semaphore, #tpu.memory_space<semaphore_mem>>)
        %mul3A_137 = arith.constant 4 : i32
        %mul3A_138 = arith.muli %add3A_132, %mul3A_137 : i32
        %dma_start3A_139 = tpu.memref_slice %arg3[%mul3A_138] : memref<1280000xf32, #tpu.memory_space<hbm>> -> memref<320xf32, #tpu.memory_space<hbm>>
        %dma_start3A_140 = tpu.memref_slice %arg3[%mul3A_138] : memref<1280000xf32, #tpu.memory_space<hbm>> -> memref<320xf32, #tpu.memory_space<hbm>>
        tpu.enqueue_dma source(%dma_start3A_140 : memref<320xf32, #tpu.memory_space<hbm>>) target(%arg16 : memref<320xf32, #tpu.memory_space<vmem>>) target_semaphore(%arg19 : memref<!tpu.dma_semaphore, #tpu.memory_space<semaphore_mem>>)
        %add3A_141 = arith.constant 3 : i32
        %add3A_142 = arith.addi %mul3A_76, %add3A_141 : i32
        %mul3A_143 = arith.constant 80 : i32
        %mul3A_144 = arith.muli %add3A_142, %mul3A_143 : i32
        %add3A_145 = arith.addi %mul3A_14, %mul3A_144 : i32
        %dma_wait3A_146 = tpu.memref_slice %arg4[%add3A_145] : memref<320000xi32, #tpu.memory_space<hbm>> -> memref<80xi32, #tpu.memory_space<hbm>>
        %dma_wait3A_147 = tpu.memref_slice %arg4[%add3A_145] : memref<320000xi32, #tpu.memory_space<hbm>> -> memref<80xi32, #tpu.memory_space<hbm>>
        tpu.wait_dma2 semaphore(%arg19 : memref<!tpu.dma_semaphore, #tpu.memory_space<semaphore_mem>>) src(%dma_wait3A_147 : memref<80xi32, #tpu.memory_space<hbm>>) dst(%arg13 : memref<80xi32, #tpu.memory_space<vmem>>)
        %dma_wait3A_148 = tpu.memref_slice %arg5[%add3A_145] : memref<320000xi32, #tpu.memory_space<hbm>> -> memref<80xi32, #tpu.memory_space<hbm>>
        %dma_wait3A_149 = tpu.memref_slice %arg5[%add3A_145] : memref<320000xi32, #tpu.memory_space<hbm>> -> memref<80xi32, #tpu.memory_space<hbm>>
        tpu.wait_dma2 semaphore(%arg19 : memref<!tpu.dma_semaphore, #tpu.memory_space<semaphore_mem>>) src(%dma_wait3A_149 : memref<80xi32, #tpu.memory_space<hbm>>) dst(%arg14 : memref<80xi32, #tpu.memory_space<vmem>>)
        %mul3A_150 = arith.constant 4 : i32
        %mul3A_151 = arith.muli %add3A_145, %mul3A_150 : i32
        %dma_wait3A_152 = tpu.memref_slice %arg3[%mul3A_151] : memref<1280000xf32, #tpu.memory_space<hbm>> -> memref<320xf32, #tpu.memory_space<hbm>>
        %dma_wait3A_153 = tpu.memref_slice %arg3[%mul3A_151] : memref<1280000xf32, #tpu.memory_space<hbm>> -> memref<320xf32, #tpu.memory_space<hbm>>
        tpu.wait_dma2 semaphore(%arg19 : memref<!tpu.dma_semaphore, #tpu.memory_space<semaphore_mem>>) src(%dma_wait3A_153 : memref<320xf32, #tpu.memory_space<hbm>>) dst(%arg16 : memref<320xf32, #tpu.memory_space<vmem>>)
        %dma_start3A_154 = arith.constant 0 : i32
        %dma_start3A_155 = arith.constant 0 : i32
        %dma_start3A_156 = tpu.memref_slice %arg2[%dma_start3A_154, %dma_start3A_155] : memref<10000x128xf32, #tpu.memory_space<hbm>> -> memref<10000x128xf32, #tpu.memory_space<hbm>>
        tpu.enqueue_indirect_dma source(%dma_start3A_156 : memref<10000x128xf32, #tpu.memory_space<hbm>>) target(%arg15 : memref<80x128xf32, #tpu.memory_space<vmem>>) offsets(%arg13 : memref<80xi32, #tpu.memory_space<vmem>>) semaphore(%arg20 : memref<!tpu.dma_semaphore, #tpu.memory_space<semaphore_mem>>)
      } else {
      }
    }
    %scan3A_63 = arith.constant 62 : i32
    %dma_wait3A_64 = arith.constant 0 : i32
    %dma_wait3A_65 = arith.constant 0 : i32
    %dma_wait3A_66 = tpu.memref_slice %arg2[%dma_wait3A_64, %dma_wait3A_65] : memref<10000x128xf32, #tpu.memory_space<hbm>> -> memref<10000x128xf32, #tpu.memory_space<hbm>>
    tpu.wait_indirect_dma semaphore(%arg18 : memref<!tpu.dma_semaphore, #tpu.memory_space<semaphore_mem>>) src(%dma_wait3A_66 : memref<10000x128xf32, #tpu.memory_space<hbm>>) dst(%arg11 : memref<80x128xf32, #tpu.memory_space<vmem>>)
    %scan3A_67 = arith.constant 0 : i32
    %scan3A_68 = arith.constant 0 : i32
    %scan3A_69 = arith.constant 20 : i32
    %scan3A_70 = arith.addi %scan3A_68, %scan3A_69 : i32
    %scan3A_71 = arith.constant 1 : i32
    scf.for %scan3A_74 = %scan3A_68 to %scan3A_70 step %scan3A_71  : i32 {
      %mul3A_75 = arith.constant 16 : i32
      %mul3A_76 = arith.muli %scan3A_74, %mul3A_75 : i32
      %get3A = arith.index_cast %mul3A_76 : i32 to index
      %get3A_77 = tpu.vector_load %arg12[%get3A] {strides = array<i32>} : memref<320xf32, #tpu.memory_space<vmem>>, vector<16xf32>,
      %get3A_78 = vector.shape_cast %get3A_77 : vector<16xf32> to vector<16xf32>
      %mul3A_79 = arith.constant 4 : i32
      %mul3A_80 = arith.muli %scan3A_74, %mul3A_79 : i32
      %add3A_81 = arith.constant 0 : i32
      %add3A_82 = arith.addi %mul3A_80, %add3A_81 : i32
      %slice3A = vector.extract_strided_slice %get3A_78 {offsets = [0], sizes = [1], strides = [1]} : vector<16xf32> to vector<1xf32>
      %squeeze3A = vector.extract %slice3A[0] : f32 from vector<1xf32>
      %get3A_83 = arith.index_cast %add3A_82 : i32 to index
      %get3A_84 = arith.constant 0 : index
      %get3A_85 = tpu.vector_load %arg11[%get3A_83, %get3A_84] {strides = array<i32>} : memref<80x128xf32, #tpu.memory_space<vmem>>, vector<1x16xf32>,
      %get3A_86 = vector.shape_cast %get3A_85 : vector<1x16xf32> to vector<16xf32>
      %mul3A_87 = vector.broadcast %squeeze3A : f32 to vector<16xf32>
      %mul3A_88 = arith.mulf %get3A_86, %mul3A_87 : vector<16xf32>
      %swap3A = arith.index_cast %add3A_82 : i32 to index
      %swap3A_89 = arith.constant 0 : index
      %swap3A_90 = tpu.vector_load %arg11[%swap3A, %swap3A_89] {strides = array<i32>} : memref<80x128xf32, #tpu.memory_space<vmem>>, vector<1x16xf32>,
      %swap3A_91 = vector.shape_cast %swap3A_90 : vector<1x16xf32> to vector<16xf32>
      %swap3A_92 = vector.shape_cast %mul3A_88 : vector<16xf32> to vector<1x16xf32>
      tpu.vector_store %arg11[%swap3A, %swap3A_89], %swap3A_92 {strides = array<i32>} : memref<80x128xf32, #tpu.memory_space<vmem>>, vector<1x16xf32>,
      %get3A_93 = arith.index_cast %add3A_82 : i32 to index
      %get3A_94 = arith.constant 16 : index
      %get3A_95 = tpu.vector_load %arg11[%get3A_93, %get3A_94] {strides = array<i32>} : memref<80x128xf32, #tpu.memory_space<vmem>>, vector<1x16xf32>,
      %get3A_96 = vector.shape_cast %get3A_95 : vector<1x16xf32> to vector<16xf32>
      %mul3A_97 = vector.broadcast %squeeze3A : f32 to vector<16xf32>
      %mul3A_98 = arith.mulf %get3A_96, %mul3A_97 : vector<16xf32>
      %swap3A_99 = arith.index_cast %add3A_82 : i32 to index
      %swap3A_100 = arith.constant 16 : index
      %swap3A_101 = tpu.vector_load %arg11[%swap3A_99, %swap3A_100] {strides = array<i32>} : memref<80x128xf32, #tpu.memory_space<vmem>>, vector<1x16xf32>,
      %swap3A_102 = vector.shape_cast %swap3A_101 : vector<1x16xf32> to vector<16xf32>
      %swap3A_103 = vector.shape_cast %mul3A_98 : vector<16xf32> to vector<1x16xf32>
      tpu.vector_store %arg11[%swap3A_99, %swap3A_100], %swap3A_103 {strides = array<i32>} : memref<80x128xf32, #tpu.memory_space<vmem>>, vector<1x16xf32>,
      %slice3A_104 = vector.extract_strided_slice %get3A_78 {offsets = [1], sizes = [1], strides = [1]} : vector<16xf32> to vector<1xf32>
      %squeeze3A_105 = vector.extract %slice3A_104[0] : f32 from vector<1xf32>
      %get3A_106 = arith.index_cast %add3A_82 : i32 to index
      %get3A_107 = arith.constant 32 : index
      %get3A_108 = tpu.vector_load %arg11[%get3A_106, %get3A_107] {strides = array<i32>} : memref<80x128xf32, #tpu.memory_space<vmem>>, vector<1x16xf32>,
      %get3A_109 = vector.shape_cast %get3A_108 : vector<1x16xf32> to vector<16xf32>
      %mul3A_110 = vector.broadcast %squeeze3A_105 : f32 to vector<16xf32>
      %mul3A_111 = arith.mulf %get3A_109, %mul3A_110 : vector<16xf32>
      %swap3A_112 = arith.index_cast %add3A_82 : i32 to index
      %swap3A_113 = arith.constant 32 : index
      %swap3A_114 = tpu.vector_load %arg11[%swap3A_112, %swap3A_113] {strides = array<i32>} : memref<80x128xf32, #tpu.memory_space<vmem>>, vector<1x16xf32>,
      %swap3A_115 = vector.shape_cast %swap3A_114 : vector<1x16xf32> to vector<16xf32>
      %swap3A_116 = vector.shape_cast %mul3A_111 : vector<16xf32> to vector<1x16xf32>
      tpu.vector_store %arg11[%swap3A_112, %swap3A_113], %swap3A_116 {strides = array<i32>} : memref<80x128xf32, #tpu.memory_space<vmem>>, vector<1x16xf32>,
      %get3A_117 = arith.index_cast %add3A_82 : i32 to index
      %get3A_118 = arith.constant 48 : index
      %get3A_119 = tpu.vector_load %arg11[%get3A_117, %get3A_118] {strides = array<i32>} : memref<80x128xf32, #tpu.memory_space<vmem>>, vector<1x16xf32>,
      %get3A_120 = vector.shape_cast %get3A_119 : vector<1x16xf32> to vector<16xf32>
      %mul3A_121 = vector.broadcast %squeeze3A_105 : f32 to vector<16xf32>
      %mul3A_122 = arith.mulf %get3A_120, %mul3A_121 : vector<16xf32>
      %swap3A_123 = arith.index_cast %add3A_82 : i32 to index
      %swap3A_124 = arith.constant 48 : index
      %swap3A_125 = tpu.vector_load %arg11[%swap3A_123, %swap3A_124] {strides = array<i32>} : memref<80x128xf32, #tpu.memory_space<vmem>>, vector<1x16xf32>,
      %swap3A_126 = vector.shape_cast %swap3A_125 : vector<1x16xf32> to vector<16xf32>
      %swap3A_127 = vector.shape_cast %mul3A_122 : vector<16xf32> to vector<1x16xf32>
      tpu.vector_store %arg11[%swap3A_123, %swap3A_124], %swap3A_127 {strides = array<i32>} : memref<80x128xf32, #tpu.memory_space<vmem>>, vector<1x16xf32>,
      %slice3A_128 = vector.extract_strided_slice %get3A_78 {offsets = [2], sizes = [1], strides = [1]} : vector<16xf32> to vector<1xf32>
      %squeeze3A_129 = vector.extract %slice3A_128[0] : f32 from vector<1xf32>
      %get3A_130 = arith.index_cast %add3A_82 : i32 to index
      %get3A_131 = arith.constant 64 : index
      %get3A_132 = tpu.vector_load %arg11[%get3A_130, %get3A_131] {strides = array<i32>} : memref<80x128xf32, #tpu.memory_space<vmem>>, vector<1x16xf32>,
      %get3A_133 = vector.shape_cast %get3A_132 : vector<1x16xf32> to vector<16xf32>
      %mul3A_134 = vector.broadcast %squeeze3A_129 : f32 to vector<16xf32>
      %mul3A_135 = arith.mulf %get3A_133, %mul3A_134 : vector<16xf32>
      %swap3A_136 = arith.index_cast %add3A_82 : i32 to index
      %swap3A_137 = arith.constant 64 : index
      %swap3A_138 = tpu.vector_load %arg11[%swap3A_136, %swap3A_137] {strides = array<i32>} : memref<80x128xf32, #tpu.memory_space<vmem>>, vector<1x16xf32>,
      %swap3A_139 = vector.shape_cast %swap3A_138 : vector<1x16xf32> to vector<16xf32>
      %swap3A_140 = vector.shape_cast %mul3A_135 : vector<16xf32> to vector<1x16xf32>
      tpu.vector_store %arg11[%swap3A_136, %swap3A_137], %swap3A_140 {strides = array<i32>} : memref<80x128xf32, #tpu.memory_space<vmem>>, vector<1x16xf32>,
      %get3A_141 = arith.index_cast %add3A_82 : i32 to index
      %get3A_142 = arith.constant 80 : index
      %get3A_143 = tpu.vector_load %arg11[%get3A_141, %get3A_142] {strides = array<i32>} : memref<80x128xf32, #tpu.memory_space<vmem>>, vector<1x16xf32>,
      %get3A_144 = vector.shape_cast %get3A_143 : vector<1x16xf32> to vector<16xf32>
      %mul3A_145 = vector.broadcast %squeeze3A_129 : f32 to vector<16xf32>
      %mul3A_146 = arith.mulf %get3A_144, %mul3A_145 : vector<16xf32>
      %swap3A_147 = arith.index_cast %add3A_82 : i32 to index
      %swap3A_148 = arith.constant 80 : index
      %swap3A_149 = tpu.vector_load %arg11[%swap3A_147, %swap3A_148] {strides = array<i32>} : memref<80x128xf32, #tpu.memory_space<vmem>>, vector<1x16xf32>,
      %swap3A_150 = vector.shape_cast %swap3A_149 : vector<1x16xf32> to vector<16xf32>
      %swap3A_151 = vector.shape_cast %mul3A_146 : vector<16xf32> to vector<1x16xf32>
      tpu.vector_store %arg11[%swap3A_147, %swap3A_148], %swap3A_151 {strides = array<i32>} : memref<80x128xf32, #tpu.memory_space<vmem>>, vector<1x16xf32>,
      %slice3A_152 = vector.extract_strided_slice %get3A_78 {offsets = [3], sizes = [1], strides = [1]} : vector<16xf32> to vector<1xf32>
      %squeeze3A_153 = vector.extract %slice3A_152[0] : f32 from vector<1xf32>
      %get3A_154 = arith.index_cast %add3A_82 : i32 to index
      %get3A_155 = arith.constant 96 : index
      %get3A_156 = tpu.vector_load %arg11[%get3A_154, %get3A_155] {strides = array<i32>} : memref<80x128xf32, #tpu.memory_space<vmem>>, vector<1x16xf32>,
      %get3A_157 = vector.shape_cast %get3A_156 : vector<1x16xf32> to vector<16xf32>
      %mul3A_158 = vector.broadcast %squeeze3A_153 : f32 to vector<16xf32>
      %mul3A_159 = arith.mulf %get3A_157, %mul3A_158 : vector<16xf32>
      %swap3A_160 = arith.index_cast %add3A_82 : i32 to index
      %swap3A_161 = arith.constant 96 : index
      %swap3A_162 = tpu.vector_load %arg11[%swap3A_160, %swap3A_161] {strides = array<i32>} : memref<80x128xf32, #tpu.memory_space<vmem>>, vector<1x16xf32>,
      %swap3A_163 = vector.shape_cast %swap3A_162 : vector<1x16xf32> to vector<16xf32>
      %swap3A_164 = vector.shape_cast %mul3A_159 : vector<16xf32> to vector<1x16xf32>
      tpu.vector_store %arg11[%swap3A_160, %swap3A_161], %swap3A_164 {strides = array<i32>} : memref<80x128xf32, #tpu.memory_space<vmem>>, vector<1x16xf32>,
      %get3A_165 = arith.index_cast %add3A_82 : i32 to index
      %get3A_166 = arith.constant 112 : index
      %get3A_167 = tpu.vector_load %arg11[%get3A_165, %get3A_166] {strides = array<i32>} : memref<80x128xf32, #tpu.memory_space<vmem>>, vector<1x16xf32>,
      %get3A_168 = vector.shape_cast %get3A_167 : vector<1x16xf32> to vector<16xf32>
      %mul3A_169 = vector.broadcast %squeeze3A_153 : f32 to vector<16xf32>
      %mul3A_170 = arith.mulf %get3A_168, %mul3A_169 : vector<16xf32>
      %swap3A_171 = arith.index_cast %add3A_82 : i32 to index
      %swap3A_172 = arith.constant 112 : index
      %swap3A_173 = tpu.vector_load %arg11[%swap3A_171, %swap3A_172] {strides = array<i32>} : memref<80x128xf32, #tpu.memory_space<vmem>>, vector<1x16xf32>,
      %swap3A_174 = vector.shape_cast %swap3A_173 : vector<1x16xf32> to vector<16xf32>
      %swap3A_175 = vector.shape_cast %mul3A_170 : vector<16xf32> to vector<1x16xf32>
      tpu.vector_store %arg11[%swap3A_171, %swap3A_172], %swap3A_175 {strides = array<i32>} : memref<80x128xf32, #tpu.memory_space<vmem>>, vector<1x16xf32>,
      %mul3A_176 = arith.constant 4 : i32
      %mul3A_177 = arith.muli %scan3A_74, %mul3A_176 : i32
      %add3A_178 = arith.constant 1 : i32
      %add3A_179 = arith.addi %mul3A_177, %add3A_178 : i32
      %slice3A_180 = vector.extract_strided_slice %get3A_78 {offsets = [4], sizes = [1], strides = [1]} : vector<16xf32> to vector<1xf32>
      %squeeze3A_181 = vector.extract %slice3A_180[0] : f32 from vector<1xf32>
      %get3A_182 = arith.index_cast %add3A_179 : i32 to index
      %get3A_183 = arith.constant 0 : index
      %get3A_184 = tpu.vector_load %arg11[%get3A_182, %get3A_183] {strides = array<i32>} : memref<80x128xf32, #tpu.memory_space<vmem>>, vector<1x16xf32>,
      %get3A_185 = vector.shape_cast %get3A_184 : vector<1x16xf32> to vector<16xf32>
      %mul3A_186 = vector.broadcast %squeeze3A_181 : f32 to vector<16xf32>
      %mul3A_187 = arith.mulf %get3A_185, %mul3A_186 : vector<16xf32>
      %swap3A_188 = arith.index_cast %add3A_179 : i32 to index
      %swap3A_189 = arith.constant 0 : index
      %swap3A_190 = tpu.vector_load %arg11[%swap3A_188, %swap3A_189] {strides = array<i32>} : memref<80x128xf32, #tpu.memory_space<vmem>>, vector<1x16xf32>,
      %swap3A_191 = vector.shape_cast %swap3A_190 : vector<1x16xf32> to vector<16xf32>
      %swap3A_192 = vector.shape_cast %mul3A_187 : vector<16xf32> to vector<1x16xf32>
      tpu.vector_store %arg11[%swap3A_188, %swap3A_189], %swap3A_192 {strides = array<i32>} : memref<80x128xf32, #tpu.memory_space<vmem>>, vector<1x16xf32>,
      %get3A_193 = arith.index_cast %add3A_179 : i32 to index
      %get3A_194 = arith.constant 16 : index
      %get3A_195 = tpu.vector_load %arg11[%get3A_193, %get3A_194] {strides = array<i32>} : memref<80x128xf32, #tpu.memory_space<vmem>>, vector<1x16xf32>,
      %get3A_196 = vector.shape_cast %get3A_195 : vector<1x16xf32> to vector<16xf32>
      %mul3A_197 = vector.broadcast %squeeze3A_181 : f32 to vector<16xf32>
      %mul3A_198 = arith.mulf %get3A_196, %mul3A_197 : vector<16xf32>
      %swap3A_199 = arith.index_cast %add3A_179 : i32 to index
      %swap3A_200 = arith.constant 16 : index
      %swap3A_201 = tpu.vector_load %arg11[%swap3A_199, %swap3A_200] {strides = array<i32>} : memref<80x128xf32, #tpu.memory_space<vmem>>, vector<1x16xf32>,
      %swap3A_202 = vector.shape_cast %swap3A_201 : vector<1x16xf32> to vector<16xf32>
      %swap3A_203 = vector.shape_cast %mul3A_198 : vector<16xf32> to vector<1x16xf32>
      tpu.vector_store %arg11[%swap3A_199, %swap3A_200], %swap3A_203 {strides = array<i32>} : memref<80x128xf32, #tpu.memory_space<vmem>>, vector<1x16xf32>,
      %slice3A_204 = vector.extract_strided_slice %get3A_78 {offsets = [5], sizes = [1], strides = [1]} : vector<16xf32> to vector<1xf32>
      %squeeze3A_205 = vector.extract %slice3A_204[0] : f32 from vector<1xf32>
      %get3A_206 = arith.index_cast %add3A_179 : i32 to index
      %get3A_207 = arith.constant 32 : index
      %get3A_208 = tpu.vector_load %arg11[%get3A_206, %get3A_207] {strides = array<i32>} : memref<80x128xf32, #tpu.memory_space<vmem>>, vector<1x16xf32>,
      %get3A_209 = vector.shape_cast %get3A_208 : vector<1x16xf32> to vector<16xf32>
      %mul3A_210 = vector.broadcast %squeeze3A_205 : f32 to vector<16xf32>
      %mul3A_211 = arith.mulf %get3A_209, %mul3A_210 : vector<16xf32>
      %swap3A_212 = arith.index_cast %add3A_179 : i32 to index
      %swap3A_213 = arith.constant 32 : index
      %swap3A_214 = tpu.vector_load %arg11[%swap3A_212, %swap3A_213] {strides = array<i32>} : memref<80x128xf32, #tpu.memory_space<vmem>>, vector<1x16xf32>,
      %swap3A_215 = vector.shape_cast %swap3A_214 : vector<1x16xf32> to vector<16xf32>
      %swap3A_216 = vector.shape_cast %mul3A_211 : vector<16xf32> to vector<1x16xf32>
      tpu.vector_store %arg11[%swap3A_212, %swap3A_213], %swap3A_216 {strides = array<i32>} : memref<80x128xf32, #tpu.memory_space<vmem>>, vector<1x16xf32>,
      %get3A_217 = arith.index_cast %add3A_179 : i32 to index
      %get3A_218 = arith.constant 48 : index
      %get3A_219 = tpu.vector_load %arg11[%get3A_217, %get3A_218] {strides = array<i32>} : memref<80x128xf32, #tpu.memory_space<vmem>>, vector<1x16xf32>,
      %get3A_220 = vector.shape_cast %get3A_219 : vector<1x16xf32> to vector<16xf32>
      %mul3A_221 = vector.broadcast %squeeze3A_205 : f32 to vector<16xf32>
      %mul3A_222 = arith.mulf %get3A_220, %mul3A_221 : vector<16xf32>
      %swap3A_223 = arith.index_cast %add3A_179 : i32 to index
      %swap3A_224 = arith.constant 48 : index
      %swap3A_225 = tpu.vector_load %arg11[%swap3A_223, %swap3A_224] {strides = array<i32>} : memref<80x128xf32, #tpu.memory_space<vmem>>, vector<1x16xf32>,
      %swap3A_226 = vector.shape_cast %swap3A_225 : vector<1x16xf32> to vector<16xf32>
      %swap3A_227 = vector.shape_cast %mul3A_222 : vector<16xf32> to vector<1x16xf32>
      tpu.vector_store %arg11[%swap3A_223, %swap3A_224], %swap3A_227 {strides = array<i32>} : memref<80x128xf32, #tpu.memory_space<vmem>>, vector<1x16xf32>,
      %slice3A_228 = vector.extract_strided_slice %get3A_78 {offsets = [6], sizes = [1], strides = [1]} : vector<16xf32> to vector<1xf32>
      %squeeze3A_229 = vector.extract %slice3A_228[0] : f32 from vector<1xf32>
      %get3A_230 = arith.index_cast %add3A_179 : i32 to index
      %get3A_231 = arith.constant 64 : index
      %get3A_232 = tpu.vector_load %arg11[%get3A_230, %get3A_231] {strides = array<i32>} : memref<80x128xf32, #tpu.memory_space<vmem>>, vector<1x16xf32>,
      %get3A_233 = vector.shape_cast %get3A_232 : vector<1x16xf32> to vector<16xf32>
      %mul3A_234 = vector.broadcast %squeeze3A_229 : f32 to vector<16xf32>
      %mul3A_235 = arith.mulf %get3A_233, %mul3A_234 : vector<16xf32>
      %swap3A_236 = arith.index_cast %add3A_179 : i32 to index
      %swap3A_237 = arith.constant 64 : index
      %swap3A_238 = tpu.vector_load %arg11[%swap3A_236, %swap3A_237] {strides = array<i32>} : memref<80x128xf32, #tpu.memory_space<vmem>>, vector<1x16xf32>,
      %swap3A_239 = vector.shape_cast %swap3A_238 : vector<1x16xf32> to vector<16xf32>
      %swap3A_240 = vector.shape_cast %mul3A_235 : vector<16xf32> to vector<1x16xf32>
      tpu.vector_store %arg11[%swap3A_236, %swap3A_237], %swap3A_240 {strides = array<i32>} : memref<80x128xf32, #tpu.memory_space<vmem>>, vector<1x16xf32>,
      %get3A_241 = arith.index_cast %add3A_179 : i32 to index
      %get3A_242 = arith.constant 80 : index
      %get3A_243 = tpu.vector_load %arg11[%get3A_241, %get3A_242] {strides = array<i32>} : memref<80x128xf32, #tpu.memory_space<vmem>>, vector<1x16xf32>,
      %get3A_244 = vector.shape_cast %get3A_243 : vector<1x16xf32> to vector<16xf32>
      %mul3A_245 = vector.broadcast %squeeze3A_229 : f32 to vector<16xf32>
      %mul3A_246 = arith.mulf %get3A_244, %mul3A_245 : vector<16xf32>
      %swap3A_247 = arith.index_cast %add3A_179 : i32 to index
      %swap3A_248 = arith.constant 80 : index
      %swap3A_249 = tpu.vector_load %arg11[%swap3A_247, %swap3A_248] {strides = array<i32>} : memref<80x128xf32, #tpu.memory_space<vmem>>, vector<1x16xf32>,
      %swap3A_250 = vector.shape_cast %swap3A_249 : vector<1x16xf32> to vector<16xf32>
      %swap3A_251 = vector.shape_cast %mul3A_246 : vector<16xf32> to vector<1x16xf32>
      tpu.vector_store %arg11[%swap3A_247, %swap3A_248], %swap3A_251 {strides = array<i32>} : memref<80x128xf32, #tpu.memory_space<vmem>>, vector<1x16xf32>,
      %slice3A_252 = vector.extract_strided_slice %get3A_78 {offsets = [7], sizes = [1], strides = [1]} : vector<16xf32> to vector<1xf32>
      %squeeze3A_253 = vector.extract %slice3A_252[0] : f32 from vector<1xf32>
      %get3A_254 = arith.index_cast %add3A_179 : i32 to index
      %get3A_255 = arith.constant 96 : index
      %get3A_256 = tpu.vector_load %arg11[%get3A_254, %get3A_255] {strides = array<i32>} : memref<80x128xf32, #tpu.memory_space<vmem>>, vector<1x16xf32>,
      %get3A_257 = vector.shape_cast %get3A_256 : vector<1x16xf32> to vector<16xf32>
      %mul3A_258 = vector.broadcast %squeeze3A_253 : f32 to vector<16xf32>
      %mul3A_259 = arith.mulf %get3A_257, %mul3A_258 : vector<16xf32>
      %swap3A_260 = arith.index_cast %add3A_179 : i32 to index
      %swap3A_261 = arith.constant 96 : index
      %swap3A_262 = tpu.vector_load %arg11[%swap3A_260, %swap3A_261] {strides = array<i32>} : memref<80x128xf32, #tpu.memory_space<vmem>>, vector<1x16xf32>,
      %swap3A_263 = vector.shape_cast %swap3A_262 : vector<1x16xf32> to vector<16xf32>
      %swap3A_264 = vector.shape_cast %mul3A_259 : vector<16xf32> to vector<1x16xf32>
      tpu.vector_store %arg11[%swap3A_260, %swap3A_261], %swap3A_264 {strides = array<i32>} : memref<80x128xf32, #tpu.memory_space<vmem>>, vector<1x16xf32>,
      %get3A_265 = arith.index_cast %add3A_179 : i32 to index
      %get3A_266 = arith.constant 112 : index
      %get3A_267 = tpu.vector_load %arg11[%get3A_265, %get3A_266] {strides = array<i32>} : memref<80x128xf32, #tpu.memory_space<vmem>>, vector<1x16xf32>,
      %get3A_268 = vector.shape_cast %get3A_267 : vector<1x16xf32> to vector<16xf32>
      %mul3A_269 = vector.broadcast %squeeze3A_253 : f32 to vector<16xf32>
      %mul3A_270 = arith.mulf %get3A_268, %mul3A_269 : vector<16xf32>
      %swap3A_271 = arith.index_cast %add3A_179 : i32 to index
      %swap3A_272 = arith.constant 112 : index
      %swap3A_273 = tpu.vector_load %arg11[%swap3A_271, %swap3A_272] {strides = array<i32>} : memref<80x128xf32, #tpu.memory_space<vmem>>, vector<1x16xf32>,
      %swap3A_274 = vector.shape_cast %swap3A_273 : vector<1x16xf32> to vector<16xf32>
      %swap3A_275 = vector.shape_cast %mul3A_270 : vector<16xf32> to vector<1x16xf32>
      tpu.vector_store %arg11[%swap3A_271, %swap3A_272], %swap3A_275 {strides = array<i32>} : memref<80x128xf32, #tpu.memory_space<vmem>>, vector<1x16xf32>,
      %mul3A_276 = arith.constant 4 : i32
      %mul3A_277 = arith.muli %scan3A_74, %mul3A_276 : i32
      %add3A_278 = arith.constant 2 : i32
      %add3A_279 = arith.addi %mul3A_277, %add3A_278 : i32
      %slice3A_280 = vector.extract_strided_slice %get3A_78 {offsets = [8], sizes = [1], strides = [1]} : vector<16xf32> to vector<1xf32>
      %squeeze3A_281 = vector.extract %slice3A_280[0] : f32 from vector<1xf32>
      %get3A_282 = arith.index_cast %add3A_279 : i32 to index
      %get3A_283 = arith.constant 0 : index
      %get3A_284 = tpu.vector_load %arg11[%get3A_282, %get3A_283] {strides = array<i32>} : memref<80x128xf32, #tpu.memory_space<vmem>>, vector<1x16xf32>,
      %get3A_285 = vector.shape_cast %get3A_284 : vector<1x16xf32> to vector<16xf32>
      %mul3A_286 = vector.broadcast %squeeze3A_281 : f32 to vector<16xf32>
      %mul3A_287 = arith.mulf %get3A_285, %mul3A_286 : vector<16xf32>
      %swap3A_288 = arith.index_cast %add3A_279 : i32 to index
      %swap3A_289 = arith.constant 0 : index
      %swap3A_290 = tpu.vector_load %arg11[%swap3A_288, %swap3A_289] {strides = array<i32>} : memref<80x128xf32, #tpu.memory_space<vmem>>, vector<1x16xf32>,
      %swap3A_291 = vector.shape_cast %swap3A_290 : vector<1x16xf32> to vector<16xf32>
      %swap3A_292 = vector.shape_cast %mul3A_287 : vector<16xf32> to vector<1x16xf32>
      tpu.vector_store %arg11[%swap3A_288, %swap3A_289], %swap3A_292 {strides = array<i32>} : memref<80x128xf32, #tpu.memory_space<vmem>>, vector<1x16xf32>,
      %get3A_293 = arith.index_cast %add3A_279 : i32 to index
      %get3A_294 = arith.constant 16 : index
      %get3A_295 = tpu.vector_load %arg11[%get3A_293, %get3A_294] {strides = array<i32>} : memref<80x128xf32, #tpu.memory_space<vmem>>, vector<1x16xf32>,
      %get3A_296 = vector.shape_cast %get3A_295 : vector<1x16xf32> to vector<16xf32>
      %mul3A_297 = vector.broadcast %squeeze3A_281 : f32 to vector<16xf32>
      %mul3A_298 = arith.mulf %get3A_296, %mul3A_297 : vector<16xf32>
      %swap3A_299 = arith.index_cast %add3A_279 : i32 to index
      %swap3A_300 = arith.constant 16 : index
      %swap3A_301 = tpu.vector_load %arg11[%swap3A_299, %swap3A_300] {strides = array<i32>} : memref<80x128xf32, #tpu.memory_space<vmem>>, vector<1x16xf32>,
      %swap3A_302 = vector.shape_cast %swap3A_301 : vector<1x16xf32> to vector<16xf32>
      %swap3A_303 = vector.shape_cast %mul3A_298 : vector<16xf32> to vector<1x16xf32>
      tpu.vector_store %arg11[%swap3A_299, %swap3A_300], %swap3A_303 {strides = array<i32>} : memref<80x128xf32, #tpu.memory_space<vmem>>, vector<1x16xf32>,
      %slice3A_304 = vector.extract_strided_slice %get3A_78 {offsets = [9], sizes = [1], strides = [1]} : vector<16xf32> to vector<1xf32>
      %squeeze3A_305 = vector.extract %slice3A_304[0] : f32 from vector<1xf32>
      %get3A_306 = arith.index_cast %add3A_279 : i32 to index
      %get3A_307 = arith.constant 32 : index
      %get3A_308 = tpu.vector_load %arg11[%get3A_306, %get3A_307] {strides = array<i32>} : memref<80x128xf32, #tpu.memory_space<vmem>>, vector<1x16xf32>,
      %get3A_309 = vector.shape_cast %get3A_308 : vector<1x16xf32> to vector<16xf32>
      %mul3A_310 = vector.broadcast %squeeze3A_305 : f32 to vector<16xf32>
      %mul3A_311 = arith.mulf %get3A_309, %mul3A_310 : vector<16xf32>
      %swap3A_312 = arith.index_cast %add3A_279 : i32 to index
      %swap3A_313 = arith.constant 32 : index
      %swap3A_314 = tpu.vector_load %arg11[%swap3A_312, %swap3A_313] {strides = array<i32>} : memref<80x128xf32, #tpu.memory_space<vmem>>, vector<1x16xf32>,
      %swap3A_315 = vector.shape_cast %swap3A_314 : vector<1x16xf32> to vector<16xf32>
      %swap3A_316 = vector.shape_cast %mul3A_311 : vector<16xf32> to vector<1x16xf32>
      tpu.vector_store %arg11[%swap3A_312, %swap3A_313], %swap3A_316 {strides = array<i32>} : memref<80x128xf32, #tpu.memory_space<vmem>>, vector<1x16xf32>,
      %get3A_317 = arith.index_cast %add3A_279 : i32 to index
      %get3A_318 = arith.constant 48 : index
      %get3A_319 = tpu.vector_load %arg11[%get3A_317, %get3A_318] {strides = array<i32>} : memref<80x128xf32, #tpu.memory_space<vmem>>, vector<1x16xf32>,
      %get3A_320 = vector.shape_cast %get3A_319 : vector<1x16xf32> to vector<16xf32>
      %mul3A_321 = vector.broadcast %squeeze3A_305 : f32 to vector<16xf32>
      %mul3A_322 = arith.mulf %get3A_320, %mul3A_321 : vector<16xf32>
      %swap3A_323 = arith.index_cast %add3A_279 : i32 to index
      %swap3A_324 = arith.constant 48 : index
      %swap3A_325 = tpu.vector_load %arg11[%swap3A_323, %swap3A_324] {strides = array<i32>} : memref<80x128xf32, #tpu.memory_space<vmem>>, vector<1x16xf32>,
      %swap3A_326 = vector.shape_cast %swap3A_325 : vector<1x16xf32> to vector<16xf32>
      %swap3A_327 = vector.shape_cast %mul3A_322 : vector<16xf32> to vector<1x16xf32>
      tpu.vector_store %arg11[%swap3A_323, %swap3A_324], %swap3A_327 {strides = array<i32>} : memref<80x128xf32, #tpu.memory_space<vmem>>, vector<1x16xf32>,
      %slice3A_328 = vector.extract_strided_slice %get3A_78 {offsets = [10], sizes = [1], strides = [1]} : vector<16xf32> to vector<1xf32>
      %squeeze3A_329 = vector.extract %slice3A_328[0] : f32 from vector<1xf32>
      %get3A_330 = arith.index_cast %add3A_279 : i32 to index
      %get3A_331 = arith.constant 64 : index
      %get3A_332 = tpu.vector_load %arg11[%get3A_330, %get3A_331] {strides = array<i32>} : memref<80x128xf32, #tpu.memory_space<vmem>>, vector<1x16xf32>,
      %get3A_333 = vector.shape_cast %get3A_332 : vector<1x16xf32> to vector<16xf32>
      %mul3A_334 = vector.broadcast %squeeze3A_329 : f32 to vector<16xf32>
      %mul3A_335 = arith.mulf %get3A_333, %mul3A_334 : vector<16xf32>
      %swap3A_336 = arith.index_cast %add3A_279 : i32 to index
      %swap3A_337 = arith.constant 64 : index
      %swap3A_338 = tpu.vector_load %arg11[%swap3A_336, %swap3A_337] {strides = array<i32>} : memref<80x128xf32, #tpu.memory_space<vmem>>, vector<1x16xf32>,
      %swap3A_339 = vector.shape_cast %swap3A_338 : vector<1x16xf32> to vector<16xf32>
      %swap3A_340 = vector.shape_cast %mul3A_335 : vector<16xf32> to vector<1x16xf32>
      tpu.vector_store %arg11[%swap3A_336, %swap3A_337], %swap3A_340 {strides = array<i32>} : memref<80x128xf32, #tpu.memory_space<vmem>>, vector<1x16xf32>,
      %get3A_341 = arith.index_cast %add3A_279 : i32 to index
      %get3A_342 = arith.constant 80 : index
      %get3A_343 = tpu.vector_load %arg11[%get3A_341, %get3A_342] {strides = array<i32>} : memref<80x128xf32, #tpu.memory_space<vmem>>, vector<1x16xf32>,
      %get3A_344 = vector.shape_cast %get3A_343 : vector<1x16xf32> to vector<16xf32>
      %mul3A_345 = vector.broadcast %squeeze3A_329 : f32 to vector<16xf32>
      %mul3A_346 = arith.mulf %get3A_344, %mul3A_345 : vector<16xf32>
      %swap3A_347 = arith.index_cast %add3A_279 : i32 to index
      %swap3A_348 = arith.constant 80 : index
      %swap3A_349 = tpu.vector_load %arg11[%swap3A_347, %swap3A_348] {strides = array<i32>} : memref<80x128xf32, #tpu.memory_space<vmem>>, vector<1x16xf32>,
      %swap3A_350 = vector.shape_cast %swap3A_349 : vector<1x16xf32> to vector<16xf32>
      %swap3A_351 = vector.shape_cast %mul3A_346 : vector<16xf32> to vector<1x16xf32>
      tpu.vector_store %arg11[%swap3A_347, %swap3A_348], %swap3A_351 {strides = array<i32>} : memref<80x128xf32, #tpu.memory_space<vmem>>, vector<1x16xf32>,
      %slice3A_352 = vector.extract_strided_slice %get3A_78 {offsets = [11], sizes = [1], strides = [1]} : vector<16xf32> to vector<1xf32>
      %squeeze3A_353 = vector.extract %slice3A_352[0] : f32 from vector<1xf32>
      %get3A_354 = arith.index_cast %add3A_279 : i32 to index
      %get3A_355 = arith.constant 96 : index
      %get3A_356 = tpu.vector_load %arg11[%get3A_354, %get3A_355] {strides = array<i32>} : memref<80x128xf32, #tpu.memory_space<vmem>>, vector<1x16xf32>,
      %get3A_357 = vector.shape_cast %get3A_356 : vector<1x16xf32> to vector<16xf32>
      %mul3A_358 = vector.broadcast %squeeze3A_353 : f32 to vector<16xf32>
      %mul3A_359 = arith.mulf %get3A_357, %mul3A_358 : vector<16xf32>
      %swap3A_360 = arith.index_cast %add3A_279 : i32 to index
      %swap3A_361 = arith.constant 96 : index
      %swap3A_362 = tpu.vector_load %arg11[%swap3A_360, %swap3A_361] {strides = array<i32>} : memref<80x128xf32, #tpu.memory_space<vmem>>, vector<1x16xf32>,
      %swap3A_363 = vector.shape_cast %swap3A_362 : vector<1x16xf32> to vector<16xf32>
      %swap3A_364 = vector.shape_cast %mul3A_359 : vector<16xf32> to vector<1x16xf32>
      tpu.vector_store %arg11[%swap3A_360, %swap3A_361], %swap3A_364 {strides = array<i32>} : memref<80x128xf32, #tpu.memory_space<vmem>>, vector<1x16xf32>,
      %get3A_365 = arith.index_cast %add3A_279 : i32 to index
      %get3A_366 = arith.constant 112 : index
      %get3A_367 = tpu.vector_load %arg11[%get3A_365, %get3A_366] {strides = array<i32>} : memref<80x128xf32, #tpu.memory_space<vmem>>, vector<1x16xf32>,
      %get3A_368 = vector.shape_cast %get3A_367 : vector<1x16xf32> to vector<16xf32>
      %mul3A_369 = vector.broadcast %squeeze3A_353 : f32 to vector<16xf32>
      %mul3A_370 = arith.mulf %get3A_368, %mul3A_369 : vector<16xf32>
      %swap3A_371 = arith.index_cast %add3A_279 : i32 to index
      %swap3A_372 = arith.constant 112 : index
      %swap3A_373 = tpu.vector_load %arg11[%swap3A_371, %swap3A_372] {strides = array<i32>} : memref<80x128xf32, #tpu.memory_space<vmem>>, vector<1x16xf32>,
      %swap3A_374 = vector.shape_cast %swap3A_373 : vector<1x16xf32> to vector<16xf32>
      %swap3A_375 = vector.shape_cast %mul3A_370 : vector<16xf32> to vector<1x16xf32>
      tpu.vector_store %arg11[%swap3A_371, %swap3A_372], %swap3A_375 {strides = array<i32>} : memref<80x128xf32, #tpu.memory_space<vmem>>, vector<1x16xf32>,
      %mul3A_376 = arith.constant 4 : i32
      %mul3A_377 = arith.muli %scan3A_74, %mul3A_376 : i32
      %add3A_378 = arith.constant 3 : i32
      %add3A_379 = arith.addi %mul3A_377, %add3A_378 : i32
      %slice3A_380 = vector.extract_strided_slice %get3A_78 {offsets = [12], sizes = [1], strides = [1]} : vector<16xf32> to vector<1xf32>
      %squeeze3A_381 = vector.extract %slice3A_380[0] : f32 from vector<1xf32>
      %get3A_382 = arith.index_cast %add3A_379 : i32 to index
      %get3A_383 = arith.constant 0 : index
      %get3A_384 = tpu.vector_load %arg11[%get3A_382, %get3A_383] {strides = array<i32>} : memref<80x128xf32, #tpu.memory_space<vmem>>, vector<1x16xf32>,
      %get3A_385 = vector.shape_cast %get3A_384 : vector<1x16xf32> to vector<16xf32>
      %mul3A_386 = vector.broadcast %squeeze3A_381 : f32 to vector<16xf32>
      %mul3A_387 = arith.mulf %get3A_385, %mul3A_386 : vector<16xf32>
      %swap3A_388 = arith.index_cast %add3A_379 : i32 to index
      %swap3A_389 = arith.constant 0 : index
      %swap3A_390 = tpu.vector_load %arg11[%swap3A_388, %swap3A_389] {strides = array<i32>} : memref<80x128xf32, #tpu.memory_space<vmem>>, vector<1x16xf32>,
      %swap3A_391 = vector.shape_cast %swap3A_390 : vector<1x16xf32> to vector<16xf32>
      %swap3A_392 = vector.shape_cast %mul3A_387 : vector<16xf32> to vector<1x16xf32>
      tpu.vector_store %arg11[%swap3A_388, %swap3A_389], %swap3A_392 {strides = array<i32>} : memref<80x128xf32, #tpu.memory_space<vmem>>, vector<1x16xf32>,
      %get3A_393 = arith.index_cast %add3A_379 : i32 to index
      %get3A_394 = arith.constant 16 : index
      %get3A_395 = tpu.vector_load %arg11[%get3A_393, %get3A_394] {strides = array<i32>} : memref<80x128xf32, #tpu.memory_space<vmem>>, vector<1x16xf32>,
      %get3A_396 = vector.shape_cast %get3A_395 : vector<1x16xf32> to vector<16xf32>
      %mul3A_397 = vector.broadcast %squeeze3A_381 : f32 to vector<16xf32>
      %mul3A_398 = arith.mulf %get3A_396, %mul3A_397 : vector<16xf32>
      %swap3A_399 = arith.index_cast %add3A_379 : i32 to index
      %swap3A_400 = arith.constant 16 : index
      %swap3A_401 = tpu.vector_load %arg11[%swap3A_399, %swap3A_400] {strides = array<i32>} : memref<80x128xf32, #tpu.memory_space<vmem>>, vector<1x16xf32>,
      %swap3A_402 = vector.shape_cast %swap3A_401 : vector<1x16xf32> to vector<16xf32>
      %swap3A_403 = vector.shape_cast %mul3A_398 : vector<16xf32> to vector<1x16xf32>
      tpu.vector_store %arg11[%swap3A_399, %swap3A_400], %swap3A_403 {strides = array<i32>} : memref<80x128xf32, #tpu.memory_space<vmem>>, vector<1x16xf32>,
      %slice3A_404 = vector.extract_strided_slice %get3A_78 {offsets = [13], sizes = [1], strides = [1]} : vector<16xf32> to vector<1xf32>
      %squeeze3A_405 = vector.extract %slice3A_404[0] : f32 from vector<1xf32>
      %get3A_406 = arith.index_cast %add3A_379 : i32 to index
      %get3A_407 = arith.constant 32 : index
      %get3A_408 = tpu.vector_load %arg11[%get3A_406, %get3A_407] {strides = array<i32>} : memref<80x128xf32, #tpu.memory_space<vmem>>, vector<1x16xf32>,
      %get3A_409 = vector.shape_cast %get3A_408 : vector<1x16xf32> to vector<16xf32>
      %mul3A_410 = vector.broadcast %squeeze3A_405 : f32 to vector<16xf32>
      %mul3A_411 = arith.mulf %get3A_409, %mul3A_410 : vector<16xf32>
      %swap3A_412 = arith.index_cast %add3A_379 : i32 to index
      %swap3A_413 = arith.constant 32 : index
      %swap3A_414 = tpu.vector_load %arg11[%swap3A_412, %swap3A_413] {strides = array<i32>} : memref<80x128xf32, #tpu.memory_space<vmem>>, vector<1x16xf32>,
      %swap3A_415 = vector.shape_cast %swap3A_414 : vector<1x16xf32> to vector<16xf32>
      %swap3A_416 = vector.shape_cast %mul3A_411 : vector<16xf32> to vector<1x16xf32>
      tpu.vector_store %arg11[%swap3A_412, %swap3A_413], %swap3A_416 {strides = array<i32>} : memref<80x128xf32, #tpu.memory_space<vmem>>, vector<1x16xf32>,
      %get3A_417 = arith.index_cast %add3A_379 : i32 to index
      %get3A_418 = arith.constant 48 : index
      %get3A_419 = tpu.vector_load %arg11[%get3A_417, %get3A_418] {strides = array<i32>} : memref<80x128xf32, #tpu.memory_space<vmem>>, vector<1x16xf32>,
      %get3A_420 = vector.shape_cast %get3A_419 : vector<1x16xf32> to vector<16xf32>
      %mul3A_421 = vector.broadcast %squeeze3A_405 : f32 to vector<16xf32>
      %mul3A_422 = arith.mulf %get3A_420, %mul3A_421 : vector<16xf32>
      %swap3A_423 = arith.index_cast %add3A_379 : i32 to index
      %swap3A_424 = arith.constant 48 : index
      %swap3A_425 = tpu.vector_load %arg11[%swap3A_423, %swap3A_424] {strides = array<i32>} : memref<80x128xf32, #tpu.memory_space<vmem>>, vector<1x16xf32>,
      %swap3A_426 = vector.shape_cast %swap3A_425 : vector<1x16xf32> to vector<16xf32>
      %swap3A_427 = vector.shape_cast %mul3A_422 : vector<16xf32> to vector<1x16xf32>
      tpu.vector_store %arg11[%swap3A_423, %swap3A_424], %swap3A_427 {strides = array<i32>} : memref<80x128xf32, #tpu.memory_space<vmem>>, vector<1x16xf32>,
      %slice3A_428 = vector.extract_strided_slice %get3A_78 {offsets = [14], sizes = [1], strides = [1]} : vector<16xf32> to vector<1xf32>
      %squeeze3A_429 = vector.extract %slice3A_428[0] : f32 from vector<1xf32>
      %get3A_430 = arith.index_cast %add3A_379 : i32 to index
      %get3A_431 = arith.constant 64 : index
      %get3A_432 = tpu.vector_load %arg11[%get3A_430, %get3A_431] {strides = array<i32>} : memref<80x128xf32, #tpu.memory_space<vmem>>, vector<1x16xf32>,
      %get3A_433 = vector.shape_cast %get3A_432 : vector<1x16xf32> to vector<16xf32>
      %mul3A_434 = vector.broadcast %squeeze3A_429 : f32 to vector<16xf32>
      %mul3A_435 = arith.mulf %get3A_433, %mul3A_434 : vector<16xf32>
      %swap3A_436 = arith.index_cast %add3A_379 : i32 to index
      %swap3A_437 = arith.constant 64 : index
      %swap3A_438 = tpu.vector_load %arg11[%swap3A_436, %swap3A_437] {strides = array<i32>} : memref<80x128xf32, #tpu.memory_space<vmem>>, vector<1x16xf32>,
      %swap3A_439 = vector.shape_cast %swap3A_438 : vector<1x16xf32> to vector<16xf32>
      %swap3A_440 = vector.shape_cast %mul3A_435 : vector<16xf32> to vector<1x16xf32>
      tpu.vector_store %arg11[%swap3A_436, %swap3A_437], %swap3A_440 {strides = array<i32>} : memref<80x128xf32, #tpu.memory_space<vmem>>, vector<1x16xf32>,
      %get3A_441 = arith.index_cast %add3A_379 : i32 to index
      %get3A_442 = arith.constant 80 : index
      %get3A_443 = tpu.vector_load %arg11[%get3A_441, %get3A_442] {strides = array<i32>} : memref<80x128xf32, #tpu.memory_space<vmem>>, vector<1x16xf32>,
      %get3A_444 = vector.shape_cast %get3A_443 : vector<1x16xf32> to vector<16xf32>
      %mul3A_445 = vector.broadcast %squeeze3A_429 : f32 to vector<16xf32>
      %mul3A_446 = arith.mulf %get3A_444, %mul3A_445 : vector<16xf32>
      %swap3A_447 = arith.index_cast %add3A_379 : i32 to index
      %swap3A_448 = arith.constant 80 : index
      %swap3A_449 = tpu.vector_load %arg11[%swap3A_447, %swap3A_448] {strides = array<i32>} : memref<80x128xf32, #tpu.memory_space<vmem>>, vector<1x16xf32>,
      %swap3A_450 = vector.shape_cast %swap3A_449 : vector<1x16xf32> to vector<16xf32>
      %swap3A_451 = vector.shape_cast %mul3A_446 : vector<16xf32> to vector<1x16xf32>
      tpu.vector_store %arg11[%swap3A_447, %swap3A_448], %swap3A_451 {strides = array<i32>} : memref<80x128xf32, #tpu.memory_space<vmem>>, vector<1x16xf32>,
      %slice3A_452 = vector.extract_strided_slice %get3A_78 {offsets = [15], sizes = [1], strides = [1]} : vector<16xf32> to vector<1xf32>
      %squeeze3A_453 = vector.extract %slice3A_452[0] : f32 from vector<1xf32>
      %get3A_454 = arith.index_cast %add3A_379 : i32 to index
      %get3A_455 = arith.constant 96 : index
      %get3A_456 = tpu.vector_load %arg11[%get3A_454, %get3A_455] {strides = array<i32>} : memref<80x128xf32, #tpu.memory_space<vmem>>, vector<1x16xf32>,
      %get3A_457 = vector.shape_cast %get3A_456 : vector<1x16xf32> to vector<16xf32>
      %mul3A_458 = vector.broadcast %squeeze3A_453 : f32 to vector<16xf32>
      %mul3A_459 = arith.mulf %get3A_457, %mul3A_458 : vector<16xf32>
      %swap3A_460 = arith.index_cast %add3A_379 : i32 to index
      %swap3A_461 = arith.constant 96 : index
      %swap3A_462 = tpu.vector_load %arg11[%swap3A_460, %swap3A_461] {strides = array<i32>} : memref<80x128xf32, #tpu.memory_space<vmem>>, vector<1x16xf32>,
      %swap3A_463 = vector.shape_cast %swap3A_462 : vector<1x16xf32> to vector<16xf32>
      %swap3A_464 = vector.shape_cast %mul3A_459 : vector<16xf32> to vector<1x16xf32>
      tpu.vector_store %arg11[%swap3A_460, %swap3A_461], %swap3A_464 {strides = array<i32>} : memref<80x128xf32, #tpu.memory_space<vmem>>, vector<1x16xf32>,
      %get3A_465 = arith.index_cast %add3A_379 : i32 to index
      %get3A_466 = arith.constant 112 : index
      %get3A_467 = tpu.vector_load %arg11[%get3A_465, %get3A_466] {strides = array<i32>} : memref<80x128xf32, #tpu.memory_space<vmem>>, vector<1x16xf32>,
      %get3A_468 = vector.shape_cast %get3A_467 : vector<1x16xf32> to vector<16xf32>
      %mul3A_469 = vector.broadcast %squeeze3A_453 : f32 to vector<16xf32>
      %mul3A_470 = arith.mulf %get3A_468, %mul3A_469 : vector<16xf32>
      %swap3A_471 = arith.index_cast %add3A_379 : i32 to index
      %swap3A_472 = arith.constant 112 : index
      %swap3A_473 = tpu.vector_load %arg11[%swap3A_471, %swap3A_472] {strides = array<i32>} : memref<80x128xf32, #tpu.memory_space<vmem>>, vector<1x16xf32>,
      %swap3A_474 = vector.shape_cast %swap3A_473 : vector<1x16xf32> to vector<16xf32>
      %swap3A_475 = vector.shape_cast %mul3A_470 : vector<16xf32> to vector<1x16xf32>
      tpu.vector_store %arg11[%swap3A_471, %swap3A_472], %swap3A_475 {strides = array<i32>} : memref<80x128xf32, #tpu.memory_space<vmem>>, vector<1x16xf32>,
    }
    %scan3A_72 = arith.constant 20 : i32
    "tpu.region"() ({
      %run_scoped3A = tpu.sem_alloc : memref<!tpu.dma_semaphore, #tpu.memory_space<semaphore_mem>>
      %dma_start3A_74 = arith.constant 0 : i32
      %dma_start3A_75 = arith.constant 0 : i32
      %dma_start3A_76 = tpu.memref_slice %arg8[%dma_start3A_74, %dma_start3A_75] : memref<10240x128xf32, #tpu.memory_space<vmem_shared>> -> memref<10240x128xf32, #tpu.memory_space<vmem_shared>>
      tpu.enqueue_indirect_dma source(%arg11 : memref<80x128xf32, #tpu.memory_space<vmem>>) target(%dma_start3A_76 : memref<10240x128xf32, #tpu.memory_space<vmem_shared>>) offsets(%arg10 : memref<80xi32, #tpu.memory_space<vmem>>) semaphore(%run_scoped3A : memref<!tpu.dma_semaphore, #tpu.memory_space<semaphore_mem>>) {add = true}
      %dma_wait3A_77 = arith.constant 0 : i32
      %dma_wait3A_78 = arith.constant 0 : i32
      %dma_wait3A_79 = tpu.memref_slice %arg8[%dma_wait3A_77, %dma_wait3A_78] : memref<10240x128xf32, #tpu.memory_space<vmem_shared>> -> memref<10240x128xf32, #tpu.memory_space<vmem_shared>>
      tpu.wait_indirect_dma semaphore(%run_scoped3A : memref<!tpu.dma_semaphore, #tpu.memory_space<semaphore_mem>>) src(%arg11 : memref<80x128xf32, #tpu.memory_space<vmem>>) dst(%dma_wait3A_79 : memref<10240x128xf32, #tpu.memory_space<vmem_shared>>)
      tpu.yield
    }) : () -> ()
    %barrier3A_73 = arith.constant 0 : index
    tpu.barrier barrier_id(%barrier3A_73)
    "tpu.region"() ({
      %run_scoped3A = tpu.sem_alloc : memref<!tpu.dma_semaphore, #tpu.memory_space<semaphore_mem>>
      %dma_start3A_74 = arith.constant 0 : i32
      %dma_start3A_75 = tpu.memref_slice %arg7[%arg0, %mul3A_2, %dma_start3A_74] : memref<2x10240x128xf32, #tpu.memory_space<hbm>> -> memref<1x640x128xf32, #tpu.memory_space<hbm>>
      %dma_start3A_76 = tpu.memref_squeeze %dma_start3A_75 : memref<1x640x128xf32, #tpu.memory_space<hbm>> -> memref<640x128xf32, #tpu.memory_space<hbm>>
      %dma_start3A_77 = arith.constant 0 : i32
      %dma_start3A_78 = tpu.memref_slice %arg8[%mul3A_2, %dma_start3A_77] : memref<10240x128xf32, #tpu.memory_space<vmem_shared>> -> memref<640x128xf32, #tpu.memory_space<vmem_shared>>
      tpu.enqueue_dma source(%dma_start3A_78 : memref<640x128xf32, #tpu.memory_space<vmem_shared>>) target(%dma_start3A_76 : memref<640x128xf32, #tpu.memory_space<hbm>>) target_semaphore(%run_scoped3A : memref<!tpu.dma_semaphore, #tpu.memory_space<semaphore_mem>>)
      %dma_wait3A_79 = arith.constant 0 : i32
      %dma_wait3A_80 = tpu.memref_slice %arg7[%arg0, %mul3A_2, %dma_wait3A_79] : memref<2x10240x128xf32, #tpu.memory_space<hbm>> -> memref<1x640x128xf32, #tpu.memory_space<hbm>>
      %dma_wait3A_81 = tpu.memref_squeeze %dma_wait3A_80 : memref<1x640x128xf32, #tpu.memory_space<hbm>> -> memref<640x128xf32, #tpu.memory_space<hbm>>
      %dma_wait3A_82 = arith.constant 0 : i32
      %dma_wait3A_83 = tpu.memref_slice %arg8[%mul3A_2, %dma_wait3A_82] : memref<10240x128xf32, #tpu.memory_space<vmem_shared>> -> memref<640x128xf32, #tpu.memory_space<vmem_shared>>
      tpu.wait_dma2 semaphore(%run_scoped3A : memref<!tpu.dma_semaphore, #tpu.memory_space<semaphore_mem>>) src(%dma_wait3A_83 : memref<640x128xf32, #tpu.memory_space<vmem_shared>>) dst(%dma_wait3A_81 : memref<640x128xf32, #tpu.memory_space<hbm>>)
      tpu.yield
    }) : () -> ()
    return
  }
}

#map = affine_map<(d0, d1) -> (0)>
#map1 = affine_map<(d0, d1) -> (0, 0)>
module attributes {stable_mosaic.version = 14 : i64} {
  func.func @_sc_logits_body(%arg0: i32, %arg1: i32, %arg2: memref<80000xf32, #tpu.memory_space<hbm>>, %arg3: memref<320000xi32, #tpu.memory_space<hbm>>, %arg4: memref<320000xi32, #tpu.memory_space<hbm>>, %arg5: memref<1280000xf32, #tpu.memory_space<hbm>>, %arg6: memref<32x40960xf32, #tpu.memory_space<hbm>>, %arg7: memref<80000xf32, #tpu.memory_space<vmem>>, %arg8: memref<40960xf32, #tpu.memory_space<vmem>>, %arg9: memref<80xi32, #tpu.memory_space<vmem>>, %arg10: memref<80xi32, #tpu.memory_space<vmem>>, %arg11: memref<320xf32, #tpu.memory_space<vmem>>, %arg12: memref<80xi32, #tpu.memory_space<vmem>>, %arg13: memref<80xi32, #tpu.memory_space<vmem>>, %arg14: memref<320xf32, #tpu.memory_space<vmem>>, %arg15: memref<!tpu.dma_semaphore, #tpu.memory_space<semaphore_mem>>, %arg16: memref<!tpu.dma_semaphore, #tpu.memory_space<semaphore_mem>>) attributes {dimension_semantics = [#tpu.dimension_semantics<core_parallel>, #tpu.dimension_semantics<subcore_parallel>], iteration_bounds = array<i64: 2, 16>, scalar_prefetch = 0 : i64, scratch_operands = 10 : i64, tpu.core_type = #tpu.core_type<sc_vector_subcore>, window_params = [{transform_indices = #map}, {transform_indices = #map}, {transform_indices = #map}, {transform_indices = #map}, {transform_indices = #map1}]} {
    %mul3A = arith.constant 2 : i32
    %mul3A_0 = arith.muli %arg1, %mul3A : i32
    %add3A = arith.addi %mul3A_0, %arg0 : i32
    "tpu.region"() ({
      %run_scoped3A = tpu.sem_alloc : memref<!tpu.dma_semaphore, #tpu.memory_space<semaphore_mem>>
      tpu.enqueue_dma source(%arg2 : memref<80000xf32, #tpu.memory_space<hbm>>) target(%arg7 : memref<80000xf32, #tpu.memory_space<vmem>>) target_semaphore(%run_scoped3A : memref<!tpu.dma_semaphore, #tpu.memory_space<semaphore_mem>>)
      tpu.wait_dma2 semaphore(%run_scoped3A : memref<!tpu.dma_semaphore, #tpu.memory_space<semaphore_mem>>) src(%arg2 : memref<80000xf32, #tpu.memory_space<hbm>>) dst(%arg7 : memref<80000xf32, #tpu.memory_space<vmem>>)
      tpu.yield
    }) : () -> ()
    %scan3A = arith.constant 0 : i32
    %scan3A_1 = arith.constant 0 : i32
    %scan3A_2 = arith.constant 2560 : i32
    %scan3A_3 = arith.addi %scan3A_1, %scan3A_2 : i32
    %scan3A_4 = arith.constant 1 : i32
    scf.for %scan3A_567 = %scan3A_1 to %scan3A_3 step %scan3A_4  : i32 {
      %broadcast_in_dim3A = arith.constant 0.000000e+00 : f32
      %broadcast_in_dim3A_568 = vector.broadcast %broadcast_in_dim3A : f32 to vector<16xf32>
      %mul3A_569 = arith.constant 16 : i32
      %mul3A_570 = arith.muli %scan3A_567, %mul3A_569 : i32
      %swap3A = arith.index_cast %mul3A_570 : i32 to index
      %swap3A_571 = tpu.vector_load %arg8[%swap3A] {strides = array<i32>} : memref<40960xf32, #tpu.memory_space<vmem>>, vector<16xf32>,
      tpu.vector_store %arg8[%swap3A], %broadcast_in_dim3A_568 {strides = array<i32>} : memref<40960xf32, #tpu.memory_space<vmem>>, vector<16xf32>,
    }
    %scan3A_5 = arith.constant 2560 : i32
    %mul3A_6 = arith.constant 10000 : i32
    %mul3A_7 = arith.muli %add3A, %mul3A_6 : i32
    %iota3A = tpu.iota {dimensions = array<i32: 0>} : vector<16xi32>
    %add3A_8 = arith.constant 0 : i32
    %add3A_9 = arith.addi %mul3A_7, %add3A_8 : i32
    %dma_start3A = tpu.memref_slice %arg3[%add3A_9] : memref<320000xi32, #tpu.memory_space<hbm>> -> memref<80xi32, #tpu.memory_space<hbm>>
    %dma_start3A_10 = tpu.memref_slice %arg3[%add3A_9] : memref<320000xi32, #tpu.memory_space<hbm>> -> memref<80xi32, #tpu.memory_space<hbm>>
    tpu.enqueue_dma source(%dma_start3A_10 : memref<80xi32, #tpu.memory_space<hbm>>) target(%arg9 : memref<80xi32, #tpu.memory_space<vmem>>) target_semaphore(%arg15 : memref<!tpu.dma_semaphore, #tpu.memory_space<semaphore_mem>>)
    %dma_start3A_11 = tpu.memref_slice %arg4[%add3A_9] : memref<320000xi32, #tpu.memory_space<hbm>> -> memref<80xi32, #tpu.memory_space<hbm>>
    %dma_start3A_12 = tpu.memref_slice %arg4[%add3A_9] : memref<320000xi32, #tpu.memory_space<hbm>> -> memref<80xi32, #tpu.memory_space<hbm>>
    tpu.enqueue_dma source(%dma_start3A_12 : memref<80xi32, #tpu.memory_space<hbm>>) target(%arg10 : memref<80xi32, #tpu.memory_space<vmem>>) target_semaphore(%arg15 : memref<!tpu.dma_semaphore, #tpu.memory_space<semaphore_mem>>)
    %add3A_13 = arith.constant 80 : i32
    %add3A_14 = arith.addi %mul3A_7, %add3A_13 : i32
    %dma_start3A_15 = tpu.memref_slice %arg3[%add3A_14] : memref<320000xi32, #tpu.memory_space<hbm>> -> memref<80xi32, #tpu.memory_space<hbm>>
    %dma_start3A_16 = tpu.memref_slice %arg3[%add3A_14] : memref<320000xi32, #tpu.memory_space<hbm>> -> memref<80xi32, #tpu.memory_space<hbm>>
    tpu.enqueue_dma source(%dma_start3A_16 : memref<80xi32, #tpu.memory_space<hbm>>) target(%arg12 : memref<80xi32, #tpu.memory_space<vmem>>) target_semaphore(%arg16 : memref<!tpu.dma_semaphore, #tpu.memory_space<semaphore_mem>>)
    %dma_start3A_17 = tpu.memref_slice %arg4[%add3A_14] : memref<320000xi32, #tpu.memory_space<hbm>> -> memref<80xi32, #tpu.memory_space<hbm>>
    %dma_start3A_18 = tpu.memref_slice %arg4[%add3A_14] : memref<320000xi32, #tpu.memory_space<hbm>> -> memref<80xi32, #tpu.memory_space<hbm>>
    tpu.enqueue_dma source(%dma_start3A_18 : memref<80xi32, #tpu.memory_space<hbm>>) target(%arg13 : memref<80xi32, #tpu.memory_space<vmem>>) target_semaphore(%arg16 : memref<!tpu.dma_semaphore, #tpu.memory_space<semaphore_mem>>)
    %scan3A_19 = arith.constant 0 : i32
    %scan3A_20 = arith.constant 0 : i32
    %scan3A_21 = arith.constant 62 : i32
    %scan3A_22 = arith.addi %scan3A_20, %scan3A_21 : i32
    %scan3A_23 = arith.constant 1 : i32
    scf.for %scan3A_567 = %scan3A_20 to %scan3A_22 step %scan3A_23  : i32 {
      %mul3A_568 = arith.constant 2 : i32
      %mul3A_569 = arith.muli %mul3A_568, %scan3A_567 : i32
      %mul3A_570 = arith.constant 80 : i32
      %mul3A_571 = arith.muli %mul3A_569, %mul3A_570 : i32
      %add3A_572 = arith.addi %mul3A_7, %mul3A_571 : i32
      %dma_wait3A_573 = tpu.memref_slice %arg3[%add3A_572] : memref<320000xi32, #tpu.memory_space<hbm>> -> memref<80xi32, #tpu.memory_space<hbm>>
      %dma_wait3A_574 = tpu.memref_slice %arg3[%add3A_572] : memref<320000xi32, #tpu.memory_space<hbm>> -> memref<80xi32, #tpu.memory_space<hbm>>
      tpu.wait_dma2 semaphore(%arg15 : memref<!tpu.dma_semaphore, #tpu.memory_space<semaphore_mem>>) src(%dma_wait3A_574 : memref<80xi32, #tpu.memory_space<hbm>>) dst(%arg9 : memref<80xi32, #tpu.memory_space<vmem>>)
      %dma_wait3A_575 = tpu.memref_slice %arg4[%add3A_572] : memref<320000xi32, #tpu.memory_space<hbm>> -> memref<80xi32, #tpu.memory_space<hbm>>
      %dma_wait3A_576 = tpu.memref_slice %arg4[%add3A_572] : memref<320000xi32, #tpu.memory_space<hbm>> -> memref<80xi32, #tpu.memory_space<hbm>>
      tpu.wait_dma2 semaphore(%arg15 : memref<!tpu.dma_semaphore, #tpu.memory_space<semaphore_mem>>) src(%dma_wait3A_576 : memref<80xi32, #tpu.memory_space<hbm>>) dst(%arg10 : memref<80xi32, #tpu.memory_space<vmem>>)
      %get3A_577 = arith.constant 0 : index
      %get3A_578 = tpu.vector_load %arg9[%get3A_577] {strides = array<i32>} : memref<80xi32, #tpu.memory_space<vmem>>, vector<16xi32>,
      %mul3A_579 = arith.constant 8 : i32
      %mul3A_580 = vector.broadcast %mul3A_579 : i32 to vector<16xi32>
      %mul3A_581 = arith.muli %get3A_578, %mul3A_580 : vector<16xi32>
      %get3A_582 = arith.constant 0 : index
      %get3A_583 = tpu.vector_load %arg10[%get3A_582] {strides = array<i32>} : memref<80xi32, #tpu.memory_space<vmem>>, vector<16xi32>,
      %mul3A_584 = arith.constant 8 : i32
      %mul3A_585 = vector.broadcast %mul3A_584 : i32 to vector<16xi32>
      %mul3A_586 = arith.muli %get3A_583, %mul3A_585 : vector<16xi32>
      %add3A_587 = arith.constant 0 : i32
      %add3A_588 = vector.broadcast %add3A_587 : i32 to vector<16xi32>
      %add3A_589 = arith.addi %iota3A, %add3A_588 : vector<16xi32>
      %mul3A_590 = arith.constant 4 : i32
      %mul3A_591 = vector.broadcast %mul3A_590 : i32 to vector<16xi32>
      %mul3A_592 = arith.muli %add3A_589, %mul3A_591 : vector<16xi32>
      %add3A_593 = arith.constant 0 : i32
      %add3A_594 = vector.broadcast %add3A_593 : i32 to vector<16xi32>
      %add3A_595 = arith.addi %mul3A_581, %add3A_594 : vector<16xi32>
      %gather3A_596 = tpu.vector_load_idx %arg7[%add3A_595] : memref<80000xf32, #tpu.memory_space<vmem>>[vector<16xi32>], vector<16xf32>,
      %add3A_597 = arith.constant 4 : i32
      %add3A_598 = vector.broadcast %add3A_597 : i32 to vector<16xi32>
      %add3A_599 = arith.addi %mul3A_586, %add3A_598 : vector<16xi32>
      %gather3A_600 = tpu.vector_load_idx %arg7[%add3A_599] : memref<80000xf32, #tpu.memory_space<vmem>>[vector<16xi32>], vector<16xf32>,
      %add3A_601 = arith.addf %gather3A_596, %gather3A_600 : vector<16xf32>
      %ge3A_602 = arith.constant 0.000000e+00 : f32
      %ge3A_603 = vector.broadcast %ge3A_602 : f32 to vector<16xf32>
      %ge3A_604 = arith.cmpf oge, %add3A_601, %ge3A_603 : vector<16xf32>
      %mul3A_605 = arith.constant 2.000000e-01 : f32
      %mul3A_606 = vector.broadcast %mul3A_605 : f32 to vector<16xf32>
      %mul3A_607 = arith.mulf %add3A_601, %mul3A_606 : vector<16xf32>
      %select_n3A_608 = arith.select %ge3A_604, %add3A_601, %mul3A_607 : vector<16xi1>, vector<16xf32>
      %exp3A_609 = math.exp %select_n3A_608 : vector<16xf32>
      %add3A_610 = arith.constant 0 : i32
      %add3A_611 = vector.broadcast %add3A_610 : i32 to vector<16xi32>
      %add3A_612 = arith.addi %get3A_583, %add3A_611 : vector<16xi32>
      tpu.vector_store_idx %arg8[%add3A_612], %exp3A_609 {add = true} : memref<40960xf32, #tpu.memory_space<vmem>>[vector<16xi32>], vector<16xf32>,
      %add3A_613 = arith.constant 0 : i32
      %add3A_614 = vector.broadcast %add3A_613 : i32 to vector<16xi32>
      %add3A_615 = arith.addi %mul3A_592, %add3A_614 : vector<16xi32>
      tpu.vector_store_idx %arg11[%add3A_615], %exp3A_609 : memref<320xf32, #tpu.memory_space<vmem>>[vector<16xi32>], vector<16xf32>,
      %add3A_616 = arith.constant 1 : i32
      %add3A_617 = vector.broadcast %add3A_616 : i32 to vector<16xi32>
      %add3A_618 = arith.addi %mul3A_581, %add3A_617 : vector<16xi32>
      %gather3A_619 = tpu.vector_load_idx %arg7[%add3A_618] : memref<80000xf32, #tpu.memory_space<vmem>>[vector<16xi32>], vector<16xf32>,
      %add3A_620 = arith.constant 5 : i32
      %add3A_621 = vector.broadcast %add3A_620 : i32 to vector<16xi32>
      %add3A_622 = arith.addi %mul3A_586, %add3A_621 : vector<16xi32>
      %gather3A_623 = tpu.vector_load_idx %arg7[%add3A_622] : memref<80000xf32, #tpu.memory_space<vmem>>[vector<16xi32>], vector<16xf32>,
      %add3A_624 = arith.addf %gather3A_619, %gather3A_623 : vector<16xf32>
      %ge3A_625 = arith.constant 0.000000e+00 : f32
      %ge3A_626 = vector.broadcast %ge3A_625 : f32 to vector<16xf32>
      %ge3A_627 = arith.cmpf oge, %add3A_624, %ge3A_626 : vector<16xf32>
      %mul3A_628 = arith.constant 2.000000e-01 : f32
      %mul3A_629 = vector.broadcast %mul3A_628 : f32 to vector<16xf32>
      %mul3A_630 = arith.mulf %add3A_624, %mul3A_629 : vector<16xf32>
      %select_n3A_631 = arith.select %ge3A_627, %add3A_624, %mul3A_630 : vector<16xi1>, vector<16xf32>
      %exp3A_632 = math.exp %select_n3A_631 : vector<16xf32>
      %add3A_633 = arith.constant 10240 : i32
      %add3A_634 = vector.broadcast %add3A_633 : i32 to vector<16xi32>
      %add3A_635 = arith.addi %get3A_583, %add3A_634 : vector<16xi32>
      tpu.vector_store_idx %arg8[%add3A_635], %exp3A_632 {add = true} : memref<40960xf32, #tpu.memory_space<vmem>>[vector<16xi32>], vector<16xf32>,
      %add3A_636 = arith.constant 1 : i32
      %add3A_637 = vector.broadcast %add3A_636 : i32 to vector<16xi32>
      %add3A_638 = arith.addi %mul3A_592, %add3A_637 : vector<16xi32>
      tpu.vector_store_idx %arg11[%add3A_638], %exp3A_632 : memref<320xf32, #tpu.memory_space<vmem>>[vector<16xi32>], vector<16xf32>,
      %add3A_639 = arith.constant 2 : i32
      %add3A_640 = vector.broadcast %add3A_639 : i32 to vector<16xi32>
      %add3A_641 = arith.addi %mul3A_581, %add3A_640 : vector<16xi32>
      %gather3A_642 = tpu.vector_load_idx %arg7[%add3A_641] : memref<80000xf32, #tpu.memory_space<vmem>>[vector<16xi32>], vector<16xf32>,
      %add3A_643 = arith.constant 6 : i32
      %add3A_644 = vector.broadcast %add3A_643 : i32 to vector<16xi32>
      %add3A_645 = arith.addi %mul3A_586, %add3A_644 : vector<16xi32>
      %gather3A_646 = tpu.vector_load_idx %arg7[%add3A_645] : memref<80000xf32, #tpu.memory_space<vmem>>[vector<16xi32>], vector<16xf32>,
      %add3A_647 = arith.addf %gather3A_642, %gather3A_646 : vector<16xf32>
      %ge3A_648 = arith.constant 0.000000e+00 : f32
      %ge3A_649 = vector.broadcast %ge3A_648 : f32 to vector<16xf32>
      %ge3A_650 = arith.cmpf oge, %add3A_647, %ge3A_649 : vector<16xf32>
      %mul3A_651 = arith.constant 2.000000e-01 : f32
      %mul3A_652 = vector.broadcast %mul3A_651 : f32 to vector<16xf32>
      %mul3A_653 = arith.mulf %add3A_647, %mul3A_652 : vector<16xf32>
      %select_n3A_654 = arith.select %ge3A_650, %add3A_647, %mul3A_653 : vector<16xi1>, vector<16xf32>
      %exp3A_655 = math.exp %select_n3A_654 : vector<16xf32>
      %add3A_656 = arith.constant 20480 : i32
      %add3A_657 = vector.broadcast %add3A_656 : i32 to vector<16xi32>
      %add3A_658 = arith.addi %get3A_583, %add3A_657 : vector<16xi32>
      tpu.vector_store_idx %arg8[%add3A_658], %exp3A_655 {add = true} : memref<40960xf32, #tpu.memory_space<vmem>>[vector<16xi32>], vector<16xf32>,
      %add3A_659 = arith.constant 2 : i32
      %add3A_660 = vector.broadcast %add3A_659 : i32 to vector<16xi32>
      %add3A_661 = arith.addi %mul3A_592, %add3A_660 : vector<16xi32>
      tpu.vector_store_idx %arg11[%add3A_661], %exp3A_655 : memref<320xf32, #tpu.memory_space<vmem>>[vector<16xi32>], vector<16xf32>,
      %add3A_662 = arith.constant 3 : i32
      %add3A_663 = vector.broadcast %add3A_662 : i32 to vector<16xi32>
      %add3A_664 = arith.addi %mul3A_581, %add3A_663 : vector<16xi32>
      %gather3A_665 = tpu.vector_load_idx %arg7[%add3A_664] : memref<80000xf32, #tpu.memory_space<vmem>>[vector<16xi32>], vector<16xf32>,
      %add3A_666 = arith.constant 7 : i32
      %add3A_667 = vector.broadcast %add3A_666 : i32 to vector<16xi32>
      %add3A_668 = arith.addi %mul3A_586, %add3A_667 : vector<16xi32>
      %gather3A_669 = tpu.vector_load_idx %arg7[%add3A_668] : memref<80000xf32, #tpu.memory_space<vmem>>[vector<16xi32>], vector<16xf32>,
      %add3A_670 = arith.addf %gather3A_665, %gather3A_669 : vector<16xf32>
      %ge3A_671 = arith.constant 0.000000e+00 : f32
      %ge3A_672 = vector.broadcast %ge3A_671 : f32 to vector<16xf32>
      %ge3A_673 = arith.cmpf oge, %add3A_670, %ge3A_672 : vector<16xf32>
      %mul3A_674 = arith.constant 2.000000e-01 : f32
      %mul3A_675 = vector.broadcast %mul3A_674 : f32 to vector<16xf32>
      %mul3A_676 = arith.mulf %add3A_670, %mul3A_675 : vector<16xf32>
      %select_n3A_677 = arith.select %ge3A_673, %add3A_670, %mul3A_676 : vector<16xi1>, vector<16xf32>
      %exp3A_678 = math.exp %select_n3A_677 : vector<16xf32>
      %add3A_679 = arith.constant 30720 : i32
      %add3A_680 = vector.broadcast %add3A_679 : i32 to vector<16xi32>
      %add3A_681 = arith.addi %get3A_583, %add3A_680 : vector<16xi32>
      tpu.vector_store_idx %arg8[%add3A_681], %exp3A_678 {add = true} : memref<40960xf32, #tpu.memory_space<vmem>>[vector<16xi32>], vector<16xf32>,
      %add3A_682 = arith.constant 3 : i32
      %add3A_683 = vector.broadcast %add3A_682 : i32 to vector<16xi32>
      %add3A_684 = arith.addi %mul3A_592, %add3A_683 : vector<16xi32>
      tpu.vector_store_idx %arg11[%add3A_684], %exp3A_678 : memref<320xf32, #tpu.memory_space<vmem>>[vector<16xi32>], vector<16xf32>,
      %get3A_685 = arith.constant 16 : index
      %get3A_686 = tpu.vector_load %arg9[%get3A_685] {strides = array<i32>} : memref<80xi32, #tpu.memory_space<vmem>>, vector<16xi32>,
      %mul3A_687 = arith.constant 8 : i32
      %mul3A_688 = vector.broadcast %mul3A_687 : i32 to vector<16xi32>
      %mul3A_689 = arith.muli %get3A_686, %mul3A_688 : vector<16xi32>
      %get3A_690 = arith.constant 16 : index
      %get3A_691 = tpu.vector_load %arg10[%get3A_690] {strides = array<i32>} : memref<80xi32, #tpu.memory_space<vmem>>, vector<16xi32>,
      %mul3A_692 = arith.constant 8 : i32
      %mul3A_693 = vector.broadcast %mul3A_692 : i32 to vector<16xi32>
      %mul3A_694 = arith.muli %get3A_691, %mul3A_693 : vector<16xi32>
      %add3A_695 = arith.constant 16 : i32
      %add3A_696 = vector.broadcast %add3A_695 : i32 to vector<16xi32>
      %add3A_697 = arith.addi %iota3A, %add3A_696 : vector<16xi32>
      %mul3A_698 = arith.constant 4 : i32
      %mul3A_699 = vector.broadcast %mul3A_698 : i32 to vector<16xi32>
      %mul3A_700 = arith.muli %add3A_697, %mul3A_699 : vector<16xi32>
      %add3A_701 = arith.constant 0 : i32
      %add3A_702 = vector.broadcast %add3A_701 : i32 to vector<16xi32>
      %add3A_703 = arith.addi %mul3A_689, %add3A_702 : vector<16xi32>
      %gather3A_704 = tpu.vector_load_idx %arg7[%add3A_703] : memref<80000xf32, #tpu.memory_space<vmem>>[vector<16xi32>], vector<16xf32>,
      %add3A_705 = arith.constant 4 : i32
      %add3A_706 = vector.broadcast %add3A_705 : i32 to vector<16xi32>
      %add3A_707 = arith.addi %mul3A_694, %add3A_706 : vector<16xi32>
      %gather3A_708 = tpu.vector_load_idx %arg7[%add3A_707] : memref<80000xf32, #tpu.memory_space<vmem>>[vector<16xi32>], vector<16xf32>,
      %add3A_709 = arith.addf %gather3A_704, %gather3A_708 : vector<16xf32>
      %ge3A_710 = arith.constant 0.000000e+00 : f32
      %ge3A_711 = vector.broadcast %ge3A_710 : f32 to vector<16xf32>
      %ge3A_712 = arith.cmpf oge, %add3A_709, %ge3A_711 : vector<16xf32>
      %mul3A_713 = arith.constant 2.000000e-01 : f32
      %mul3A_714 = vector.broadcast %mul3A_713 : f32 to vector<16xf32>
      %mul3A_715 = arith.mulf %add3A_709, %mul3A_714 : vector<16xf32>
      %select_n3A_716 = arith.select %ge3A_712, %add3A_709, %mul3A_715 : vector<16xi1>, vector<16xf32>
      %exp3A_717 = math.exp %select_n3A_716 : vector<16xf32>
      %add3A_718 = arith.constant 0 : i32
      %add3A_719 = vector.broadcast %add3A_718 : i32 to vector<16xi32>
      %add3A_720 = arith.addi %get3A_691, %add3A_719 : vector<16xi32>
      tpu.vector_store_idx %arg8[%add3A_720], %exp3A_717 {add = true} : memref<40960xf32, #tpu.memory_space<vmem>>[vector<16xi32>], vector<16xf32>,
      %add3A_721 = arith.constant 0 : i32
      %add3A_722 = vector.broadcast %add3A_721 : i32 to vector<16xi32>
      %add3A_723 = arith.addi %mul3A_700, %add3A_722 : vector<16xi32>
      tpu.vector_store_idx %arg11[%add3A_723], %exp3A_717 : memref<320xf32, #tpu.memory_space<vmem>>[vector<16xi32>], vector<16xf32>,
      %add3A_724 = arith.constant 1 : i32
      %add3A_725 = vector.broadcast %add3A_724 : i32 to vector<16xi32>
      %add3A_726 = arith.addi %mul3A_689, %add3A_725 : vector<16xi32>
      %gather3A_727 = tpu.vector_load_idx %arg7[%add3A_726] : memref<80000xf32, #tpu.memory_space<vmem>>[vector<16xi32>], vector<16xf32>,
      %add3A_728 = arith.constant 5 : i32
      %add3A_729 = vector.broadcast %add3A_728 : i32 to vector<16xi32>
      %add3A_730 = arith.addi %mul3A_694, %add3A_729 : vector<16xi32>
      %gather3A_731 = tpu.vector_load_idx %arg7[%add3A_730] : memref<80000xf32, #tpu.memory_space<vmem>>[vector<16xi32>], vector<16xf32>,
      %add3A_732 = arith.addf %gather3A_727, %gather3A_731 : vector<16xf32>
      %ge3A_733 = arith.constant 0.000000e+00 : f32
      %ge3A_734 = vector.broadcast %ge3A_733 : f32 to vector<16xf32>
      %ge3A_735 = arith.cmpf oge, %add3A_732, %ge3A_734 : vector<16xf32>
      %mul3A_736 = arith.constant 2.000000e-01 : f32
      %mul3A_737 = vector.broadcast %mul3A_736 : f32 to vector<16xf32>
      %mul3A_738 = arith.mulf %add3A_732, %mul3A_737 : vector<16xf32>
      %select_n3A_739 = arith.select %ge3A_735, %add3A_732, %mul3A_738 : vector<16xi1>, vector<16xf32>
      %exp3A_740 = math.exp %select_n3A_739 : vector<16xf32>
      %add3A_741 = arith.constant 10240 : i32
      %add3A_742 = vector.broadcast %add3A_741 : i32 to vector<16xi32>
      %add3A_743 = arith.addi %get3A_691, %add3A_742 : vector<16xi32>
      tpu.vector_store_idx %arg8[%add3A_743], %exp3A_740 {add = true} : memref<40960xf32, #tpu.memory_space<vmem>>[vector<16xi32>], vector<16xf32>,
      %add3A_744 = arith.constant 1 : i32
      %add3A_745 = vector.broadcast %add3A_744 : i32 to vector<16xi32>
      %add3A_746 = arith.addi %mul3A_700, %add3A_745 : vector<16xi32>
      tpu.vector_store_idx %arg11[%add3A_746], %exp3A_740 : memref<320xf32, #tpu.memory_space<vmem>>[vector<16xi32>], vector<16xf32>,
      %add3A_747 = arith.constant 2 : i32
      %add3A_748 = vector.broadcast %add3A_747 : i32 to vector<16xi32>
      %add3A_749 = arith.addi %mul3A_689, %add3A_748 : vector<16xi32>
      %gather3A_750 = tpu.vector_load_idx %arg7[%add3A_749] : memref<80000xf32, #tpu.memory_space<vmem>>[vector<16xi32>], vector<16xf32>,
      %add3A_751 = arith.constant 6 : i32
      %add3A_752 = vector.broadcast %add3A_751 : i32 to vector<16xi32>
      %add3A_753 = arith.addi %mul3A_694, %add3A_752 : vector<16xi32>
      %gather3A_754 = tpu.vector_load_idx %arg7[%add3A_753] : memref<80000xf32, #tpu.memory_space<vmem>>[vector<16xi32>], vector<16xf32>,
      %add3A_755 = arith.addf %gather3A_750, %gather3A_754 : vector<16xf32>
      %ge3A_756 = arith.constant 0.000000e+00 : f32
      %ge3A_757 = vector.broadcast %ge3A_756 : f32 to vector<16xf32>
      %ge3A_758 = arith.cmpf oge, %add3A_755, %ge3A_757 : vector<16xf32>
      %mul3A_759 = arith.constant 2.000000e-01 : f32
      %mul3A_760 = vector.broadcast %mul3A_759 : f32 to vector<16xf32>
      %mul3A_761 = arith.mulf %add3A_755, %mul3A_760 : vector<16xf32>
      %select_n3A_762 = arith.select %ge3A_758, %add3A_755, %mul3A_761 : vector<16xi1>, vector<16xf32>
      %exp3A_763 = math.exp %select_n3A_762 : vector<16xf32>
      %add3A_764 = arith.constant 20480 : i32
      %add3A_765 = vector.broadcast %add3A_764 : i32 to vector<16xi32>
      %add3A_766 = arith.addi %get3A_691, %add3A_765 : vector<16xi32>
      tpu.vector_store_idx %arg8[%add3A_766], %exp3A_763 {add = true} : memref<40960xf32, #tpu.memory_space<vmem>>[vector<16xi32>], vector<16xf32>,
      %add3A_767 = arith.constant 2 : i32
      %add3A_768 = vector.broadcast %add3A_767 : i32 to vector<16xi32>
      %add3A_769 = arith.addi %mul3A_700, %add3A_768 : vector<16xi32>
      tpu.vector_store_idx %arg11[%add3A_769], %exp3A_763 : memref<320xf32, #tpu.memory_space<vmem>>[vector<16xi32>], vector<16xf32>,
      %add3A_770 = arith.constant 3 : i32
      %add3A_771 = vector.broadcast %add3A_770 : i32 to vector<16xi32>
      %add3A_772 = arith.addi %mul3A_689, %add3A_771 : vector<16xi32>
      %gather3A_773 = tpu.vector_load_idx %arg7[%add3A_772] : memref<80000xf32, #tpu.memory_space<vmem>>[vector<16xi32>], vector<16xf32>,
      %add3A_774 = arith.constant 7 : i32
      %add3A_775 = vector.broadcast %add3A_774 : i32 to vector<16xi32>
      %add3A_776 = arith.addi %mul3A_694, %add3A_775 : vector<16xi32>
      %gather3A_777 = tpu.vector_load_idx %arg7[%add3A_776] : memref<80000xf32, #tpu.memory_space<vmem>>[vector<16xi32>], vector<16xf32>,
      %add3A_778 = arith.addf %gather3A_773, %gather3A_777 : vector<16xf32>
      %ge3A_779 = arith.constant 0.000000e+00 : f32
      %ge3A_780 = vector.broadcast %ge3A_779 : f32 to vector<16xf32>
      %ge3A_781 = arith.cmpf oge, %add3A_778, %ge3A_780 : vector<16xf32>
      %mul3A_782 = arith.constant 2.000000e-01 : f32
      %mul3A_783 = vector.broadcast %mul3A_782 : f32 to vector<16xf32>
      %mul3A_784 = arith.mulf %add3A_778, %mul3A_783 : vector<16xf32>
      %select_n3A_785 = arith.select %ge3A_781, %add3A_778, %mul3A_784 : vector<16xi1>, vector<16xf32>
      %exp3A_786 = math.exp %select_n3A_785 : vector<16xf32>
      %add3A_787 = arith.constant 30720 : i32
      %add3A_788 = vector.broadcast %add3A_787 : i32 to vector<16xi32>
      %add3A_789 = arith.addi %get3A_691, %add3A_788 : vector<16xi32>
      tpu.vector_store_idx %arg8[%add3A_789], %exp3A_786 {add = true} : memref<40960xf32, #tpu.memory_space<vmem>>[vector<16xi32>], vector<16xf32>,
      %add3A_790 = arith.constant 3 : i32
      %add3A_791 = vector.broadcast %add3A_790 : i32 to vector<16xi32>
      %add3A_792 = arith.addi %mul3A_700, %add3A_791 : vector<16xi32>
      tpu.vector_store_idx %arg11[%add3A_792], %exp3A_786 : memref<320xf32, #tpu.memory_space<vmem>>[vector<16xi32>], vector<16xf32>,
      %get3A_793 = arith.constant 32 : index
      %get3A_794 = tpu.vector_load %arg9[%get3A_793] {strides = array<i32>} : memref<80xi32, #tpu.memory_space<vmem>>, vector<16xi32>,
      %mul3A_795 = arith.constant 8 : i32
      %mul3A_796 = vector.broadcast %mul3A_795 : i32 to vector<16xi32>
      %mul3A_797 = arith.muli %get3A_794, %mul3A_796 : vector<16xi32>
      %get3A_798 = arith.constant 32 : index
      %get3A_799 = tpu.vector_load %arg10[%get3A_798] {strides = array<i32>} : memref<80xi32, #tpu.memory_space<vmem>>, vector<16xi32>,
      %mul3A_800 = arith.constant 8 : i32
      %mul3A_801 = vector.broadcast %mul3A_800 : i32 to vector<16xi32>
      %mul3A_802 = arith.muli %get3A_799, %mul3A_801 : vector<16xi32>
      %add3A_803 = arith.constant 32 : i32
      %add3A_804 = vector.broadcast %add3A_803 : i32 to vector<16xi32>
      %add3A_805 = arith.addi %iota3A, %add3A_804 : vector<16xi32>
      %mul3A_806 = arith.constant 4 : i32
      %mul3A_807 = vector.broadcast %mul3A_806 : i32 to vector<16xi32>
      %mul3A_808 = arith.muli %add3A_805, %mul3A_807 : vector<16xi32>
      %add3A_809 = arith.constant 0 : i32
      %add3A_810 = vector.broadcast %add3A_809 : i32 to vector<16xi32>
      %add3A_811 = arith.addi %mul3A_797, %add3A_810 : vector<16xi32>
      %gather3A_812 = tpu.vector_load_idx %arg7[%add3A_811] : memref<80000xf32, #tpu.memory_space<vmem>>[vector<16xi32>], vector<16xf32>,
      %add3A_813 = arith.constant 4 : i32
      %add3A_814 = vector.broadcast %add3A_813 : i32 to vector<16xi32>
      %add3A_815 = arith.addi %mul3A_802, %add3A_814 : vector<16xi32>
      %gather3A_816 = tpu.vector_load_idx %arg7[%add3A_815] : memref<80000xf32, #tpu.memory_space<vmem>>[vector<16xi32>], vector<16xf32>,
      %add3A_817 = arith.addf %gather3A_812, %gather3A_816 : vector<16xf32>
      %ge3A_818 = arith.constant 0.000000e+00 : f32
      %ge3A_819 = vector.broadcast %ge3A_818 : f32 to vector<16xf32>
      %ge3A_820 = arith.cmpf oge, %add3A_817, %ge3A_819 : vector<16xf32>
      %mul3A_821 = arith.constant 2.000000e-01 : f32
      %mul3A_822 = vector.broadcast %mul3A_821 : f32 to vector<16xf32>
      %mul3A_823 = arith.mulf %add3A_817, %mul3A_822 : vector<16xf32>
      %select_n3A_824 = arith.select %ge3A_820, %add3A_817, %mul3A_823 : vector<16xi1>, vector<16xf32>
      %exp3A_825 = math.exp %select_n3A_824 : vector<16xf32>
      %add3A_826 = arith.constant 0 : i32
      %add3A_827 = vector.broadcast %add3A_826 : i32 to vector<16xi32>
      %add3A_828 = arith.addi %get3A_799, %add3A_827 : vector<16xi32>
      tpu.vector_store_idx %arg8[%add3A_828], %exp3A_825 {add = true} : memref<40960xf32, #tpu.memory_space<vmem>>[vector<16xi32>], vector<16xf32>,
      %add3A_829 = arith.constant 0 : i32
      %add3A_830 = vector.broadcast %add3A_829 : i32 to vector<16xi32>
      %add3A_831 = arith.addi %mul3A_808, %add3A_830 : vector<16xi32>
      tpu.vector_store_idx %arg11[%add3A_831], %exp3A_825 : memref<320xf32, #tpu.memory_space<vmem>>[vector<16xi32>], vector<16xf32>,
      %add3A_832 = arith.constant 1 : i32
      %add3A_833 = vector.broadcast %add3A_832 : i32 to vector<16xi32>
      %add3A_834 = arith.addi %mul3A_797, %add3A_833 : vector<16xi32>
      %gather3A_835 = tpu.vector_load_idx %arg7[%add3A_834] : memref<80000xf32, #tpu.memory_space<vmem>>[vector<16xi32>], vector<16xf32>,
      %add3A_836 = arith.constant 5 : i32
      %add3A_837 = vector.broadcast %add3A_836 : i32 to vector<16xi32>
      %add3A_838 = arith.addi %mul3A_802, %add3A_837 : vector<16xi32>
      %gather3A_839 = tpu.vector_load_idx %arg7[%add3A_838] : memref<80000xf32, #tpu.memory_space<vmem>>[vector<16xi32>], vector<16xf32>,
      %add3A_840 = arith.addf %gather3A_835, %gather3A_839 : vector<16xf32>
      %ge3A_841 = arith.constant 0.000000e+00 : f32
      %ge3A_842 = vector.broadcast %ge3A_841 : f32 to vector<16xf32>
      %ge3A_843 = arith.cmpf oge, %add3A_840, %ge3A_842 : vector<16xf32>
      %mul3A_844 = arith.constant 2.000000e-01 : f32
      %mul3A_845 = vector.broadcast %mul3A_844 : f32 to vector<16xf32>
      %mul3A_846 = arith.mulf %add3A_840, %mul3A_845 : vector<16xf32>
      %select_n3A_847 = arith.select %ge3A_843, %add3A_840, %mul3A_846 : vector<16xi1>, vector<16xf32>
      %exp3A_848 = math.exp %select_n3A_847 : vector<16xf32>
      %add3A_849 = arith.constant 10240 : i32
      %add3A_850 = vector.broadcast %add3A_849 : i32 to vector<16xi32>
      %add3A_851 = arith.addi %get3A_799, %add3A_850 : vector<16xi32>
      tpu.vector_store_idx %arg8[%add3A_851], %exp3A_848 {add = true} : memref<40960xf32, #tpu.memory_space<vmem>>[vector<16xi32>], vector<16xf32>,
      %add3A_852 = arith.constant 1 : i32
      %add3A_853 = vector.broadcast %add3A_852 : i32 to vector<16xi32>
      %add3A_854 = arith.addi %mul3A_808, %add3A_853 : vector<16xi32>
      tpu.vector_store_idx %arg11[%add3A_854], %exp3A_848 : memref<320xf32, #tpu.memory_space<vmem>>[vector<16xi32>], vector<16xf32>,
      %add3A_855 = arith.constant 2 : i32
      %add3A_856 = vector.broadcast %add3A_855 : i32 to vector<16xi32>
      %add3A_857 = arith.addi %mul3A_797, %add3A_856 : vector<16xi32>
      %gather3A_858 = tpu.vector_load_idx %arg7[%add3A_857] : memref<80000xf32, #tpu.memory_space<vmem>>[vector<16xi32>], vector<16xf32>,
      %add3A_859 = arith.constant 6 : i32
      %add3A_860 = vector.broadcast %add3A_859 : i32 to vector<16xi32>
      %add3A_861 = arith.addi %mul3A_802, %add3A_860 : vector<16xi32>
      %gather3A_862 = tpu.vector_load_idx %arg7[%add3A_861] : memref<80000xf32, #tpu.memory_space<vmem>>[vector<16xi32>], vector<16xf32>,
      %add3A_863 = arith.addf %gather3A_858, %gather3A_862 : vector<16xf32>
      %ge3A_864 = arith.constant 0.000000e+00 : f32
      %ge3A_865 = vector.broadcast %ge3A_864 : f32 to vector<16xf32>
      %ge3A_866 = arith.cmpf oge, %add3A_863, %ge3A_865 : vector<16xf32>
      %mul3A_867 = arith.constant 2.000000e-01 : f32
      %mul3A_868 = vector.broadcast %mul3A_867 : f32 to vector<16xf32>
      %mul3A_869 = arith.mulf %add3A_863, %mul3A_868 : vector<16xf32>
      %select_n3A_870 = arith.select %ge3A_866, %add3A_863, %mul3A_869 : vector<16xi1>, vector<16xf32>
      %exp3A_871 = math.exp %select_n3A_870 : vector<16xf32>
      %add3A_872 = arith.constant 20480 : i32
      %add3A_873 = vector.broadcast %add3A_872 : i32 to vector<16xi32>
      %add3A_874 = arith.addi %get3A_799, %add3A_873 : vector<16xi32>
      tpu.vector_store_idx %arg8[%add3A_874], %exp3A_871 {add = true} : memref<40960xf32, #tpu.memory_space<vmem>>[vector<16xi32>], vector<16xf32>,
      %add3A_875 = arith.constant 2 : i32
      %add3A_876 = vector.broadcast %add3A_875 : i32 to vector<16xi32>
      %add3A_877 = arith.addi %mul3A_808, %add3A_876 : vector<16xi32>
      tpu.vector_store_idx %arg11[%add3A_877], %exp3A_871 : memref<320xf32, #tpu.memory_space<vmem>>[vector<16xi32>], vector<16xf32>,
      %add3A_878 = arith.constant 3 : i32
      %add3A_879 = vector.broadcast %add3A_878 : i32 to vector<16xi32>
      %add3A_880 = arith.addi %mul3A_797, %add3A_879 : vector<16xi32>
      %gather3A_881 = tpu.vector_load_idx %arg7[%add3A_880] : memref<80000xf32, #tpu.memory_space<vmem>>[vector<16xi32>], vector<16xf32>,
      %add3A_882 = arith.constant 7 : i32
      %add3A_883 = vector.broadcast %add3A_882 : i32 to vector<16xi32>
      %add3A_884 = arith.addi %mul3A_802, %add3A_883 : vector<16xi32>
      %gather3A_885 = tpu.vector_load_idx %arg7[%add3A_884] : memref<80000xf32, #tpu.memory_space<vmem>>[vector<16xi32>], vector<16xf32>,
      %add3A_886 = arith.addf %gather3A_881, %gather3A_885 : vector<16xf32>
      %ge3A_887 = arith.constant 0.000000e+00 : f32
      %ge3A_888 = vector.broadcast %ge3A_887 : f32 to vector<16xf32>
      %ge3A_889 = arith.cmpf oge, %add3A_886, %ge3A_888 : vector<16xf32>
      %mul3A_890 = arith.constant 2.000000e-01 : f32
      %mul3A_891 = vector.broadcast %mul3A_890 : f32 to vector<16xf32>
      %mul3A_892 = arith.mulf %add3A_886, %mul3A_891 : vector<16xf32>
      %select_n3A_893 = arith.select %ge3A_889, %add3A_886, %mul3A_892 : vector<16xi1>, vector<16xf32>
      %exp3A_894 = math.exp %select_n3A_893 : vector<16xf32>
      %add3A_895 = arith.constant 30720 : i32
      %add3A_896 = vector.broadcast %add3A_895 : i32 to vector<16xi32>
      %add3A_897 = arith.addi %get3A_799, %add3A_896 : vector<16xi32>
      tpu.vector_store_idx %arg8[%add3A_897], %exp3A_894 {add = true} : memref<40960xf32, #tpu.memory_space<vmem>>[vector<16xi32>], vector<16xf32>,
      %add3A_898 = arith.constant 3 : i32
      %add3A_899 = vector.broadcast %add3A_898 : i32 to vector<16xi32>
      %add3A_900 = arith.addi %mul3A_808, %add3A_899 : vector<16xi32>
      tpu.vector_store_idx %arg11[%add3A_900], %exp3A_894 : memref<320xf32, #tpu.memory_space<vmem>>[vector<16xi32>], vector<16xf32>,
      %get3A_901 = arith.constant 48 : index
      %get3A_902 = tpu.vector_load %arg9[%get3A_901] {strides = array<i32>} : memref<80xi32, #tpu.memory_space<vmem>>, vector<16xi32>,
      %mul3A_903 = arith.constant 8 : i32
      %mul3A_904 = vector.broadcast %mul3A_903 : i32 to vector<16xi32>
      %mul3A_905 = arith.muli %get3A_902, %mul3A_904 : vector<16xi32>
      %get3A_906 = arith.constant 48 : index
      %get3A_907 = tpu.vector_load %arg10[%get3A_906] {strides = array<i32>} : memref<80xi32, #tpu.memory_space<vmem>>, vector<16xi32>,
      %mul3A_908 = arith.constant 8 : i32
      %mul3A_909 = vector.broadcast %mul3A_908 : i32 to vector<16xi32>
      %mul3A_910 = arith.muli %get3A_907, %mul3A_909 : vector<16xi32>
      %add3A_911 = arith.constant 48 : i32
      %add3A_912 = vector.broadcast %add3A_911 : i32 to vector<16xi32>
      %add3A_913 = arith.addi %iota3A, %add3A_912 : vector<16xi32>
      %mul3A_914 = arith.constant 4 : i32
      %mul3A_915 = vector.broadcast %mul3A_914 : i32 to vector<16xi32>
      %mul3A_916 = arith.muli %add3A_913, %mul3A_915 : vector<16xi32>
      %add3A_917 = arith.constant 0 : i32
      %add3A_918 = vector.broadcast %add3A_917 : i32 to vector<16xi32>
      %add3A_919 = arith.addi %mul3A_905, %add3A_918 : vector<16xi32>
      %gather3A_920 = tpu.vector_load_idx %arg7[%add3A_919] : memref<80000xf32, #tpu.memory_space<vmem>>[vector<16xi32>], vector<16xf32>,
      %add3A_921 = arith.constant 4 : i32
      %add3A_922 = vector.broadcast %add3A_921 : i32 to vector<16xi32>
      %add3A_923 = arith.addi %mul3A_910, %add3A_922 : vector<16xi32>
      %gather3A_924 = tpu.vector_load_idx %arg7[%add3A_923] : memref<80000xf32, #tpu.memory_space<vmem>>[vector<16xi32>], vector<16xf32>,
      %add3A_925 = arith.addf %gather3A_920, %gather3A_924 : vector<16xf32>
      %ge3A_926 = arith.constant 0.000000e+00 : f32
      %ge3A_927 = vector.broadcast %ge3A_926 : f32 to vector<16xf32>
      %ge3A_928 = arith.cmpf oge, %add3A_925, %ge3A_927 : vector<16xf32>
      %mul3A_929 = arith.constant 2.000000e-01 : f32
      %mul3A_930 = vector.broadcast %mul3A_929 : f32 to vector<16xf32>
      %mul3A_931 = arith.mulf %add3A_925, %mul3A_930 : vector<16xf32>
      %select_n3A_932 = arith.select %ge3A_928, %add3A_925, %mul3A_931 : vector<16xi1>, vector<16xf32>
      %exp3A_933 = math.exp %select_n3A_932 : vector<16xf32>
      %add3A_934 = arith.constant 0 : i32
      %add3A_935 = vector.broadcast %add3A_934 : i32 to vector<16xi32>
      %add3A_936 = arith.addi %get3A_907, %add3A_935 : vector<16xi32>
      tpu.vector_store_idx %arg8[%add3A_936], %exp3A_933 {add = true} : memref<40960xf32, #tpu.memory_space<vmem>>[vector<16xi32>], vector<16xf32>,
      %add3A_937 = arith.constant 0 : i32
      %add3A_938 = vector.broadcast %add3A_937 : i32 to vector<16xi32>
      %add3A_939 = arith.addi %mul3A_916, %add3A_938 : vector<16xi32>
      tpu.vector_store_idx %arg11[%add3A_939], %exp3A_933 : memref<320xf32, #tpu.memory_space<vmem>>[vector<16xi32>], vector<16xf32>,
      %add3A_940 = arith.constant 1 : i32
      %add3A_941 = vector.broadcast %add3A_940 : i32 to vector<16xi32>
      %add3A_942 = arith.addi %mul3A_905, %add3A_941 : vector<16xi32>
      %gather3A_943 = tpu.vector_load_idx %arg7[%add3A_942] : memref<80000xf32, #tpu.memory_space<vmem>>[vector<16xi32>], vector<16xf32>,
      %add3A_944 = arith.constant 5 : i32
      %add3A_945 = vector.broadcast %add3A_944 : i32 to vector<16xi32>
      %add3A_946 = arith.addi %mul3A_910, %add3A_945 : vector<16xi32>
      %gather3A_947 = tpu.vector_load_idx %arg7[%add3A_946] : memref<80000xf32, #tpu.memory_space<vmem>>[vector<16xi32>], vector<16xf32>,
      %add3A_948 = arith.addf %gather3A_943, %gather3A_947 : vector<16xf32>
      %ge3A_949 = arith.constant 0.000000e+00 : f32
      %ge3A_950 = vector.broadcast %ge3A_949 : f32 to vector<16xf32>
      %ge3A_951 = arith.cmpf oge, %add3A_948, %ge3A_950 : vector<16xf32>
      %mul3A_952 = arith.constant 2.000000e-01 : f32
      %mul3A_953 = vector.broadcast %mul3A_952 : f32 to vector<16xf32>
      %mul3A_954 = arith.mulf %add3A_948, %mul3A_953 : vector<16xf32>
      %select_n3A_955 = arith.select %ge3A_951, %add3A_948, %mul3A_954 : vector<16xi1>, vector<16xf32>
      %exp3A_956 = math.exp %select_n3A_955 : vector<16xf32>
      %add3A_957 = arith.constant 10240 : i32
      %add3A_958 = vector.broadcast %add3A_957 : i32 to vector<16xi32>
      %add3A_959 = arith.addi %get3A_907, %add3A_958 : vector<16xi32>
      tpu.vector_store_idx %arg8[%add3A_959], %exp3A_956 {add = true} : memref<40960xf32, #tpu.memory_space<vmem>>[vector<16xi32>], vector<16xf32>,
      %add3A_960 = arith.constant 1 : i32
      %add3A_961 = vector.broadcast %add3A_960 : i32 to vector<16xi32>
      %add3A_962 = arith.addi %mul3A_916, %add3A_961 : vector<16xi32>
      tpu.vector_store_idx %arg11[%add3A_962], %exp3A_956 : memref<320xf32, #tpu.memory_space<vmem>>[vector<16xi32>], vector<16xf32>,
      %add3A_963 = arith.constant 2 : i32
      %add3A_964 = vector.broadcast %add3A_963 : i32 to vector<16xi32>
      %add3A_965 = arith.addi %mul3A_905, %add3A_964 : vector<16xi32>
      %gather3A_966 = tpu.vector_load_idx %arg7[%add3A_965] : memref<80000xf32, #tpu.memory_space<vmem>>[vector<16xi32>], vector<16xf32>,
      %add3A_967 = arith.constant 6 : i32
      %add3A_968 = vector.broadcast %add3A_967 : i32 to vector<16xi32>
      %add3A_969 = arith.addi %mul3A_910, %add3A_968 : vector<16xi32>
      %gather3A_970 = tpu.vector_load_idx %arg7[%add3A_969] : memref<80000xf32, #tpu.memory_space<vmem>>[vector<16xi32>], vector<16xf32>,
      %add3A_971 = arith.addf %gather3A_966, %gather3A_970 : vector<16xf32>
      %ge3A_972 = arith.constant 0.000000e+00 : f32
      %ge3A_973 = vector.broadcast %ge3A_972 : f32 to vector<16xf32>
      %ge3A_974 = arith.cmpf oge, %add3A_971, %ge3A_973 : vector<16xf32>
      %mul3A_975 = arith.constant 2.000000e-01 : f32
      %mul3A_976 = vector.broadcast %mul3A_975 : f32 to vector<16xf32>
      %mul3A_977 = arith.mulf %add3A_971, %mul3A_976 : vector<16xf32>
      %select_n3A_978 = arith.select %ge3A_974, %add3A_971, %mul3A_977 : vector<16xi1>, vector<16xf32>
      %exp3A_979 = math.exp %select_n3A_978 : vector<16xf32>
      %add3A_980 = arith.constant 20480 : i32
      %add3A_981 = vector.broadcast %add3A_980 : i32 to vector<16xi32>
      %add3A_982 = arith.addi %get3A_907, %add3A_981 : vector<16xi32>
      tpu.vector_store_idx %arg8[%add3A_982], %exp3A_979 {add = true} : memref<40960xf32, #tpu.memory_space<vmem>>[vector<16xi32>], vector<16xf32>,
      %add3A_983 = arith.constant 2 : i32
      %add3A_984 = vector.broadcast %add3A_983 : i32 to vector<16xi32>
      %add3A_985 = arith.addi %mul3A_916, %add3A_984 : vector<16xi32>
      tpu.vector_store_idx %arg11[%add3A_985], %exp3A_979 : memref<320xf32, #tpu.memory_space<vmem>>[vector<16xi32>], vector<16xf32>,
      %add3A_986 = arith.constant 3 : i32
      %add3A_987 = vector.broadcast %add3A_986 : i32 to vector<16xi32>
      %add3A_988 = arith.addi %mul3A_905, %add3A_987 : vector<16xi32>
      %gather3A_989 = tpu.vector_load_idx %arg7[%add3A_988] : memref<80000xf32, #tpu.memory_space<vmem>>[vector<16xi32>], vector<16xf32>,
      %add3A_990 = arith.constant 7 : i32
      %add3A_991 = vector.broadcast %add3A_990 : i32 to vector<16xi32>
      %add3A_992 = arith.addi %mul3A_910, %add3A_991 : vector<16xi32>
      %gather3A_993 = tpu.vector_load_idx %arg7[%add3A_992] : memref<80000xf32, #tpu.memory_space<vmem>>[vector<16xi32>], vector<16xf32>,
      %add3A_994 = arith.addf %gather3A_989, %gather3A_993 : vector<16xf32>
      %ge3A_995 = arith.constant 0.000000e+00 : f32
      %ge3A_996 = vector.broadcast %ge3A_995 : f32 to vector<16xf32>
      %ge3A_997 = arith.cmpf oge, %add3A_994, %ge3A_996 : vector<16xf32>
      %mul3A_998 = arith.constant 2.000000e-01 : f32
      %mul3A_999 = vector.broadcast %mul3A_998 : f32 to vector<16xf32>
      %mul3A_1000 = arith.mulf %add3A_994, %mul3A_999 : vector<16xf32>
      %select_n3A_1001 = arith.select %ge3A_997, %add3A_994, %mul3A_1000 : vector<16xi1>, vector<16xf32>
      %exp3A_1002 = math.exp %select_n3A_1001 : vector<16xf32>
      %add3A_1003 = arith.constant 30720 : i32
      %add3A_1004 = vector.broadcast %add3A_1003 : i32 to vector<16xi32>
      %add3A_1005 = arith.addi %get3A_907, %add3A_1004 : vector<16xi32>
      tpu.vector_store_idx %arg8[%add3A_1005], %exp3A_1002 {add = true} : memref<40960xf32, #tpu.memory_space<vmem>>[vector<16xi32>], vector<16xf32>,
      %add3A_1006 = arith.constant 3 : i32
      %add3A_1007 = vector.broadcast %add3A_1006 : i32 to vector<16xi32>
      %add3A_1008 = arith.addi %mul3A_916, %add3A_1007 : vector<16xi32>
      tpu.vector_store_idx %arg11[%add3A_1008], %exp3A_1002 : memref<320xf32, #tpu.memory_space<vmem>>[vector<16xi32>], vector<16xf32>,
      %get3A_1009 = arith.constant 64 : index
      %get3A_1010 = tpu.vector_load %arg9[%get3A_1009] {strides = array<i32>} : memref<80xi32, #tpu.memory_space<vmem>>, vector<16xi32>,
      %mul3A_1011 = arith.constant 8 : i32
      %mul3A_1012 = vector.broadcast %mul3A_1011 : i32 to vector<16xi32>
      %mul3A_1013 = arith.muli %get3A_1010, %mul3A_1012 : vector<16xi32>
      %get3A_1014 = arith.constant 64 : index
      %get3A_1015 = tpu.vector_load %arg10[%get3A_1014] {strides = array<i32>} : memref<80xi32, #tpu.memory_space<vmem>>, vector<16xi32>,
      %mul3A_1016 = arith.constant 8 : i32
      %mul3A_1017 = vector.broadcast %mul3A_1016 : i32 to vector<16xi32>
      %mul3A_1018 = arith.muli %get3A_1015, %mul3A_1017 : vector<16xi32>
      %add3A_1019 = arith.constant 64 : i32
      %add3A_1020 = vector.broadcast %add3A_1019 : i32 to vector<16xi32>
      %add3A_1021 = arith.addi %iota3A, %add3A_1020 : vector<16xi32>
      %mul3A_1022 = arith.constant 4 : i32
      %mul3A_1023 = vector.broadcast %mul3A_1022 : i32 to vector<16xi32>
      %mul3A_1024 = arith.muli %add3A_1021, %mul3A_1023 : vector<16xi32>
      %add3A_1025 = arith.constant 0 : i32
      %add3A_1026 = vector.broadcast %add3A_1025 : i32 to vector<16xi32>
      %add3A_1027 = arith.addi %mul3A_1013, %add3A_1026 : vector<16xi32>
      %gather3A_1028 = tpu.vector_load_idx %arg7[%add3A_1027] : memref<80000xf32, #tpu.memory_space<vmem>>[vector<16xi32>], vector<16xf32>,
      %add3A_1029 = arith.constant 4 : i32
      %add3A_1030 = vector.broadcast %add3A_1029 : i32 to vector<16xi32>
      %add3A_1031 = arith.addi %mul3A_1018, %add3A_1030 : vector<16xi32>
      %gather3A_1032 = tpu.vector_load_idx %arg7[%add3A_1031] : memref<80000xf32, #tpu.memory_space<vmem>>[vector<16xi32>], vector<16xf32>,
      %add3A_1033 = arith.addf %gather3A_1028, %gather3A_1032 : vector<16xf32>
      %ge3A_1034 = arith.constant 0.000000e+00 : f32
      %ge3A_1035 = vector.broadcast %ge3A_1034 : f32 to vector<16xf32>
      %ge3A_1036 = arith.cmpf oge, %add3A_1033, %ge3A_1035 : vector<16xf32>
      %mul3A_1037 = arith.constant 2.000000e-01 : f32
      %mul3A_1038 = vector.broadcast %mul3A_1037 : f32 to vector<16xf32>
      %mul3A_1039 = arith.mulf %add3A_1033, %mul3A_1038 : vector<16xf32>
      %select_n3A_1040 = arith.select %ge3A_1036, %add3A_1033, %mul3A_1039 : vector<16xi1>, vector<16xf32>
      %exp3A_1041 = math.exp %select_n3A_1040 : vector<16xf32>
      %add3A_1042 = arith.constant 0 : i32
      %add3A_1043 = vector.broadcast %add3A_1042 : i32 to vector<16xi32>
      %add3A_1044 = arith.addi %get3A_1015, %add3A_1043 : vector<16xi32>
      tpu.vector_store_idx %arg8[%add3A_1044], %exp3A_1041 {add = true} : memref<40960xf32, #tpu.memory_space<vmem>>[vector<16xi32>], vector<16xf32>,
      %add3A_1045 = arith.constant 0 : i32
      %add3A_1046 = vector.broadcast %add3A_1045 : i32 to vector<16xi32>
      %add3A_1047 = arith.addi %mul3A_1024, %add3A_1046 : vector<16xi32>
      tpu.vector_store_idx %arg11[%add3A_1047], %exp3A_1041 : memref<320xf32, #tpu.memory_space<vmem>>[vector<16xi32>], vector<16xf32>,
      %add3A_1048 = arith.constant 1 : i32
      %add3A_1049 = vector.broadcast %add3A_1048 : i32 to vector<16xi32>
      %add3A_1050 = arith.addi %mul3A_1013, %add3A_1049 : vector<16xi32>
      %gather3A_1051 = tpu.vector_load_idx %arg7[%add3A_1050] : memref<80000xf32, #tpu.memory_space<vmem>>[vector<16xi32>], vector<16xf32>,
      %add3A_1052 = arith.constant 5 : i32
      %add3A_1053 = vector.broadcast %add3A_1052 : i32 to vector<16xi32>
      %add3A_1054 = arith.addi %mul3A_1018, %add3A_1053 : vector<16xi32>
      %gather3A_1055 = tpu.vector_load_idx %arg7[%add3A_1054] : memref<80000xf32, #tpu.memory_space<vmem>>[vector<16xi32>], vector<16xf32>,
      %add3A_1056 = arith.addf %gather3A_1051, %gather3A_1055 : vector<16xf32>
      %ge3A_1057 = arith.constant 0.000000e+00 : f32
      %ge3A_1058 = vector.broadcast %ge3A_1057 : f32 to vector<16xf32>
      %ge3A_1059 = arith.cmpf oge, %add3A_1056, %ge3A_1058 : vector<16xf32>
      %mul3A_1060 = arith.constant 2.000000e-01 : f32
      %mul3A_1061 = vector.broadcast %mul3A_1060 : f32 to vector<16xf32>
      %mul3A_1062 = arith.mulf %add3A_1056, %mul3A_1061 : vector<16xf32>
      %select_n3A_1063 = arith.select %ge3A_1059, %add3A_1056, %mul3A_1062 : vector<16xi1>, vector<16xf32>
      %exp3A_1064 = math.exp %select_n3A_1063 : vector<16xf32>
      %add3A_1065 = arith.constant 10240 : i32
      %add3A_1066 = vector.broadcast %add3A_1065 : i32 to vector<16xi32>
      %add3A_1067 = arith.addi %get3A_1015, %add3A_1066 : vector<16xi32>
      tpu.vector_store_idx %arg8[%add3A_1067], %exp3A_1064 {add = true} : memref<40960xf32, #tpu.memory_space<vmem>>[vector<16xi32>], vector<16xf32>,
      %add3A_1068 = arith.constant 1 : i32
      %add3A_1069 = vector.broadcast %add3A_1068 : i32 to vector<16xi32>
      %add3A_1070 = arith.addi %mul3A_1024, %add3A_1069 : vector<16xi32>
      tpu.vector_store_idx %arg11[%add3A_1070], %exp3A_1064 : memref<320xf32, #tpu.memory_space<vmem>>[vector<16xi32>], vector<16xf32>,
      %add3A_1071 = arith.constant 2 : i32
      %add3A_1072 = vector.broadcast %add3A_1071 : i32 to vector<16xi32>
      %add3A_1073 = arith.addi %mul3A_1013, %add3A_1072 : vector<16xi32>
      %gather3A_1074 = tpu.vector_load_idx %arg7[%add3A_1073] : memref<80000xf32, #tpu.memory_space<vmem>>[vector<16xi32>], vector<16xf32>,
      %add3A_1075 = arith.constant 6 : i32
      %add3A_1076 = vector.broadcast %add3A_1075 : i32 to vector<16xi32>
      %add3A_1077 = arith.addi %mul3A_1018, %add3A_1076 : vector<16xi32>
      %gather3A_1078 = tpu.vector_load_idx %arg7[%add3A_1077] : memref<80000xf32, #tpu.memory_space<vmem>>[vector<16xi32>], vector<16xf32>,
      %add3A_1079 = arith.addf %gather3A_1074, %gather3A_1078 : vector<16xf32>
      %ge3A_1080 = arith.constant 0.000000e+00 : f32
      %ge3A_1081 = vector.broadcast %ge3A_1080 : f32 to vector<16xf32>
      %ge3A_1082 = arith.cmpf oge, %add3A_1079, %ge3A_1081 : vector<16xf32>
      %mul3A_1083 = arith.constant 2.000000e-01 : f32
      %mul3A_1084 = vector.broadcast %mul3A_1083 : f32 to vector<16xf32>
      %mul3A_1085 = arith.mulf %add3A_1079, %mul3A_1084 : vector<16xf32>
      %select_n3A_1086 = arith.select %ge3A_1082, %add3A_1079, %mul3A_1085 : vector<16xi1>, vector<16xf32>
      %exp3A_1087 = math.exp %select_n3A_1086 : vector<16xf32>
      %add3A_1088 = arith.constant 20480 : i32
      %add3A_1089 = vector.broadcast %add3A_1088 : i32 to vector<16xi32>
      %add3A_1090 = arith.addi %get3A_1015, %add3A_1089 : vector<16xi32>
      tpu.vector_store_idx %arg8[%add3A_1090], %exp3A_1087 {add = true} : memref<40960xf32, #tpu.memory_space<vmem>>[vector<16xi32>], vector<16xf32>,
      %add3A_1091 = arith.constant 2 : i32
      %add3A_1092 = vector.broadcast %add3A_1091 : i32 to vector<16xi32>
      %add3A_1093 = arith.addi %mul3A_1024, %add3A_1092 : vector<16xi32>
      tpu.vector_store_idx %arg11[%add3A_1093], %exp3A_1087 : memref<320xf32, #tpu.memory_space<vmem>>[vector<16xi32>], vector<16xf32>,
      %add3A_1094 = arith.constant 3 : i32
      %add3A_1095 = vector.broadcast %add3A_1094 : i32 to vector<16xi32>
      %add3A_1096 = arith.addi %mul3A_1013, %add3A_1095 : vector<16xi32>
      %gather3A_1097 = tpu.vector_load_idx %arg7[%add3A_1096] : memref<80000xf32, #tpu.memory_space<vmem>>[vector<16xi32>], vector<16xf32>,
      %add3A_1098 = arith.constant 7 : i32
      %add3A_1099 = vector.broadcast %add3A_1098 : i32 to vector<16xi32>
      %add3A_1100 = arith.addi %mul3A_1018, %add3A_1099 : vector<16xi32>
      %gather3A_1101 = tpu.vector_load_idx %arg7[%add3A_1100] : memref<80000xf32, #tpu.memory_space<vmem>>[vector<16xi32>], vector<16xf32>,
      %add3A_1102 = arith.addf %gather3A_1097, %gather3A_1101 : vector<16xf32>
      %ge3A_1103 = arith.constant 0.000000e+00 : f32
      %ge3A_1104 = vector.broadcast %ge3A_1103 : f32 to vector<16xf32>
      %ge3A_1105 = arith.cmpf oge, %add3A_1102, %ge3A_1104 : vector<16xf32>
      %mul3A_1106 = arith.constant 2.000000e-01 : f32
      %mul3A_1107 = vector.broadcast %mul3A_1106 : f32 to vector<16xf32>
      %mul3A_1108 = arith.mulf %add3A_1102, %mul3A_1107 : vector<16xf32>
      %select_n3A_1109 = arith.select %ge3A_1105, %add3A_1102, %mul3A_1108 : vector<16xi1>, vector<16xf32>
      %exp3A_1110 = math.exp %select_n3A_1109 : vector<16xf32>
      %add3A_1111 = arith.constant 30720 : i32
      %add3A_1112 = vector.broadcast %add3A_1111 : i32 to vector<16xi32>
      %add3A_1113 = arith.addi %get3A_1015, %add3A_1112 : vector<16xi32>
      tpu.vector_store_idx %arg8[%add3A_1113], %exp3A_1110 {add = true} : memref<40960xf32, #tpu.memory_space<vmem>>[vector<16xi32>], vector<16xf32>,
      %add3A_1114 = arith.constant 3 : i32
      %add3A_1115 = vector.broadcast %add3A_1114 : i32 to vector<16xi32>
      %add3A_1116 = arith.addi %mul3A_1024, %add3A_1115 : vector<16xi32>
      tpu.vector_store_idx %arg11[%add3A_1116], %exp3A_1110 : memref<320xf32, #tpu.memory_space<vmem>>[vector<16xi32>], vector<16xf32>,
      %mul3A_1117 = arith.constant 4 : i32
      %mul3A_1118 = arith.muli %add3A_572, %mul3A_1117 : i32
      "tpu.region"() ({
        %run_scoped3A = tpu.sem_alloc : memref<!tpu.dma_semaphore, #tpu.memory_space<semaphore_mem>>
        %dma_start3A_1683 = tpu.memref_slice %arg5[%mul3A_1118] : memref<1280000xf32, #tpu.memory_space<hbm>> -> memref<320xf32, #tpu.memory_space<hbm>>
        %dma_start3A_1684 = tpu.memref_slice %arg5[%mul3A_1118] : memref<1280000xf32, #tpu.memory_space<hbm>> -> memref<320xf32, #tpu.memory_space<hbm>>
        tpu.enqueue_dma source(%arg11 : memref<320xf32, #tpu.memory_space<vmem>>) target(%dma_start3A_1684 : memref<320xf32, #tpu.memory_space<hbm>>) target_semaphore(%run_scoped3A : memref<!tpu.dma_semaphore, #tpu.memory_space<semaphore_mem>>)
        %dma_wait3A_1685 = tpu.memref_slice %arg5[%mul3A_1118] : memref<1280000xf32, #tpu.memory_space<hbm>> -> memref<320xf32, #tpu.memory_space<hbm>>
        %dma_wait3A_1686 = tpu.memref_slice %arg5[%mul3A_1118] : memref<1280000xf32, #tpu.memory_space<hbm>> -> memref<320xf32, #tpu.memory_space<hbm>>
        tpu.wait_dma2 semaphore(%run_scoped3A : memref<!tpu.dma_semaphore, #tpu.memory_space<semaphore_mem>>) src(%arg11 : memref<320xf32, #tpu.memory_space<vmem>>) dst(%dma_wait3A_1686 : memref<320xf32, #tpu.memory_space<hbm>>)
        tpu.yield
      }) : () -> ()
      %add3A_1119 = arith.constant 2 : i32
      %add3A_1120 = arith.addi %mul3A_569, %add3A_1119 : i32
      %mul3A_1121 = arith.constant 80 : i32
      %mul3A_1122 = arith.muli %add3A_1120, %mul3A_1121 : i32
      %add3A_1123 = arith.addi %mul3A_7, %mul3A_1122 : i32
      %dma_start3A_1124 = tpu.memref_slice %arg3[%add3A_1123] : memref<320000xi32, #tpu.memory_space<hbm>> -> memref<80xi32, #tpu.memory_space<hbm>>
      %dma_start3A_1125 = tpu.memref_slice %arg3[%add3A_1123] : memref<320000xi32, #tpu.memory_space<hbm>> -> memref<80xi32, #tpu.memory_space<hbm>>
      tpu.enqueue_dma source(%dma_start3A_1125 : memref<80xi32, #tpu.memory_space<hbm>>) target(%arg9 : memref<80xi32, #tpu.memory_space<vmem>>) target_semaphore(%arg15 : memref<!tpu.dma_semaphore, #tpu.memory_space<semaphore_mem>>)
      %dma_start3A_1126 = tpu.memref_slice %arg4[%add3A_1123] : memref<320000xi32, #tpu.memory_space<hbm>> -> memref<80xi32, #tpu.memory_space<hbm>>
      %dma_start3A_1127 = tpu.memref_slice %arg4[%add3A_1123] : memref<320000xi32, #tpu.memory_space<hbm>> -> memref<80xi32, #tpu.memory_space<hbm>>
      tpu.enqueue_dma source(%dma_start3A_1127 : memref<80xi32, #tpu.memory_space<hbm>>) target(%arg10 : memref<80xi32, #tpu.memory_space<vmem>>) target_semaphore(%arg15 : memref<!tpu.dma_semaphore, #tpu.memory_space<semaphore_mem>>)
      %add3A_1128 = arith.constant 1 : i32
      %add3A_1129 = arith.addi %mul3A_569, %add3A_1128 : i32
      %mul3A_1130 = arith.constant 80 : i32
      %mul3A_1131 = arith.muli %add3A_1129, %mul3A_1130 : i32
      %add3A_1132 = arith.addi %mul3A_7, %mul3A_1131 : i32
      %dma_wait3A_1133 = tpu.memref_slice %arg3[%add3A_1132] : memref<320000xi32, #tpu.memory_space<hbm>> -> memref<80xi32, #tpu.memory_space<hbm>>
      %dma_wait3A_1134 = tpu.memref_slice %arg3[%add3A_1132] : memref<320000xi32, #tpu.memory_space<hbm>> -> memref<80xi32, #tpu.memory_space<hbm>>
      tpu.wait_dma2 semaphore(%arg16 : memref<!tpu.dma_semaphore, #tpu.memory_space<semaphore_mem>>) src(%dma_wait3A_1134 : memref<80xi32, #tpu.memory_space<hbm>>) dst(%arg12 : memref<80xi32, #tpu.memory_space<vmem>>)
      %dma_wait3A_1135 = tpu.memref_slice %arg4[%add3A_1132] : memref<320000xi32, #tpu.memory_space<hbm>> -> memref<80xi32, #tpu.memory_space<hbm>>
      %dma_wait3A_1136 = tpu.memref_slice %arg4[%add3A_1132] : memref<320000xi32, #tpu.memory_space<hbm>> -> memref<80xi32, #tpu.memory_space<hbm>>
      tpu.wait_dma2 semaphore(%arg16 : memref<!tpu.dma_semaphore, #tpu.memory_space<semaphore_mem>>) src(%dma_wait3A_1136 : memref<80xi32, #tpu.memory_space<hbm>>) dst(%arg13 : memref<80xi32, #tpu.memory_space<vmem>>)
      %get3A_1137 = arith.constant 0 : index
      %get3A_1138 = tpu.vector_load %arg12[%get3A_1137] {strides = array<i32>} : memref<80xi32, #tpu.memory_space<vmem>>, vector<16xi32>,
      %mul3A_1139 = arith.constant 8 : i32
      %mul3A_1140 = vector.broadcast %mul3A_1139 : i32 to vector<16xi32>
      %mul3A_1141 = arith.muli %get3A_1138, %mul3A_1140 : vector<16xi32>
      %get3A_1142 = arith.constant 0 : index
      %get3A_1143 = tpu.vector_load %arg13[%get3A_1142] {strides = array<i32>} : memref<80xi32, #tpu.memory_space<vmem>>, vector<16xi32>,
      %mul3A_1144 = arith.constant 8 : i32
      %mul3A_1145 = vector.broadcast %mul3A_1144 : i32 to vector<16xi32>
      %mul3A_1146 = arith.muli %get3A_1143, %mul3A_1145 : vector<16xi32>
      %add3A_1147 = arith.constant 0 : i32
      %add3A_1148 = vector.broadcast %add3A_1147 : i32 to vector<16xi32>
      %add3A_1149 = arith.addi %iota3A, %add3A_1148 : vector<16xi32>
      %mul3A_1150 = arith.constant 4 : i32
      %mul3A_1151 = vector.broadcast %mul3A_1150 : i32 to vector<16xi32>
      %mul3A_1152 = arith.muli %add3A_1149, %mul3A_1151 : vector<16xi32>
      %add3A_1153 = arith.constant 0 : i32
      %add3A_1154 = vector.broadcast %add3A_1153 : i32 to vector<16xi32>
      %add3A_1155 = arith.addi %mul3A_1141, %add3A_1154 : vector<16xi32>
      %gather3A_1156 = tpu.vector_load_idx %arg7[%add3A_1155] : memref<80000xf32, #tpu.memory_space<vmem>>[vector<16xi32>], vector<16xf32>,
      %add3A_1157 = arith.constant 4 : i32
      %add3A_1158 = vector.broadcast %add3A_1157 : i32 to vector<16xi32>
      %add3A_1159 = arith.addi %mul3A_1146, %add3A_1158 : vector<16xi32>
      %gather3A_1160 = tpu.vector_load_idx %arg7[%add3A_1159] : memref<80000xf32, #tpu.memory_space<vmem>>[vector<16xi32>], vector<16xf32>,
      %add3A_1161 = arith.addf %gather3A_1156, %gather3A_1160 : vector<16xf32>
      %ge3A_1162 = arith.constant 0.000000e+00 : f32
      %ge3A_1163 = vector.broadcast %ge3A_1162 : f32 to vector<16xf32>
      %ge3A_1164 = arith.cmpf oge, %add3A_1161, %ge3A_1163 : vector<16xf32>
      %mul3A_1165 = arith.constant 2.000000e-01 : f32
      %mul3A_1166 = vector.broadcast %mul3A_1165 : f32 to vector<16xf32>
      %mul3A_1167 = arith.mulf %add3A_1161, %mul3A_1166 : vector<16xf32>
      %select_n3A_1168 = arith.select %ge3A_1164, %add3A_1161, %mul3A_1167 : vector<16xi1>, vector<16xf32>
      %exp3A_1169 = math.exp %select_n3A_1168 : vector<16xf32>
      %add3A_1170 = arith.constant 0 : i32
      %add3A_1171 = vector.broadcast %add3A_1170 : i32 to vector<16xi32>
      %add3A_1172 = arith.addi %get3A_1143, %add3A_1171 : vector<16xi32>
      tpu.vector_store_idx %arg8[%add3A_1172], %exp3A_1169 {add = true} : memref<40960xf32, #tpu.memory_space<vmem>>[vector<16xi32>], vector<16xf32>,
      %add3A_1173 = arith.constant 0 : i32
      %add3A_1174 = vector.broadcast %add3A_1173 : i32 to vector<16xi32>
      %add3A_1175 = arith.addi %mul3A_1152, %add3A_1174 : vector<16xi32>
      tpu.vector_store_idx %arg14[%add3A_1175], %exp3A_1169 : memref<320xf32, #tpu.memory_space<vmem>>[vector<16xi32>], vector<16xf32>,
      %add3A_1176 = arith.constant 1 : i32
      %add3A_1177 = vector.broadcast %add3A_1176 : i32 to vector<16xi32>
      %add3A_1178 = arith.addi %mul3A_1141, %add3A_1177 : vector<16xi32>
      %gather3A_1179 = tpu.vector_load_idx %arg7[%add3A_1178] : memref<80000xf32, #tpu.memory_space<vmem>>[vector<16xi32>], vector<16xf32>,
      %add3A_1180 = arith.constant 5 : i32
      %add3A_1181 = vector.broadcast %add3A_1180 : i32 to vector<16xi32>
      %add3A_1182 = arith.addi %mul3A_1146, %add3A_1181 : vector<16xi32>
      %gather3A_1183 = tpu.vector_load_idx %arg7[%add3A_1182] : memref<80000xf32, #tpu.memory_space<vmem>>[vector<16xi32>], vector<16xf32>,
      %add3A_1184 = arith.addf %gather3A_1179, %gather3A_1183 : vector<16xf32>
      %ge3A_1185 = arith.constant 0.000000e+00 : f32
      %ge3A_1186 = vector.broadcast %ge3A_1185 : f32 to vector<16xf32>
      %ge3A_1187 = arith.cmpf oge, %add3A_1184, %ge3A_1186 : vector<16xf32>
      %mul3A_1188 = arith.constant 2.000000e-01 : f32
      %mul3A_1189 = vector.broadcast %mul3A_1188 : f32 to vector<16xf32>
      %mul3A_1190 = arith.mulf %add3A_1184, %mul3A_1189 : vector<16xf32>
      %select_n3A_1191 = arith.select %ge3A_1187, %add3A_1184, %mul3A_1190 : vector<16xi1>, vector<16xf32>
      %exp3A_1192 = math.exp %select_n3A_1191 : vector<16xf32>
      %add3A_1193 = arith.constant 10240 : i32
      %add3A_1194 = vector.broadcast %add3A_1193 : i32 to vector<16xi32>
      %add3A_1195 = arith.addi %get3A_1143, %add3A_1194 : vector<16xi32>
      tpu.vector_store_idx %arg8[%add3A_1195], %exp3A_1192 {add = true} : memref<40960xf32, #tpu.memory_space<vmem>>[vector<16xi32>], vector<16xf32>,
      %add3A_1196 = arith.constant 1 : i32
      %add3A_1197 = vector.broadcast %add3A_1196 : i32 to vector<16xi32>
      %add3A_1198 = arith.addi %mul3A_1152, %add3A_1197 : vector<16xi32>
      tpu.vector_store_idx %arg14[%add3A_1198], %exp3A_1192 : memref<320xf32, #tpu.memory_space<vmem>>[vector<16xi32>], vector<16xf32>,
      %add3A_1199 = arith.constant 2 : i32
      %add3A_1200 = vector.broadcast %add3A_1199 : i32 to vector<16xi32>
      %add3A_1201 = arith.addi %mul3A_1141, %add3A_1200 : vector<16xi32>
      %gather3A_1202 = tpu.vector_load_idx %arg7[%add3A_1201] : memref<80000xf32, #tpu.memory_space<vmem>>[vector<16xi32>], vector<16xf32>,
      %add3A_1203 = arith.constant 6 : i32
      %add3A_1204 = vector.broadcast %add3A_1203 : i32 to vector<16xi32>
      %add3A_1205 = arith.addi %mul3A_1146, %add3A_1204 : vector<16xi32>
      %gather3A_1206 = tpu.vector_load_idx %arg7[%add3A_1205] : memref<80000xf32, #tpu.memory_space<vmem>>[vector<16xi32>], vector<16xf32>,
      %add3A_1207 = arith.addf %gather3A_1202, %gather3A_1206 : vector<16xf32>
      %ge3A_1208 = arith.constant 0.000000e+00 : f32
      %ge3A_1209 = vector.broadcast %ge3A_1208 : f32 to vector<16xf32>
      %ge3A_1210 = arith.cmpf oge, %add3A_1207, %ge3A_1209 : vector<16xf32>
      %mul3A_1211 = arith.constant 2.000000e-01 : f32
      %mul3A_1212 = vector.broadcast %mul3A_1211 : f32 to vector<16xf32>
      %mul3A_1213 = arith.mulf %add3A_1207, %mul3A_1212 : vector<16xf32>
      %select_n3A_1214 = arith.select %ge3A_1210, %add3A_1207, %mul3A_1213 : vector<16xi1>, vector<16xf32>
      %exp3A_1215 = math.exp %select_n3A_1214 : vector<16xf32>
      %add3A_1216 = arith.constant 20480 : i32
      %add3A_1217 = vector.broadcast %add3A_1216 : i32 to vector<16xi32>
      %add3A_1218 = arith.addi %get3A_1143, %add3A_1217 : vector<16xi32>
      tpu.vector_store_idx %arg8[%add3A_1218], %exp3A_1215 {add = true} : memref<40960xf32, #tpu.memory_space<vmem>>[vector<16xi32>], vector<16xf32>,
      %add3A_1219 = arith.constant 2 : i32
      %add3A_1220 = vector.broadcast %add3A_1219 : i32 to vector<16xi32>
      %add3A_1221 = arith.addi %mul3A_1152, %add3A_1220 : vector<16xi32>
      tpu.vector_store_idx %arg14[%add3A_1221], %exp3A_1215 : memref<320xf32, #tpu.memory_space<vmem>>[vector<16xi32>], vector<16xf32>,
      %add3A_1222 = arith.constant 3 : i32
      %add3A_1223 = vector.broadcast %add3A_1222 : i32 to vector<16xi32>
      %add3A_1224 = arith.addi %mul3A_1141, %add3A_1223 : vector<16xi32>
      %gather3A_1225 = tpu.vector_load_idx %arg7[%add3A_1224] : memref<80000xf32, #tpu.memory_space<vmem>>[vector<16xi32>], vector<16xf32>,
      %add3A_1226 = arith.constant 7 : i32
      %add3A_1227 = vector.broadcast %add3A_1226 : i32 to vector<16xi32>
      %add3A_1228 = arith.addi %mul3A_1146, %add3A_1227 : vector<16xi32>
      %gather3A_1229 = tpu.vector_load_idx %arg7[%add3A_1228] : memref<80000xf32, #tpu.memory_space<vmem>>[vector<16xi32>], vector<16xf32>,
      %add3A_1230 = arith.addf %gather3A_1225, %gather3A_1229 : vector<16xf32>
      %ge3A_1231 = arith.constant 0.000000e+00 : f32
      %ge3A_1232 = vector.broadcast %ge3A_1231 : f32 to vector<16xf32>
      %ge3A_1233 = arith.cmpf oge, %add3A_1230, %ge3A_1232 : vector<16xf32>
      %mul3A_1234 = arith.constant 2.000000e-01 : f32
      %mul3A_1235 = vector.broadcast %mul3A_1234 : f32 to vector<16xf32>
      %mul3A_1236 = arith.mulf %add3A_1230, %mul3A_1235 : vector<16xf32>
      %select_n3A_1237 = arith.select %ge3A_1233, %add3A_1230, %mul3A_1236 : vector<16xi1>, vector<16xf32>
      %exp3A_1238 = math.exp %select_n3A_1237 : vector<16xf32>
      %add3A_1239 = arith.constant 30720 : i32
      %add3A_1240 = vector.broadcast %add3A_1239 : i32 to vector<16xi32>
      %add3A_1241 = arith.addi %get3A_1143, %add3A_1240 : vector<16xi32>
      tpu.vector_store_idx %arg8[%add3A_1241], %exp3A_1238 {add = true} : memref<40960xf32, #tpu.memory_space<vmem>>[vector<16xi32>], vector<16xf32>,
      %add3A_1242 = arith.constant 3 : i32
      %add3A_1243 = vector.broadcast %add3A_1242 : i32 to vector<16xi32>
      %add3A_1244 = arith.addi %mul3A_1152, %add3A_1243 : vector<16xi32>
      tpu.vector_store_idx %arg14[%add3A_1244], %exp3A_1238 : memref<320xf32, #tpu.memory_space<vmem>>[vector<16xi32>], vector<16xf32>,
      %get3A_1245 = arith.constant 16 : index
      %get3A_1246 = tpu.vector_load %arg12[%get3A_1245] {strides = array<i32>} : memref<80xi32, #tpu.memory_space<vmem>>, vector<16xi32>,
      %mul3A_1247 = arith.constant 8 : i32
      %mul3A_1248 = vector.broadcast %mul3A_1247 : i32 to vector<16xi32>
      %mul3A_1249 = arith.muli %get3A_1246, %mul3A_1248 : vector<16xi32>
      %get3A_1250 = arith.constant 16 : index
      %get3A_1251 = tpu.vector_load %arg13[%get3A_1250] {strides = array<i32>} : memref<80xi32, #tpu.memory_space<vmem>>, vector<16xi32>,
      %mul3A_1252 = arith.constant 8 : i32
      %mul3A_1253 = vector.broadcast %mul3A_1252 : i32 to vector<16xi32>
      %mul3A_1254 = arith.muli %get3A_1251, %mul3A_1253 : vector<16xi32>
      %add3A_1255 = arith.constant 16 : i32
      %add3A_1256 = vector.broadcast %add3A_1255 : i32 to vector<16xi32>
      %add3A_1257 = arith.addi %iota3A, %add3A_1256 : vector<16xi32>
      %mul3A_1258 = arith.constant 4 : i32
      %mul3A_1259 = vector.broadcast %mul3A_1258 : i32 to vector<16xi32>
      %mul3A_1260 = arith.muli %add3A_1257, %mul3A_1259 : vector<16xi32>
      %add3A_1261 = arith.constant 0 : i32
      %add3A_1262 = vector.broadcast %add3A_1261 : i32 to vector<16xi32>
      %add3A_1263 = arith.addi %mul3A_1249, %add3A_1262 : vector<16xi32>
      %gather3A_1264 = tpu.vector_load_idx %arg7[%add3A_1263] : memref<80000xf32, #tpu.memory_space<vmem>>[vector<16xi32>], vector<16xf32>,
      %add3A_1265 = arith.constant 4 : i32
      %add3A_1266 = vector.broadcast %add3A_1265 : i32 to vector<16xi32>
      %add3A_1267 = arith.addi %mul3A_1254, %add3A_1266 : vector<16xi32>
      %gather3A_1268 = tpu.vector_load_idx %arg7[%add3A_1267] : memref<80000xf32, #tpu.memory_space<vmem>>[vector<16xi32>], vector<16xf32>,
      %add3A_1269 = arith.addf %gather3A_1264, %gather3A_1268 : vector<16xf32>
      %ge3A_1270 = arith.constant 0.000000e+00 : f32
      %ge3A_1271 = vector.broadcast %ge3A_1270 : f32 to vector<16xf32>
      %ge3A_1272 = arith.cmpf oge, %add3A_1269, %ge3A_1271 : vector<16xf32>
      %mul3A_1273 = arith.constant 2.000000e-01 : f32
      %mul3A_1274 = vector.broadcast %mul3A_1273 : f32 to vector<16xf32>
      %mul3A_1275 = arith.mulf %add3A_1269, %mul3A_1274 : vector<16xf32>
      %select_n3A_1276 = arith.select %ge3A_1272, %add3A_1269, %mul3A_1275 : vector<16xi1>, vector<16xf32>
      %exp3A_1277 = math.exp %select_n3A_1276 : vector<16xf32>
      %add3A_1278 = arith.constant 0 : i32
      %add3A_1279 = vector.broadcast %add3A_1278 : i32 to vector<16xi32>
      %add3A_1280 = arith.addi %get3A_1251, %add3A_1279 : vector<16xi32>
      tpu.vector_store_idx %arg8[%add3A_1280], %exp3A_1277 {add = true} : memref<40960xf32, #tpu.memory_space<vmem>>[vector<16xi32>], vector<16xf32>,
      %add3A_1281 = arith.constant 0 : i32
      %add3A_1282 = vector.broadcast %add3A_1281 : i32 to vector<16xi32>
      %add3A_1283 = arith.addi %mul3A_1260, %add3A_1282 : vector<16xi32>
      tpu.vector_store_idx %arg14[%add3A_1283], %exp3A_1277 : memref<320xf32, #tpu.memory_space<vmem>>[vector<16xi32>], vector<16xf32>,
      %add3A_1284 = arith.constant 1 : i32
      %add3A_1285 = vector.broadcast %add3A_1284 : i32 to vector<16xi32>
      %add3A_1286 = arith.addi %mul3A_1249, %add3A_1285 : vector<16xi32>
      %gather3A_1287 = tpu.vector_load_idx %arg7[%add3A_1286] : memref<80000xf32, #tpu.memory_space<vmem>>[vector<16xi32>], vector<16xf32>,
      %add3A_1288 = arith.constant 5 : i32
      %add3A_1289 = vector.broadcast %add3A_1288 : i32 to vector<16xi32>
      %add3A_1290 = arith.addi %mul3A_1254, %add3A_1289 : vector<16xi32>
      %gather3A_1291 = tpu.vector_load_idx %arg7[%add3A_1290] : memref<80000xf32, #tpu.memory_space<vmem>>[vector<16xi32>], vector<16xf32>,
      %add3A_1292 = arith.addf %gather3A_1287, %gather3A_1291 : vector<16xf32>
      %ge3A_1293 = arith.constant 0.000000e+00 : f32
      %ge3A_1294 = vector.broadcast %ge3A_1293 : f32 to vector<16xf32>
      %ge3A_1295 = arith.cmpf oge, %add3A_1292, %ge3A_1294 : vector<16xf32>
      %mul3A_1296 = arith.constant 2.000000e-01 : f32
      %mul3A_1297 = vector.broadcast %mul3A_1296 : f32 to vector<16xf32>
      %mul3A_1298 = arith.mulf %add3A_1292, %mul3A_1297 : vector<16xf32>
      %select_n3A_1299 = arith.select %ge3A_1295, %add3A_1292, %mul3A_1298 : vector<16xi1>, vector<16xf32>
      %exp3A_1300 = math.exp %select_n3A_1299 : vector<16xf32>
      %add3A_1301 = arith.constant 10240 : i32
      %add3A_1302 = vector.broadcast %add3A_1301 : i32 to vector<16xi32>
      %add3A_1303 = arith.addi %get3A_1251, %add3A_1302 : vector<16xi32>
      tpu.vector_store_idx %arg8[%add3A_1303], %exp3A_1300 {add = true} : memref<40960xf32, #tpu.memory_space<vmem>>[vector<16xi32>], vector<16xf32>,
      %add3A_1304 = arith.constant 1 : i32
      %add3A_1305 = vector.broadcast %add3A_1304 : i32 to vector<16xi32>
      %add3A_1306 = arith.addi %mul3A_1260, %add3A_1305 : vector<16xi32>
      tpu.vector_store_idx %arg14[%add3A_1306], %exp3A_1300 : memref<320xf32, #tpu.memory_space<vmem>>[vector<16xi32>], vector<16xf32>,
      %add3A_1307 = arith.constant 2 : i32
      %add3A_1308 = vector.broadcast %add3A_1307 : i32 to vector<16xi32>
      %add3A_1309 = arith.addi %mul3A_1249, %add3A_1308 : vector<16xi32>
      %gather3A_1310 = tpu.vector_load_idx %arg7[%add3A_1309] : memref<80000xf32, #tpu.memory_space<vmem>>[vector<16xi32>], vector<16xf32>,
      %add3A_1311 = arith.constant 6 : i32
      %add3A_1312 = vector.broadcast %add3A_1311 : i32 to vector<16xi32>
      %add3A_1313 = arith.addi %mul3A_1254, %add3A_1312 : vector<16xi32>
      %gather3A_1314 = tpu.vector_load_idx %arg7[%add3A_1313] : memref<80000xf32, #tpu.memory_space<vmem>>[vector<16xi32>], vector<16xf32>,
      %add3A_1315 = arith.addf %gather3A_1310, %gather3A_1314 : vector<16xf32>
      %ge3A_1316 = arith.constant 0.000000e+00 : f32
      %ge3A_1317 = vector.broadcast %ge3A_1316 : f32 to vector<16xf32>
      %ge3A_1318 = arith.cmpf oge, %add3A_1315, %ge3A_1317 : vector<16xf32>
      %mul3A_1319 = arith.constant 2.000000e-01 : f32
      %mul3A_1320 = vector.broadcast %mul3A_1319 : f32 to vector<16xf32>
      %mul3A_1321 = arith.mulf %add3A_1315, %mul3A_1320 : vector<16xf32>
      %select_n3A_1322 = arith.select %ge3A_1318, %add3A_1315, %mul3A_1321 : vector<16xi1>, vector<16xf32>
      %exp3A_1323 = math.exp %select_n3A_1322 : vector<16xf32>
      %add3A_1324 = arith.constant 20480 : i32
      %add3A_1325 = vector.broadcast %add3A_1324 : i32 to vector<16xi32>
      %add3A_1326 = arith.addi %get3A_1251, %add3A_1325 : vector<16xi32>
      tpu.vector_store_idx %arg8[%add3A_1326], %exp3A_1323 {add = true} : memref<40960xf32, #tpu.memory_space<vmem>>[vector<16xi32>], vector<16xf32>,
      %add3A_1327 = arith.constant 2 : i32
      %add3A_1328 = vector.broadcast %add3A_1327 : i32 to vector<16xi32>
      %add3A_1329 = arith.addi %mul3A_1260, %add3A_1328 : vector<16xi32>
      tpu.vector_store_idx %arg14[%add3A_1329], %exp3A_1323 : memref<320xf32, #tpu.memory_space<vmem>>[vector<16xi32>], vector<16xf32>,
      %add3A_1330 = arith.constant 3 : i32
      %add3A_1331 = vector.broadcast %add3A_1330 : i32 to vector<16xi32>
      %add3A_1332 = arith.addi %mul3A_1249, %add3A_1331 : vector<16xi32>
      %gather3A_1333 = tpu.vector_load_idx %arg7[%add3A_1332] : memref<80000xf32, #tpu.memory_space<vmem>>[vector<16xi32>], vector<16xf32>,
      %add3A_1334 = arith.constant 7 : i32
      %add3A_1335 = vector.broadcast %add3A_1334 : i32 to vector<16xi32>
      %add3A_1336 = arith.addi %mul3A_1254, %add3A_1335 : vector<16xi32>
      %gather3A_1337 = tpu.vector_load_idx %arg7[%add3A_1336] : memref<80000xf32, #tpu.memory_space<vmem>>[vector<16xi32>], vector<16xf32>,
      %add3A_1338 = arith.addf %gather3A_1333, %gather3A_1337 : vector<16xf32>
      %ge3A_1339 = arith.constant 0.000000e+00 : f32
      %ge3A_1340 = vector.broadcast %ge3A_1339 : f32 to vector<16xf32>
      %ge3A_1341 = arith.cmpf oge, %add3A_1338, %ge3A_1340 : vector<16xf32>
      %mul3A_1342 = arith.constant 2.000000e-01 : f32
      %mul3A_1343 = vector.broadcast %mul3A_1342 : f32 to vector<16xf32>
      %mul3A_1344 = arith.mulf %add3A_1338, %mul3A_1343 : vector<16xf32>
      %select_n3A_1345 = arith.select %ge3A_1341, %add3A_1338, %mul3A_1344 : vector<16xi1>, vector<16xf32>
      %exp3A_1346 = math.exp %select_n3A_1345 : vector<16xf32>
      %add3A_1347 = arith.constant 30720 : i32
      %add3A_1348 = vector.broadcast %add3A_1347 : i32 to vector<16xi32>
      %add3A_1349 = arith.addi %get3A_1251, %add3A_1348 : vector<16xi32>
      tpu.vector_store_idx %arg8[%add3A_1349], %exp3A_1346 {add = true} : memref<40960xf32, #tpu.memory_space<vmem>>[vector<16xi32>], vector<16xf32>,
      %add3A_1350 = arith.constant 3 : i32
      %add3A_1351 = vector.broadcast %add3A_1350 : i32 to vector<16xi32>
      %add3A_1352 = arith.addi %mul3A_1260, %add3A_1351 : vector<16xi32>
      tpu.vector_store_idx %arg14[%add3A_1352], %exp3A_1346 : memref<320xf32, #tpu.memory_space<vmem>>[vector<16xi32>], vector<16xf32>,
      %get3A_1353 = arith.constant 32 : index
      %get3A_1354 = tpu.vector_load %arg12[%get3A_1353] {strides = array<i32>} : memref<80xi32, #tpu.memory_space<vmem>>, vector<16xi32>,
      %mul3A_1355 = arith.constant 8 : i32
      %mul3A_1356 = vector.broadcast %mul3A_1355 : i32 to vector<16xi32>
      %mul3A_1357 = arith.muli %get3A_1354, %mul3A_1356 : vector<16xi32>
      %get3A_1358 = arith.constant 32 : index
      %get3A_1359 = tpu.vector_load %arg13[%get3A_1358] {strides = array<i32>} : memref<80xi32, #tpu.memory_space<vmem>>, vector<16xi32>,
      %mul3A_1360 = arith.constant 8 : i32
      %mul3A_1361 = vector.broadcast %mul3A_1360 : i32 to vector<16xi32>
      %mul3A_1362 = arith.muli %get3A_1359, %mul3A_1361 : vector<16xi32>
      %add3A_1363 = arith.constant 32 : i32
      %add3A_1364 = vector.broadcast %add3A_1363 : i32 to vector<16xi32>
      %add3A_1365 = arith.addi %iota3A, %add3A_1364 : vector<16xi32>
      %mul3A_1366 = arith.constant 4 : i32
      %mul3A_1367 = vector.broadcast %mul3A_1366 : i32 to vector<16xi32>
      %mul3A_1368 = arith.muli %add3A_1365, %mul3A_1367 : vector<16xi32>
      %add3A_1369 = arith.constant 0 : i32
      %add3A_1370 = vector.broadcast %add3A_1369 : i32 to vector<16xi32>
      %add3A_1371 = arith.addi %mul3A_1357, %add3A_1370 : vector<16xi32>
      %gather3A_1372 = tpu.vector_load_idx %arg7[%add3A_1371] : memref<80000xf32, #tpu.memory_space<vmem>>[vector<16xi32>], vector<16xf32>,
      %add3A_1373 = arith.constant 4 : i32
      %add3A_1374 = vector.broadcast %add3A_1373 : i32 to vector<16xi32>
      %add3A_1375 = arith.addi %mul3A_1362, %add3A_1374 : vector<16xi32>
      %gather3A_1376 = tpu.vector_load_idx %arg7[%add3A_1375] : memref<80000xf32, #tpu.memory_space<vmem>>[vector<16xi32>], vector<16xf32>,
      %add3A_1377 = arith.addf %gather3A_1372, %gather3A_1376 : vector<16xf32>
      %ge3A_1378 = arith.constant 0.000000e+00 : f32
      %ge3A_1379 = vector.broadcast %ge3A_1378 : f32 to vector<16xf32>
      %ge3A_1380 = arith.cmpf oge, %add3A_1377, %ge3A_1379 : vector<16xf32>
      %mul3A_1381 = arith.constant 2.000000e-01 : f32
      %mul3A_1382 = vector.broadcast %mul3A_1381 : f32 to vector<16xf32>
      %mul3A_1383 = arith.mulf %add3A_1377, %mul3A_1382 : vector<16xf32>
      %select_n3A_1384 = arith.select %ge3A_1380, %add3A_1377, %mul3A_1383 : vector<16xi1>, vector<16xf32>
      %exp3A_1385 = math.exp %select_n3A_1384 : vector<16xf32>
      %add3A_1386 = arith.constant 0 : i32
      %add3A_1387 = vector.broadcast %add3A_1386 : i32 to vector<16xi32>
      %add3A_1388 = arith.addi %get3A_1359, %add3A_1387 : vector<16xi32>
      tpu.vector_store_idx %arg8[%add3A_1388], %exp3A_1385 {add = true} : memref<40960xf32, #tpu.memory_space<vmem>>[vector<16xi32>], vector<16xf32>,
      %add3A_1389 = arith.constant 0 : i32
      %add3A_1390 = vector.broadcast %add3A_1389 : i32 to vector<16xi32>
      %add3A_1391 = arith.addi %mul3A_1368, %add3A_1390 : vector<16xi32>
      tpu.vector_store_idx %arg14[%add3A_1391], %exp3A_1385 : memref<320xf32, #tpu.memory_space<vmem>>[vector<16xi32>], vector<16xf32>,
      %add3A_1392 = arith.constant 1 : i32
      %add3A_1393 = vector.broadcast %add3A_1392 : i32 to vector<16xi32>
      %add3A_1394 = arith.addi %mul3A_1357, %add3A_1393 : vector<16xi32>
      %gather3A_1395 = tpu.vector_load_idx %arg7[%add3A_1394] : memref<80000xf32, #tpu.memory_space<vmem>>[vector<16xi32>], vector<16xf32>,
      %add3A_1396 = arith.constant 5 : i32
      %add3A_1397 = vector.broadcast %add3A_1396 : i32 to vector<16xi32>
      %add3A_1398 = arith.addi %mul3A_1362, %add3A_1397 : vector<16xi32>
      %gather3A_1399 = tpu.vector_load_idx %arg7[%add3A_1398] : memref<80000xf32, #tpu.memory_space<vmem>>[vector<16xi32>], vector<16xf32>,
      %add3A_1400 = arith.addf %gather3A_1395, %gather3A_1399 : vector<16xf32>
      %ge3A_1401 = arith.constant 0.000000e+00 : f32
      %ge3A_1402 = vector.broadcast %ge3A_1401 : f32 to vector<16xf32>
      %ge3A_1403 = arith.cmpf oge, %add3A_1400, %ge3A_1402 : vector<16xf32>
      %mul3A_1404 = arith.constant 2.000000e-01 : f32
      %mul3A_1405 = vector.broadcast %mul3A_1404 : f32 to vector<16xf32>
      %mul3A_1406 = arith.mulf %add3A_1400, %mul3A_1405 : vector<16xf32>
      %select_n3A_1407 = arith.select %ge3A_1403, %add3A_1400, %mul3A_1406 : vector<16xi1>, vector<16xf32>
      %exp3A_1408 = math.exp %select_n3A_1407 : vector<16xf32>
      %add3A_1409 = arith.constant 10240 : i32
      %add3A_1410 = vector.broadcast %add3A_1409 : i32 to vector<16xi32>
      %add3A_1411 = arith.addi %get3A_1359, %add3A_1410 : vector<16xi32>
      tpu.vector_store_idx %arg8[%add3A_1411], %exp3A_1408 {add = true} : memref<40960xf32, #tpu.memory_space<vmem>>[vector<16xi32>], vector<16xf32>,
      %add3A_1412 = arith.constant 1 : i32
      %add3A_1413 = vector.broadcast %add3A_1412 : i32 to vector<16xi32>
      %add3A_1414 = arith.addi %mul3A_1368, %add3A_1413 : vector<16xi32>
      tpu.vector_store_idx %arg14[%add3A_1414], %exp3A_1408 : memref<320xf32, #tpu.memory_space<vmem>>[vector<16xi32>], vector<16xf32>,
      %add3A_1415 = arith.constant 2 : i32
      %add3A_1416 = vector.broadcast %add3A_1415 : i32 to vector<16xi32>
      %add3A_1417 = arith.addi %mul3A_1357, %add3A_1416 : vector<16xi32>
      %gather3A_1418 = tpu.vector_load_idx %arg7[%add3A_1417] : memref<80000xf32, #tpu.memory_space<vmem>>[vector<16xi32>], vector<16xf32>,
      %add3A_1419 = arith.constant 6 : i32
      %add3A_1420 = vector.broadcast %add3A_1419 : i32 to vector<16xi32>
      %add3A_1421 = arith.addi %mul3A_1362, %add3A_1420 : vector<16xi32>
      %gather3A_1422 = tpu.vector_load_idx %arg7[%add3A_1421] : memref<80000xf32, #tpu.memory_space<vmem>>[vector<16xi32>], vector<16xf32>,
      %add3A_1423 = arith.addf %gather3A_1418, %gather3A_1422 : vector<16xf32>
      %ge3A_1424 = arith.constant 0.000000e+00 : f32
      %ge3A_1425 = vector.broadcast %ge3A_1424 : f32 to vector<16xf32>
      %ge3A_1426 = arith.cmpf oge, %add3A_1423, %ge3A_1425 : vector<16xf32>
      %mul3A_1427 = arith.constant 2.000000e-01 : f32
      %mul3A_1428 = vector.broadcast %mul3A_1427 : f32 to vector<16xf32>
      %mul3A_1429 = arith.mulf %add3A_1423, %mul3A_1428 : vector<16xf32>
      %select_n3A_1430 = arith.select %ge3A_1426, %add3A_1423, %mul3A_1429 : vector<16xi1>, vector<16xf32>
      %exp3A_1431 = math.exp %select_n3A_1430 : vector<16xf32>
      %add3A_1432 = arith.constant 20480 : i32
      %add3A_1433 = vector.broadcast %add3A_1432 : i32 to vector<16xi32>
      %add3A_1434 = arith.addi %get3A_1359, %add3A_1433 : vector<16xi32>
      tpu.vector_store_idx %arg8[%add3A_1434], %exp3A_1431 {add = true} : memref<40960xf32, #tpu.memory_space<vmem>>[vector<16xi32>], vector<16xf32>,
      %add3A_1435 = arith.constant 2 : i32
      %add3A_1436 = vector.broadcast %add3A_1435 : i32 to vector<16xi32>
      %add3A_1437 = arith.addi %mul3A_1368, %add3A_1436 : vector<16xi32>
      tpu.vector_store_idx %arg14[%add3A_1437], %exp3A_1431 : memref<320xf32, #tpu.memory_space<vmem>>[vector<16xi32>], vector<16xf32>,
      %add3A_1438 = arith.constant 3 : i32
      %add3A_1439 = vector.broadcast %add3A_1438 : i32 to vector<16xi32>
      %add3A_1440 = arith.addi %mul3A_1357, %add3A_1439 : vector<16xi32>
      %gather3A_1441 = tpu.vector_load_idx %arg7[%add3A_1440] : memref<80000xf32, #tpu.memory_space<vmem>>[vector<16xi32>], vector<16xf32>,
      %add3A_1442 = arith.constant 7 : i32
      %add3A_1443 = vector.broadcast %add3A_1442 : i32 to vector<16xi32>
      %add3A_1444 = arith.addi %mul3A_1362, %add3A_1443 : vector<16xi32>
      %gather3A_1445 = tpu.vector_load_idx %arg7[%add3A_1444] : memref<80000xf32, #tpu.memory_space<vmem>>[vector<16xi32>], vector<16xf32>,
      %add3A_1446 = arith.addf %gather3A_1441, %gather3A_1445 : vector<16xf32>
      %ge3A_1447 = arith.constant 0.000000e+00 : f32
      %ge3A_1448 = vector.broadcast %ge3A_1447 : f32 to vector<16xf32>
      %ge3A_1449 = arith.cmpf oge, %add3A_1446, %ge3A_1448 : vector<16xf32>
      %mul3A_1450 = arith.constant 2.000000e-01 : f32
      %mul3A_1451 = vector.broadcast %mul3A_1450 : f32 to vector<16xf32>
      %mul3A_1452 = arith.mulf %add3A_1446, %mul3A_1451 : vector<16xf32>
      %select_n3A_1453 = arith.select %ge3A_1449, %add3A_1446, %mul3A_1452 : vector<16xi1>, vector<16xf32>
      %exp3A_1454 = math.exp %select_n3A_1453 : vector<16xf32>
      %add3A_1455 = arith.constant 30720 : i32
      %add3A_1456 = vector.broadcast %add3A_1455 : i32 to vector<16xi32>
      %add3A_1457 = arith.addi %get3A_1359, %add3A_1456 : vector<16xi32>
      tpu.vector_store_idx %arg8[%add3A_1457], %exp3A_1454 {add = true} : memref<40960xf32, #tpu.memory_space<vmem>>[vector<16xi32>], vector<16xf32>,
      %add3A_1458 = arith.constant 3 : i32
      %add3A_1459 = vector.broadcast %add3A_1458 : i32 to vector<16xi32>
      %add3A_1460 = arith.addi %mul3A_1368, %add3A_1459 : vector<16xi32>
      tpu.vector_store_idx %arg14[%add3A_1460], %exp3A_1454 : memref<320xf32, #tpu.memory_space<vmem>>[vector<16xi32>], vector<16xf32>,
      %get3A_1461 = arith.constant 48 : index
      %get3A_1462 = tpu.vector_load %arg12[%get3A_1461] {strides = array<i32>} : memref<80xi32, #tpu.memory_space<vmem>>, vector<16xi32>,
      %mul3A_1463 = arith.constant 8 : i32
      %mul3A_1464 = vector.broadcast %mul3A_1463 : i32 to vector<16xi32>
      %mul3A_1465 = arith.muli %get3A_1462, %mul3A_1464 : vector<16xi32>
      %get3A_1466 = arith.constant 48 : index
      %get3A_1467 = tpu.vector_load %arg13[%get3A_1466] {strides = array<i32>} : memref<80xi32, #tpu.memory_space<vmem>>, vector<16xi32>,
      %mul3A_1468 = arith.constant 8 : i32
      %mul3A_1469 = vector.broadcast %mul3A_1468 : i32 to vector<16xi32>
      %mul3A_1470 = arith.muli %get3A_1467, %mul3A_1469 : vector<16xi32>
      %add3A_1471 = arith.constant 48 : i32
      %add3A_1472 = vector.broadcast %add3A_1471 : i32 to vector<16xi32>
      %add3A_1473 = arith.addi %iota3A, %add3A_1472 : vector<16xi32>
      %mul3A_1474 = arith.constant 4 : i32
      %mul3A_1475 = vector.broadcast %mul3A_1474 : i32 to vector<16xi32>
      %mul3A_1476 = arith.muli %add3A_1473, %mul3A_1475 : vector<16xi32>
      %add3A_1477 = arith.constant 0 : i32
      %add3A_1478 = vector.broadcast %add3A_1477 : i32 to vector<16xi32>
      %add3A_1479 = arith.addi %mul3A_1465, %add3A_1478 : vector<16xi32>
      %gather3A_1480 = tpu.vector_load_idx %arg7[%add3A_1479] : memref<80000xf32, #tpu.memory_space<vmem>>[vector<16xi32>], vector<16xf32>,
      %add3A_1481 = arith.constant 4 : i32
      %add3A_1482 = vector.broadcast %add3A_1481 : i32 to vector<16xi32>
      %add3A_1483 = arith.addi %mul3A_1470, %add3A_1482 : vector<16xi32>
      %gather3A_1484 = tpu.vector_load_idx %arg7[%add3A_1483] : memref<80000xf32, #tpu.memory_space<vmem>>[vector<16xi32>], vector<16xf32>,
      %add3A_1485 = arith.addf %gather3A_1480, %gather3A_1484 : vector<16xf32>
      %ge3A_1486 = arith.constant 0.000000e+00 : f32
      %ge3A_1487 = vector.broadcast %ge3A_1486 : f32 to vector<16xf32>
      %ge3A_1488 = arith.cmpf oge, %add3A_1485, %ge3A_1487 : vector<16xf32>
      %mul3A_1489 = arith.constant 2.000000e-01 : f32
      %mul3A_1490 = vector.broadcast %mul3A_1489 : f32 to vector<16xf32>
      %mul3A_1491 = arith.mulf %add3A_1485, %mul3A_1490 : vector<16xf32>
      %select_n3A_1492 = arith.select %ge3A_1488, %add3A_1485, %mul3A_1491 : vector<16xi1>, vector<16xf32>
      %exp3A_1493 = math.exp %select_n3A_1492 : vector<16xf32>
      %add3A_1494 = arith.constant 0 : i32
      %add3A_1495 = vector.broadcast %add3A_1494 : i32 to vector<16xi32>
      %add3A_1496 = arith.addi %get3A_1467, %add3A_1495 : vector<16xi32>
      tpu.vector_store_idx %arg8[%add3A_1496], %exp3A_1493 {add = true} : memref<40960xf32, #tpu.memory_space<vmem>>[vector<16xi32>], vector<16xf32>,
      %add3A_1497 = arith.constant 0 : i32
      %add3A_1498 = vector.broadcast %add3A_1497 : i32 to vector<16xi32>
      %add3A_1499 = arith.addi %mul3A_1476, %add3A_1498 : vector<16xi32>
      tpu.vector_store_idx %arg14[%add3A_1499], %exp3A_1493 : memref<320xf32, #tpu.memory_space<vmem>>[vector<16xi32>], vector<16xf32>,
      %add3A_1500 = arith.constant 1 : i32
      %add3A_1501 = vector.broadcast %add3A_1500 : i32 to vector<16xi32>
      %add3A_1502 = arith.addi %mul3A_1465, %add3A_1501 : vector<16xi32>
      %gather3A_1503 = tpu.vector_load_idx %arg7[%add3A_1502] : memref<80000xf32, #tpu.memory_space<vmem>>[vector<16xi32>], vector<16xf32>,
      %add3A_1504 = arith.constant 5 : i32
      %add3A_1505 = vector.broadcast %add3A_1504 : i32 to vector<16xi32>
      %add3A_1506 = arith.addi %mul3A_1470, %add3A_1505 : vector<16xi32>
      %gather3A_1507 = tpu.vector_load_idx %arg7[%add3A_1506] : memref<80000xf32, #tpu.memory_space<vmem>>[vector<16xi32>], vector<16xf32>,
      %add3A_1508 = arith.addf %gather3A_1503, %gather3A_1507 : vector<16xf32>
      %ge3A_1509 = arith.constant 0.000000e+00 : f32
      %ge3A_1510 = vector.broadcast %ge3A_1509 : f32 to vector<16xf32>
      %ge3A_1511 = arith.cmpf oge, %add3A_1508, %ge3A_1510 : vector<16xf32>
      %mul3A_1512 = arith.constant 2.000000e-01 : f32
      %mul3A_1513 = vector.broadcast %mul3A_1512 : f32 to vector<16xf32>
      %mul3A_1514 = arith.mulf %add3A_1508, %mul3A_1513 : vector<16xf32>
      %select_n3A_1515 = arith.select %ge3A_1511, %add3A_1508, %mul3A_1514 : vector<16xi1>, vector<16xf32>
      %exp3A_1516 = math.exp %select_n3A_1515 : vector<16xf32>
      %add3A_1517 = arith.constant 10240 : i32
      %add3A_1518 = vector.broadcast %add3A_1517 : i32 to vector<16xi32>
      %add3A_1519 = arith.addi %get3A_1467, %add3A_1518 : vector<16xi32>
      tpu.vector_store_idx %arg8[%add3A_1519], %exp3A_1516 {add = true} : memref<40960xf32, #tpu.memory_space<vmem>>[vector<16xi32>], vector<16xf32>,
      %add3A_1520 = arith.constant 1 : i32
      %add3A_1521 = vector.broadcast %add3A_1520 : i32 to vector<16xi32>
      %add3A_1522 = arith.addi %mul3A_1476, %add3A_1521 : vector<16xi32>
      tpu.vector_store_idx %arg14[%add3A_1522], %exp3A_1516 : memref<320xf32, #tpu.memory_space<vmem>>[vector<16xi32>], vector<16xf32>,
      %add3A_1523 = arith.constant 2 : i32
      %add3A_1524 = vector.broadcast %add3A_1523 : i32 to vector<16xi32>
      %add3A_1525 = arith.addi %mul3A_1465, %add3A_1524 : vector<16xi32>
      %gather3A_1526 = tpu.vector_load_idx %arg7[%add3A_1525] : memref<80000xf32, #tpu.memory_space<vmem>>[vector<16xi32>], vector<16xf32>,
      %add3A_1527 = arith.constant 6 : i32
      %add3A_1528 = vector.broadcast %add3A_1527 : i32 to vector<16xi32>
      %add3A_1529 = arith.addi %mul3A_1470, %add3A_1528 : vector<16xi32>
      %gather3A_1530 = tpu.vector_load_idx %arg7[%add3A_1529] : memref<80000xf32, #tpu.memory_space<vmem>>[vector<16xi32>], vector<16xf32>,
      %add3A_1531 = arith.addf %gather3A_1526, %gather3A_1530 : vector<16xf32>
      %ge3A_1532 = arith.constant 0.000000e+00 : f32
      %ge3A_1533 = vector.broadcast %ge3A_1532 : f32 to vector<16xf32>
      %ge3A_1534 = arith.cmpf oge, %add3A_1531, %ge3A_1533 : vector<16xf32>
      %mul3A_1535 = arith.constant 2.000000e-01 : f32
      %mul3A_1536 = vector.broadcast %mul3A_1535 : f32 to vector<16xf32>
      %mul3A_1537 = arith.mulf %add3A_1531, %mul3A_1536 : vector<16xf32>
      %select_n3A_1538 = arith.select %ge3A_1534, %add3A_1531, %mul3A_1537 : vector<16xi1>, vector<16xf32>
      %exp3A_1539 = math.exp %select_n3A_1538 : vector<16xf32>
      %add3A_1540 = arith.constant 20480 : i32
      %add3A_1541 = vector.broadcast %add3A_1540 : i32 to vector<16xi32>
      %add3A_1542 = arith.addi %get3A_1467, %add3A_1541 : vector<16xi32>
      tpu.vector_store_idx %arg8[%add3A_1542], %exp3A_1539 {add = true} : memref<40960xf32, #tpu.memory_space<vmem>>[vector<16xi32>], vector<16xf32>,
      %add3A_1543 = arith.constant 2 : i32
      %add3A_1544 = vector.broadcast %add3A_1543 : i32 to vector<16xi32>
      %add3A_1545 = arith.addi %mul3A_1476, %add3A_1544 : vector<16xi32>
      tpu.vector_store_idx %arg14[%add3A_1545], %exp3A_1539 : memref<320xf32, #tpu.memory_space<vmem>>[vector<16xi32>], vector<16xf32>,
      %add3A_1546 = arith.constant 3 : i32
      %add3A_1547 = vector.broadcast %add3A_1546 : i32 to vector<16xi32>
      %add3A_1548 = arith.addi %mul3A_1465, %add3A_1547 : vector<16xi32>
      %gather3A_1549 = tpu.vector_load_idx %arg7[%add3A_1548] : memref<80000xf32, #tpu.memory_space<vmem>>[vector<16xi32>], vector<16xf32>,
      %add3A_1550 = arith.constant 7 : i32
      %add3A_1551 = vector.broadcast %add3A_1550 : i32 to vector<16xi32>
      %add3A_1552 = arith.addi %mul3A_1470, %add3A_1551 : vector<16xi32>
      %gather3A_1553 = tpu.vector_load_idx %arg7[%add3A_1552] : memref<80000xf32, #tpu.memory_space<vmem>>[vector<16xi32>], vector<16xf32>,
      %add3A_1554 = arith.addf %gather3A_1549, %gather3A_1553 : vector<16xf32>
      %ge3A_1555 = arith.constant 0.000000e+00 : f32
      %ge3A_1556 = vector.broadcast %ge3A_1555 : f32 to vector<16xf32>
      %ge3A_1557 = arith.cmpf oge, %add3A_1554, %ge3A_1556 : vector<16xf32>
      %mul3A_1558 = arith.constant 2.000000e-01 : f32
      %mul3A_1559 = vector.broadcast %mul3A_1558 : f32 to vector<16xf32>
      %mul3A_1560 = arith.mulf %add3A_1554, %mul3A_1559 : vector<16xf32>
      %select_n3A_1561 = arith.select %ge3A_1557, %add3A_1554, %mul3A_1560 : vector<16xi1>, vector<16xf32>
      %exp3A_1562 = math.exp %select_n3A_1561 : vector<16xf32>
      %add3A_1563 = arith.constant 30720 : i32
      %add3A_1564 = vector.broadcast %add3A_1563 : i32 to vector<16xi32>
      %add3A_1565 = arith.addi %get3A_1467, %add3A_1564 : vector<16xi32>
      tpu.vector_store_idx %arg8[%add3A_1565], %exp3A_1562 {add = true} : memref<40960xf32, #tpu.memory_space<vmem>>[vector<16xi32>], vector<16xf32>,
      %add3A_1566 = arith.constant 3 : i32
      %add3A_1567 = vector.broadcast %add3A_1566 : i32 to vector<16xi32>
      %add3A_1568 = arith.addi %mul3A_1476, %add3A_1567 : vector<16xi32>
      tpu.vector_store_idx %arg14[%add3A_1568], %exp3A_1562 : memref<320xf32, #tpu.memory_space<vmem>>[vector<16xi32>], vector<16xf32>,
      %get3A_1569 = arith.constant 64 : index
      %get3A_1570 = tpu.vector_load %arg12[%get3A_1569] {strides = array<i32>} : memref<80xi32, #tpu.memory_space<vmem>>, vector<16xi32>,
      %mul3A_1571 = arith.constant 8 : i32
      %mul3A_1572 = vector.broadcast %mul3A_1571 : i32 to vector<16xi32>
      %mul3A_1573 = arith.muli %get3A_1570, %mul3A_1572 : vector<16xi32>
      %get3A_1574 = arith.constant 64 : index
      %get3A_1575 = tpu.vector_load %arg13[%get3A_1574] {strides = array<i32>} : memref<80xi32, #tpu.memory_space<vmem>>, vector<16xi32>,
      %mul3A_1576 = arith.constant 8 : i32
      %mul3A_1577 = vector.broadcast %mul3A_1576 : i32 to vector<16xi32>
      %mul3A_1578 = arith.muli %get3A_1575, %mul3A_1577 : vector<16xi32>
      %add3A_1579 = arith.constant 64 : i32
      %add3A_1580 = vector.broadcast %add3A_1579 : i32 to vector<16xi32>
      %add3A_1581 = arith.addi %iota3A, %add3A_1580 : vector<16xi32>
      %mul3A_1582 = arith.constant 4 : i32
      %mul3A_1583 = vector.broadcast %mul3A_1582 : i32 to vector<16xi32>
      %mul3A_1584 = arith.muli %add3A_1581, %mul3A_1583 : vector<16xi32>
      %add3A_1585 = arith.constant 0 : i32
      %add3A_1586 = vector.broadcast %add3A_1585 : i32 to vector<16xi32>
      %add3A_1587 = arith.addi %mul3A_1573, %add3A_1586 : vector<16xi32>
      %gather3A_1588 = tpu.vector_load_idx %arg7[%add3A_1587] : memref<80000xf32, #tpu.memory_space<vmem>>[vector<16xi32>], vector<16xf32>,
      %add3A_1589 = arith.constant 4 : i32
      %add3A_1590 = vector.broadcast %add3A_1589 : i32 to vector<16xi32>
      %add3A_1591 = arith.addi %mul3A_1578, %add3A_1590 : vector<16xi32>
      %gather3A_1592 = tpu.vector_load_idx %arg7[%add3A_1591] : memref<80000xf32, #tpu.memory_space<vmem>>[vector<16xi32>], vector<16xf32>,
      %add3A_1593 = arith.addf %gather3A_1588, %gather3A_1592 : vector<16xf32>
      %ge3A_1594 = arith.constant 0.000000e+00 : f32
      %ge3A_1595 = vector.broadcast %ge3A_1594 : f32 to vector<16xf32>
      %ge3A_1596 = arith.cmpf oge, %add3A_1593, %ge3A_1595 : vector<16xf32>
      %mul3A_1597 = arith.constant 2.000000e-01 : f32
      %mul3A_1598 = vector.broadcast %mul3A_1597 : f32 to vector<16xf32>
      %mul3A_1599 = arith.mulf %add3A_1593, %mul3A_1598 : vector<16xf32>
      %select_n3A_1600 = arith.select %ge3A_1596, %add3A_1593, %mul3A_1599 : vector<16xi1>, vector<16xf32>
      %exp3A_1601 = math.exp %select_n3A_1600 : vector<16xf32>
      %add3A_1602 = arith.constant 0 : i32
      %add3A_1603 = vector.broadcast %add3A_1602 : i32 to vector<16xi32>
      %add3A_1604 = arith.addi %get3A_1575, %add3A_1603 : vector<16xi32>
      tpu.vector_store_idx %arg8[%add3A_1604], %exp3A_1601 {add = true} : memref<40960xf32, #tpu.memory_space<vmem>>[vector<16xi32>], vector<16xf32>,
      %add3A_1605 = arith.constant 0 : i32
      %add3A_1606 = vector.broadcast %add3A_1605 : i32 to vector<16xi32>
      %add3A_1607 = arith.addi %mul3A_1584, %add3A_1606 : vector<16xi32>
      tpu.vector_store_idx %arg14[%add3A_1607], %exp3A_1601 : memref<320xf32, #tpu.memory_space<vmem>>[vector<16xi32>], vector<16xf32>,
      %add3A_1608 = arith.constant 1 : i32
      %add3A_1609 = vector.broadcast %add3A_1608 : i32 to vector<16xi32>
      %add3A_1610 = arith.addi %mul3A_1573, %add3A_1609 : vector<16xi32>
      %gather3A_1611 = tpu.vector_load_idx %arg7[%add3A_1610] : memref<80000xf32, #tpu.memory_space<vmem>>[vector<16xi32>], vector<16xf32>,
      %add3A_1612 = arith.constant 5 : i32
      %add3A_1613 = vector.broadcast %add3A_1612 : i32 to vector<16xi32>
      %add3A_1614 = arith.addi %mul3A_1578, %add3A_1613 : vector<16xi32>
      %gather3A_1615 = tpu.vector_load_idx %arg7[%add3A_1614] : memref<80000xf32, #tpu.memory_space<vmem>>[vector<16xi32>], vector<16xf32>,
      %add3A_1616 = arith.addf %gather3A_1611, %gather3A_1615 : vector<16xf32>
      %ge3A_1617 = arith.constant 0.000000e+00 : f32
      %ge3A_1618 = vector.broadcast %ge3A_1617 : f32 to vector<16xf32>
      %ge3A_1619 = arith.cmpf oge, %add3A_1616, %ge3A_1618 : vector<16xf32>
      %mul3A_1620 = arith.constant 2.000000e-01 : f32
      %mul3A_1621 = vector.broadcast %mul3A_1620 : f32 to vector<16xf32>
      %mul3A_1622 = arith.mulf %add3A_1616, %mul3A_1621 : vector<16xf32>
      %select_n3A_1623 = arith.select %ge3A_1619, %add3A_1616, %mul3A_1622 : vector<16xi1>, vector<16xf32>
      %exp3A_1624 = math.exp %select_n3A_1623 : vector<16xf32>
      %add3A_1625 = arith.constant 10240 : i32
      %add3A_1626 = vector.broadcast %add3A_1625 : i32 to vector<16xi32>
      %add3A_1627 = arith.addi %get3A_1575, %add3A_1626 : vector<16xi32>
      tpu.vector_store_idx %arg8[%add3A_1627], %exp3A_1624 {add = true} : memref<40960xf32, #tpu.memory_space<vmem>>[vector<16xi32>], vector<16xf32>,
      %add3A_1628 = arith.constant 1 : i32
      %add3A_1629 = vector.broadcast %add3A_1628 : i32 to vector<16xi32>
      %add3A_1630 = arith.addi %mul3A_1584, %add3A_1629 : vector<16xi32>
      tpu.vector_store_idx %arg14[%add3A_1630], %exp3A_1624 : memref<320xf32, #tpu.memory_space<vmem>>[vector<16xi32>], vector<16xf32>,
      %add3A_1631 = arith.constant 2 : i32
      %add3A_1632 = vector.broadcast %add3A_1631 : i32 to vector<16xi32>
      %add3A_1633 = arith.addi %mul3A_1573, %add3A_1632 : vector<16xi32>
      %gather3A_1634 = tpu.vector_load_idx %arg7[%add3A_1633] : memref<80000xf32, #tpu.memory_space<vmem>>[vector<16xi32>], vector<16xf32>,
      %add3A_1635 = arith.constant 6 : i32
      %add3A_1636 = vector.broadcast %add3A_1635 : i32 to vector<16xi32>
      %add3A_1637 = arith.addi %mul3A_1578, %add3A_1636 : vector<16xi32>
      %gather3A_1638 = tpu.vector_load_idx %arg7[%add3A_1637] : memref<80000xf32, #tpu.memory_space<vmem>>[vector<16xi32>], vector<16xf32>,
      %add3A_1639 = arith.addf %gather3A_1634, %gather3A_1638 : vector<16xf32>
      %ge3A_1640 = arith.constant 0.000000e+00 : f32
      %ge3A_1641 = vector.broadcast %ge3A_1640 : f32 to vector<16xf32>
      %ge3A_1642 = arith.cmpf oge, %add3A_1639, %ge3A_1641 : vector<16xf32>
      %mul3A_1643 = arith.constant 2.000000e-01 : f32
      %mul3A_1644 = vector.broadcast %mul3A_1643 : f32 to vector<16xf32>
      %mul3A_1645 = arith.mulf %add3A_1639, %mul3A_1644 : vector<16xf32>
      %select_n3A_1646 = arith.select %ge3A_1642, %add3A_1639, %mul3A_1645 : vector<16xi1>, vector<16xf32>
      %exp3A_1647 = math.exp %select_n3A_1646 : vector<16xf32>
      %add3A_1648 = arith.constant 20480 : i32
      %add3A_1649 = vector.broadcast %add3A_1648 : i32 to vector<16xi32>
      %add3A_1650 = arith.addi %get3A_1575, %add3A_1649 : vector<16xi32>
      tpu.vector_store_idx %arg8[%add3A_1650], %exp3A_1647 {add = true} : memref<40960xf32, #tpu.memory_space<vmem>>[vector<16xi32>], vector<16xf32>,
      %add3A_1651 = arith.constant 2 : i32
      %add3A_1652 = vector.broadcast %add3A_1651 : i32 to vector<16xi32>
      %add3A_1653 = arith.addi %mul3A_1584, %add3A_1652 : vector<16xi32>
      tpu.vector_store_idx %arg14[%add3A_1653], %exp3A_1647 : memref<320xf32, #tpu.memory_space<vmem>>[vector<16xi32>], vector<16xf32>,
      %add3A_1654 = arith.constant 3 : i32
      %add3A_1655 = vector.broadcast %add3A_1654 : i32 to vector<16xi32>
      %add3A_1656 = arith.addi %mul3A_1573, %add3A_1655 : vector<16xi32>
      %gather3A_1657 = tpu.vector_load_idx %arg7[%add3A_1656] : memref<80000xf32, #tpu.memory_space<vmem>>[vector<16xi32>], vector<16xf32>,
      %add3A_1658 = arith.constant 7 : i32
      %add3A_1659 = vector.broadcast %add3A_1658 : i32 to vector<16xi32>
      %add3A_1660 = arith.addi %mul3A_1578, %add3A_1659 : vector<16xi32>
      %gather3A_1661 = tpu.vector_load_idx %arg7[%add3A_1660] : memref<80000xf32, #tpu.memory_space<vmem>>[vector<16xi32>], vector<16xf32>,
      %add3A_1662 = arith.addf %gather3A_1657, %gather3A_1661 : vector<16xf32>
      %ge3A_1663 = arith.constant 0.000000e+00 : f32
      %ge3A_1664 = vector.broadcast %ge3A_1663 : f32 to vector<16xf32>
      %ge3A_1665 = arith.cmpf oge, %add3A_1662, %ge3A_1664 : vector<16xf32>
      %mul3A_1666 = arith.constant 2.000000e-01 : f32
      %mul3A_1667 = vector.broadcast %mul3A_1666 : f32 to vector<16xf32>
      %mul3A_1668 = arith.mulf %add3A_1662, %mul3A_1667 : vector<16xf32>
      %select_n3A_1669 = arith.select %ge3A_1665, %add3A_1662, %mul3A_1668 : vector<16xi1>, vector<16xf32>
      %exp3A_1670 = math.exp %select_n3A_1669 : vector<16xf32>
      %add3A_1671 = arith.constant 30720 : i32
      %add3A_1672 = vector.broadcast %add3A_1671 : i32 to vector<16xi32>
      %add3A_1673 = arith.addi %get3A_1575, %add3A_1672 : vector<16xi32>
      tpu.vector_store_idx %arg8[%add3A_1673], %exp3A_1670 {add = true} : memref<40960xf32, #tpu.memory_space<vmem>>[vector<16xi32>], vector<16xf32>,
      %add3A_1674 = arith.constant 3 : i32
      %add3A_1675 = vector.broadcast %add3A_1674 : i32 to vector<16xi32>
      %add3A_1676 = arith.addi %mul3A_1584, %add3A_1675 : vector<16xi32>
      tpu.vector_store_idx %arg14[%add3A_1676], %exp3A_1670 : memref<320xf32, #tpu.memory_space<vmem>>[vector<16xi32>], vector<16xf32>,
      %mul3A_1677 = arith.constant 4 : i32
      %mul3A_1678 = arith.muli %add3A_1132, %mul3A_1677 : i32
      "tpu.region"() ({
        %run_scoped3A = tpu.sem_alloc : memref<!tpu.dma_semaphore, #tpu.memory_space<semaphore_mem>>
        %dma_start3A_1683 = tpu.memref_slice %arg5[%mul3A_1678] : memref<1280000xf32, #tpu.memory_space<hbm>> -> memref<320xf32, #tpu.memory_space<hbm>>
        %dma_start3A_1684 = tpu.memref_slice %arg5[%mul3A_1678] : memref<1280000xf32, #tpu.memory_space<hbm>> -> memref<320xf32, #tpu.memory_space<hbm>>
        tpu.enqueue_dma source(%arg14 : memref<320xf32, #tpu.memory_space<vmem>>) target(%dma_start3A_1684 : memref<320xf32, #tpu.memory_space<hbm>>) target_semaphore(%run_scoped3A : memref<!tpu.dma_semaphore, #tpu.memory_space<semaphore_mem>>)
        %dma_wait3A_1685 = tpu.memref_slice %arg5[%mul3A_1678] : memref<1280000xf32, #tpu.memory_space<hbm>> -> memref<320xf32, #tpu.memory_space<hbm>>
        %dma_wait3A_1686 = tpu.memref_slice %arg5[%mul3A_1678] : memref<1280000xf32, #tpu.memory_space<hbm>> -> memref<320xf32, #tpu.memory_space<hbm>>
        tpu.wait_dma2 semaphore(%run_scoped3A : memref<!tpu.dma_semaphore, #tpu.memory_space<semaphore_mem>>) src(%arg14 : memref<320xf32, #tpu.memory_space<vmem>>) dst(%dma_wait3A_1686 : memref<320xf32, #tpu.memory_space<hbm>>)
        tpu.yield
      }) : () -> ()
      %add3A_1679 = arith.constant 3 : i32
      %add3A_1680 = arith.addi %mul3A_569, %add3A_1679 : i32
      %lt3A = arith.constant 125 : i32
      %lt3A_1681 = arith.cmpi slt, %add3A_1680, %lt3A : i32
      %convert_element_type3A = arith.extui %lt3A_1681 : i1 to i32
      %cond3A = arith.constant 0 : i32
      %cond3A_1682 = arith.cmpi ne, %convert_element_type3A, %cond3A : i32
      scf.if %cond3A_1682 {
        %add3A_1683 = arith.constant 3 : i32
        %add3A_1684 = arith.addi %mul3A_569, %add3A_1683 : i32
        %mul3A_1685 = arith.constant 80 : i32
        %mul3A_1686 = arith.muli %add3A_1684, %mul3A_1685 : i32
        %add3A_1687 = arith.addi %mul3A_7, %mul3A_1686 : i32
        %dma_start3A_1688 = tpu.memref_slice %arg3[%add3A_1687] : memref<320000xi32, #tpu.memory_space<hbm>> -> memref<80xi32, #tpu.memory_space<hbm>>
        %dma_start3A_1689 = tpu.memref_slice %arg3[%add3A_1687] : memref<320000xi32, #tpu.memory_space<hbm>> -> memref<80xi32, #tpu.memory_space<hbm>>
        tpu.enqueue_dma source(%dma_start3A_1689 : memref<80xi32, #tpu.memory_space<hbm>>) target(%arg12 : memref<80xi32, #tpu.memory_space<vmem>>) target_semaphore(%arg16 : memref<!tpu.dma_semaphore, #tpu.memory_space<semaphore_mem>>)
        %dma_start3A_1690 = tpu.memref_slice %arg4[%add3A_1687] : memref<320000xi32, #tpu.memory_space<hbm>> -> memref<80xi32, #tpu.memory_space<hbm>>
        %dma_start3A_1691 = tpu.memref_slice %arg4[%add3A_1687] : memref<320000xi32, #tpu.memory_space<hbm>> -> memref<80xi32, #tpu.memory_space<hbm>>
        tpu.enqueue_dma source(%dma_start3A_1691 : memref<80xi32, #tpu.memory_space<hbm>>) target(%arg13 : memref<80xi32, #tpu.memory_space<vmem>>) target_semaphore(%arg16 : memref<!tpu.dma_semaphore, #tpu.memory_space<semaphore_mem>>)
      } else {
      }
    }
    %scan3A_24 = arith.constant 62 : i32
    %add3A_25 = arith.constant 9920 : i32
    %add3A_26 = arith.addi %mul3A_7, %add3A_25 : i32
    %dma_wait3A = tpu.memref_slice %arg3[%add3A_26] : memref<320000xi32, #tpu.memory_space<hbm>> -> memref<80xi32, #tpu.memory_space<hbm>>
    %dma_wait3A_27 = tpu.memref_slice %arg3[%add3A_26] : memref<320000xi32, #tpu.memory_space<hbm>> -> memref<80xi32, #tpu.memory_space<hbm>>
    tpu.wait_dma2 semaphore(%arg15 : memref<!tpu.dma_semaphore, #tpu.memory_space<semaphore_mem>>) src(%dma_wait3A_27 : memref<80xi32, #tpu.memory_space<hbm>>) dst(%arg9 : memref<80xi32, #tpu.memory_space<vmem>>)
    %dma_wait3A_28 = tpu.memref_slice %arg4[%add3A_26] : memref<320000xi32, #tpu.memory_space<hbm>> -> memref<80xi32, #tpu.memory_space<hbm>>
    %dma_wait3A_29 = tpu.memref_slice %arg4[%add3A_26] : memref<320000xi32, #tpu.memory_space<hbm>> -> memref<80xi32, #tpu.memory_space<hbm>>
    tpu.wait_dma2 semaphore(%arg15 : memref<!tpu.dma_semaphore, #tpu.memory_space<semaphore_mem>>) src(%dma_wait3A_29 : memref<80xi32, #tpu.memory_space<hbm>>) dst(%arg10 : memref<80xi32, #tpu.memory_space<vmem>>)
    %get3A = arith.constant 0 : index
    %get3A_30 = tpu.vector_load %arg9[%get3A] {strides = array<i32>} : memref<80xi32, #tpu.memory_space<vmem>>, vector<16xi32>,
    %mul3A_31 = arith.constant 8 : i32
    %mul3A_32 = vector.broadcast %mul3A_31 : i32 to vector<16xi32>
    %mul3A_33 = arith.muli %get3A_30, %mul3A_32 : vector<16xi32>
    %get3A_34 = arith.constant 0 : index
    %get3A_35 = tpu.vector_load %arg10[%get3A_34] {strides = array<i32>} : memref<80xi32, #tpu.memory_space<vmem>>, vector<16xi32>,
    %mul3A_36 = arith.constant 8 : i32
    %mul3A_37 = vector.broadcast %mul3A_36 : i32 to vector<16xi32>
    %mul3A_38 = arith.muli %get3A_35, %mul3A_37 : vector<16xi32>
    %add3A_39 = arith.constant 0 : i32
    %add3A_40 = vector.broadcast %add3A_39 : i32 to vector<16xi32>
    %add3A_41 = arith.addi %iota3A, %add3A_40 : vector<16xi32>
    %mul3A_42 = arith.constant 4 : i32
    %mul3A_43 = vector.broadcast %mul3A_42 : i32 to vector<16xi32>
    %mul3A_44 = arith.muli %add3A_41, %mul3A_43 : vector<16xi32>
    %add3A_45 = arith.constant 0 : i32
    %add3A_46 = vector.broadcast %add3A_45 : i32 to vector<16xi32>
    %add3A_47 = arith.addi %mul3A_33, %add3A_46 : vector<16xi32>
    %gather3A = tpu.vector_load_idx %arg7[%add3A_47] : memref<80000xf32, #tpu.memory_space<vmem>>[vector<16xi32>], vector<16xf32>,
    %add3A_48 = arith.constant 4 : i32
    %add3A_49 = vector.broadcast %add3A_48 : i32 to vector<16xi32>
    %add3A_50 = arith.addi %mul3A_38, %add3A_49 : vector<16xi32>
    %gather3A_51 = tpu.vector_load_idx %arg7[%add3A_50] : memref<80000xf32, #tpu.memory_space<vmem>>[vector<16xi32>], vector<16xf32>,
    %add3A_52 = arith.addf %gather3A, %gather3A_51 : vector<16xf32>
    %ge3A = arith.constant 0.000000e+00 : f32
    %ge3A_53 = vector.broadcast %ge3A : f32 to vector<16xf32>
    %ge3A_54 = arith.cmpf oge, %add3A_52, %ge3A_53 : vector<16xf32>
    %mul3A_55 = arith.constant 2.000000e-01 : f32
    %mul3A_56 = vector.broadcast %mul3A_55 : f32 to vector<16xf32>
    %mul3A_57 = arith.mulf %add3A_52, %mul3A_56 : vector<16xf32>
    %select_n3A = arith.select %ge3A_54, %add3A_52, %mul3A_57 : vector<16xi1>, vector<16xf32>
    %exp3A = math.exp %select_n3A : vector<16xf32>
    %add3A_58 = arith.constant 0 : i32
    %add3A_59 = vector.broadcast %add3A_58 : i32 to vector<16xi32>
    %add3A_60 = arith.addi %get3A_35, %add3A_59 : vector<16xi32>
    tpu.vector_store_idx %arg8[%add3A_60], %exp3A {add = true} : memref<40960xf32, #tpu.memory_space<vmem>>[vector<16xi32>], vector<16xf32>,
    %add3A_61 = arith.constant 0 : i32
    %add3A_62 = vector.broadcast %add3A_61 : i32 to vector<16xi32>
    %add3A_63 = arith.addi %mul3A_44, %add3A_62 : vector<16xi32>
    tpu.vector_store_idx %arg11[%add3A_63], %exp3A : memref<320xf32, #tpu.memory_space<vmem>>[vector<16xi32>], vector<16xf32>,
    %add3A_64 = arith.constant 1 : i32
    %add3A_65 = vector.broadcast %add3A_64 : i32 to vector<16xi32>
    %add3A_66 = arith.addi %mul3A_33, %add3A_65 : vector<16xi32>
    %gather3A_67 = tpu.vector_load_idx %arg7[%add3A_66] : memref<80000xf32, #tpu.memory_space<vmem>>[vector<16xi32>], vector<16xf32>,
    %add3A_68 = arith.constant 5 : i32
    %add3A_69 = vector.broadcast %add3A_68 : i32 to vector<16xi32>
    %add3A_70 = arith.addi %mul3A_38, %add3A_69 : vector<16xi32>
    %gather3A_71 = tpu.vector_load_idx %arg7[%add3A_70] : memref<80000xf32, #tpu.memory_space<vmem>>[vector<16xi32>], vector<16xf32>,
    %add3A_72 = arith.addf %gather3A_67, %gather3A_71 : vector<16xf32>
    %ge3A_73 = arith.constant 0.000000e+00 : f32
    %ge3A_74 = vector.broadcast %ge3A_73 : f32 to vector<16xf32>
    %ge3A_75 = arith.cmpf oge, %add3A_72, %ge3A_74 : vector<16xf32>
    %mul3A_76 = arith.constant 2.000000e-01 : f32
    %mul3A_77 = vector.broadcast %mul3A_76 : f32 to vector<16xf32>
    %mul3A_78 = arith.mulf %add3A_72, %mul3A_77 : vector<16xf32>
    %select_n3A_79 = arith.select %ge3A_75, %add3A_72, %mul3A_78 : vector<16xi1>, vector<16xf32>
    %exp3A_80 = math.exp %select_n3A_79 : vector<16xf32>
    %add3A_81 = arith.constant 10240 : i32
    %add3A_82 = vector.broadcast %add3A_81 : i32 to vector<16xi32>
    %add3A_83 = arith.addi %get3A_35, %add3A_82 : vector<16xi32>
    tpu.vector_store_idx %arg8[%add3A_83], %exp3A_80 {add = true} : memref<40960xf32, #tpu.memory_space<vmem>>[vector<16xi32>], vector<16xf32>,
    %add3A_84 = arith.constant 1 : i32
    %add3A_85 = vector.broadcast %add3A_84 : i32 to vector<16xi32>
    %add3A_86 = arith.addi %mul3A_44, %add3A_85 : vector<16xi32>
    tpu.vector_store_idx %arg11[%add3A_86], %exp3A_80 : memref<320xf32, #tpu.memory_space<vmem>>[vector<16xi32>], vector<16xf32>,
    %add3A_87 = arith.constant 2 : i32
    %add3A_88 = vector.broadcast %add3A_87 : i32 to vector<16xi32>
    %add3A_89 = arith.addi %mul3A_33, %add3A_88 : vector<16xi32>
    %gather3A_90 = tpu.vector_load_idx %arg7[%add3A_89] : memref<80000xf32, #tpu.memory_space<vmem>>[vector<16xi32>], vector<16xf32>,
    %add3A_91 = arith.constant 6 : i32
    %add3A_92 = vector.broadcast %add3A_91 : i32 to vector<16xi32>
    %add3A_93 = arith.addi %mul3A_38, %add3A_92 : vector<16xi32>
    %gather3A_94 = tpu.vector_load_idx %arg7[%add3A_93] : memref<80000xf32, #tpu.memory_space<vmem>>[vector<16xi32>], vector<16xf32>,
    %add3A_95 = arith.addf %gather3A_90, %gather3A_94 : vector<16xf32>
    %ge3A_96 = arith.constant 0.000000e+00 : f32
    %ge3A_97 = vector.broadcast %ge3A_96 : f32 to vector<16xf32>
    %ge3A_98 = arith.cmpf oge, %add3A_95, %ge3A_97 : vector<16xf32>
    %mul3A_99 = arith.constant 2.000000e-01 : f32
    %mul3A_100 = vector.broadcast %mul3A_99 : f32 to vector<16xf32>
    %mul3A_101 = arith.mulf %add3A_95, %mul3A_100 : vector<16xf32>
    %select_n3A_102 = arith.select %ge3A_98, %add3A_95, %mul3A_101 : vector<16xi1>, vector<16xf32>
    %exp3A_103 = math.exp %select_n3A_102 : vector<16xf32>
    %add3A_104 = arith.constant 20480 : i32
    %add3A_105 = vector.broadcast %add3A_104 : i32 to vector<16xi32>
    %add3A_106 = arith.addi %get3A_35, %add3A_105 : vector<16xi32>
    tpu.vector_store_idx %arg8[%add3A_106], %exp3A_103 {add = true} : memref<40960xf32, #tpu.memory_space<vmem>>[vector<16xi32>], vector<16xf32>,
    %add3A_107 = arith.constant 2 : i32
    %add3A_108 = vector.broadcast %add3A_107 : i32 to vector<16xi32>
    %add3A_109 = arith.addi %mul3A_44, %add3A_108 : vector<16xi32>
    tpu.vector_store_idx %arg11[%add3A_109], %exp3A_103 : memref<320xf32, #tpu.memory_space<vmem>>[vector<16xi32>], vector<16xf32>,
    %add3A_110 = arith.constant 3 : i32
    %add3A_111 = vector.broadcast %add3A_110 : i32 to vector<16xi32>
    %add3A_112 = arith.addi %mul3A_33, %add3A_111 : vector<16xi32>
    %gather3A_113 = tpu.vector_load_idx %arg7[%add3A_112] : memref<80000xf32, #tpu.memory_space<vmem>>[vector<16xi32>], vector<16xf32>,
    %add3A_114 = arith.constant 7 : i32
    %add3A_115 = vector.broadcast %add3A_114 : i32 to vector<16xi32>
    %add3A_116 = arith.addi %mul3A_38, %add3A_115 : vector<16xi32>
    %gather3A_117 = tpu.vector_load_idx %arg7[%add3A_116] : memref<80000xf32, #tpu.memory_space<vmem>>[vector<16xi32>], vector<16xf32>,
    %add3A_118 = arith.addf %gather3A_113, %gather3A_117 : vector<16xf32>
    %ge3A_119 = arith.constant 0.000000e+00 : f32
    %ge3A_120 = vector.broadcast %ge3A_119 : f32 to vector<16xf32>
    %ge3A_121 = arith.cmpf oge, %add3A_118, %ge3A_120 : vector<16xf32>
    %mul3A_122 = arith.constant 2.000000e-01 : f32
    %mul3A_123 = vector.broadcast %mul3A_122 : f32 to vector<16xf32>
    %mul3A_124 = arith.mulf %add3A_118, %mul3A_123 : vector<16xf32>
    %select_n3A_125 = arith.select %ge3A_121, %add3A_118, %mul3A_124 : vector<16xi1>, vector<16xf32>
    %exp3A_126 = math.exp %select_n3A_125 : vector<16xf32>
    %add3A_127 = arith.constant 30720 : i32
    %add3A_128 = vector.broadcast %add3A_127 : i32 to vector<16xi32>
    %add3A_129 = arith.addi %get3A_35, %add3A_128 : vector<16xi32>
    tpu.vector_store_idx %arg8[%add3A_129], %exp3A_126 {add = true} : memref<40960xf32, #tpu.memory_space<vmem>>[vector<16xi32>], vector<16xf32>,
    %add3A_130 = arith.constant 3 : i32
    %add3A_131 = vector.broadcast %add3A_130 : i32 to vector<16xi32>
    %add3A_132 = arith.addi %mul3A_44, %add3A_131 : vector<16xi32>
    tpu.vector_store_idx %arg11[%add3A_132], %exp3A_126 : memref<320xf32, #tpu.memory_space<vmem>>[vector<16xi32>], vector<16xf32>,
    %get3A_133 = arith.constant 16 : index
    %get3A_134 = tpu.vector_load %arg9[%get3A_133] {strides = array<i32>} : memref<80xi32, #tpu.memory_space<vmem>>, vector<16xi32>,
    %mul3A_135 = arith.constant 8 : i32
    %mul3A_136 = vector.broadcast %mul3A_135 : i32 to vector<16xi32>
    %mul3A_137 = arith.muli %get3A_134, %mul3A_136 : vector<16xi32>
    %get3A_138 = arith.constant 16 : index
    %get3A_139 = tpu.vector_load %arg10[%get3A_138] {strides = array<i32>} : memref<80xi32, #tpu.memory_space<vmem>>, vector<16xi32>,
    %mul3A_140 = arith.constant 8 : i32
    %mul3A_141 = vector.broadcast %mul3A_140 : i32 to vector<16xi32>
    %mul3A_142 = arith.muli %get3A_139, %mul3A_141 : vector<16xi32>
    %add3A_143 = arith.constant 16 : i32
    %add3A_144 = vector.broadcast %add3A_143 : i32 to vector<16xi32>
    %add3A_145 = arith.addi %iota3A, %add3A_144 : vector<16xi32>
    %mul3A_146 = arith.constant 4 : i32
    %mul3A_147 = vector.broadcast %mul3A_146 : i32 to vector<16xi32>
    %mul3A_148 = arith.muli %add3A_145, %mul3A_147 : vector<16xi32>
    %add3A_149 = arith.constant 0 : i32
    %add3A_150 = vector.broadcast %add3A_149 : i32 to vector<16xi32>
    %add3A_151 = arith.addi %mul3A_137, %add3A_150 : vector<16xi32>
    %gather3A_152 = tpu.vector_load_idx %arg7[%add3A_151] : memref<80000xf32, #tpu.memory_space<vmem>>[vector<16xi32>], vector<16xf32>,
    %add3A_153 = arith.constant 4 : i32
    %add3A_154 = vector.broadcast %add3A_153 : i32 to vector<16xi32>
    %add3A_155 = arith.addi %mul3A_142, %add3A_154 : vector<16xi32>
    %gather3A_156 = tpu.vector_load_idx %arg7[%add3A_155] : memref<80000xf32, #tpu.memory_space<vmem>>[vector<16xi32>], vector<16xf32>,
    %add3A_157 = arith.addf %gather3A_152, %gather3A_156 : vector<16xf32>
    %ge3A_158 = arith.constant 0.000000e+00 : f32
    %ge3A_159 = vector.broadcast %ge3A_158 : f32 to vector<16xf32>
    %ge3A_160 = arith.cmpf oge, %add3A_157, %ge3A_159 : vector<16xf32>
    %mul3A_161 = arith.constant 2.000000e-01 : f32
    %mul3A_162 = vector.broadcast %mul3A_161 : f32 to vector<16xf32>
    %mul3A_163 = arith.mulf %add3A_157, %mul3A_162 : vector<16xf32>
    %select_n3A_164 = arith.select %ge3A_160, %add3A_157, %mul3A_163 : vector<16xi1>, vector<16xf32>
    %exp3A_165 = math.exp %select_n3A_164 : vector<16xf32>
    %add3A_166 = arith.constant 0 : i32
    %add3A_167 = vector.broadcast %add3A_166 : i32 to vector<16xi32>
    %add3A_168 = arith.addi %get3A_139, %add3A_167 : vector<16xi32>
    tpu.vector_store_idx %arg8[%add3A_168], %exp3A_165 {add = true} : memref<40960xf32, #tpu.memory_space<vmem>>[vector<16xi32>], vector<16xf32>,
    %add3A_169 = arith.constant 0 : i32
    %add3A_170 = vector.broadcast %add3A_169 : i32 to vector<16xi32>
    %add3A_171 = arith.addi %mul3A_148, %add3A_170 : vector<16xi32>
    tpu.vector_store_idx %arg11[%add3A_171], %exp3A_165 : memref<320xf32, #tpu.memory_space<vmem>>[vector<16xi32>], vector<16xf32>,
    %add3A_172 = arith.constant 1 : i32
    %add3A_173 = vector.broadcast %add3A_172 : i32 to vector<16xi32>
    %add3A_174 = arith.addi %mul3A_137, %add3A_173 : vector<16xi32>
    %gather3A_175 = tpu.vector_load_idx %arg7[%add3A_174] : memref<80000xf32, #tpu.memory_space<vmem>>[vector<16xi32>], vector<16xf32>,
    %add3A_176 = arith.constant 5 : i32
    %add3A_177 = vector.broadcast %add3A_176 : i32 to vector<16xi32>
    %add3A_178 = arith.addi %mul3A_142, %add3A_177 : vector<16xi32>
    %gather3A_179 = tpu.vector_load_idx %arg7[%add3A_178] : memref<80000xf32, #tpu.memory_space<vmem>>[vector<16xi32>], vector<16xf32>,
    %add3A_180 = arith.addf %gather3A_175, %gather3A_179 : vector<16xf32>
    %ge3A_181 = arith.constant 0.000000e+00 : f32
    %ge3A_182 = vector.broadcast %ge3A_181 : f32 to vector<16xf32>
    %ge3A_183 = arith.cmpf oge, %add3A_180, %ge3A_182 : vector<16xf32>
    %mul3A_184 = arith.constant 2.000000e-01 : f32
    %mul3A_185 = vector.broadcast %mul3A_184 : f32 to vector<16xf32>
    %mul3A_186 = arith.mulf %add3A_180, %mul3A_185 : vector<16xf32>
    %select_n3A_187 = arith.select %ge3A_183, %add3A_180, %mul3A_186 : vector<16xi1>, vector<16xf32>
    %exp3A_188 = math.exp %select_n3A_187 : vector<16xf32>
    %add3A_189 = arith.constant 10240 : i32
    %add3A_190 = vector.broadcast %add3A_189 : i32 to vector<16xi32>
    %add3A_191 = arith.addi %get3A_139, %add3A_190 : vector<16xi32>
    tpu.vector_store_idx %arg8[%add3A_191], %exp3A_188 {add = true} : memref<40960xf32, #tpu.memory_space<vmem>>[vector<16xi32>], vector<16xf32>,
    %add3A_192 = arith.constant 1 : i32
    %add3A_193 = vector.broadcast %add3A_192 : i32 to vector<16xi32>
    %add3A_194 = arith.addi %mul3A_148, %add3A_193 : vector<16xi32>
    tpu.vector_store_idx %arg11[%add3A_194], %exp3A_188 : memref<320xf32, #tpu.memory_space<vmem>>[vector<16xi32>], vector<16xf32>,
    %add3A_195 = arith.constant 2 : i32
    %add3A_196 = vector.broadcast %add3A_195 : i32 to vector<16xi32>
    %add3A_197 = arith.addi %mul3A_137, %add3A_196 : vector<16xi32>
    %gather3A_198 = tpu.vector_load_idx %arg7[%add3A_197] : memref<80000xf32, #tpu.memory_space<vmem>>[vector<16xi32>], vector<16xf32>,
    %add3A_199 = arith.constant 6 : i32
    %add3A_200 = vector.broadcast %add3A_199 : i32 to vector<16xi32>
    %add3A_201 = arith.addi %mul3A_142, %add3A_200 : vector<16xi32>
    %gather3A_202 = tpu.vector_load_idx %arg7[%add3A_201] : memref<80000xf32, #tpu.memory_space<vmem>>[vector<16xi32>], vector<16xf32>,
    %add3A_203 = arith.addf %gather3A_198, %gather3A_202 : vector<16xf32>
    %ge3A_204 = arith.constant 0.000000e+00 : f32
    %ge3A_205 = vector.broadcast %ge3A_204 : f32 to vector<16xf32>
    %ge3A_206 = arith.cmpf oge, %add3A_203, %ge3A_205 : vector<16xf32>
    %mul3A_207 = arith.constant 2.000000e-01 : f32
    %mul3A_208 = vector.broadcast %mul3A_207 : f32 to vector<16xf32>
    %mul3A_209 = arith.mulf %add3A_203, %mul3A_208 : vector<16xf32>
    %select_n3A_210 = arith.select %ge3A_206, %add3A_203, %mul3A_209 : vector<16xi1>, vector<16xf32>
    %exp3A_211 = math.exp %select_n3A_210 : vector<16xf32>
    %add3A_212 = arith.constant 20480 : i32
    %add3A_213 = vector.broadcast %add3A_212 : i32 to vector<16xi32>
    %add3A_214 = arith.addi %get3A_139, %add3A_213 : vector<16xi32>
    tpu.vector_store_idx %arg8[%add3A_214], %exp3A_211 {add = true} : memref<40960xf32, #tpu.memory_space<vmem>>[vector<16xi32>], vector<16xf32>,
    %add3A_215 = arith.constant 2 : i32
    %add3A_216 = vector.broadcast %add3A_215 : i32 to vector<16xi32>
    %add3A_217 = arith.addi %mul3A_148, %add3A_216 : vector<16xi32>
    tpu.vector_store_idx %arg11[%add3A_217], %exp3A_211 : memref<320xf32, #tpu.memory_space<vmem>>[vector<16xi32>], vector<16xf32>,
    %add3A_218 = arith.constant 3 : i32
    %add3A_219 = vector.broadcast %add3A_218 : i32 to vector<16xi32>
    %add3A_220 = arith.addi %mul3A_137, %add3A_219 : vector<16xi32>
    %gather3A_221 = tpu.vector_load_idx %arg7[%add3A_220] : memref<80000xf32, #tpu.memory_space<vmem>>[vector<16xi32>], vector<16xf32>,
    %add3A_222 = arith.constant 7 : i32
    %add3A_223 = vector.broadcast %add3A_222 : i32 to vector<16xi32>
    %add3A_224 = arith.addi %mul3A_142, %add3A_223 : vector<16xi32>
    %gather3A_225 = tpu.vector_load_idx %arg7[%add3A_224] : memref<80000xf32, #tpu.memory_space<vmem>>[vector<16xi32>], vector<16xf32>,
    %add3A_226 = arith.addf %gather3A_221, %gather3A_225 : vector<16xf32>
    %ge3A_227 = arith.constant 0.000000e+00 : f32
    %ge3A_228 = vector.broadcast %ge3A_227 : f32 to vector<16xf32>
    %ge3A_229 = arith.cmpf oge, %add3A_226, %ge3A_228 : vector<16xf32>
    %mul3A_230 = arith.constant 2.000000e-01 : f32
    %mul3A_231 = vector.broadcast %mul3A_230 : f32 to vector<16xf32>
    %mul3A_232 = arith.mulf %add3A_226, %mul3A_231 : vector<16xf32>
    %select_n3A_233 = arith.select %ge3A_229, %add3A_226, %mul3A_232 : vector<16xi1>, vector<16xf32>
    %exp3A_234 = math.exp %select_n3A_233 : vector<16xf32>
    %add3A_235 = arith.constant 30720 : i32
    %add3A_236 = vector.broadcast %add3A_235 : i32 to vector<16xi32>
    %add3A_237 = arith.addi %get3A_139, %add3A_236 : vector<16xi32>
    tpu.vector_store_idx %arg8[%add3A_237], %exp3A_234 {add = true} : memref<40960xf32, #tpu.memory_space<vmem>>[vector<16xi32>], vector<16xf32>,
    %add3A_238 = arith.constant 3 : i32
    %add3A_239 = vector.broadcast %add3A_238 : i32 to vector<16xi32>
    %add3A_240 = arith.addi %mul3A_148, %add3A_239 : vector<16xi32>
    tpu.vector_store_idx %arg11[%add3A_240], %exp3A_234 : memref<320xf32, #tpu.memory_space<vmem>>[vector<16xi32>], vector<16xf32>,
    %get3A_241 = arith.constant 32 : index
    %get3A_242 = tpu.vector_load %arg9[%get3A_241] {strides = array<i32>} : memref<80xi32, #tpu.memory_space<vmem>>, vector<16xi32>,
    %mul3A_243 = arith.constant 8 : i32
    %mul3A_244 = vector.broadcast %mul3A_243 : i32 to vector<16xi32>
    %mul3A_245 = arith.muli %get3A_242, %mul3A_244 : vector<16xi32>
    %get3A_246 = arith.constant 32 : index
    %get3A_247 = tpu.vector_load %arg10[%get3A_246] {strides = array<i32>} : memref<80xi32, #tpu.memory_space<vmem>>, vector<16xi32>,
    %mul3A_248 = arith.constant 8 : i32
    %mul3A_249 = vector.broadcast %mul3A_248 : i32 to vector<16xi32>
    %mul3A_250 = arith.muli %get3A_247, %mul3A_249 : vector<16xi32>
    %add3A_251 = arith.constant 32 : i32
    %add3A_252 = vector.broadcast %add3A_251 : i32 to vector<16xi32>
    %add3A_253 = arith.addi %iota3A, %add3A_252 : vector<16xi32>
    %mul3A_254 = arith.constant 4 : i32
    %mul3A_255 = vector.broadcast %mul3A_254 : i32 to vector<16xi32>
    %mul3A_256 = arith.muli %add3A_253, %mul3A_255 : vector<16xi32>
    %add3A_257 = arith.constant 0 : i32
    %add3A_258 = vector.broadcast %add3A_257 : i32 to vector<16xi32>
    %add3A_259 = arith.addi %mul3A_245, %add3A_258 : vector<16xi32>
    %gather3A_260 = tpu.vector_load_idx %arg7[%add3A_259] : memref<80000xf32, #tpu.memory_space<vmem>>[vector<16xi32>], vector<16xf32>,
    %add3A_261 = arith.constant 4 : i32
    %add3A_262 = vector.broadcast %add3A_261 : i32 to vector<16xi32>
    %add3A_263 = arith.addi %mul3A_250, %add3A_262 : vector<16xi32>
    %gather3A_264 = tpu.vector_load_idx %arg7[%add3A_263] : memref<80000xf32, #tpu.memory_space<vmem>>[vector<16xi32>], vector<16xf32>,
    %add3A_265 = arith.addf %gather3A_260, %gather3A_264 : vector<16xf32>
    %ge3A_266 = arith.constant 0.000000e+00 : f32
    %ge3A_267 = vector.broadcast %ge3A_266 : f32 to vector<16xf32>
    %ge3A_268 = arith.cmpf oge, %add3A_265, %ge3A_267 : vector<16xf32>
    %mul3A_269 = arith.constant 2.000000e-01 : f32
    %mul3A_270 = vector.broadcast %mul3A_269 : f32 to vector<16xf32>
    %mul3A_271 = arith.mulf %add3A_265, %mul3A_270 : vector<16xf32>
    %select_n3A_272 = arith.select %ge3A_268, %add3A_265, %mul3A_271 : vector<16xi1>, vector<16xf32>
    %exp3A_273 = math.exp %select_n3A_272 : vector<16xf32>
    %add3A_274 = arith.constant 0 : i32
    %add3A_275 = vector.broadcast %add3A_274 : i32 to vector<16xi32>
    %add3A_276 = arith.addi %get3A_247, %add3A_275 : vector<16xi32>
    tpu.vector_store_idx %arg8[%add3A_276], %exp3A_273 {add = true} : memref<40960xf32, #tpu.memory_space<vmem>>[vector<16xi32>], vector<16xf32>,
    %add3A_277 = arith.constant 0 : i32
    %add3A_278 = vector.broadcast %add3A_277 : i32 to vector<16xi32>
    %add3A_279 = arith.addi %mul3A_256, %add3A_278 : vector<16xi32>
    tpu.vector_store_idx %arg11[%add3A_279], %exp3A_273 : memref<320xf32, #tpu.memory_space<vmem>>[vector<16xi32>], vector<16xf32>,
    %add3A_280 = arith.constant 1 : i32
    %add3A_281 = vector.broadcast %add3A_280 : i32 to vector<16xi32>
    %add3A_282 = arith.addi %mul3A_245, %add3A_281 : vector<16xi32>
    %gather3A_283 = tpu.vector_load_idx %arg7[%add3A_282] : memref<80000xf32, #tpu.memory_space<vmem>>[vector<16xi32>], vector<16xf32>,
    %add3A_284 = arith.constant 5 : i32
    %add3A_285 = vector.broadcast %add3A_284 : i32 to vector<16xi32>
    %add3A_286 = arith.addi %mul3A_250, %add3A_285 : vector<16xi32>
    %gather3A_287 = tpu.vector_load_idx %arg7[%add3A_286] : memref<80000xf32, #tpu.memory_space<vmem>>[vector<16xi32>], vector<16xf32>,
    %add3A_288 = arith.addf %gather3A_283, %gather3A_287 : vector<16xf32>
    %ge3A_289 = arith.constant 0.000000e+00 : f32
    %ge3A_290 = vector.broadcast %ge3A_289 : f32 to vector<16xf32>
    %ge3A_291 = arith.cmpf oge, %add3A_288, %ge3A_290 : vector<16xf32>
    %mul3A_292 = arith.constant 2.000000e-01 : f32
    %mul3A_293 = vector.broadcast %mul3A_292 : f32 to vector<16xf32>
    %mul3A_294 = arith.mulf %add3A_288, %mul3A_293 : vector<16xf32>
    %select_n3A_295 = arith.select %ge3A_291, %add3A_288, %mul3A_294 : vector<16xi1>, vector<16xf32>
    %exp3A_296 = math.exp %select_n3A_295 : vector<16xf32>
    %add3A_297 = arith.constant 10240 : i32
    %add3A_298 = vector.broadcast %add3A_297 : i32 to vector<16xi32>
    %add3A_299 = arith.addi %get3A_247, %add3A_298 : vector<16xi32>
    tpu.vector_store_idx %arg8[%add3A_299], %exp3A_296 {add = true} : memref<40960xf32, #tpu.memory_space<vmem>>[vector<16xi32>], vector<16xf32>,
    %add3A_300 = arith.constant 1 : i32
    %add3A_301 = vector.broadcast %add3A_300 : i32 to vector<16xi32>
    %add3A_302 = arith.addi %mul3A_256, %add3A_301 : vector<16xi32>
    tpu.vector_store_idx %arg11[%add3A_302], %exp3A_296 : memref<320xf32, #tpu.memory_space<vmem>>[vector<16xi32>], vector<16xf32>,
    %add3A_303 = arith.constant 2 : i32
    %add3A_304 = vector.broadcast %add3A_303 : i32 to vector<16xi32>
    %add3A_305 = arith.addi %mul3A_245, %add3A_304 : vector<16xi32>
    %gather3A_306 = tpu.vector_load_idx %arg7[%add3A_305] : memref<80000xf32, #tpu.memory_space<vmem>>[vector<16xi32>], vector<16xf32>,
    %add3A_307 = arith.constant 6 : i32
    %add3A_308 = vector.broadcast %add3A_307 : i32 to vector<16xi32>
    %add3A_309 = arith.addi %mul3A_250, %add3A_308 : vector<16xi32>
    %gather3A_310 = tpu.vector_load_idx %arg7[%add3A_309] : memref<80000xf32, #tpu.memory_space<vmem>>[vector<16xi32>], vector<16xf32>,
    %add3A_311 = arith.addf %gather3A_306, %gather3A_310 : vector<16xf32>
    %ge3A_312 = arith.constant 0.000000e+00 : f32
    %ge3A_313 = vector.broadcast %ge3A_312 : f32 to vector<16xf32>
    %ge3A_314 = arith.cmpf oge, %add3A_311, %ge3A_313 : vector<16xf32>
    %mul3A_315 = arith.constant 2.000000e-01 : f32
    %mul3A_316 = vector.broadcast %mul3A_315 : f32 to vector<16xf32>
    %mul3A_317 = arith.mulf %add3A_311, %mul3A_316 : vector<16xf32>
    %select_n3A_318 = arith.select %ge3A_314, %add3A_311, %mul3A_317 : vector<16xi1>, vector<16xf32>
    %exp3A_319 = math.exp %select_n3A_318 : vector<16xf32>
    %add3A_320 = arith.constant 20480 : i32
    %add3A_321 = vector.broadcast %add3A_320 : i32 to vector<16xi32>
    %add3A_322 = arith.addi %get3A_247, %add3A_321 : vector<16xi32>
    tpu.vector_store_idx %arg8[%add3A_322], %exp3A_319 {add = true} : memref<40960xf32, #tpu.memory_space<vmem>>[vector<16xi32>], vector<16xf32>,
    %add3A_323 = arith.constant 2 : i32
    %add3A_324 = vector.broadcast %add3A_323 : i32 to vector<16xi32>
    %add3A_325 = arith.addi %mul3A_256, %add3A_324 : vector<16xi32>
    tpu.vector_store_idx %arg11[%add3A_325], %exp3A_319 : memref<320xf32, #tpu.memory_space<vmem>>[vector<16xi32>], vector<16xf32>,
    %add3A_326 = arith.constant 3 : i32
    %add3A_327 = vector.broadcast %add3A_326 : i32 to vector<16xi32>
    %add3A_328 = arith.addi %mul3A_245, %add3A_327 : vector<16xi32>
    %gather3A_329 = tpu.vector_load_idx %arg7[%add3A_328] : memref<80000xf32, #tpu.memory_space<vmem>>[vector<16xi32>], vector<16xf32>,
    %add3A_330 = arith.constant 7 : i32
    %add3A_331 = vector.broadcast %add3A_330 : i32 to vector<16xi32>
    %add3A_332 = arith.addi %mul3A_250, %add3A_331 : vector<16xi32>
    %gather3A_333 = tpu.vector_load_idx %arg7[%add3A_332] : memref<80000xf32, #tpu.memory_space<vmem>>[vector<16xi32>], vector<16xf32>,
    %add3A_334 = arith.addf %gather3A_329, %gather3A_333 : vector<16xf32>
    %ge3A_335 = arith.constant 0.000000e+00 : f32
    %ge3A_336 = vector.broadcast %ge3A_335 : f32 to vector<16xf32>
    %ge3A_337 = arith.cmpf oge, %add3A_334, %ge3A_336 : vector<16xf32>
    %mul3A_338 = arith.constant 2.000000e-01 : f32
    %mul3A_339 = vector.broadcast %mul3A_338 : f32 to vector<16xf32>
    %mul3A_340 = arith.mulf %add3A_334, %mul3A_339 : vector<16xf32>
    %select_n3A_341 = arith.select %ge3A_337, %add3A_334, %mul3A_340 : vector<16xi1>, vector<16xf32>
    %exp3A_342 = math.exp %select_n3A_341 : vector<16xf32>
    %add3A_343 = arith.constant 30720 : i32
    %add3A_344 = vector.broadcast %add3A_343 : i32 to vector<16xi32>
    %add3A_345 = arith.addi %get3A_247, %add3A_344 : vector<16xi32>
    tpu.vector_store_idx %arg8[%add3A_345], %exp3A_342 {add = true} : memref<40960xf32, #tpu.memory_space<vmem>>[vector<16xi32>], vector<16xf32>,
    %add3A_346 = arith.constant 3 : i32
    %add3A_347 = vector.broadcast %add3A_346 : i32 to vector<16xi32>
    %add3A_348 = arith.addi %mul3A_256, %add3A_347 : vector<16xi32>
    tpu.vector_store_idx %arg11[%add3A_348], %exp3A_342 : memref<320xf32, #tpu.memory_space<vmem>>[vector<16xi32>], vector<16xf32>,
    %get3A_349 = arith.constant 48 : index
    %get3A_350 = tpu.vector_load %arg9[%get3A_349] {strides = array<i32>} : memref<80xi32, #tpu.memory_space<vmem>>, vector<16xi32>,
    %mul3A_351 = arith.constant 8 : i32
    %mul3A_352 = vector.broadcast %mul3A_351 : i32 to vector<16xi32>
    %mul3A_353 = arith.muli %get3A_350, %mul3A_352 : vector<16xi32>
    %get3A_354 = arith.constant 48 : index
    %get3A_355 = tpu.vector_load %arg10[%get3A_354] {strides = array<i32>} : memref<80xi32, #tpu.memory_space<vmem>>, vector<16xi32>,
    %mul3A_356 = arith.constant 8 : i32
    %mul3A_357 = vector.broadcast %mul3A_356 : i32 to vector<16xi32>
    %mul3A_358 = arith.muli %get3A_355, %mul3A_357 : vector<16xi32>
    %add3A_359 = arith.constant 48 : i32
    %add3A_360 = vector.broadcast %add3A_359 : i32 to vector<16xi32>
    %add3A_361 = arith.addi %iota3A, %add3A_360 : vector<16xi32>
    %mul3A_362 = arith.constant 4 : i32
    %mul3A_363 = vector.broadcast %mul3A_362 : i32 to vector<16xi32>
    %mul3A_364 = arith.muli %add3A_361, %mul3A_363 : vector<16xi32>
    %add3A_365 = arith.constant 0 : i32
    %add3A_366 = vector.broadcast %add3A_365 : i32 to vector<16xi32>
    %add3A_367 = arith.addi %mul3A_353, %add3A_366 : vector<16xi32>
    %gather3A_368 = tpu.vector_load_idx %arg7[%add3A_367] : memref<80000xf32, #tpu.memory_space<vmem>>[vector<16xi32>], vector<16xf32>,
    %add3A_369 = arith.constant 4 : i32
    %add3A_370 = vector.broadcast %add3A_369 : i32 to vector<16xi32>
    %add3A_371 = arith.addi %mul3A_358, %add3A_370 : vector<16xi32>
    %gather3A_372 = tpu.vector_load_idx %arg7[%add3A_371] : memref<80000xf32, #tpu.memory_space<vmem>>[vector<16xi32>], vector<16xf32>,
    %add3A_373 = arith.addf %gather3A_368, %gather3A_372 : vector<16xf32>
    %ge3A_374 = arith.constant 0.000000e+00 : f32
    %ge3A_375 = vector.broadcast %ge3A_374 : f32 to vector<16xf32>
    %ge3A_376 = arith.cmpf oge, %add3A_373, %ge3A_375 : vector<16xf32>
    %mul3A_377 = arith.constant 2.000000e-01 : f32
    %mul3A_378 = vector.broadcast %mul3A_377 : f32 to vector<16xf32>
    %mul3A_379 = arith.mulf %add3A_373, %mul3A_378 : vector<16xf32>
    %select_n3A_380 = arith.select %ge3A_376, %add3A_373, %mul3A_379 : vector<16xi1>, vector<16xf32>
    %exp3A_381 = math.exp %select_n3A_380 : vector<16xf32>
    %add3A_382 = arith.constant 0 : i32
    %add3A_383 = vector.broadcast %add3A_382 : i32 to vector<16xi32>
    %add3A_384 = arith.addi %get3A_355, %add3A_383 : vector<16xi32>
    tpu.vector_store_idx %arg8[%add3A_384], %exp3A_381 {add = true} : memref<40960xf32, #tpu.memory_space<vmem>>[vector<16xi32>], vector<16xf32>,
    %add3A_385 = arith.constant 0 : i32
    %add3A_386 = vector.broadcast %add3A_385 : i32 to vector<16xi32>
    %add3A_387 = arith.addi %mul3A_364, %add3A_386 : vector<16xi32>
    tpu.vector_store_idx %arg11[%add3A_387], %exp3A_381 : memref<320xf32, #tpu.memory_space<vmem>>[vector<16xi32>], vector<16xf32>,
    %add3A_388 = arith.constant 1 : i32
    %add3A_389 = vector.broadcast %add3A_388 : i32 to vector<16xi32>
    %add3A_390 = arith.addi %mul3A_353, %add3A_389 : vector<16xi32>
    %gather3A_391 = tpu.vector_load_idx %arg7[%add3A_390] : memref<80000xf32, #tpu.memory_space<vmem>>[vector<16xi32>], vector<16xf32>,
    %add3A_392 = arith.constant 5 : i32
    %add3A_393 = vector.broadcast %add3A_392 : i32 to vector<16xi32>
    %add3A_394 = arith.addi %mul3A_358, %add3A_393 : vector<16xi32>
    %gather3A_395 = tpu.vector_load_idx %arg7[%add3A_394] : memref<80000xf32, #tpu.memory_space<vmem>>[vector<16xi32>], vector<16xf32>,
    %add3A_396 = arith.addf %gather3A_391, %gather3A_395 : vector<16xf32>
    %ge3A_397 = arith.constant 0.000000e+00 : f32
    %ge3A_398 = vector.broadcast %ge3A_397 : f32 to vector<16xf32>
    %ge3A_399 = arith.cmpf oge, %add3A_396, %ge3A_398 : vector<16xf32>
    %mul3A_400 = arith.constant 2.000000e-01 : f32
    %mul3A_401 = vector.broadcast %mul3A_400 : f32 to vector<16xf32>
    %mul3A_402 = arith.mulf %add3A_396, %mul3A_401 : vector<16xf32>
    %select_n3A_403 = arith.select %ge3A_399, %add3A_396, %mul3A_402 : vector<16xi1>, vector<16xf32>
    %exp3A_404 = math.exp %select_n3A_403 : vector<16xf32>
    %add3A_405 = arith.constant 10240 : i32
    %add3A_406 = vector.broadcast %add3A_405 : i32 to vector<16xi32>
    %add3A_407 = arith.addi %get3A_355, %add3A_406 : vector<16xi32>
    tpu.vector_store_idx %arg8[%add3A_407], %exp3A_404 {add = true} : memref<40960xf32, #tpu.memory_space<vmem>>[vector<16xi32>], vector<16xf32>,
    %add3A_408 = arith.constant 1 : i32
    %add3A_409 = vector.broadcast %add3A_408 : i32 to vector<16xi32>
    %add3A_410 = arith.addi %mul3A_364, %add3A_409 : vector<16xi32>
    tpu.vector_store_idx %arg11[%add3A_410], %exp3A_404 : memref<320xf32, #tpu.memory_space<vmem>>[vector<16xi32>], vector<16xf32>,
    %add3A_411 = arith.constant 2 : i32
    %add3A_412 = vector.broadcast %add3A_411 : i32 to vector<16xi32>
    %add3A_413 = arith.addi %mul3A_353, %add3A_412 : vector<16xi32>
    %gather3A_414 = tpu.vector_load_idx %arg7[%add3A_413] : memref<80000xf32, #tpu.memory_space<vmem>>[vector<16xi32>], vector<16xf32>,
    %add3A_415 = arith.constant 6 : i32
    %add3A_416 = vector.broadcast %add3A_415 : i32 to vector<16xi32>
    %add3A_417 = arith.addi %mul3A_358, %add3A_416 : vector<16xi32>
    %gather3A_418 = tpu.vector_load_idx %arg7[%add3A_417] : memref<80000xf32, #tpu.memory_space<vmem>>[vector<16xi32>], vector<16xf32>,
    %add3A_419 = arith.addf %gather3A_414, %gather3A_418 : vector<16xf32>
    %ge3A_420 = arith.constant 0.000000e+00 : f32
    %ge3A_421 = vector.broadcast %ge3A_420 : f32 to vector<16xf32>
    %ge3A_422 = arith.cmpf oge, %add3A_419, %ge3A_421 : vector<16xf32>
    %mul3A_423 = arith.constant 2.000000e-01 : f32
    %mul3A_424 = vector.broadcast %mul3A_423 : f32 to vector<16xf32>
    %mul3A_425 = arith.mulf %add3A_419, %mul3A_424 : vector<16xf32>
    %select_n3A_426 = arith.select %ge3A_422, %add3A_419, %mul3A_425 : vector<16xi1>, vector<16xf32>
    %exp3A_427 = math.exp %select_n3A_426 : vector<16xf32>
    %add3A_428 = arith.constant 20480 : i32
    %add3A_429 = vector.broadcast %add3A_428 : i32 to vector<16xi32>
    %add3A_430 = arith.addi %get3A_355, %add3A_429 : vector<16xi32>
    tpu.vector_store_idx %arg8[%add3A_430], %exp3A_427 {add = true} : memref<40960xf32, #tpu.memory_space<vmem>>[vector<16xi32>], vector<16xf32>,
    %add3A_431 = arith.constant 2 : i32
    %add3A_432 = vector.broadcast %add3A_431 : i32 to vector<16xi32>
    %add3A_433 = arith.addi %mul3A_364, %add3A_432 : vector<16xi32>
    tpu.vector_store_idx %arg11[%add3A_433], %exp3A_427 : memref<320xf32, #tpu.memory_space<vmem>>[vector<16xi32>], vector<16xf32>,
    %add3A_434 = arith.constant 3 : i32
    %add3A_435 = vector.broadcast %add3A_434 : i32 to vector<16xi32>
    %add3A_436 = arith.addi %mul3A_353, %add3A_435 : vector<16xi32>
    %gather3A_437 = tpu.vector_load_idx %arg7[%add3A_436] : memref<80000xf32, #tpu.memory_space<vmem>>[vector<16xi32>], vector<16xf32>,
    %add3A_438 = arith.constant 7 : i32
    %add3A_439 = vector.broadcast %add3A_438 : i32 to vector<16xi32>
    %add3A_440 = arith.addi %mul3A_358, %add3A_439 : vector<16xi32>
    %gather3A_441 = tpu.vector_load_idx %arg7[%add3A_440] : memref<80000xf32, #tpu.memory_space<vmem>>[vector<16xi32>], vector<16xf32>,
    %add3A_442 = arith.addf %gather3A_437, %gather3A_441 : vector<16xf32>
    %ge3A_443 = arith.constant 0.000000e+00 : f32
    %ge3A_444 = vector.broadcast %ge3A_443 : f32 to vector<16xf32>
    %ge3A_445 = arith.cmpf oge, %add3A_442, %ge3A_444 : vector<16xf32>
    %mul3A_446 = arith.constant 2.000000e-01 : f32
    %mul3A_447 = vector.broadcast %mul3A_446 : f32 to vector<16xf32>
    %mul3A_448 = arith.mulf %add3A_442, %mul3A_447 : vector<16xf32>
    %select_n3A_449 = arith.select %ge3A_445, %add3A_442, %mul3A_448 : vector<16xi1>, vector<16xf32>
    %exp3A_450 = math.exp %select_n3A_449 : vector<16xf32>
    %add3A_451 = arith.constant 30720 : i32
    %add3A_452 = vector.broadcast %add3A_451 : i32 to vector<16xi32>
    %add3A_453 = arith.addi %get3A_355, %add3A_452 : vector<16xi32>
    tpu.vector_store_idx %arg8[%add3A_453], %exp3A_450 {add = true} : memref<40960xf32, #tpu.memory_space<vmem>>[vector<16xi32>], vector<16xf32>,
    %add3A_454 = arith.constant 3 : i32
    %add3A_455 = vector.broadcast %add3A_454 : i32 to vector<16xi32>
    %add3A_456 = arith.addi %mul3A_364, %add3A_455 : vector<16xi32>
    tpu.vector_store_idx %arg11[%add3A_456], %exp3A_450 : memref<320xf32, #tpu.memory_space<vmem>>[vector<16xi32>], vector<16xf32>,
    %get3A_457 = arith.constant 64 : index
    %get3A_458 = tpu.vector_load %arg9[%get3A_457] {strides = array<i32>} : memref<80xi32, #tpu.memory_space<vmem>>, vector<16xi32>,
    %mul3A_459 = arith.constant 8 : i32
    %mul3A_460 = vector.broadcast %mul3A_459 : i32 to vector<16xi32>
    %mul3A_461 = arith.muli %get3A_458, %mul3A_460 : vector<16xi32>
    %get3A_462 = arith.constant 64 : index
    %get3A_463 = tpu.vector_load %arg10[%get3A_462] {strides = array<i32>} : memref<80xi32, #tpu.memory_space<vmem>>, vector<16xi32>,
    %mul3A_464 = arith.constant 8 : i32
    %mul3A_465 = vector.broadcast %mul3A_464 : i32 to vector<16xi32>
    %mul3A_466 = arith.muli %get3A_463, %mul3A_465 : vector<16xi32>
    %add3A_467 = arith.constant 64 : i32
    %add3A_468 = vector.broadcast %add3A_467 : i32 to vector<16xi32>
    %add3A_469 = arith.addi %iota3A, %add3A_468 : vector<16xi32>
    %mul3A_470 = arith.constant 4 : i32
    %mul3A_471 = vector.broadcast %mul3A_470 : i32 to vector<16xi32>
    %mul3A_472 = arith.muli %add3A_469, %mul3A_471 : vector<16xi32>
    %add3A_473 = arith.constant 0 : i32
    %add3A_474 = vector.broadcast %add3A_473 : i32 to vector<16xi32>
    %add3A_475 = arith.addi %mul3A_461, %add3A_474 : vector<16xi32>
    %gather3A_476 = tpu.vector_load_idx %arg7[%add3A_475] : memref<80000xf32, #tpu.memory_space<vmem>>[vector<16xi32>], vector<16xf32>,
    %add3A_477 = arith.constant 4 : i32
    %add3A_478 = vector.broadcast %add3A_477 : i32 to vector<16xi32>
    %add3A_479 = arith.addi %mul3A_466, %add3A_478 : vector<16xi32>
    %gather3A_480 = tpu.vector_load_idx %arg7[%add3A_479] : memref<80000xf32, #tpu.memory_space<vmem>>[vector<16xi32>], vector<16xf32>,
    %add3A_481 = arith.addf %gather3A_476, %gather3A_480 : vector<16xf32>
    %ge3A_482 = arith.constant 0.000000e+00 : f32
    %ge3A_483 = vector.broadcast %ge3A_482 : f32 to vector<16xf32>
    %ge3A_484 = arith.cmpf oge, %add3A_481, %ge3A_483 : vector<16xf32>
    %mul3A_485 = arith.constant 2.000000e-01 : f32
    %mul3A_486 = vector.broadcast %mul3A_485 : f32 to vector<16xf32>
    %mul3A_487 = arith.mulf %add3A_481, %mul3A_486 : vector<16xf32>
    %select_n3A_488 = arith.select %ge3A_484, %add3A_481, %mul3A_487 : vector<16xi1>, vector<16xf32>
    %exp3A_489 = math.exp %select_n3A_488 : vector<16xf32>
    %add3A_490 = arith.constant 0 : i32
    %add3A_491 = vector.broadcast %add3A_490 : i32 to vector<16xi32>
    %add3A_492 = arith.addi %get3A_463, %add3A_491 : vector<16xi32>
    tpu.vector_store_idx %arg8[%add3A_492], %exp3A_489 {add = true} : memref<40960xf32, #tpu.memory_space<vmem>>[vector<16xi32>], vector<16xf32>,
    %add3A_493 = arith.constant 0 : i32
    %add3A_494 = vector.broadcast %add3A_493 : i32 to vector<16xi32>
    %add3A_495 = arith.addi %mul3A_472, %add3A_494 : vector<16xi32>
    tpu.vector_store_idx %arg11[%add3A_495], %exp3A_489 : memref<320xf32, #tpu.memory_space<vmem>>[vector<16xi32>], vector<16xf32>,
    %add3A_496 = arith.constant 1 : i32
    %add3A_497 = vector.broadcast %add3A_496 : i32 to vector<16xi32>
    %add3A_498 = arith.addi %mul3A_461, %add3A_497 : vector<16xi32>
    %gather3A_499 = tpu.vector_load_idx %arg7[%add3A_498] : memref<80000xf32, #tpu.memory_space<vmem>>[vector<16xi32>], vector<16xf32>,
    %add3A_500 = arith.constant 5 : i32
    %add3A_501 = vector.broadcast %add3A_500 : i32 to vector<16xi32>
    %add3A_502 = arith.addi %mul3A_466, %add3A_501 : vector<16xi32>
    %gather3A_503 = tpu.vector_load_idx %arg7[%add3A_502] : memref<80000xf32, #tpu.memory_space<vmem>>[vector<16xi32>], vector<16xf32>,
    %add3A_504 = arith.addf %gather3A_499, %gather3A_503 : vector<16xf32>
    %ge3A_505 = arith.constant 0.000000e+00 : f32
    %ge3A_506 = vector.broadcast %ge3A_505 : f32 to vector<16xf32>
    %ge3A_507 = arith.cmpf oge, %add3A_504, %ge3A_506 : vector<16xf32>
    %mul3A_508 = arith.constant 2.000000e-01 : f32
    %mul3A_509 = vector.broadcast %mul3A_508 : f32 to vector<16xf32>
    %mul3A_510 = arith.mulf %add3A_504, %mul3A_509 : vector<16xf32>
    %select_n3A_511 = arith.select %ge3A_507, %add3A_504, %mul3A_510 : vector<16xi1>, vector<16xf32>
    %exp3A_512 = math.exp %select_n3A_511 : vector<16xf32>
    %add3A_513 = arith.constant 10240 : i32
    %add3A_514 = vector.broadcast %add3A_513 : i32 to vector<16xi32>
    %add3A_515 = arith.addi %get3A_463, %add3A_514 : vector<16xi32>
    tpu.vector_store_idx %arg8[%add3A_515], %exp3A_512 {add = true} : memref<40960xf32, #tpu.memory_space<vmem>>[vector<16xi32>], vector<16xf32>,
    %add3A_516 = arith.constant 1 : i32
    %add3A_517 = vector.broadcast %add3A_516 : i32 to vector<16xi32>
    %add3A_518 = arith.addi %mul3A_472, %add3A_517 : vector<16xi32>
    tpu.vector_store_idx %arg11[%add3A_518], %exp3A_512 : memref<320xf32, #tpu.memory_space<vmem>>[vector<16xi32>], vector<16xf32>,
    %add3A_519 = arith.constant 2 : i32
    %add3A_520 = vector.broadcast %add3A_519 : i32 to vector<16xi32>
    %add3A_521 = arith.addi %mul3A_461, %add3A_520 : vector<16xi32>
    %gather3A_522 = tpu.vector_load_idx %arg7[%add3A_521] : memref<80000xf32, #tpu.memory_space<vmem>>[vector<16xi32>], vector<16xf32>,
    %add3A_523 = arith.constant 6 : i32
    %add3A_524 = vector.broadcast %add3A_523 : i32 to vector<16xi32>
    %add3A_525 = arith.addi %mul3A_466, %add3A_524 : vector<16xi32>
    %gather3A_526 = tpu.vector_load_idx %arg7[%add3A_525] : memref<80000xf32, #tpu.memory_space<vmem>>[vector<16xi32>], vector<16xf32>,
    %add3A_527 = arith.addf %gather3A_522, %gather3A_526 : vector<16xf32>
    %ge3A_528 = arith.constant 0.000000e+00 : f32
    %ge3A_529 = vector.broadcast %ge3A_528 : f32 to vector<16xf32>
    %ge3A_530 = arith.cmpf oge, %add3A_527, %ge3A_529 : vector<16xf32>
    %mul3A_531 = arith.constant 2.000000e-01 : f32
    %mul3A_532 = vector.broadcast %mul3A_531 : f32 to vector<16xf32>
    %mul3A_533 = arith.mulf %add3A_527, %mul3A_532 : vector<16xf32>
    %select_n3A_534 = arith.select %ge3A_530, %add3A_527, %mul3A_533 : vector<16xi1>, vector<16xf32>
    %exp3A_535 = math.exp %select_n3A_534 : vector<16xf32>
    %add3A_536 = arith.constant 20480 : i32
    %add3A_537 = vector.broadcast %add3A_536 : i32 to vector<16xi32>
    %add3A_538 = arith.addi %get3A_463, %add3A_537 : vector<16xi32>
    tpu.vector_store_idx %arg8[%add3A_538], %exp3A_535 {add = true} : memref<40960xf32, #tpu.memory_space<vmem>>[vector<16xi32>], vector<16xf32>,
    %add3A_539 = arith.constant 2 : i32
    %add3A_540 = vector.broadcast %add3A_539 : i32 to vector<16xi32>
    %add3A_541 = arith.addi %mul3A_472, %add3A_540 : vector<16xi32>
    tpu.vector_store_idx %arg11[%add3A_541], %exp3A_535 : memref<320xf32, #tpu.memory_space<vmem>>[vector<16xi32>], vector<16xf32>,
    %add3A_542 = arith.constant 3 : i32
    %add3A_543 = vector.broadcast %add3A_542 : i32 to vector<16xi32>
    %add3A_544 = arith.addi %mul3A_461, %add3A_543 : vector<16xi32>
    %gather3A_545 = tpu.vector_load_idx %arg7[%add3A_544] : memref<80000xf32, #tpu.memory_space<vmem>>[vector<16xi32>], vector<16xf32>,
    %add3A_546 = arith.constant 7 : i32
    %add3A_547 = vector.broadcast %add3A_546 : i32 to vector<16xi32>
    %add3A_548 = arith.addi %mul3A_466, %add3A_547 : vector<16xi32>
    %gather3A_549 = tpu.vector_load_idx %arg7[%add3A_548] : memref<80000xf32, #tpu.memory_space<vmem>>[vector<16xi32>], vector<16xf32>,
    %add3A_550 = arith.addf %gather3A_545, %gather3A_549 : vector<16xf32>
    %ge3A_551 = arith.constant 0.000000e+00 : f32
    %ge3A_552 = vector.broadcast %ge3A_551 : f32 to vector<16xf32>
    %ge3A_553 = arith.cmpf oge, %add3A_550, %ge3A_552 : vector<16xf32>
    %mul3A_554 = arith.constant 2.000000e-01 : f32
    %mul3A_555 = vector.broadcast %mul3A_554 : f32 to vector<16xf32>
    %mul3A_556 = arith.mulf %add3A_550, %mul3A_555 : vector<16xf32>
    %select_n3A_557 = arith.select %ge3A_553, %add3A_550, %mul3A_556 : vector<16xi1>, vector<16xf32>
    %exp3A_558 = math.exp %select_n3A_557 : vector<16xf32>
    %add3A_559 = arith.constant 30720 : i32
    %add3A_560 = vector.broadcast %add3A_559 : i32 to vector<16xi32>
    %add3A_561 = arith.addi %get3A_463, %add3A_560 : vector<16xi32>
    tpu.vector_store_idx %arg8[%add3A_561], %exp3A_558 {add = true} : memref<40960xf32, #tpu.memory_space<vmem>>[vector<16xi32>], vector<16xf32>,
    %add3A_562 = arith.constant 3 : i32
    %add3A_563 = vector.broadcast %add3A_562 : i32 to vector<16xi32>
    %add3A_564 = arith.addi %mul3A_472, %add3A_563 : vector<16xi32>
    tpu.vector_store_idx %arg11[%add3A_564], %exp3A_558 : memref<320xf32, #tpu.memory_space<vmem>>[vector<16xi32>], vector<16xf32>,
    %mul3A_565 = arith.constant 4 : i32
    %mul3A_566 = arith.muli %add3A_26, %mul3A_565 : i32
    "tpu.region"() ({
      %run_scoped3A = tpu.sem_alloc : memref<!tpu.dma_semaphore, #tpu.memory_space<semaphore_mem>>
      %dma_start3A_567 = tpu.memref_slice %arg5[%mul3A_566] : memref<1280000xf32, #tpu.memory_space<hbm>> -> memref<320xf32, #tpu.memory_space<hbm>>
      %dma_start3A_568 = tpu.memref_slice %arg5[%mul3A_566] : memref<1280000xf32, #tpu.memory_space<hbm>> -> memref<320xf32, #tpu.memory_space<hbm>>
      tpu.enqueue_dma source(%arg11 : memref<320xf32, #tpu.memory_space<vmem>>) target(%dma_start3A_568 : memref<320xf32, #tpu.memory_space<hbm>>) target_semaphore(%run_scoped3A : memref<!tpu.dma_semaphore, #tpu.memory_space<semaphore_mem>>)
      %dma_wait3A_569 = tpu.memref_slice %arg5[%mul3A_566] : memref<1280000xf32, #tpu.memory_space<hbm>> -> memref<320xf32, #tpu.memory_space<hbm>>
      %dma_wait3A_570 = tpu.memref_slice %arg5[%mul3A_566] : memref<1280000xf32, #tpu.memory_space<hbm>> -> memref<320xf32, #tpu.memory_space<hbm>>
      tpu.wait_dma2 semaphore(%run_scoped3A : memref<!tpu.dma_semaphore, #tpu.memory_space<semaphore_mem>>) src(%arg11 : memref<320xf32, #tpu.memory_space<vmem>>) dst(%dma_wait3A_570 : memref<320xf32, #tpu.memory_space<hbm>>)
      tpu.yield
    }) : () -> ()
    "tpu.region"() ({
      %run_scoped3A = tpu.sem_alloc : memref<!tpu.dma_semaphore, #tpu.memory_space<semaphore_mem>>
      %dma_start3A_567 = arith.constant 0 : i32
      %dma_start3A_568 = tpu.memref_slice %arg6[%add3A, %dma_start3A_567] : memref<32x40960xf32, #tpu.memory_space<hbm>> -> memref<1x40960xf32, #tpu.memory_space<hbm>>
      %dma_start3A_569 = tpu.memref_squeeze %dma_start3A_568 : memref<1x40960xf32, #tpu.memory_space<hbm>> -> memref<40960xf32, #tpu.memory_space<hbm>>
      %dma_start3A_570 = arith.constant 0 : i32
      %dma_start3A_571 = tpu.memref_slice %arg6[%add3A, %dma_start3A_570] : memref<32x40960xf32, #tpu.memory_space<hbm>> -> memref<1x40960xf32, #tpu.memory_space<hbm>>
      %dma_start3A_572 = tpu.memref_squeeze %dma_start3A_571 : memref<1x40960xf32, #tpu.memory_space<hbm>> -> memref<40960xf32, #tpu.memory_space<hbm>>
      tpu.enqueue_dma source(%arg8 : memref<40960xf32, #tpu.memory_space<vmem>>) target(%dma_start3A_572 : memref<40960xf32, #tpu.memory_space<hbm>>) target_semaphore(%run_scoped3A : memref<!tpu.dma_semaphore, #tpu.memory_space<semaphore_mem>>)
      %dma_wait3A_573 = arith.constant 0 : i32
      %dma_wait3A_574 = tpu.memref_slice %arg6[%add3A, %dma_wait3A_573] : memref<32x40960xf32, #tpu.memory_space<hbm>> -> memref<1x40960xf32, #tpu.memory_space<hbm>>
      %dma_wait3A_575 = tpu.memref_squeeze %dma_wait3A_574 : memref<1x40960xf32, #tpu.memory_space<hbm>> -> memref<40960xf32, #tpu.memory_space<hbm>>
      %dma_wait3A_576 = arith.constant 0 : i32
      %dma_wait3A_577 = tpu.memref_slice %arg6[%add3A, %dma_wait3A_576] : memref<32x40960xf32, #tpu.memory_space<hbm>> -> memref<1x40960xf32, #tpu.memory_space<hbm>>
      %dma_wait3A_578 = tpu.memref_squeeze %dma_wait3A_577 : memref<1x40960xf32, #tpu.memory_space<hbm>> -> memref<40960xf32, #tpu.memory_space<hbm>>
      tpu.wait_dma2 semaphore(%run_scoped3A : memref<!tpu.dma_semaphore, #tpu.memory_space<semaphore_mem>>) src(%arg8 : memref<40960xf32, #tpu.memory_space<vmem>>) dst(%dma_wait3A_578 : memref<40960xf32, #tpu.memory_space<hbm>>)
      tpu.yield
    }) : () -> ()
    return
  }
}

module attributes {stable_mosaic.version = 14 : i64} {
  func.func @_proj_body(%arg0: i32, %arg1: memref<2000x128xf32, #tpu.memory_space<vmem>>, %arg2: memref<128x128xf32, #tpu.memory_space<vmem>>, %arg3: memref<128x8xf32, #tpu.memory_space<vmem>>, %arg4: memref<2000x128xf32, #tpu.memory_space<vmem>>, %arg5: memref<2000x8xf32, #tpu.memory_space<vmem>>) attributes {dimension_semantics = [#tpu.dimension_semantics<arbitrary>], iteration_bounds = array<i64: 5>, scalar_prefetch = 0 : i64, scratch_operands = 0 : i64, tpu.core_type = #tpu.core_type<tc>, window_params = [{transform_indices = @transform_0, window_bounds = array<i64: 2000, 128>}, {pipeline_mode = #tpu.pipeline_mode<synchronous>, transform_indices = @transform_1, window_bounds = array<i64: 128, 128>}, {pipeline_mode = #tpu.pipeline_mode<synchronous>, transform_indices = @transform_2, window_bounds = array<i64: 128, 8>}, {transform_indices = @transform_3, window_bounds = array<i64: 2000, 128>}, {transform_indices = @transform_4, window_bounds = array<i64: 2000, 8>}]} {
    %get3A = arith.constant 0 : index
    %get3A_0 = arith.constant 0 : index
    %get3A_1 = vector.load %arg1[%get3A, %get3A_0] : memref<2000x128xf32, #tpu.memory_space<vmem>>, vector<2000x128xf32>
    %get3A_2 = arith.constant 0 : index
    %get3A_3 = arith.constant 0 : index
    %get3A_4 = vector.load %arg2[%get3A_2, %get3A_3] : memref<128x128xf32, #tpu.memory_space<vmem>>, vector<128x128xf32>
    %dot_general3A = arith.constant dense<0.000000e+00> : vector<2000x128xf32>
    %dot_general3A_5 = tpu.matmul %get3A_1, %get3A_4, %dot_general3A {dimension_numbers = #tpu.dot_dimension_numbers<[1], [0], [0], [1], [0, 0, 1, 1], [], []>, transpose_lhs_hint = false} : vector<2000x128xf32>, vector<128x128xf32>, vector<2000x128xf32> -> vector<2000x128xf32>
    %swap3A = arith.constant 0 : index
    %swap3A_6 = arith.constant 0 : index
    %swap3A_7 = vector.load %arg4[%swap3A, %swap3A_6] : memref<2000x128xf32, #tpu.memory_space<vmem>>, vector<2000x128xf32>
    tpu.vector_store %arg4[%swap3A, %swap3A_6], %dot_general3A_5 {strides = array<i32>} : memref<2000x128xf32, #tpu.memory_space<vmem>>, vector<2000x128xf32>,
    %get3A_8 = arith.constant 0 : index
    %get3A_9 = arith.constant 0 : index
    %get3A_10 = vector.load %arg3[%get3A_8, %get3A_9] : memref<128x8xf32, #tpu.memory_space<vmem>>, vector<128x8xf32>
    %dot_general3A_11 = arith.constant dense<0.000000e+00> : vector<2000x8xf32>
    %dot_general3A_12 = tpu.matmul %dot_general3A_5, %get3A_10, %dot_general3A_11 {dimension_numbers = #tpu.dot_dimension_numbers<[1], [0], [0], [1], [0, 0, 1, 1], [], []>, transpose_lhs_hint = false} : vector<2000x128xf32>, vector<128x8xf32>, vector<2000x8xf32> -> vector<2000x8xf32>
    %swap3A_13 = arith.constant 0 : index
    %swap3A_14 = arith.constant 0 : index
    %swap3A_15 = vector.load %arg5[%swap3A_13, %swap3A_14] : memref<2000x8xf32, #tpu.memory_space<vmem>>, vector<2000x8xf32>
    tpu.vector_store %arg5[%swap3A_13, %swap3A_14], %dot_general3A_12 {strides = array<i32>} : memref<2000x8xf32, #tpu.memory_space<vmem>>, vector<2000x8xf32>,
    return
  }
  func.func @transform_0(%arg0: i32) -> (i32, i32) {
    %c0_i32 = arith.constant 0 : i32
    %c0_i32_0 = arith.constant 0 : i32
    return %arg0, %c0_i32 : i32, i32
  }
  func.func @transform_1(%arg0: i32) -> (i32, i32) {
    %c0_i32 = arith.constant 0 : i32
    %c0_i32_0 = arith.constant 0 : i32
    %c0_i32_1 = arith.constant 0 : i32
    return %c0_i32, %c0_i32_0 : i32, i32
  }
  func.func @transform_2(%arg0: i32) -> (i32, i32) {
    %c0_i32 = arith.constant 0 : i32
    %c0_i32_0 = arith.constant 0 : i32
    %c0_i32_1 = arith.constant 0 : i32
    return %c0_i32, %c0_i32_0 : i32, i32
  }
  func.func @transform_3(%arg0: i32) -> (i32, i32) {
    %c0_i32 = arith.constant 0 : i32
    %c0_i32_0 = arith.constant 0 : i32
    return %arg0, %c0_i32 : i32, i32
  }
  func.func @transform_4(%arg0: i32) -> (i32, i32) {
    %c0_i32 = arith.constant 0 : i32
    %c0_i32_0 = arith.constant 0 : i32
    return %arg0, %c0_i32 : i32, i32
  }
}

module attributes {stable_mosaic.version = 14 : i64} {
  func.func @_fin_body(%arg0: i32, %arg1: memref<2x2048x128xf32, #tpu.memory_space<vmem>>, %arg2: memref<32x4x2048xf32, #tpu.memory_space<vmem>>, %arg3: memref<1x128xf32, #tpu.memory_space<vmem>>, %arg4: memref<4x128xf32, #tpu.memory_space<vmem>>, %arg5: memref<2048x128xf32, #tpu.memory_space<vmem>>) attributes {dimension_semantics = [#tpu.dimension_semantics<arbitrary>], iteration_bounds = array<i64: 5>, scalar_prefetch = 0 : i64, scratch_operands = 0 : i64, tpu.core_type = #tpu.core_type<tc>, window_params = [{transform_indices = @transform_0, window_bounds = array<i64: 2, 2048, 128>}, {transform_indices = @transform_1, window_bounds = array<i64: 32, 4, 2048>}, {pipeline_mode = #tpu.pipeline_mode<synchronous>, transform_indices = @transform_2, window_bounds = array<i64: 1, 128>}, {pipeline_mode = #tpu.pipeline_mode<synchronous>, transform_indices = @transform_3, window_bounds = array<i64: 4, 128>}, {transform_indices = @transform_4, window_bounds = array<i64: 2048, 128>}]} {
    %get3A = arith.constant 0 : index
    %get3A_0 = arith.constant 0 : index
    %get3A_1 = arith.constant 0 : index
    %get3A_2 = vector.load %arg1[%get3A, %get3A_0, %get3A_1] : memref<2x2048x128xf32, #tpu.memory_space<vmem>>, vector<1x2048x128xf32>
    %get3A_3 = vector.shape_cast %get3A_2 : vector<1x2048x128xf32> to vector<2048x128xf32>
    %get3A_4 = arith.constant 1 : index
    %get3A_5 = arith.constant 0 : index
    %get3A_6 = arith.constant 0 : index
    %get3A_7 = vector.load %arg1[%get3A_4, %get3A_5, %get3A_6] : memref<2x2048x128xf32, #tpu.memory_space<vmem>>, vector<1x2048x128xf32>
    %get3A_8 = vector.shape_cast %get3A_7 : vector<1x2048x128xf32> to vector<2048x128xf32>
    %add3A = arith.addf %get3A_3, %get3A_8 : vector<2048x128xf32>
    %get3A_9 = arith.constant 0 : index
    %get3A_10 = arith.constant 0 : index
    %get3A_11 = arith.constant 0 : index
    %get3A_12 = vector.load %arg2[%get3A_9, %get3A_10, %get3A_11] : memref<32x4x2048xf32, #tpu.memory_space<vmem>>, vector<32x4x2048xf32>
    %reduce_sum3A = arith.constant dense<0.000000e+00> : vector<4x2048xf32>
    %reduce_sum3A_13 = vector.multi_reduction <add>, %get3A_12, %reduce_sum3A [0] : vector<32x4x2048xf32> to vector<4x2048xf32>
    %get3A_14 = arith.constant 0 : index
    %get3A_15 = arith.constant 0 : index
    %get3A_16 = vector.load %arg4[%get3A_14, %get3A_15] : memref<4x128xf32, #tpu.memory_space<vmem>>, vector<4x128xf32>
    %dot_general3A = arith.constant dense<0.000000e+00> : vector<2048x128xf32>
    %dot_general3A_17 = tpu.matmul %reduce_sum3A_13, %get3A_16, %dot_general3A {dimension_numbers = #tpu.dot_dimension_numbers<[0], [0], [1], [1], [0, 1, 1, 1], [], []>, transpose_lhs_hint = false} : vector<4x2048xf32>, vector<4x128xf32>, vector<2048x128xf32> -> vector<2048x128xf32>
    %add3A_18 = arith.constant 9.99999996E-13 : f32
    %add3A_19 = vector.broadcast %add3A_18 : f32 to vector<2048x128xf32>
    %add3A_20 = arith.addf %dot_general3A_17, %add3A_19 : vector<2048x128xf32>
    %div3A = arith.divf %add3A, %add3A_20 : vector<2048x128xf32>
    %get3A_21 = arith.constant 0 : index
    %get3A_22 = arith.constant 0 : index
    %get3A_23 = vector.load %arg3[%get3A_21, %get3A_22] : memref<1x128xf32, #tpu.memory_space<vmem>>, vector<1x128xf32>
    %add3A_24 = vector.broadcast %get3A_23 : vector<1x128xf32> to vector<2048x128xf32>
    %add3A_25 = arith.addf %div3A, %add3A_24 : vector<2048x128xf32>
    %swap3A = arith.constant 0 : index
    %swap3A_26 = arith.constant 0 : index
    %swap3A_27 = vector.load %arg5[%swap3A, %swap3A_26] : memref<2048x128xf32, #tpu.memory_space<vmem>>, vector<2048x128xf32>
    tpu.vector_store %arg5[%swap3A, %swap3A_26], %add3A_25 {strides = array<i32>} : memref<2048x128xf32, #tpu.memory_space<vmem>>, vector<2048x128xf32>,
    return
  }
  func.func @transform_0(%arg0: i32) -> (i32, i32, i32) {
    %c0_i32 = arith.constant 0 : i32
    %c0_i32_0 = arith.constant 0 : i32
    %c0_i32_1 = arith.constant 0 : i32
    return %c0_i32, %arg0, %c0_i32_0 : i32, i32, i32
  }
  func.func @transform_1(%arg0: i32) -> (i32, i32, i32) {
    %c0_i32 = arith.constant 0 : i32
    %c0_i32_0 = arith.constant 0 : i32
    %c0_i32_1 = arith.constant 0 : i32
    return %c0_i32, %c0_i32_0, %arg0 : i32, i32, i32
  }
  func.func @transform_2(%arg0: i32) -> (i32, i32) {
    %c0_i32 = arith.constant 0 : i32
    %c0_i32_0 = arith.constant 0 : i32
    %c0_i32_1 = arith.constant 0 : i32
    return %c0_i32, %c0_i32_0 : i32, i32
  }
  func.func @transform_3(%arg0: i32) -> (i32, i32) {
    %c0_i32 = arith.constant 0 : i32
    %c0_i32_0 = arith.constant 0 : i32
    %c0_i32_1 = arith.constant 0 : i32
    return %c0_i32, %c0_i32_0 : i32, i32
  }
  func.func @transform_4(%arg0: i32) -> (i32, i32) {
    %c0_i32 = arith.constant 0 : i32
    %c0_i32_0 = arith.constant 0 : i32
    return %arg0, %c0_i32 : i32, i32
  }
}

</mosaic_0001>

<sc_bundles>
// kernel: kernel.6.cloned.1.call-start
scs
__scs_entry_jumppad:
0x0: {  	(pc) =	sbr.rel $0x88, $3  }
0x1: {  	(tag) =	ssettag $0x0;
	lr =	simm.s32 $0x1  }
0x2: {  	[smem:$0x3F9B] =	sst lr;
	_ =	strace $0xD0000000  }
0x3: {  	_ = 	snop  }
0x4: {  	_ = 	snop  }
0x5: {  	_ = 	snop  }
0x6: {  	_ = 	snop  }
0x7: {  	_ = 	snop  }
__scs_overlays_trampoline_lowered:
0x8: {  	[smem:$0x3FAA] =	sst s0  }
0x9: {  	[smem:$0x3FAB] =	sst s1  }
0xa: {  	[smem:$0x3FAC] =	sst s2  }
0xb: {  	[smem:$0x3FAD] =	sst s3  }
0xc: {  	[smem:$0x3FAE] =	sst s4  }
0xd: {  	[smem:$0x3FAF] =	sst s5  }
0xe: {  	[smem:$0x3FB0] =	sst s6  }
0xf: {  	[smem:$0x3FB1] =	sst s7  }
0x10: {  	[smem:$0x3FB2] =	sst s8  }
0x11: {  	[smem:$0x3FB3] =	sst s9;
	s0 =	simm.s32 @!p0 $0x0  }
0x12: {  	s1 =	sld [smem:$0x3F99];
	s0 =	simm.s32 @p0 $0x1  }
0x13: {  	[smem:$0x3FB4] =	sst s0;
	s0 =	simm.s32 @!p1 $0x0  }
0x14: {  	s2 =	sld [smem:$0x3F98];
	s0 =	simm.s32 @p1 $0x1  }
0x15: {  	[smem:$0x3FB5] =	sst s0;
	s0 =	simm.s32 @!p2 $0x0  }
0x16: {  	s3 =	sld [smem:$0x3FDB];
	s0 =	simm.s32 @p2 $0x1  }
0x17: {  	s4 =	simm.s32 $0x1BF5;
	[smem:$0x3FB7] =	sst s0  }
0x18: {  	s0 =	sld [smem:$0x3F9A];
	_ =	swait.ge [sflag:s4], $0x0  }
0x19: {  	s7 =	sld [smem:$0x3F9B]  }
0x1a: {  	s8 =	sadd.s32 $0xFFFFE003, lr  }
0x1b: {  	s9 =	sadd.s32 $0xFFFFFEF7, lr;
	s5 =	simm.s32 $0xFFFFFFFF;
	p2 =	slt.u32 s8, $0xFFFFF086  }
0x1c: {  	p1 =	slt.u32 s9, $0xF7A;
	s5 =	simm.s32 @!p2 $0x0  }
0x1d: {  	s5 =	simm.s32 @p1 $0x1;
	p0 =	seq.s32 s7, s2  }
0x1e: {  	s7 =	smul.u32 @!p0 $0xF7A, s2;
	p2 =	seq.s32 @!p0 s5, $0x0  }
0x1f: {  	s9 =	smul.u32 $0xF7A, s1;
	s8 =	simm.s32 @!p0 $0x1BF5;
	p2 =	por !p2, p0  }
0x20: {  	[sflag:s8] =	ssyncset.s32 @!p0 $0xFFFFF086;
	s6 =	sadd.s32 @!p0 s3, s7;
	s7 =	simm.s32 @!p0 $0x108  }
0x21: {  	s3 =	sadd.s32 s3, s9;
	s6 =	sadd.s32 @!p0 $0x88, s6;
	s7 =	simm.s32 @p2 $0x1082  }
0x22: {  	[simem:s7], [sflag:s8] =	dma.local @!p0 [hbm:s6], $0xF7A  }
0x23: {  	s9 =	sor.u32 $0xD0000000, s2;
	s6 =	simm.s32 $0x108;
	_ =	swait.ge @!p0 [sflag:s8], $0x0  }
0x24: {  	s3 =	sadd.s32 $0x88, s3;
	s6 =	simm.s32 @!p1 $0x1082;
	[sflag:s4] =	ssyncset.s32 $0xFFFFF086  }
0x25: {  	[simem:s6], [sflag:s4] =	dma.local [hbm:s3], $0xF7A  }
0x26: {  	[smem:$0x3F9B] =	sst s1;
	(tag) =	ssettag s2;
	_ =	strace s9  }
0x27: {  	s1 =	sld [smem:$0x3FAB]  }
0x28: {  	s2 =	sld [smem:$0x3FAC]  }
0x29: {  	s4 =	sld [smem:$0x3FAE]  }
0x2a: {  	p0 =	seq.s32 s5, $0x0;
	s5 =	sld [smem:$0x3FAF]  }
0x2b: {  	s6 =	sld [smem:$0x3FB0]  }
0x2c: {  	s7 =	sld [smem:$0x3FB1]  }
0x2d: {  	s3 =	simm.s32 $0x108;
	s8 =	sld [smem:$0x3FB2]  }
0x2e: {  	s3 =	simm.s32 @!p0 $0x1082;
	s9 =	sld [smem:$0x3FB3]  }
0x2f: {  	lr =	sadd.s32 s0, s3;
	s0 =	sld [smem:$0x3FAA]  }
0x30: {  	s3 =	sld [smem:$0x3FAD]  }
0x31: {  	[smem:$0x3FB6] =	sst s10  }
0x32: {  	s10 =	sld [smem:$0x3FB4];
	_ =	sdelay $0x3  }
0x33: {  	p0 =	seq.s32 s10, $0x1;
	s10 =	sld [smem:$0x3FB6];
	_ =	sdelay $0x3  }
0x34: {  	[smem:$0x3FB6] =	sst s10  }
0x35: {  	s10 =	sld [smem:$0x3FB5];
	_ =	sdelay $0x3  }
0x36: {  	p1 =	seq.s32 s10, $0x1;
	s10 =	sld [smem:$0x3FB6];
	_ =	sdelay $0x3  }
0x37: {  	[smem:$0x3FB6] =	sst s10  }
0x38: {  	s10 =	sld [smem:$0x3FB7]  }
0x39: {  	_ = 	snop;
	(pc) =	sbr.ind lr, $3  }
0x3a: {  	_ = 	snop  }
0x3b: {  	_ = 	snop  }
0x3c: {  	p2 =	seq.s32 s10, $0x1;
	s10 =	sld [smem:$0x3FB6]  }
0x3d: {  	_ =	shalt  }
0x3e: {  	_ =	shalt  }
0x3f: {  	_ =	shalt  }
0x40: {  	_ =	shalt  }
0x41: {  	_ =	shalt  }
0x42: {  	_ =	shalt  }
0x43: {  	_ =	shalt  }
0x44: {  	_ =	shalt  }
0x45: {  	_ =	shalt  }
0x46: {  	_ =	shalt  }
0x47: {  	_ =	shalt  }
0x48: {  	_ =	shalt  }
0x49: {  	_ =	shalt  }
0x4a: {  	_ =	shalt  }
0x4b: {  	_ =	shalt  }
0x4c: {  	_ =	shalt  }
0x4d: {  	_ =	shalt  }
0x4e: {  	_ =	shalt  }
0x4f: {  	_ =	shalt  }
0x50: {  	_ =	shalt  }
0x51: {  	_ =	shalt  }
0x52: {  	_ =	shalt  }
0x53: {  	_ =	shalt  }
0x54: {  	_ =	shalt  }
0x55: {  	_ =	shalt  }
0x56: {  	_ =	shalt  }
0x57: {  	_ =	shalt  }
0x58: {  	_ =	shalt  }
0x59: {  	_ =	shalt  }
0x5a: {  	_ =	shalt  }
0x5b: {  	_ =	shalt  }
0x5c: {  	_ =	shalt  }
0x5d: {  	_ =	shalt  }
0x5e: {  	_ =	shalt  }
0x5f: {  	_ =	shalt  }
0x60: {  	_ =	shalt  }
0x61: {  	_ =	shalt  }
0x62: {  	_ =	shalt  }
0x63: {  	_ =	shalt  }
0x64: {  	_ =	shalt  }
0x65: {  	_ =	shalt  }
0x66: {  	_ =	shalt  }
0x67: {  	_ =	shalt  }
0x68: {  	_ =	shalt  }
0x69: {  	_ =	shalt  }
0x6a: {  	_ =	shalt  }
0x6b: {  	_ =	shalt  }
0x6c: {  	_ =	shalt  }
0x6d: {  	_ =	shalt  }
0x6e: {  	_ =	shalt  }
0x6f: {  	_ =	shalt  }
0x70: {  	_ =	shalt  }
0x71: {  	_ =	shalt  }
0x72: {  	_ =	shalt  }
0x73: {  	_ =	shalt  }
0x74: {  	_ =	shalt  }
0x75: {  	_ =	shalt  }
0x76: {  	_ =	shalt  }
0x77: {  	_ =	shalt  }
0x78: {  	_ =	shalt  }
0x79: {  	_ =	shalt  }
0x7a: {  	_ =	shalt  }
0x7b: {  	_ =	shalt  }
0x7c: {  	_ =	shalt  }
0x7d: {  	_ =	shalt  }
0x7e: {  	_ =	shalt  }
0x7f: {  	_ =	shalt  }
0x80: {  	_ =	shalt  }
0x81: {  	_ =	shalt  }
0x82: {  	_ =	shalt  }
0x83: {  	_ =	shalt  }
0x84: {  	_ =	shalt  }
0x85: {  	_ =	shalt  }
0x86: {  	_ =	shalt  }
0x87: {  	_ =	shalt  }
.Lfunc_end0:
.L_simem_size_0:
called_computation_lowered:
.L_overlay_start_0:
0x88: {  	s2 =	sld [smem:$0x3FD9]  }
0x89: {  	s3 =	sld [smem:$0x3FFE];
	_ =	sdelay $0x1  }
0x8a: {  	s1 =	srdreg.scid  }
0x8b: {  	s0 =	sand.u32 $0x1, s1  }
0x8c: {  	s16 =	sshll.u32 s0, $0xA;
	s2 =	sadd.s32 s3, s2  }
0x8d: {  	s2 =	sadd.s32 s2, s16  }
0x8e: {  	[smem:$0x3FC2] =	sst s2  }
0x8f: {  	_ = 	snop  }
0x90: {  	(tm) =	ssettm $0x1  }
0x91: {  	s17 =	sld [smem:$0x3FFB];
	_ =	sdelay $0x3  }
0x92: {  	_ =	strace s17  }
0x93: {  	s2 =	sld [smem:$0x3FFC];
	_ =	sdelay $0x3  }
0x94: {  	_ =	strace s2  }
0x95: {  	s2 =	sld [smem:$0x3FFD];
	_ =	sdelay $0x3  }
0x96: {  	_ =	strace s2  }
0x97: {  	_ =	strace $0x8FFFFFFF  }
0x98: {  	s18 =	sld [smem:$0x3FDB];
	_ =	sdelay $0x1  }
0x99: {  	s19 =	simm.s32 $_scs_section_size  }
0x9a: {  	s4 =	simm.s32 $_size__tile_overlayer_lowered;
	s5 =	simm.s32 $_tile_overlayer_lowered  }
0x9b: {  	s22 =	simm.s32 $0x1BFF;
	s21 =	sshll.u32 s5, $0x1;
	s2 =	sadd.s32 s19, s18  }
0x9c: {  	s6 =	simm.s32 $0x0;
	s20 =	sshll.u32 s4, $0x1;
	s4 =	sadd.s32 s21, s2  }
0x9d: {  	[timem:s6], [sflag:s22] =	dma.local [hbm:s4], s20  }
0x9e: {  	_ =	swait.ge [sflag:s22], s20  }
0x9f: {  	s3 =	ssub.s32 $0x0, s20;
	[sflag:s22] =	ssyncset.done $0x0  }
0xa0: {  	[sflag:s22] =	ssyncadd.s32 s3;
	_ =	sdelay $0x1  }
0xa1: {  	s23 =	simm.s32 $0x1B8B  }
0xa2: {  	_ =	swait.ge [sflag:s23], $0x1  }
0xa3: {  	[sflag:s23] =	ssyncset.done $0x0  }
0xa4: {  	s25 =	simm.s32 $0x1B8E;
	s24 =	sld [smem:$0x3FFE];
	[sflag:s23] =	ssyncadd.s32 $0xFFFFFFFF  }
0xa5: {  	s26 =	simm.s32 $execute0_lowered;
	[smem:$0x3FD2] =	sst s25  }
0xa6: {  	s4 =	sshll.u32 s26, $0x1;
	_ =	strace $0x80000046;
	[dreg:$0x1] =	wrdreg $0xFFFFFFFF  }
0xa7: {  	s28 =	simm.s32 $_size_execute0_lowered;
	s2 =	sadd.s32 s2, s4;
	[dreg:$0x0] =	wrdreg $0x0  }
0xa8: {  	s4 =	sshll.u32 s28, $0x1;
	[dreg:$0x2] =	wrdreg s2  }
0xa9: {  	[dreg:$0x3] =	wrdreg s4  }
0xaa: {  	[dreg:$0x4] =	wrdreg $0xC0  }
0xab: {  	_ =	task [dreg:s6], $0x5FFFF  }
0xac: {  	[dreg:$0x1] =	wrdreg $0xFFFFFFFF  }
0xad: {  	[dreg:$0x0] =	wrdreg $0x60  }
0xae: {  	[dreg:$0x2] =	wrdreg s24  }
0xaf: {  	[dreg:$0x3] =	wrdreg $0x9  }
0xb0: {  	_ =	task.clear_ibuf [dreg:s6], $0x4FFFF;
	_ =	strace $0x90000046  }
0xb1: {  	s29 =	simm.s32 $0x9;
	_ =	strace $0x80000048  }
0xb2: {  	_ =	swait.ge [sflag:s29], $0x1  }
0xb3: {  	[sflag:s29] =	ssyncadd.s32 $0xFFFFFFFF  }
0xb4: {  	_ =	strace $0x90000048  }
0xb5: {  	_ =	sfence  }
0xb6: {  	s30 =	sld [smem:$0x0];
	_ =	sdelay $0x2  }
0xb7: {  	s31 =	sshll.u32 s1, $0xD;
	s1 =	sshrl.u32 s1, $0x2  }
0xb8: {  	s3 =	sand.u32 $0x4000, s31;
	s1 =	sadd.s32 s1, s30  }
0xb9: {  	s0 =	sor.u32 s3, s0;
	s1 =	sshll.u32 s1, $0x11  }
0xba: {  	s0 =	sor.u32 s1, s0  }
0xbb: {  	s0 =	sadd.s32 $0x8F2B, s0  }
0xbc: {  	[sflag:s0] =	ssyncadd.remote.s32 $0x1  }
0xbd: {  	_ =	sfence.sel $0xFFFF  }
0xbe: {  	[dreg:$0x0] =	wrdreg $0xFFFFFFFF;
	(pc) =	sbr.abs _section_cstart, $3  }
0xbf: {  	[dreg:$0x1] =	wrdreg $0xFFFFFFFF  }
0xc0: {  	_ =	task.clear_ibuf [dreg:s6], $0x2FFFF;
	_ =	strace $0x9FFFFFFF  }
0xc1: {  	(tm) =	ssettm $0x7FFFFFFF  }
tec
execute0_lowered:
.L_overlay_start_1:
0x0: {  	(tag) =	ssettag $0x1  }
0x1: {  	s0 =	rddreg [dreg:$0x0]  }
0x2: {  	s1 =	srdreg.scid;
	s10 =	stileid.u32  }
0x3: {  	s2 =	simm.s32 $0x0;
	s28 =	simm.s32 $0x1DC00;
	s31 =	simm.s32 $0x0  }
0x4: {  	s1 =	sand.u32 $0x1, s1;
	s3 =	sshll.u32 s10, $0x1;
	s18 =	sshrl.u32 s10, $0x2  }
0x5: {  	[smem:$0x7FF] =	sst s2;
	s19 =	sadd.s32 $0x800, s0;
	s5 =	sadd.s32 $0x3000, s0  }
0x6: {  	s15 =	sadd.s32 $0x3EC00, s0;
	s10 =	smul.u32 $0x4E20, s10;
	s6 =	sor.u32 s1, s3  }
0x7: {  	s7 =	smul.u32 $0x50000, s18;
	_ =	strace $0x80000047;
	[dreg:$0x2] =	wrdreg s19  }
0x8: {  	s21 =	ssub.s32 $0x2, s1;
	s1 =	smul.u32 $0x2710, s1;
	s18 =	simm.s32 $0x3  }
0x9: {  	s19 =	simm.s32 $0x1D880;
	s4 =	sshll.u32 s6, $0x7;
	s20 =	smul.u32 $0x2710, s6  }
0xa: {  	s9 =	smul.u32 $0x9C40, s6;
	s22 =	sshrl.u32 s21, $0x1;
	s8 =	sand.u32 $0x380, s4  }
0xb: {  	s4 =	sadd.s32 $0xCE00, s0;
	s12 =	ssub.s32 s21, s22;
	s1 =	sadd.s32 s1, s10  }
0xc: {  	s21 =	simm.s32 $0x1DB00;
	s22 =	simm.s32 $0x1DB80;
	s7 =	sor.u32 s7, s8  }
0xd: {  	v0 =	vlaneseq.u32;
	s8 =	sshrl.u32 s20, $0x3;
	s9 =	sshrl.u32 s9, $0x3;
	s24 =	sadd.s32 $0xF0, s1  }
0xe: {  	v0 =	vmul.u32 $0x4, v0;
	s14 =	sadd.s32 $0x50, s1;
	s12 =	smax.u32 s12, $0x1;
	s26 =	sshrl.u32 s1, $0x1  }
0xf: {  	s29 =	sadd.s32 $0xA0, s1;
	s20 =	simm.s32 $0x1D900;
	s7 =	sshrl.u32 s7, $0x3  }
0x10: {  	v1 =	vimm.f32 $0.0e+00;
	v2 =	vor.u32 $0x1, v0;
	s23 =	sadd.s32 s4, s8;
	s11 =	sadd.s32 $0xA, s8;
	s13 =	sadd.s32 s15, s9  }
0x11: {  	v3 =	vor.u32 $0x2, v0;
	v4 =	vor.u32 $0x3, v0;
	v5 =	vor.u32 $0x40, v0;
	s25 =	sshrl.u32 s24, $0x3;
	s16 =	sshrl.u32 s14, $0x1;
	s1 =	sadd.s32 s26, s15  }
.Ltmp0:
0x12: {  	v6 =	vor.u32 $0x41, v0;
	v7 =	vor.u32 $0x42, v0;
	v8 =	vor.u32 $0x43, v0;
	s24 =	simm.s32 $0x13880;
	s26 =	simm.s32 $0x2;
	(pc) =	sbr.rel .LBB2_1-.Ltmp0, $4  }
0x13: {  	v9 =	vor.u32 $0x80, v0;
	v10 =	vor.u32 $0x81, v0;
	v11 =	vor.u32 $0x82, v0;
	s0 =	sadd.s32 s7, s0;
	[dreg:$0x3] =	wrdreg s23;
	s7 =	sadd.s32 s5, s8  }
0x14: {  	v12 =	vor.u32 $0x83, v0;
	v13 =	vor.u32 $0xC0, v0;
	v14 =	vor.u32 $0xC1, v0;
	s8 =	sadd.s32 s4, s11;
	s9 =	sadd.s32 s5, s11;
	s10 =	sadd.s32 $0x1360, s13  }
0x15: {  	v15 =	vor.u32 $0xC2, v0;
	v16 =	vor.u32 $0xC3, v0;
	v17 =	vor.u32 $0x100, v0;
	s13 =	sadd.s32 s25, s5;
	s14 =	sadd.s32 s25, s4;
	s30 =	sadd.s32 s16, s15  }
0x16: {  	v18 =	vor.u32 $0x101, v0;
	v19 =	vor.u32 $0x102, v0;
	v20 =	vor.u32 $0x103, v0;
	s23 =	simm.s32 $0x1;
	s25 =	simm.s32 $0x1D980;
	s11 =	sadd.s32 $0x16C00, s0  }
.LBB2_6:
0x17: {  	_ =	swait.ge [sflag:s23], $0x50  }
0x18: {  	[sflag:s23] =	ssyncset.done $0x0  }
0x19: {  	[sflag:s23] =	ssyncadd.s32 $0xFFFFFFB0  }
0x1a: {  	_ =	swait.ge [sflag:s23], $0x50  }
0x1b: {  	[sflag:s23] =	ssyncset.done $0x0  }
0x1c: {  	[sflag:s23] =	ssyncadd.s32 $0xFFFFFFB0  }
0x1d: {  	v21 =	vld [tilespmem:$0x1D880]  }
0x1e: {  	v22 =	vld [tilespmem:$0x1D900];
	_ =	sdelay $0x4  }
0x1f: {  	v21 =	vshll.u32 v21, $0x3;
	v23 =	vshll.u32 v22, $0x3  }
0x20: {  	v24 =	vor.u32 $0x4, v23;
	_ =	sdelay $0x3  }
0x21: {  	v25 =	vld.idx.msk [tilespmem:v21+s2+$0x0], $0xffff  }
0x22: {  	v24 =	vld.idx.msk [tilespmem:v24+s2+$0x0], $0xffff;
	_ =	sdelay $0x4  }
0x23: {  	v24 =	vadd.f32 v24, v25;
	_ =	sdelay $0x1  }
0x24: {  	v25 =	vmul.f32 $2.000000030e-01, v24  }
0x25: {  	vm0 =	vge.f32 v24, $0.0e+00  }
0x26: {  	v24 =	vsel vm0, v24, v25  }
0x27: {  	v24 =	vmul.f32 $1.442695020e+00, v24;
	_ =	sdelay $0x1  }
0x28: {  	(erf) = vpow2.f32 v24;
	_ =	sdelay $0x6  }
0x29: {  	v48 =	vor.u32 $0x1, v21  }
0x2a: {  	v49 =	vor.u32 $0x5, v23  }
0x2b: {  	v26 =	vpop (erf)  }
0x2c: {  	[tilespmem:v22+s24+$0x0] =	vst.idx.add.f32.msk $0xffff, v26  }
0x2d: {  	[tilespmem:v0+s25+$0x0] =	vst.idx.msk $0xffff, v26  }
0x2e: {  	v24 =	vld.idx.msk [tilespmem:v48+s2+$0x0], $0xffff  }
0x2f: {  	v25 =	vld.idx.msk [tilespmem:v49+s2+$0x0], $0xffff;
	_ =	sdelay $0x4  }
0x30: {  	v24 =	vadd.f32 v25, v24;
	_ =	sdelay $0x1  }
0x31: {  	v25 =	vmul.f32 $2.000000030e-01, v24  }
0x32: {  	vm9 =	vge.f32 v24, $0.0e+00  }
0x33: {  	v24 =	vsel vm9, v24, v25  }
0x34: {  	v24 =	vmul.f32 $1.442695020e+00, v24;
	_ =	sdelay $0x1  }
0x35: {  	(erf) = vpow2.f32 v24;
	_ =	sdelay $0x4  }
0x36: {  	v50 =	vadd.s32 $0x2800, v22;
	_ =	sdelay $0x1  }
0x37: {  	v51 =	vor.u32 $0x2, v21  }
0x38: {  	v52 =	vor.u32 $0x6, v23  }
0x39: {  	v27 =	vpop (erf)  }
0x3a: {  	[tilespmem:v50+s24+$0x0] =	vst.idx.add.f32.msk $0xffff, v27  }
0x3b: {  	[tilespmem:v2+s25+$0x0] =	vst.idx.msk $0xffff, v27  }
0x3c: {  	v24 =	vld.idx.msk [tilespmem:v51+s2+$0x0], $0xffff  }
0x3d: {  	v53 =	vld.idx.msk [tilespmem:v52+s2+$0x0], $0xffff;
	_ =	sdelay $0x4  }
0x3e: {  	v24 =	vadd.f32 v53, v24;
	_ =	sdelay $0x1  }
0x3f: {  	v25 =	vmul.f32 $2.000000030e-01, v24  }
0x40: {  	vm10 =	vge.f32 v24, $0.0e+00  }
0x41: {  	v24 =	vsel vm10, v24, v25  }
0x42: {  	v24 =	vmul.f32 $1.442695020e+00, v24;
	_ =	sdelay $0x1  }
0x43: {  	(erf) = vpow2.f32 v24;
	_ =	sdelay $0x4  }
0x44: {  	v54 =	vadd.s32 $0x5000, v22;
	_ =	sdelay $0x1  }
0x45: {  	v21 =	vor.u32 $0x3, v21  }
0x46: {  	v23 =	vor.u32 $0x7, v23  }
0x47: {  	v55 =	vpop (erf)  }
0x48: {  	[tilespmem:v54+s24+$0x0] =	vst.idx.add.f32.msk $0xffff, v55  }
0x49: {  	[tilespmem:v3+s25+$0x0] =	vst.idx.msk $0xffff, v55  }
0x4a: {  	v21 =	vld.idx.msk [tilespmem:v21+s2+$0x0], $0xffff  }
0x4b: {  	v23 =	vld.idx.msk [tilespmem:v23+s2+$0x0], $0xffff;
	_ =	sdelay $0x4  }
0x4c: {  	v21 =	vadd.f32 v23, v21;
	_ =	sdelay $0x1  }
0x4d: {  	v23 =	vmul.f32 $2.000000030e-01, v21  }
0x4e: {  	vm11 =	vge.f32 v21, $0.0e+00  }
0x4f: {  	v21 =	vsel vm11, v21, v23  }
0x50: {  	v21 =	vmul.f32 $1.442695020e+00, v21;
	_ =	sdelay $0x1  }
0x51: {  	(erf) = vpow2.f32 v21;
	_ =	sdelay $0x4  }
0x52: {  	v21 =	vadd.s32 $0x7800, v22;
	_ =	sdelay $0x3  }
0x53: {  	v22 =	vpop (erf)  }
0x54: {  	[tilespmem:v21+s24+$0x0] =	vst.idx.add.f32.msk $0xffff, v22  }
0x55: {  	[tilespmem:v4+s25+$0x0] =	vst.idx.msk $0xffff, v22  }
0x56: {  	v21 =	vld [tilespmem:$0x1D890]  }
0x57: {  	v22 =	vld [tilespmem:$0x1D910];
	_ =	sdelay $0x4  }
0x58: {  	v21 =	vshll.u32 v21, $0x3;
	v23 =	vshll.u32 v22, $0x3  }
0x59: {  	v56 =	vor.u32 $0x4, v23;
	_ =	sdelay $0x3  }
0x5a: {  	v25 =	vld.idx.msk [tilespmem:v21+s2+$0x0], $0xffff  }
0x5b: {  	v24 =	vld.idx.msk [tilespmem:v56+s2+$0x0], $0xffff;
	_ =	sdelay $0x4  }
0x5c: {  	v24 =	vadd.f32 v24, v25;
	_ =	sdelay $0x1  }
0x5d: {  	v25 =	vmul.f32 $2.000000030e-01, v24  }
0x5e: {  	vm12 =	vge.f32 v24, $0.0e+00  }
0x5f: {  	v24 =	vsel vm12, v24, v25  }
0x60: {  	v24 =	vmul.f32 $1.442695020e+00, v24;
	_ =	sdelay $0x1  }
0x61: {  	(erf) = vpow2.f32 v24;
	_ =	sdelay $0x6  }
0x62: {  	v57 =	vor.u32 $0x1, v21  }
0x63: {  	v58 =	vor.u32 $0x5, v23  }
0x64: {  	v59 =	vpop (erf)  }
0x65: {  	[tilespmem:v22+s24+$0x0] =	vst.idx.add.f32.msk $0xffff, v59  }
0x66: {  	[tilespmem:v5+s25+$0x0] =	vst.idx.msk $0xffff, v59  }
0x67: {  	v24 =	vld.idx.msk [tilespmem:v57+s2+$0x0], $0xffff  }
0x68: {  	v25 =	vld.idx.msk [tilespmem:v58+s2+$0x0], $0xffff;
	_ =	sdelay $0x4  }
0x69: {  	v24 =	vadd.f32 v25, v24;
	_ =	sdelay $0x1  }
0x6a: {  	v25 =	vmul.f32 $2.000000030e-01, v24  }
0x6b: {  	vm13 =	vge.f32 v24, $0.0e+00  }
0x6c: {  	v24 =	vsel vm13, v24, v25  }
0x6d: {  	v24 =	vmul.f32 $1.442695020e+00, v24;
	_ =	sdelay $0x1  }
0x6e: {  	(erf) = vpow2.f32 v24;
	_ =	sdelay $0x4  }
0x6f: {  	v60 =	vadd.s32 $0x2800, v22;
	_ =	sdelay $0x1  }
0x70: {  	v61 =	vor.u32 $0x2, v21  }
0x71: {  	v62 =	vor.u32 $0x6, v23  }
0x72: {  	v63 =	vpop (erf)  }
0x73: {  	[tilespmem:v60+s24+$0x0] =	vst.idx.add.f32.msk $0xffff, v63  }
0x74: {  	[tilespmem:v6+s25+$0x0] =	vst.idx.msk $0xffff, v63  }
0x75: {  	v24 =	vld.idx.msk [tilespmem:v61+s2+$0x0], $0xffff  }
0x76: {  	v28 =	vld.idx.msk [tilespmem:v62+s2+$0x0], $0xffff;
	_ =	sdelay $0x4  }
0x77: {  	v24 =	vadd.f32 v28, v24;
	_ =	sdelay $0x1  }
0x78: {  	v25 =	vmul.f32 $2.000000030e-01, v24  }
0x79: {  	vm14 =	vge.f32 v24, $0.0e+00  }
0x7a: {  	v24 =	vsel vm14, v24, v25  }
0x7b: {  	v24 =	vmul.f32 $1.442695020e+00, v24;
	_ =	sdelay $0x1  }
0x7c: {  	(erf) = vpow2.f32 v24;
	_ =	sdelay $0x4  }
0x7d: {  	v29 =	vadd.s32 $0x5000, v22;
	_ =	sdelay $0x1  }
0x7e: {  	v21 =	vor.u32 $0x3, v21  }
0x7f: {  	v23 =	vor.u32 $0x7, v23  }
0x80: {  	v30 =	vpop (erf)  }
0x81: {  	[tilespmem:v29+s24+$0x0] =	vst.idx.add.f32.msk $0xffff, v30  }
0x82: {  	[tilespmem:v7+s25+$0x0] =	vst.idx.msk $0xffff, v30  }
0x83: {  	v21 =	vld.idx.msk [tilespmem:v21+s2+$0x0], $0xffff  }
0x84: {  	v23 =	vld.idx.msk [tilespmem:v23+s2+$0x0], $0xffff;
	_ =	sdelay $0x4  }
0x85: {  	v21 =	vadd.f32 v23, v21;
	_ =	sdelay $0x1  }
0x86: {  	v23 =	vmul.f32 $2.000000030e-01, v21  }
0x87: {  	vm15 =	vge.f32 v21, $0.0e+00  }
0x88: {  	v21 =	vsel vm15, v21, v23  }
0x89: {  	v21 =	vmul.f32 $1.442695020e+00, v21;
	_ =	sdelay $0x1  }
0x8a: {  	(erf) = vpow2.f32 v21;
	_ =	sdelay $0x4  }
0x8b: {  	v21 =	vadd.s32 $0x7800, v22;
	_ =	sdelay $0x3  }
0x8c: {  	v22 =	vpop (erf)  }
0x8d: {  	[tilespmem:v21+s24+$0x0] =	vst.idx.add.f32.msk $0xffff, v22  }
0x8e: {  	[tilespmem:v8+s25+$0x0] =	vst.idx.msk $0xffff, v22  }
0x8f: {  	v21 =	vld [tilespmem:$0x1D8A0]  }
0x90: {  	v22 =	vld [tilespmem:$0x1D920];
	_ =	sdelay $0x4  }
0x91: {  	v21 =	vshll.u32 v21, $0x3;
	v23 =	vshll.u32 v22, $0x3  }
0x92: {  	v31 =	vor.u32 $0x4, v23;
	_ =	sdelay $0x3  }
0x93: {  	v25 =	vld.idx.msk [tilespmem:v21+s2+$0x0], $0xffff  }
0x94: {  	v24 =	vld.idx.msk [tilespmem:v31+s2+$0x0], $0xffff;
	_ =	sdelay $0x4  }
0x95: {  	v24 =	vadd.f32 v24, v25;
	_ =	sdelay $0x1  }
0x96: {  	v25 =	vmul.f32 $2.000000030e-01, v24  }
0x97: {  	vm4 =	vge.f32 v24, $0.0e+00  }
0x98: {  	v24 =	vsel vm4, v24, v25  }
0x99: {  	v24 =	vmul.f32 $1.442695020e+00, v24;
	_ =	sdelay $0x1  }
0x9a: {  	(erf) = vpow2.f32 v24;
	_ =	sdelay $0x6  }
0x9b: {  	v32 =	vor.u32 $0x1, v21  }
0x9c: {  	v33 =	vor.u32 $0x5, v23  }
0x9d: {  	v34 =	vpop (erf)  }
0x9e: {  	[tilespmem:v22+s24+$0x0] =	vst.idx.add.f32.msk $0xffff, v34  }
0x9f: {  	[tilespmem:v9+s25+$0x0] =	vst.idx.msk $0xffff, v34  }
0xa0: {  	v24 =	vld.idx.msk [tilespmem:v32+s2+$0x0], $0xffff  }
0xa1: {  	v25 =	vld.idx.msk [tilespmem:v33+s2+$0x0], $0xffff;
	_ =	sdelay $0x4  }
0xa2: {  	v24 =	vadd.f32 v25, v24;
	_ =	sdelay $0x1  }
0xa3: {  	v25 =	vmul.f32 $2.000000030e-01, v24  }
0xa4: {  	vm5 =	vge.f32 v24, $0.0e+00  }
0xa5: {  	v24 =	vsel vm5, v24, v25  }
0xa6: {  	v24 =	vmul.f32 $1.442695020e+00, v24;
	_ =	sdelay $0x1  }
0xa7: {  	(erf) = vpow2.f32 v24;
	_ =	sdelay $0x4  }
0xa8: {  	v35 =	vadd.s32 $0x2800, v22;
	_ =	sdelay $0x1  }
0xa9: {  	v36 =	vor.u32 $0x2, v21  }
0xaa: {  	v37 =	vor.u32 $0x6, v23  }
0xab: {  	v38 =	vpop (erf)  }
0xac: {  	[tilespmem:v35+s24+$0x0] =	vst.idx.add.f32.msk $0xffff, v38  }
0xad: {  	[tilespmem:v10+s25+$0x0] =	vst.idx.msk $0xffff, v38  }
0xae: {  	v24 =	vld.idx.msk [tilespmem:v36+s2+$0x0], $0xffff  }
0xaf: {  	v39 =	vld.idx.msk [tilespmem:v37+s2+$0x0], $0xffff;
	_ =	sdelay $0x4  }
0xb0: {  	v24 =	vadd.f32 v39, v24;
	_ =	sdelay $0x1  }
0xb1: {  	v25 =	vmul.f32 $2.000000030e-01, v24  }
0xb2: {  	vm6 =	vge.f32 v24, $0.0e+00  }
0xb3: {  	v24 =	vsel vm6, v24, v25  }
0xb4: {  	v24 =	vmul.f32 $1.442695020e+00, v24;
	_ =	sdelay $0x1  }
0xb5: {  	(erf) = vpow2.f32 v24;
	_ =	sdelay $0x4  }
0xb6: {  	v40 =	vadd.s32 $0x5000, v22;
	_ =	sdelay $0x1  }
0xb7: {  	v21 =	vor.u32 $0x3, v21  }
0xb8: {  	v23 =	vor.u32 $0x7, v23  }
0xb9: {  	v41 =	vpop (erf)  }
0xba: {  	[tilespmem:v40+s24+$0x0] =	vst.idx.add.f32.msk $0xffff, v41  }
0xbb: {  	[tilespmem:v11+s25+$0x0] =	vst.idx.msk $0xffff, v41  }
0xbc: {  	v21 =	vld.idx.msk [tilespmem:v21+s2+$0x0], $0xffff  }
0xbd: {  	v23 =	vld.idx.msk [tilespmem:v23+s2+$0x0], $0xffff;
	_ =	sdelay $0x4  }
0xbe: {  	v21 =	vadd.f32 v23, v21;
	_ =	sdelay $0x1  }
0xbf: {  	v23 =	vmul.f32 $2.000000030e-01, v21  }
0xc0: {  	vm7 =	vge.f32 v21, $0.0e+00  }
0xc1: {  	v21 =	vsel vm7, v21, v23  }
0xc2: {  	v21 =	vmul.f32 $1.442695020e+00, v21;
	_ =	sdelay $0x1  }
0xc3: {  	(erf) = vpow2.f32 v21;
	_ =	sdelay $0x4  }
0xc4: {  	v21 =	vadd.s32 $0x7800, v22;
	_ =	sdelay $0x3  }
0xc5: {  	v22 =	vpop (erf)  }
0xc6: {  	[tilespmem:v21+s24+$0x0] =	vst.idx.add.f32.msk $0xffff, v22  }
0xc7: {  	[tilespmem:v12+s25+$0x0] =	vst.idx.msk $0xffff, v22  }
0xc8: {  	v21 =	vld [tilespmem:$0x1D8B0]  }
0xc9: {  	v22 =	vld [tilespmem:$0x1D930];
	_ =	sdelay $0x4  }
0xca: {  	v21 =	vshll.u32 v21, $0x3;
	v23 =	vshll.u32 v22, $0x3  }
0xcb: {  	v42 =	vor.u32 $0x4, v23;
	_ =	sdelay $0x3  }
0xcc: {  	v25 =	vld.idx.msk [tilespmem:v21+s2+$0x0], $0xffff  }
0xcd: {  	v24 =	vld.idx.msk [tilespmem:v42+s2+$0x0], $0xffff;
	_ =	sdelay $0x4  }
0xce: {  	v24 =	vadd.f32 v24, v25;
	_ =	sdelay $0x1  }
0xcf: {  	v25 =	vmul.f32 $2.000000030e-01, v24  }
0xd0: {  	vm8 =	vge.f32 v24, $0.0e+00  }
0xd1: {  	v24 =	vsel vm8, v24, v25  }
0xd2: {  	v24 =	vmul.f32 $1.442695020e+00, v24;
	_ =	sdelay $0x1  }
0xd3: {  	(erf) = vpow2.f32 v24;
	_ =	sdelay $0x6  }
0xd4: {  	v43 =	vor.u32 $0x1, v21  }
0xd5: {  	v44 =	vor.u32 $0x5, v23  }
0xd6: {  	v45 =	vpop (erf)  }
0xd7: {  	[tilespmem:v22+s24+$0x0] =	vst.idx.add.f32.msk $0xffff, v45  }
0xd8: {  	[tilespmem:v13+s25+$0x0] =	vst.idx.msk $0xffff, v45  }
0xd9: {  	v24 =	vld.idx.msk [tilespmem:v43+s2+$0x0], $0xffff  }
0xda: {  	v25 =	vld.idx.msk [tilespmem:v44+s2+$0x0], $0xffff;
	_ =	sdelay $0x4  }
0xdb: {  	v24 =	vadd.f32 v25, v24;
	_ =	sdelay $0x1  }
0xdc: {  	v25 =	vmul.f32 $2.000000030e-01, v24  }
0xdd: {  	vm9 =	vge.f32 v24, $0.0e+00  }
0xde: {  	v24 =	vsel vm9, v24, v25  }
0xdf: {  	v24 =	vmul.f32 $1.442695020e+00, v24;
	_ =	sdelay $0x1  }
0xe0: {  	(erf) = vpow2.f32 v24;
	_ =	sdelay $0x4  }
0xe1: {  	v46 =	vadd.s32 $0x2800, v22;
	_ =	sdelay $0x1  }
0xe2: {  	v47 =	vor.u32 $0x2, v21  }
0xe3: {  	v48 =	vor.u32 $0x6, v23  }
0xe4: {  	v49 =	vpop (erf)  }
0xe5: {  	[tilespmem:v46+s24+$0x0] =	vst.idx.add.f32.msk $0xffff, v49  }
0xe6: {  	[tilespmem:v14+s25+$0x0] =	vst.idx.msk $0xffff, v49  }
0xe7: {  	v24 =	vld.idx.msk [tilespmem:v47+s2+$0x0], $0xffff  }
0xe8: {  	v50 =	vld.idx.msk [tilespmem:v48+s2+$0x0], $0xffff;
	_ =	sdelay $0x4  }
0xe9: {  	v24 =	vadd.f32 v50, v24;
	_ =	sdelay $0x1  }
0xea: {  	v25 =	vmul.f32 $2.000000030e-01, v24  }
0xeb: {  	vm10 =	vge.f32 v24, $0.0e+00  }
0xec: {  	v24 =	vsel vm10, v24, v25  }
0xed: {  	v24 =	vmul.f32 $1.442695020e+00, v24;
	_ =	sdelay $0x1  }
0xee: {  	(erf) = vpow2.f32 v24;
	_ =	sdelay $0x4  }
0xef: {  	v51 =	vadd.s32 $0x5000, v22;
	_ =	sdelay $0x1  }
0xf0: {  	v21 =	vor.u32 $0x3, v21  }
0xf1: {  	v23 =	vor.u32 $0x7, v23  }
0xf2: {  	v52 =	vpop (erf)  }
0xf3: {  	[tilespmem:v51+s24+$0x0] =	vst.idx.add.f32.msk $0xffff, v52  }
0xf4: {  	[tilespmem:v15+s25+$0x0] =	vst.idx.msk $0xffff, v52  }
0xf5: {  	v21 =	vld.idx.msk [tilespmem:v21+s2+$0x0], $0xffff  }
0xf6: {  	v23 =	vld.idx.msk [tilespmem:v23+s2+$0x0], $0xffff;
	_ =	sdelay $0x4  }
0xf7: {  	v21 =	vadd.f32 v23, v21;
	_ =	sdelay $0x1  }
0xf8: {  	v23 =	vmul.f32 $2.000000030e-01, v21  }
0xf9: {  	vm11 =	vge.f32 v21, $0.0e+00  }
0xfa: {  	v21 =	vsel vm11, v21, v23  }
0xfb: {  	v21 =	vmul.f32 $1.442695020e+00, v21;
	_ =	sdelay $0x1  }
0xfc: {  	(erf) = vpow2.f32 v21;
	_ =	sdelay $0x4  }
0xfd: {  	v21 =	vadd.s32 $0x7800, v22;
	_ =	sdelay $0x3  }
0xfe: {  	v22 =	vpop (erf)  }
0xff: {  	[tilespmem:v21+s24+$0x0] =	vst.idx.add.f32.msk $0xffff, v22  }
0x100: {  	[tilespmem:v16+s25+$0x0] =	vst.idx.msk $0xffff, v22  }
0x101: {  	v21 =	vld [tilespmem:$0x1D8C0]  }
0x102: {  	v22 =	vld [tilespmem:$0x1D940];
	_ =	sdelay $0x4  }
0x103: {  	v21 =	vshll.u32 v21, $0x3;
	v23 =	vshll.u32 v22, $0x3  }
0x104: {  	v53 =	vor.u32 $0x4, v23;
	_ =	sdelay $0x3  }
0x105: {  	v25 =	vld.idx.msk [tilespmem:v21+s2+$0x0], $0xffff  }
0x106: {  	v24 =	vld.idx.msk [tilespmem:v53+s2+$0x0], $0xffff;
	_ =	sdelay $0x4  }
0x107: {  	v24 =	vadd.f32 v24, v25;
	_ =	sdelay $0x1  }
0x108: {  	v25 =	vmul.f32 $2.000000030e-01, v24  }
0x109: {  	vm12 =	vge.f32 v24, $0.0e+00  }
0x10a: {  	v24 =	vsel vm12, v24, v25  }
0x10b: {  	v24 =	vmul.f32 $1.442695020e+00, v24;
	_ =	sdelay $0x1  }
0x10c: {  	(erf) = vpow2.f32 v24;
	_ =	sdelay $0x6  }
0x10d: {  	v54 =	vor.u32 $0x1, v21  }
0x10e: {  	v55 =	vor.u32 $0x5, v23  }
0x10f: {  	v56 =	vpop (erf)  }
0x110: {  	[tilespmem:v22+s24+$0x0] =	vst.idx.add.f32.msk $0xffff, v56  }
0x111: {  	[tilespmem:v17+s25+$0x0] =	vst.idx.msk $0xffff, v56  }
0x112: {  	v24 =	vld.idx.msk [tilespmem:v54+s2+$0x0], $0xffff  }
0x113: {  	v25 =	vld.idx.msk [tilespmem:v55+s2+$0x0], $0xffff;
	_ =	sdelay $0x4  }
0x114: {  	v24 =	vadd.f32 v25, v24;
	_ =	sdelay $0x1  }
0x115: {  	v25 =	vmul.f32 $2.000000030e-01, v24  }
0x116: {  	vm13 =	vge.f32 v24, $0.0e+00  }
0x117: {  	v24 =	vsel vm13, v24, v25  }
0x118: {  	v24 =	vmul.f32 $1.442695020e+00, v24;
	_ =	sdelay $0x1  }
0x119: {  	(erf) = vpow2.f32 v24;
	_ =	sdelay $0x4  }
0x11a: {  	v57 =	vadd.s32 $0x2800, v22;
	_ =	sdelay $0x1  }
0x11b: {  	v58 =	vor.u32 $0x2, v21  }
0x11c: {  	v59 =	vor.u32 $0x6, v23  }
0x11d: {  	v60 =	vpop (erf)  }
0x11e: {  	[tilespmem:v57+s24+$0x0] =	vst.idx.add.f32.msk $0xffff, v60  }
0x11f: {  	[tilespmem:v18+s25+$0x0] =	vst.idx.msk $0xffff, v60  }
0x120: {  	v24 =	vld.idx.msk [tilespmem:v58+s2+$0x0], $0xffff  }
0x121: {  	v61 =	vld.idx.msk [tilespmem:v59+s2+$0x0], $0xffff;
	_ =	sdelay $0x4  }
0x122: {  	v24 =	vadd.f32 v61, v24;
	_ =	sdelay $0x1  }
0x123: {  	v25 =	vmul.f32 $2.000000030e-01, v24  }
0x124: {  	vm14 =	vge.f32 v24, $0.0e+00  }
0x125: {  	v24 =	vsel vm14, v24, v25  }
0x126: {  	v24 =	vmul.f32 $1.442695020e+00, v24;
	_ =	sdelay $0x1  }
0x127: {  	(erf) = vpow2.f32 v24;
	_ =	sdelay $0x4  }
0x128: {  	v62 =	vadd.s32 $0x5000, v22;
	_ =	sdelay $0x1  }
0x129: {  	v21 =	vor.u32 $0x3, v21  }
0x12a: {  	v23 =	vor.u32 $0x7, v23  }
0x12b: {  	v63 =	vpop (erf)  }
0x12c: {  	[tilespmem:v62+s24+$0x0] =	vst.idx.add.f32.msk $0xffff, v63  }
0x12d: {  	[tilespmem:v19+s25+$0x0] =	vst.idx.msk $0xffff, v63  }
0x12e: {  	v21 =	vld.idx.msk [tilespmem:v21+s2+$0x0], $0xffff  }
0x12f: {  	v23 =	vld.idx.msk [tilespmem:v23+s2+$0x0], $0xffff;
	_ =	sdelay $0x4  }
0x130: {  	v21 =	vadd.f32 v23, v21;
	_ =	sdelay $0x1  }
0x131: {  	v23 =	vmul.f32 $2.000000030e-01, v21  }
0x132: {  	vm15 =	vge.f32 v21, $0.0e+00  }
0x133: {  	v21 =	vsel vm15, v21, v23  }
0x134: {  	v21 =	vmul.f32 $1.442695020e+00, v21;
	_ =	sdelay $0x1  }
0x135: {  	(erf) = vpow2.f32 v21;
	_ =	sdelay $0x4  }
0x136: {  	v21 =	vadd.s32 $0x7800, v22;
	_ =	sdelay $0x3  }
0x137: {  	v22 =	vpop (erf)  }
0x138: {  	[tilespmem:v21+s24+$0x0] =	vst.idx.add.f32.msk $0xffff, v22  }
0x139: {  	[tilespmem:v20+s25+$0x0] =	vst.idx.msk $0xffff, v22  }
0x13a: {  	[hbm4b:s10+s2] =	stream.linear.scatter [tilespmem:s25], [sflag:$0x3], $0x140, $0x38;
	[tilespmem:$0x1DD80] =	vst v63  }
0x13b: {  	s31 =	sadd.s32 $0x1, s31;
	_ =	swait.ge [sflag:s18], $0x140  }
0x13c: {  	s0 =	simm.s32 $0x80;
	p0 =	sne.s32 s31, s12;
	[sflag:s18] =	ssyncset.done $0x0  }
.Ltmp1:
0x13d: {  	s3 =	simm.s32 $0x400;
	[sflag:s18] =	ssyncadd.s32 $0xFFFFFEC0;
	(pc) =	sbr.rel @!p0 .LBB2_7-.Ltmp1, $4  }
0x13e: {  	[hbm4b:s11+s0] =	stream.strided.scatter [tilespmem:s24], [sflag:$0x3], $0xA000, s3, s0, $0x38;
	[tilespmem:$0x1DD80] =	vst v63  }
0x13f: {  	_ =	swait.ge [sflag:s18], $0xA000  }
0x140: {  	[sflag:s18] =	ssyncset.done $0x0  }
0x141: {  	[sflag:s18] =	ssyncadd.s32 $0xFFFF6000  }
.LBB2_1:
0x142: {  	s0 =	rddreg [dreg:$0x2]  }
0x143: {  	[tilespmem:s2], [sflag:$0x3] =	stream.linear.gather [hbm4b:s0+s2], $0x13880, $0x38;
	[tilespmem:$0x1DD80] =	vst v63  }
0x144: {  	_ =	swait.ge [sflag:s18], $0x13880  }
0x145: {  	[sflag:s18] =	ssyncset.done $0x0  }
0x146: {  	s15 =	simm.s32 $0x0;
	s0 =	simm.s32 $0x40;
	[sflag:s18] =	ssyncadd.s32 $0xFFFEC780  }
.LBB2_2:
0x147: {  	p0 =	sne.s32 s0, $0x27FC0;
	[tilespmem:s15+$0x13880] =	vst v1;
	s15 =	smov.u32 s0;
	s0 =	sadd.s32 $0x40, s0  }
.Ltmp2:
0x148: {  	(pc) =	sbr.rel @p0 .LBB2_2-.Ltmp2, $2  }
0x149: {  	_ =	sdelay $0x2  }
0x14a: {  	s15 =	sshra.s32 s15, $0x2  }
0x14b: {  	[tilespmem:s15+$0x13880] =	vst v1;
	s0 =	simm.s32 $0x0;
	s3 =	rddreg [dreg:$0x3]  }
0x14c: {  	[tilespmem:s19], [sflag:$0x1] =	stream.linear.gather [hbm4b:s3+s0], $0x50, $0x38;
	[tilespmem:$0x1DD80] =	vst v63  }
0x14d: {  	_ = 	snop  }
0x14e: {  	[tilespmem:s20], [sflag:$0x1] =	stream.linear.gather [hbm4b:s7+s0], $0x50, $0x38;
	[tilespmem:$0x1DD80] =	vst v63  }
0x14f: {  	_ = 	snop  }
0x150: {  	[tilespmem:s21], [sflag:$0x2] =	stream.linear.gather [hbm4b:s8+s0], $0x50, $0x38;
	[tilespmem:$0x1DD80] =	vst v63  }
0x151: {  	s17 =	smov.u32 s1;
	s16 =	smov.u32 s29;
	s15 =	smov.u32 s30  }
0x152: {  	[tilespmem:s22], [sflag:$0x2] =	stream.linear.gather [hbm4b:s9+s0], $0x50, $0x38;
	[tilespmem:$0x1DD80] =	vst v63  }
.LBB2_4:
0x153: {  	_ =	swait.ge [sflag:s23], $0x50  }
0x154: {  	[sflag:s23] =	ssyncset.done $0x0  }
0x155: {  	[sflag:s23] =	ssyncadd.s32 $0xFFFFFFB0  }
0x156: {  	_ =	swait.ge [sflag:s23], $0x50  }
0x157: {  	[sflag:s23] =	ssyncset.done $0x0  }
0x158: {  	[sflag:s23] =	ssyncadd.s32 $0xFFFFFFB0  }
0x159: {  	v21 =	vld [tilespmem:$0x1D880]  }
0x15a: {  	v22 =	vld [tilespmem:$0x1D900];
	_ =	sdelay $0x4  }
0x15b: {  	v21 =	vshll.u32 v21, $0x3;
	v23 =	vshll.u32 v22, $0x3  }
0x15c: {  	v24 =	vor.u32 $0x4, v23;
	_ =	sdelay $0x3  }
0x15d: {  	v25 =	vld.idx.msk [tilespmem:v21+s2+$0x0], $0xffff  }
0x15e: {  	v24 =	vld.idx.msk [tilespmem:v24+s2+$0x0], $0xffff;
	_ =	sdelay $0x4  }
0x15f: {  	v24 =	vadd.f32 v24, v25;
	_ =	sdelay $0x1  }
0x160: {  	v25 =	vmul.f32 $2.000000030e-01, v24  }
0x161: {  	vm0 =	vge.f32 v24, $0.0e+00  }
0x162: {  	v24 =	vsel vm0, v24, v25  }
0x163: {  	v24 =	vmul.f32 $1.442695020e+00, v24;
	_ =	sdelay $0x1  }
0x164: {  	(erf) = vpow2.f32 v24;
	_ =	sdelay $0x6  }
0x165: {  	v60 =	vor.u32 $0x1, v21  }
0x166: {  	v61 =	vor.u32 $0x5, v23  }
0x167: {  	v26 =	vpop (erf)  }
0x168: {  	[tilespmem:v22+s24+$0x0] =	vst.idx.add.f32.msk $0xffff, v26  }
0x169: {  	[tilespmem:v0+s25+$0x0] =	vst.idx.msk $0xffff, v26  }
0x16a: {  	v24 =	vld.idx.msk [tilespmem:v60+s2+$0x0], $0xffff  }
0x16b: {  	v25 =	vld.idx.msk [tilespmem:v61+s2+$0x0], $0xffff;
	_ =	sdelay $0x4  }
0x16c: {  	v24 =	vadd.f32 v25, v24;
	_ =	sdelay $0x1  }
0x16d: {  	v25 =	vmul.f32 $2.000000030e-01, v24  }
0x16e: {  	vm13 =	vge.f32 v24, $0.0e+00  }
0x16f: {  	v24 =	vsel vm13, v24, v25  }
0x170: {  	v24 =	vmul.f32 $1.442695020e+00, v24;
	_ =	sdelay $0x1  }
0x171: {  	(erf) = vpow2.f32 v24;
	_ =	sdelay $0x4  }
0x172: {  	v62 =	vadd.s32 $0x2800, v22;
	_ =	sdelay $0x1  }
0x173: {  	v63 =	vor.u32 $0x2, v21  }
0x174: {  	v30 =	vor.u32 $0x6, v23  }
0x175: {  	v27 =	vpop (erf)  }
0x176: {  	[tilespmem:v62+s24+$0x0] =	vst.idx.add.f32.msk $0xffff, v27  }
0x177: {  	[tilespmem:v2+s25+$0x0] =	vst.idx.msk $0xffff, v27  }
0x178: {  	v24 =	vld.idx.msk [tilespmem:v63+s2+$0x0], $0xffff  }
0x179: {  	v31 =	vld.idx.msk [tilespmem:v30+s2+$0x0], $0xffff;
	_ =	sdelay $0x4  }
0x17a: {  	v24 =	vadd.f32 v31, v24;
	_ =	sdelay $0x1  }
0x17b: {  	v25 =	vmul.f32 $2.000000030e-01, v24  }
0x17c: {  	vm14 =	vge.f32 v24, $0.0e+00  }
0x17d: {  	v24 =	vsel vm14, v24, v25  }
0x17e: {  	v24 =	vmul.f32 $1.442695020e+00, v24;
	_ =	sdelay $0x1  }
0x17f: {  	(erf) = vpow2.f32 v24;
	_ =	sdelay $0x4  }
0x180: {  	v32 =	vadd.s32 $0x5000, v22;
	_ =	sdelay $0x1  }
0x181: {  	v21 =	vor.u32 $0x3, v21  }
0x182: {  	v23 =	vor.u32 $0x7, v23  }
0x183: {  	v33 =	vpop (erf)  }
0x184: {  	[tilespmem:v32+s24+$0x0] =	vst.idx.add.f32.msk $0xffff, v33  }
0x185: {  	[tilespmem:v3+s25+$0x0] =	vst.idx.msk $0xffff, v33  }
0x186: {  	v21 =	vld.idx.msk [tilespmem:v21+s2+$0x0], $0xffff  }
0x187: {  	v23 =	vld.idx.msk [tilespmem:v23+s2+$0x0], $0xffff;
	_ =	sdelay $0x4  }
0x188: {  	v21 =	vadd.f32 v23, v21;
	_ =	sdelay $0x1  }
0x189: {  	v23 =	vmul.f32 $2.000000030e-01, v21  }
0x18a: {  	vm15 =	vge.f32 v21, $0.0e+00  }
0x18b: {  	v21 =	vsel vm15, v21, v23  }
0x18c: {  	v21 =	vmul.f32 $1.442695020e+00, v21;
	_ =	sdelay $0x1  }
0x18d: {  	(erf) = vpow2.f32 v21;
	_ =	sdelay $0x4  }
0x18e: {  	v21 =	vadd.s32 $0x7800, v22;
	_ =	sdelay $0x3  }
0x18f: {  	v22 =	vpop (erf)  }
0x190: {  	[tilespmem:v21+s24+$0x0] =	vst.idx.add.f32.msk $0xffff, v22  }
0x191: {  	[tilespmem:v4+s25+$0x0] =	vst.idx.msk $0xffff, v22  }
0x192: {  	v21 =	vld [tilespmem:$0x1D890]  }
0x193: {  	v22 =	vld [tilespmem:$0x1D910];
	_ =	sdelay $0x4  }
0x194: {  	v21 =	vshll.u32 v21, $0x3;
	v23 =	vshll.u32 v22, $0x3  }
0x195: {  	v34 =	vor.u32 $0x4, v23;
	_ =	sdelay $0x3  }
0x196: {  	v25 =	vld.idx.msk [tilespmem:v21+s2+$0x0], $0xffff  }
0x197: {  	v24 =	vld.idx.msk [tilespmem:v34+s2+$0x0], $0xffff;
	_ =	sdelay $0x4  }
0x198: {  	v24 =	vadd.f32 v24, v25;
	_ =	sdelay $0x1  }
0x199: {  	v25 =	vmul.f32 $2.000000030e-01, v24  }
0x19a: {  	vm4 =	vge.f32 v24, $0.0e+00  }
0x19b: {  	v24 =	vsel vm4, v24, v25  }
0x19c: {  	v24 =	vmul.f32 $1.442695020e+00, v24;
	_ =	sdelay $0x1  }
0x19d: {  	(erf) = vpow2.f32 v24;
	_ =	sdelay $0x6  }
0x19e: {  	v35 =	vor.u32 $0x1, v21  }
0x19f: {  	v36 =	vor.u32 $0x5, v23  }
0x1a0: {  	v37 =	vpop (erf)  }
0x1a1: {  	[tilespmem:v22+s24+$0x0] =	vst.idx.add.f32.msk $0xffff, v37  }
0x1a2: {  	[tilespmem:v5+s25+$0x0] =	vst.idx.msk $0xffff, v37  }
0x1a3: {  	v24 =	vld.idx.msk [tilespmem:v35+s2+$0x0], $0xffff  }
0x1a4: {  	v25 =	vld.idx.msk [tilespmem:v36+s2+$0x0], $0xffff;
	_ =	sdelay $0x4  }
0x1a5: {  	v24 =	vadd.f32 v25, v24;
	_ =	sdelay $0x1  }
0x1a6: {  	v25 =	vmul.f32 $2.000000030e-01, v24  }
0x1a7: {  	vm5 =	vge.f32 v24, $0.0e+00  }
0x1a8: {  	v24 =	vsel vm5, v24, v25  }
0x1a9: {  	v24 =	vmul.f32 $1.442695020e+00, v24;
	_ =	sdelay $0x1  }
0x1aa: {  	(erf) = vpow2.f32 v24;
	_ =	sdelay $0x4  }
0x1ab: {  	v38 =	vadd.s32 $0x2800, v22;
	_ =	sdelay $0x1  }
0x1ac: {  	v39 =	vor.u32 $0x2, v21  }
0x1ad: {  	v40 =	vor.u32 $0x6, v23  }
0x1ae: {  	v41 =	vpop (erf)  }
0x1af: {  	[tilespmem:v38+s24+$0x0] =	vst.idx.add.f32.msk $0xffff, v41  }
0x1b0: {  	[tilespmem:v6+s25+$0x0] =	vst.idx.msk $0xffff, v41  }
0x1b1: {  	v24 =	vld.idx.msk [tilespmem:v39+s2+$0x0], $0xffff  }
0x1b2: {  	v42 =	vld.idx.msk [tilespmem:v40+s2+$0x0], $0xffff;
	_ =	sdelay $0x4  }
0x1b3: {  	v24 =	vadd.f32 v42, v24;
	_ =	sdelay $0x1  }
0x1b4: {  	v25 =	vmul.f32 $2.000000030e-01, v24  }
0x1b5: {  	vm6 =	vge.f32 v24, $0.0e+00  }
0x1b6: {  	v24 =	vsel vm6, v24, v25  }
0x1b7: {  	v24 =	vmul.f32 $1.442695020e+00, v24;
	_ =	sdelay $0x1  }
0x1b8: {  	(erf) = vpow2.f32 v24;
	_ =	sdelay $0x4  }
0x1b9: {  	v43 =	vadd.s32 $0x5000, v22;
	_ =	sdelay $0x1  }
0x1ba: {  	v21 =	vor.u32 $0x3, v21  }
0x1bb: {  	v23 =	vor.u32 $0x7, v23  }
0x1bc: {  	v44 =	vpop (erf)  }
0x1bd: {  	[tilespmem:v43+s24+$0x0] =	vst.idx.add.f32.msk $0xffff, v44  }
0x1be: {  	[tilespmem:v7+s25+$0x0] =	vst.idx.msk $0xffff, v44  }
0x1bf: {  	v21 =	vld.idx.msk [tilespmem:v21+s2+$0x0], $0xffff  }
0x1c0: {  	v23 =	vld.idx.msk [tilespmem:v23+s2+$0x0], $0xffff;
	_ =	sdelay $0x4  }
0x1c1: {  	v21 =	vadd.f32 v23, v21;
	_ =	sdelay $0x1  }
0x1c2: {  	v23 =	vmul.f32 $2.000000030e-01, v21  }
0x1c3: {  	vm7 =	vge.f32 v21, $0.0e+00  }
0x1c4: {  	v21 =	vsel vm7, v21, v23  }
0x1c5: {  	v21 =	vmul.f32 $1.442695020e+00, v21;
	_ =	sdelay $0x1  }
0x1c6: {  	(erf) = vpow2.f32 v21;
	_ =	sdelay $0x4  }
0x1c7: {  	v21 =	vadd.s32 $0x7800, v22;
	_ =	sdelay $0x3  }
0x1c8: {  	v22 =	vpop (erf)  }
0x1c9: {  	[tilespmem:v21+s24+$0x0] =	vst.idx.add.f32.msk $0xffff, v22  }
0x1ca: {  	[tilespmem:v8+s25+$0x0] =	vst.idx.msk $0xffff, v22  }
0x1cb: {  	v21 =	vld [tilespmem:$0x1D8A0]  }
0x1cc: {  	v22 =	vld [tilespmem:$0x1D920];
	_ =	sdelay $0x4  }
0x1cd: {  	v21 =	vshll.u32 v21, $0x3;
	v23 =	vshll.u32 v22, $0x3  }
0x1ce: {  	v45 =	vor.u32 $0x4, v23;
	_ =	sdelay $0x3  }
0x1cf: {  	v25 =	vld.idx.msk [tilespmem:v21+s2+$0x0], $0xffff  }
0x1d0: {  	v24 =	vld.idx.msk [tilespmem:v45+s2+$0x0], $0xffff;
	_ =	sdelay $0x4  }
0x1d1: {  	v24 =	vadd.f32 v24, v25;
	_ =	sdelay $0x1  }
0x1d2: {  	v25 =	vmul.f32 $2.000000030e-01, v24  }
0x1d3: {  	vm8 =	vge.f32 v24, $0.0e+00  }
0x1d4: {  	v24 =	vsel vm8, v24, v25  }
0x1d5: {  	v24 =	vmul.f32 $1.442695020e+00, v24;
	_ =	sdelay $0x1  }
0x1d6: {  	(erf) = vpow2.f32 v24;
	_ =	sdelay $0x6  }
0x1d7: {  	v46 =	vor.u32 $0x1, v21  }
0x1d8: {  	v47 =	vor.u32 $0x5, v23  }
0x1d9: {  	v48 =	vpop (erf)  }
0x1da: {  	[tilespmem:v22+s24+$0x0] =	vst.idx.add.f32.msk $0xffff, v48  }
0x1db: {  	[tilespmem:v9+s25+$0x0] =	vst.idx.msk $0xffff, v48  }
0x1dc: {  	v24 =	vld.idx.msk [tilespmem:v46+s2+$0x0], $0xffff  }
0x1dd: {  	v25 =	vld.idx.msk [tilespmem:v47+s2+$0x0], $0xffff;
	_ =	sdelay $0x4  }
0x1de: {  	v24 =	vadd.f32 v25, v24;
	_ =	sdelay $0x1  }
0x1df: {  	v25 =	vmul.f32 $2.000000030e-01, v24  }
0x1e0: {  	vm9 =	vge.f32 v24, $0.0e+00  }
0x1e1: {  	v24 =	vsel vm9, v24, v25  }
0x1e2: {  	v24 =	vmul.f32 $1.442695020e+00, v24;
	_ =	sdelay $0x1  }
0x1e3: {  	(erf) = vpow2.f32 v24;
	_ =	sdelay $0x4  }
0x1e4: {  	v49 =	vadd.s32 $0x2800, v22;
	_ =	sdelay $0x1  }
0x1e5: {  	v50 =	vor.u32 $0x2, v21  }
0x1e6: {  	v51 =	vor.u32 $0x6, v23  }
0x1e7: {  	v52 =	vpop (erf)  }
0x1e8: {  	[tilespmem:v49+s24+$0x0] =	vst.idx.add.f32.msk $0xffff, v52  }
0x1e9: {  	[tilespmem:v10+s25+$0x0] =	vst.idx.msk $0xffff, v52  }
0x1ea: {  	v24 =	vld.idx.msk [tilespmem:v50+s2+$0x0], $0xffff  }
0x1eb: {  	v53 =	vld.idx.msk [tilespmem:v51+s2+$0x0], $0xffff;
	_ =	sdelay $0x4  }
0x1ec: {  	v24 =	vadd.f32 v53, v24;
	_ =	sdelay $0x1  }
0x1ed: {  	v25 =	vmul.f32 $2.000000030e-01, v24  }
0x1ee: {  	vm10 =	vge.f32 v24, $0.0e+00  }
0x1ef: {  	v24 =	vsel vm10, v24, v25  }
0x1f0: {  	v24 =	vmul.f32 $1.442695020e+00, v24;
	_ =	sdelay $0x1  }
0x1f1: {  	(erf) = vpow2.f32 v24;
	_ =	sdelay $0x4  }
0x1f2: {  	v54 =	vadd.s32 $0x5000, v22;
	_ =	sdelay $0x1  }
0x1f3: {  	v21 =	vor.u32 $0x3, v21  }
0x1f4: {  	v23 =	vor.u32 $0x7, v23  }
0x1f5: {  	v55 =	vpop (erf)  }
0x1f6: {  	[tilespmem:v54+s24+$0x0] =	vst.idx.add.f32.msk $0xffff, v55  }
0x1f7: {  	[tilespmem:v11+s25+$0x0] =	vst.idx.msk $0xffff, v55  }
0x1f8: {  	v21 =	vld.idx.msk [tilespmem:v21+s2+$0x0], $0xffff  }
0x1f9: {  	v23 =	vld.idx.msk [tilespmem:v23+s2+$0x0], $0xffff;
	_ =	sdelay $0x4  }
0x1fa: {  	v21 =	vadd.f32 v23, v21;
	_ =	sdelay $0x1  }
0x1fb: {  	v23 =	vmul.f32 $2.000000030e-01, v21  }
0x1fc: {  	vm11 =	vge.f32 v21, $0.0e+00  }
0x1fd: {  	v21 =	vsel vm11, v21, v23  }
0x1fe: {  	v21 =	vmul.f32 $1.442695020e+00, v21;
	_ =	sdelay $0x1  }
0x1ff: {  	(erf) = vpow2.f32 v21;
	_ =	sdelay $0x4  }
0x200: {  	v21 =	vadd.s32 $0x7800, v22;
	_ =	sdelay $0x3  }
0x201: {  	v22 =	vpop (erf)  }
0x202: {  	[tilespmem:v21+s24+$0x0] =	vst.idx.add.f32.msk $0xffff, v22  }
0x203: {  	[tilespmem:v12+s25+$0x0] =	vst.idx.msk $0xffff, v22  }
0x204: {  	v21 =	vld [tilespmem:$0x1D8B0]  }
0x205: {  	v22 =	vld [tilespmem:$0x1D930];
	_ =	sdelay $0x4  }
0x206: {  	v21 =	vshll.u32 v21, $0x3;
	v23 =	vshll.u32 v22, $0x3  }
0x207: {  	v56 =	vor.u32 $0x4, v23;
	_ =	sdelay $0x3  }
0x208: {  	v25 =	vld.idx.msk [tilespmem:v21+s2+$0x0], $0xffff  }
0x209: {  	v24 =	vld.idx.msk [tilespmem:v56+s2+$0x0], $0xffff;
	_ =	sdelay $0x4  }
0x20a: {  	v24 =	vadd.f32 v24, v25;
	_ =	sdelay $0x1  }
0x20b: {  	v25 =	vmul.f32 $2.000000030e-01, v24  }
0x20c: {  	vm12 =	vge.f32 v24, $0.0e+00  }
0x20d: {  	v24 =	vsel vm12, v24, v25  }
0x20e: {  	v24 =	vmul.f32 $1.442695020e+00, v24;
	_ =	sdelay $0x1  }
0x20f: {  	(erf) = vpow2.f32 v24;
	_ =	sdelay $0x6  }
0x210: {  	v57 =	vor.u32 $0x1, v21  }
0x211: {  	v58 =	vor.u32 $0x5, v23  }
0x212: {  	v59 =	vpop (erf)  }
0x213: {  	[tilespmem:v22+s24+$0x0] =	vst.idx.add.f32.msk $0xffff, v59  }
0x214: {  	[tilespmem:v13+s25+$0x0] =	vst.idx.msk $0xffff, v59  }
0x215: {  	v24 =	vld.idx.msk [tilespmem:v57+s2+$0x0], $0xffff  }
0x216: {  	v25 =	vld.idx.msk [tilespmem:v58+s2+$0x0], $0xffff;
	_ =	sdelay $0x4  }
0x217: {  	v24 =	vadd.f32 v25, v24;
	_ =	sdelay $0x1  }
0x218: {  	v25 =	vmul.f32 $2.000000030e-01, v24  }
0x219: {  	vm13 =	vge.f32 v24, $0.0e+00  }
0x21a: {  	v24 =	vsel vm13, v24, v25  }
0x21b: {  	v24 =	vmul.f32 $1.442695020e+00, v24;
	_ =	sdelay $0x1  }
0x21c: {  	(erf) = vpow2.f32 v24;
	_ =	sdelay $0x4  }
0x21d: {  	v60 =	vadd.s32 $0x2800, v22;
	_ =	sdelay $0x1  }
0x21e: {  	v61 =	vor.u32 $0x2, v21  }
0x21f: {  	v62 =	vor.u32 $0x6, v23  }
0x220: {  	v63 =	vpop (erf)  }
0x221: {  	[tilespmem:v60+s24+$0x0] =	vst.idx.add.f32.msk $0xffff, v63  }
0x222: {  	[tilespmem:v14+s25+$0x0] =	vst.idx.msk $0xffff, v63  }
0x223: {  	v24 =	vld.idx.msk [tilespmem:v61+s2+$0x0], $0xffff  }
0x224: {  	v30 =	vld.idx.msk [tilespmem:v62+s2+$0x0], $0xffff;
	_ =	sdelay $0x4  }
0x225: {  	v24 =	vadd.f32 v30, v24;
	_ =	sdelay $0x1  }
0x226: {  	v25 =	vmul.f32 $2.000000030e-01, v24  }
0x227: {  	vm14 =	vge.f32 v24, $0.0e+00  }
0x228: {  	v24 =	vsel vm14, v24, v25  }
0x229: {  	v24 =	vmul.f32 $1.442695020e+00, v24;
	_ =	sdelay $0x1  }
0x22a: {  	(erf) = vpow2.f32 v24;
	_ =	sdelay $0x4  }
0x22b: {  	v31 =	vadd.s32 $0x5000, v22;
	_ =	sdelay $0x1  }
0x22c: {  	v21 =	vor.u32 $0x3, v21  }
0x22d: {  	v23 =	vor.u32 $0x7, v23  }
0x22e: {  	v32 =	vpop (erf)  }
0x22f: {  	[tilespmem:v31+s24+$0x0] =	vst.idx.add.f32.msk $0xffff, v32  }
0x230: {  	[tilespmem:v15+s25+$0x0] =	vst.idx.msk $0xffff, v32  }
0x231: {  	v21 =	vld.idx.msk [tilespmem:v21+s2+$0x0], $0xffff  }
0x232: {  	v23 =	vld.idx.msk [tilespmem:v23+s2+$0x0], $0xffff;
	_ =	sdelay $0x4  }
0x233: {  	v21 =	vadd.f32 v23, v21;
	_ =	sdelay $0x1  }
0x234: {  	v23 =	vmul.f32 $2.000000030e-01, v21  }
0x235: {  	vm15 =	vge.f32 v21, $0.0e+00  }
0x236: {  	v21 =	vsel vm15, v21, v23  }
0x237: {  	v21 =	vmul.f32 $1.442695020e+00, v21;
	_ =	sdelay $0x1  }
0x238: {  	(erf) = vpow2.f32 v21;
	_ =	sdelay $0x4  }
0x239: {  	v21 =	vadd.s32 $0x7800, v22;
	_ =	sdelay $0x3  }
0x23a: {  	v22 =	vpop (erf)  }
0x23b: {  	[tilespmem:v21+s24+$0x0] =	vst.idx.add.f32.msk $0xffff, v22  }
0x23c: {  	[tilespmem:v16+s25+$0x0] =	vst.idx.msk $0xffff, v22  }
0x23d: {  	v21 =	vld [tilespmem:$0x1D8C0]  }
0x23e: {  	v22 =	vld [tilespmem:$0x1D940];
	_ =	sdelay $0x4  }
0x23f: {  	v21 =	vshll.u32 v21, $0x3;
	v23 =	vshll.u32 v22, $0x3  }
0x240: {  	v33 =	vor.u32 $0x4, v23;
	_ =	sdelay $0x3  }
0x241: {  	v25 =	vld.idx.msk [tilespmem:v21+s2+$0x0], $0xffff  }
0x242: {  	v24 =	vld.idx.msk [tilespmem:v33+s2+$0x0], $0xffff;
	_ =	sdelay $0x4  }
0x243: {  	v24 =	vadd.f32 v24, v25;
	_ =	sdelay $0x1  }
0x244: {  	v25 =	vmul.f32 $2.000000030e-01, v24  }
0x245: {  	vm4 =	vge.f32 v24, $0.0e+00  }
0x246: {  	v24 =	vsel vm4, v24, v25  }
0x247: {  	v24 =	vmul.f32 $1.442695020e+00, v24;
	_ =	sdelay $0x1  }
0x248: {  	(erf) = vpow2.f32 v24;
	_ =	sdelay $0x6  }
0x249: {  	v34 =	vor.u32 $0x1, v21  }
0x24a: {  	v35 =	vor.u32 $0x5, v23  }
0x24b: {  	v36 =	vpop (erf)  }
0x24c: {  	[tilespmem:v22+s24+$0x0] =	vst.idx.add.f32.msk $0xffff, v36  }
0x24d: {  	[tilespmem:v17+s25+$0x0] =	vst.idx.msk $0xffff, v36  }
0x24e: {  	v24 =	vld.idx.msk [tilespmem:v34+s2+$0x0], $0xffff  }
0x24f: {  	v25 =	vld.idx.msk [tilespmem:v35+s2+$0x0], $0xffff;
	_ =	sdelay $0x4  }
0x250: {  	v24 =	vadd.f32 v25, v24;
	_ =	sdelay $0x1  }
0x251: {  	v25 =	vmul.f32 $2.000000030e-01, v24  }
0x252: {  	vm5 =	vge.f32 v24, $0.0e+00  }
0x253: {  	v24 =	vsel vm5, v24, v25  }
0x254: {  	v24 =	vmul.f32 $1.442695020e+00, v24;
	_ =	sdelay $0x1  }
0x255: {  	(erf) = vpow2.f32 v24;
	_ =	sdelay $0x4  }
0x256: {  	v37 =	vadd.s32 $0x2800, v22;
	_ =	sdelay $0x1  }
0x257: {  	v38 =	vor.u32 $0x2, v21  }
0x258: {  	v39 =	vor.u32 $0x6, v23  }
0x259: {  	v40 =	vpop (erf)  }
0x25a: {  	[tilespmem:v37+s24+$0x0] =	vst.idx.add.f32.msk $0xffff, v40  }
0x25b: {  	[tilespmem:v18+s25+$0x0] =	vst.idx.msk $0xffff, v40  }
0x25c: {  	v24 =	vld.idx.msk [tilespmem:v38+s2+$0x0], $0xffff  }
0x25d: {  	v41 =	vld.idx.msk [tilespmem:v39+s2+$0x0], $0xffff;
	_ =	sdelay $0x4  }
0x25e: {  	v24 =	vadd.f32 v41, v24;
	_ =	sdelay $0x1  }
0x25f: {  	v25 =	vmul.f32 $2.000000030e-01, v24  }
0x260: {  	vm6 =	vge.f32 v24, $0.0e+00  }
0x261: {  	v24 =	vsel vm6, v24, v25  }
0x262: {  	v24 =	vmul.f32 $1.442695020e+00, v24;
	_ =	sdelay $0x1  }
0x263: {  	(erf) = vpow2.f32 v24;
	_ =	sdelay $0x4  }
0x264: {  	v42 =	vadd.s32 $0x5000, v22;
	_ =	sdelay $0x1  }
0x265: {  	v21 =	vor.u32 $0x3, v21  }
0x266: {  	v23 =	vor.u32 $0x7, v23  }
0x267: {  	v43 =	vpop (erf)  }
0x268: {  	[tilespmem:v42+s24+$0x0] =	vst.idx.add.f32.msk $0xffff, v43  }
0x269: {  	[tilespmem:v19+s25+$0x0] =	vst.idx.msk $0xffff, v43  }
0x26a: {  	v21 =	vld.idx.msk [tilespmem:v21+s2+$0x0], $0xffff  }
0x26b: {  	v23 =	vld.idx.msk [tilespmem:v23+s2+$0x0], $0xffff;
	_ =	sdelay $0x4  }
0x26c: {  	v21 =	vadd.f32 v23, v21;
	_ =	sdelay $0x1  }
0x26d: {  	v23 =	vmul.f32 $2.000000030e-01, v21  }
0x26e: {  	vm7 =	vge.f32 v21, $0.0e+00  }
0x26f: {  	v21 =	vsel vm7, v21, v23  }
0x270: {  	v21 =	vmul.f32 $1.442695020e+00, v21;
	_ =	sdelay $0x1  }
0x271: {  	(erf) = vpow2.f32 v21;
	_ =	sdelay $0x4  }
0x272: {  	v21 =	vadd.s32 $0x7800, v22;
	_ =	sdelay $0x3  }
0x273: {  	v22 =	vpop (erf)  }
0x274: {  	[tilespmem:v21+s24+$0x0] =	vst.idx.add.f32.msk $0xffff, v22  }
0x275: {  	[tilespmem:v20+s25+$0x0] =	vst.idx.msk $0xffff, v22  }
0x276: {  	[hbm4b:s17+s2] =	stream.linear.scatter [tilespmem:s25], [sflag:$0x3], $0x140, $0x38;
	[tilespmem:$0x1DD80] =	vst v63  }
0x277: {  	_ =	swait.ge [sflag:s18], $0x140  }
0x278: {  	s3 =	sshrl.u32 s16, $0x3;
	[sflag:s18] =	ssyncset.done $0x0  }
0x279: {  	s6 =	sadd.s32 s4, s3;
	[sflag:s18] =	ssyncadd.s32 $0xFFFFFEC0  }
0x27a: {  	[tilespmem:s19], [sflag:$0x1] =	stream.linear.gather [hbm4b:s6+s2], $0x50, $0x38;
	[tilespmem:$0x1DD80] =	vst v63  }
0x27b: {  	s3 =	sadd.s32 s5, s3  }
0x27c: {  	[tilespmem:s20], [sflag:$0x1] =	stream.linear.gather [hbm4b:s3+s2], $0x50, $0x38;
	[tilespmem:$0x1DD80] =	vst v63  }
0x27d: {  	_ =	swait.ge [sflag:s26], $0x50  }
0x27e: {  	[sflag:s26] =	ssyncset.done $0x0  }
0x27f: {  	[sflag:s26] =	ssyncadd.s32 $0xFFFFFFB0  }
0x280: {  	_ =	swait.ge [sflag:s26], $0x50  }
0x281: {  	[sflag:s26] =	ssyncset.done $0x0  }
0x282: {  	[sflag:s26] =	ssyncadd.s32 $0xFFFFFFB0  }
0x283: {  	v21 =	vld [tilespmem:$0x1DB00]  }
0x284: {  	v22 =	vld [tilespmem:$0x1DB80];
	_ =	sdelay $0x4  }
0x285: {  	v21 =	vshll.u32 v21, $0x3;
	v23 =	vshll.u32 v22, $0x3  }
0x286: {  	v44 =	vor.u32 $0x4, v23;
	_ =	sdelay $0x3  }
0x287: {  	v45 =	vld.idx.msk [tilespmem:v21+s2+$0x0], $0xffff  }
0x288: {  	v24 =	vld.idx.msk [tilespmem:v44+s2+$0x0], $0xffff;
	_ =	sdelay $0x4  }
0x289: {  	v24 =	vadd.f32 v24, v45;
	_ =	sdelay $0x1  }
0x28a: {  	v25 =	vmul.f32 $2.000000030e-01, v24  }
0x28b: {  	vm8 =	vge.f32 v24, $0.0e+00  }
0x28c: {  	v24 =	vsel vm8, v24, v25  }
0x28d: {  	v24 =	vmul.f32 $1.442695020e+00, v24;
	_ =	sdelay $0x1  }
0x28e: {  	(erf) = vpow2.f32 v24;
	_ =	sdelay $0x6  }
0x28f: {  	v46 =	vor.u32 $0x1, v21  }
0x290: {  	v47 =	vor.u32 $0x5, v23  }
0x291: {  	v48 =	vpop (erf)  }
0x292: {  	[tilespmem:v22+s24+$0x0] =	vst.idx.add.f32.msk $0xffff, v48  }
0x293: {  	[tilespmem:v0+s28+$0x0] =	vst.idx.msk $0xffff, v48  }
0x294: {  	v24 =	vld.idx.msk [tilespmem:v46+s2+$0x0], $0xffff  }
0x295: {  	v25 =	vld.idx.msk [tilespmem:v47+s2+$0x0], $0xffff;
	_ =	sdelay $0x4  }
0x296: {  	v24 =	vadd.f32 v25, v24;
	_ =	sdelay $0x1  }
0x297: {  	v25 =	vmul.f32 $2.000000030e-01, v24  }
0x298: {  	vm9 =	vge.f32 v24, $0.0e+00  }
0x299: {  	v24 =	vsel vm9, v24, v25  }
0x29a: {  	v24 =	vmul.f32 $1.442695020e+00, v24;
	_ =	sdelay $0x1  }
0x29b: {  	(erf) = vpow2.f32 v24;
	_ =	sdelay $0x4  }
0x29c: {  	v49 =	vadd.s32 $0x2800, v22;
	_ =	sdelay $0x1  }
0x29d: {  	v50 =	vor.u32 $0x2, v21  }
0x29e: {  	v51 =	vor.u32 $0x6, v23  }
0x29f: {  	v52 =	vpop (erf)  }
0x2a0: {  	[tilespmem:v49+s24+$0x0] =	vst.idx.add.f32.msk $0xffff, v52  }
0x2a1: {  	[tilespmem:v2+s28+$0x0] =	vst.idx.msk $0xffff, v52  }
0x2a2: {  	v24 =	vld.idx.msk [tilespmem:v50+s2+$0x0], $0xffff  }
0x2a3: {  	v53 =	vld.idx.msk [tilespmem:v51+s2+$0x0], $0xffff;
	_ =	sdelay $0x4  }
0x2a4: {  	v24 =	vadd.f32 v53, v24;
	_ =	sdelay $0x1  }
0x2a5: {  	v25 =	vmul.f32 $2.000000030e-01, v24  }
0x2a6: {  	vm10 =	vge.f32 v24, $0.0e+00  }
0x2a7: {  	v24 =	vsel vm10, v24, v25  }
0x2a8: {  	v24 =	vmul.f32 $1.442695020e+00, v24;
	_ =	sdelay $0x1  }
0x2a9: {  	(erf) = vpow2.f32 v24;
	_ =	sdelay $0x4  }
0x2aa: {  	v54 =	vadd.s32 $0x5000, v22;
	_ =	sdelay $0x1  }
0x2ab: {  	v21 =	vor.u32 $0x3, v21  }
0x2ac: {  	v23 =	vor.u32 $0x7, v23  }
0x2ad: {  	v55 =	vpop (erf)  }
0x2ae: {  	[tilespmem:v54+s24+$0x0] =	vst.idx.add.f32.msk $0xffff, v55  }
0x2af: {  	[tilespmem:v3+s28+$0x0] =	vst.idx.msk $0xffff, v55  }
0x2b0: {  	v21 =	vld.idx.msk [tilespmem:v21+s2+$0x0], $0xffff  }
0x2b1: {  	v23 =	vld.idx.msk [tilespmem:v23+s2+$0x0], $0xffff;
	_ =	sdelay $0x4  }
0x2b2: {  	v21 =	vadd.f32 v23, v21;
	_ =	sdelay $0x1  }
0x2b3: {  	v23 =	vmul.f32 $2.000000030e-01, v21  }
0x2b4: {  	vm11 =	vge.f32 v21, $0.0e+00  }
0x2b5: {  	v21 =	vsel vm11, v21, v23  }
0x2b6: {  	v21 =	vmul.f32 $1.442695020e+00, v21;
	_ =	sdelay $0x1  }
0x2b7: {  	(erf) = vpow2.f32 v21;
	_ =	sdelay $0x4  }
0x2b8: {  	v21 =	vadd.s32 $0x7800, v22;
	_ =	sdelay $0x3  }
0x2b9: {  	v22 =	vpop (erf)  }
0x2ba: {  	[tilespmem:v21+s24+$0x0] =	vst.idx.add.f32.msk $0xffff, v22  }
0x2bb: {  	[tilespmem:v4+s28+$0x0] =	vst.idx.msk $0xffff, v22  }
0x2bc: {  	v21 =	vld [tilespmem:$0x1DB10]  }
0x2bd: {  	v22 =	vld [tilespmem:$0x1DB90];
	_ =	sdelay $0x4  }
0x2be: {  	v21 =	vshll.u32 v21, $0x3;
	v23 =	vshll.u32 v22, $0x3  }
0x2bf: {  	v56 =	vor.u32 $0x4, v23;
	_ =	sdelay $0x3  }
0x2c0: {  	v25 =	vld.idx.msk [tilespmem:v21+s2+$0x0], $0xffff  }
0x2c1: {  	v24 =	vld.idx.msk [tilespmem:v56+s2+$0x0], $0xffff;
	_ =	sdelay $0x4  }
0x2c2: {  	v24 =	vadd.f32 v24, v25;
	_ =	sdelay $0x1  }
0x2c3: {  	v25 =	vmul.f32 $2.000000030e-01, v24  }
0x2c4: {  	vm12 =	vge.f32 v24, $0.0e+00  }
0x2c5: {  	v24 =	vsel vm12, v24, v25  }
0x2c6: {  	v24 =	vmul.f32 $1.442695020e+00, v24;
	_ =	sdelay $0x1  }
0x2c7: {  	(erf) = vpow2.f32 v24;
	_ =	sdelay $0x6  }
0x2c8: {  	v57 =	vor.u32 $0x1, v21  }
0x2c9: {  	v58 =	vor.u32 $0x5, v23  }
0x2ca: {  	v59 =	vpop (erf)  }
0x2cb: {  	[tilespmem:v22+s24+$0x0] =	vst.idx.add.f32.msk $0xffff, v59  }
0x2cc: {  	[tilespmem:v5+s28+$0x0] =	vst.idx.msk $0xffff, v59  }
0x2cd: {  	v24 =	vld.idx.msk [tilespmem:v57+s2+$0x0], $0xffff  }
0x2ce: {  	v25 =	vld.idx.msk [tilespmem:v58+s2+$0x0], $0xffff;
	_ =	sdelay $0x4  }
0x2cf: {  	v24 =	vadd.f32 v25, v24;
	_ =	sdelay $0x1  }
0x2d0: {  	v25 =	vmul.f32 $2.000000030e-01, v24  }
0x2d1: {  	vm13 =	vge.f32 v24, $0.0e+00  }
0x2d2: {  	v24 =	vsel vm13, v24, v25  }
0x2d3: {  	v24 =	vmul.f32 $1.442695020e+00, v24;
	_ =	sdelay $0x1  }
0x2d4: {  	(erf) = vpow2.f32 v24;
	_ =	sdelay $0x4  }
0x2d5: {  	v60 =	vadd.s32 $0x2800, v22;
	_ =	sdelay $0x1  }
0x2d6: {  	v61 =	vor.u32 $0x2, v21  }
0x2d7: {  	v62 =	vor.u32 $0x6, v23  }
0x2d8: {  	v63 =	vpop (erf)  }
0x2d9: {  	[tilespmem:v60+s24+$0x0] =	vst.idx.add.f32.msk $0xffff, v63  }
0x2da: {  	[tilespmem:v6+s28+$0x0] =	vst.idx.msk $0xffff, v63  }
0x2db: {  	v24 =	vld.idx.msk [tilespmem:v61+s2+$0x0], $0xffff  }
0x2dc: {  	v28 =	vld.idx.msk [tilespmem:v62+s2+$0x0], $0xffff;
	_ =	sdelay $0x4  }
0x2dd: {  	v24 =	vadd.f32 v28, v24;
	_ =	sdelay $0x1  }
0x2de: {  	v25 =	vmul.f32 $2.000000030e-01, v24  }
0x2df: {  	vm14 =	vge.f32 v24, $0.0e+00  }
0x2e0: {  	v24 =	vsel vm14, v24, v25  }
0x2e1: {  	v24 =	vmul.f32 $1.442695020e+00, v24;
	_ =	sdelay $0x1  }
0x2e2: {  	(erf) = vpow2.f32 v24;
	_ =	sdelay $0x4  }
0x2e3: {  	v29 =	vadd.s32 $0x5000, v22;
	_ =	sdelay $0x1  }
0x2e4: {  	v21 =	vor.u32 $0x3, v21  }
0x2e5: {  	v23 =	vor.u32 $0x7, v23  }
0x2e6: {  	v30 =	vpop (erf)  }
0x2e7: {  	[tilespmem:v29+s24+$0x0] =	vst.idx.add.f32.msk $0xffff, v30  }
0x2e8: {  	[tilespmem:v7+s28+$0x0] =	vst.idx.msk $0xffff, v30  }
0x2e9: {  	v21 =	vld.idx.msk [tilespmem:v21+s2+$0x0], $0xffff  }
0x2ea: {  	v23 =	vld.idx.msk [tilespmem:v23+s2+$0x0], $0xffff;
	_ =	sdelay $0x4  }
0x2eb: {  	v21 =	vadd.f32 v23, v21;
	_ =	sdelay $0x1  }
0x2ec: {  	v23 =	vmul.f32 $2.000000030e-01, v21  }
0x2ed: {  	vm15 =	vge.f32 v21, $0.0e+00  }
0x2ee: {  	v21 =	vsel vm15, v21, v23  }
0x2ef: {  	v21 =	vmul.f32 $1.442695020e+00, v21;
	_ =	sdelay $0x1  }
0x2f0: {  	(erf) = vpow2.f32 v21;
	_ =	sdelay $0x4  }
0x2f1: {  	v21 =	vadd.s32 $0x7800, v22;
	_ =	sdelay $0x3  }
0x2f2: {  	v22 =	vpop (erf)  }
0x2f3: {  	[tilespmem:v21+s24+$0x0] =	vst.idx.add.f32.msk $0xffff, v22  }
0x2f4: {  	[tilespmem:v8+s28+$0x0] =	vst.idx.msk $0xffff, v22  }
0x2f5: {  	v21 =	vld [tilespmem:$0x1DB20]  }
0x2f6: {  	v22 =	vld [tilespmem:$0x1DBA0];
	_ =	sdelay $0x4  }
0x2f7: {  	v21 =	vshll.u32 v21, $0x3;
	v23 =	vshll.u32 v22, $0x3  }
0x2f8: {  	v31 =	vor.u32 $0x4, v23;
	_ =	sdelay $0x3  }
0x2f9: {  	v25 =	vld.idx.msk [tilespmem:v21+s2+$0x0], $0xffff  }
0x2fa: {  	v24 =	vld.idx.msk [tilespmem:v31+s2+$0x0], $0xffff;
	_ =	sdelay $0x4  }
0x2fb: {  	v24 =	vadd.f32 v24, v25;
	_ =	sdelay $0x1  }
0x2fc: {  	v25 =	vmul.f32 $2.000000030e-01, v24  }
0x2fd: {  	vm4 =	vge.f32 v24, $0.0e+00  }
0x2fe: {  	v24 =	vsel vm4, v24, v25  }
0x2ff: {  	v24 =	vmul.f32 $1.442695020e+00, v24;
	_ =	sdelay $0x1  }
0x300: {  	(erf) = vpow2.f32 v24;
	_ =	sdelay $0x6  }
0x301: {  	v32 =	vor.u32 $0x1, v21  }
0x302: {  	v33 =	vor.u32 $0x5, v23  }
0x303: {  	v34 =	vpop (erf)  }
0x304: {  	[tilespmem:v22+s24+$0x0] =	vst.idx.add.f32.msk $0xffff, v34  }
0x305: {  	[tilespmem:v9+s28+$0x0] =	vst.idx.msk $0xffff, v34  }
0x306: {  	v24 =	vld.idx.msk [tilespmem:v32+s2+$0x0], $0xffff  }
0x307: {  	v25 =	vld.idx.msk [tilespmem:v33+s2+$0x0], $0xffff;
	_ =	sdelay $0x4  }
0x308: {  	v24 =	vadd.f32 v25, v24;
	_ =	sdelay $0x1  }
0x309: {  	v25 =	vmul.f32 $2.000000030e-01, v24  }
0x30a: {  	vm5 =	vge.f32 v24, $0.0e+00  }
0x30b: {  	v24 =	vsel vm5, v24, v25  }
0x30c: {  	v24 =	vmul.f32 $1.442695020e+00, v24;
	_ =	sdelay $0x1  }
0x30d: {  	(erf) = vpow2.f32 v24;
	_ =	sdelay $0x4  }
0x30e: {  	v35 =	vadd.s32 $0x2800, v22;
	_ =	sdelay $0x1  }
0x30f: {  	v36 =	vor.u32 $0x2, v21  }
0x310: {  	v37 =	vor.u32 $0x6, v23  }
0x311: {  	v38 =	vpop (erf)  }
0x312: {  	[tilespmem:v35+s24+$0x0] =	vst.idx.add.f32.msk $0xffff, v38  }
0x313: {  	[tilespmem:v10+s28+$0x0] =	vst.idx.msk $0xffff, v38  }
0x314: {  	v24 =	vld.idx.msk [tilespmem:v36+s2+$0x0], $0xffff  }
0x315: {  	v39 =	vld.idx.msk [tilespmem:v37+s2+$0x0], $0xffff;
	_ =	sdelay $0x4  }
0x316: {  	v24 =	vadd.f32 v39, v24;
	_ =	sdelay $0x1  }
0x317: {  	v25 =	vmul.f32 $2.000000030e-01, v24  }
0x318: {  	vm6 =	vge.f32 v24, $0.0e+00  }
0x319: {  	v24 =	vsel vm6, v24, v25  }
0x31a: {  	v24 =	vmul.f32 $1.442695020e+00, v24;
	_ =	sdelay $0x1  }
0x31b: {  	(erf) = vpow2.f32 v24;
	_ =	sdelay $0x4  }
0x31c: {  	v40 =	vadd.s32 $0x5000, v22;
	_ =	sdelay $0x1  }
0x31d: {  	v21 =	vor.u32 $0x3, v21  }
0x31e: {  	v23 =	vor.u32 $0x7, v23  }
0x31f: {  	v41 =	vpop (erf)  }
0x320: {  	[tilespmem:v40+s24+$0x0] =	vst.idx.add.f32.msk $0xffff, v41  }
0x321: {  	[tilespmem:v11+s28+$0x0] =	vst.idx.msk $0xffff, v41  }
0x322: {  	v21 =	vld.idx.msk [tilespmem:v21+s2+$0x0], $0xffff  }
0x323: {  	v23 =	vld.idx.msk [tilespmem:v23+s2+$0x0], $0xffff;
	_ =	sdelay $0x4  }
0x324: {  	v21 =	vadd.f32 v23, v21;
	_ =	sdelay $0x1  }
0x325: {  	v23 =	vmul.f32 $2.000000030e-01, v21  }
0x326: {  	vm7 =	vge.f32 v21, $0.0e+00  }
0x327: {  	v21 =	vsel vm7, v21, v23  }
0x328: {  	v21 =	vmul.f32 $1.442695020e+00, v21;
	_ =	sdelay $0x1  }
0x329: {  	(erf) = vpow2.f32 v21;
	_ =	sdelay $0x4  }
0x32a: {  	v21 =	vadd.s32 $0x7800, v22;
	_ =	sdelay $0x3  }
0x32b: {  	v22 =	vpop (erf)  }
0x32c: {  	[tilespmem:v21+s24+$0x0] =	vst.idx.add.f32.msk $0xffff, v22  }
0x32d: {  	[tilespmem:v12+s28+$0x0] =	vst.idx.msk $0xffff, v22  }
0x32e: {  	v21 =	vld [tilespmem:$0x1DB30]  }
0x32f: {  	v22 =	vld [tilespmem:$0x1DBB0];
	_ =	sdelay $0x4  }
0x330: {  	v21 =	vshll.u32 v21, $0x3;
	v23 =	vshll.u32 v22, $0x3  }
0x331: {  	v42 =	vor.u32 $0x4, v23;
	_ =	sdelay $0x3  }
0x332: {  	v25 =	vld.idx.msk [tilespmem:v21+s2+$0x0], $0xffff  }
0x333: {  	v24 =	vld.idx.msk [tilespmem:v42+s2+$0x0], $0xffff;
	_ =	sdelay $0x4  }
0x334: {  	v24 =	vadd.f32 v24, v25;
	_ =	sdelay $0x1  }
0x335: {  	v25 =	vmul.f32 $2.000000030e-01, v24  }
0x336: {  	vm8 =	vge.f32 v24, $0.0e+00  }
0x337: {  	v24 =	vsel vm8, v24, v25  }
0x338: {  	v24 =	vmul.f32 $1.442695020e+00, v24;
	_ =	sdelay $0x1  }
0x339: {  	(erf) = vpow2.f32 v24;
	_ =	sdelay $0x6  }
0x33a: {  	v43 =	vor.u32 $0x1, v21  }
0x33b: {  	v44 =	vor.u32 $0x5, v23  }
0x33c: {  	v45 =	vpop (erf)  }
0x33d: {  	[tilespmem:v22+s24+$0x0] =	vst.idx.add.f32.msk $0xffff, v45  }
0x33e: {  	[tilespmem:v13+s28+$0x0] =	vst.idx.msk $0xffff, v45  }
0x33f: {  	v24 =	vld.idx.msk [tilespmem:v43+s2+$0x0], $0xffff  }
0x340: {  	v25 =	vld.idx.msk [tilespmem:v44+s2+$0x0], $0xffff;
	_ =	sdelay $0x4  }
0x341: {  	v24 =	vadd.f32 v25, v24;
	_ =	sdelay $0x1  }
0x342: {  	v25 =	vmul.f32 $2.000000030e-01, v24  }
0x343: {  	vm9 =	vge.f32 v24, $0.0e+00  }
0x344: {  	v24 =	vsel vm9, v24, v25  }
0x345: {  	v24 =	vmul.f32 $1.442695020e+00, v24;
	_ =	sdelay $0x1  }
0x346: {  	(erf) = vpow2.f32 v24;
	_ =	sdelay $0x4  }
0x347: {  	v46 =	vadd.s32 $0x2800, v22;
	_ =	sdelay $0x1  }
0x348: {  	v47 =	vor.u32 $0x2, v21  }
0x349: {  	v48 =	vor.u32 $0x6, v23  }
0x34a: {  	v49 =	vpop (erf)  }
0x34b: {  	[tilespmem:v46+s24+$0x0] =	vst.idx.add.f32.msk $0xffff, v49  }
0x34c: {  	[tilespmem:v14+s28+$0x0] =	vst.idx.msk $0xffff, v49  }
0x34d: {  	v24 =	vld.idx.msk [tilespmem:v47+s2+$0x0], $0xffff  }
0x34e: {  	v50 =	vld.idx.msk [tilespmem:v48+s2+$0x0], $0xffff;
	_ =	sdelay $0x4  }
0x34f: {  	v24 =	vadd.f32 v50, v24;
	_ =	sdelay $0x1  }
0x350: {  	v25 =	vmul.f32 $2.000000030e-01, v24  }
0x351: {  	vm10 =	vge.f32 v24, $0.0e+00  }
0x352: {  	v24 =	vsel vm10, v24, v25  }
0x353: {  	v24 =	vmul.f32 $1.442695020e+00, v24;
	_ =	sdelay $0x1  }
0x354: {  	(erf) = vpow2.f32 v24;
	_ =	sdelay $0x4  }
0x355: {  	v51 =	vadd.s32 $0x5000, v22;
	_ =	sdelay $0x1  }
0x356: {  	v21 =	vor.u32 $0x3, v21  }
0x357: {  	v23 =	vor.u32 $0x7, v23  }
0x358: {  	v52 =	vpop (erf)  }
0x359: {  	[tilespmem:v51+s24+$0x0] =	vst.idx.add.f32.msk $0xffff, v52  }
0x35a: {  	[tilespmem:v15+s28+$0x0] =	vst.idx.msk $0xffff, v52  }
0x35b: {  	v21 =	vld.idx.msk [tilespmem:v21+s2+$0x0], $0xffff  }
0x35c: {  	v23 =	vld.idx.msk [tilespmem:v23+s2+$0x0], $0xffff;
	_ =	sdelay $0x4  }
0x35d: {  	v21 =	vadd.f32 v23, v21;
	_ =	sdelay $0x1  }
0x35e: {  	v23 =	vmul.f32 $2.000000030e-01, v21  }
0x35f: {  	vm11 =	vge.f32 v21, $0.0e+00  }
0x360: {  	v21 =	vsel vm11, v21, v23  }
0x361: {  	v21 =	vmul.f32 $1.442695020e+00, v21;
	_ =	sdelay $0x1  }
0x362: {  	(erf) = vpow2.f32 v21;
	_ =	sdelay $0x4  }
0x363: {  	v21 =	vadd.s32 $0x7800, v22;
	_ =	sdelay $0x3  }
0x364: {  	v22 =	vpop (erf)  }
0x365: {  	[tilespmem:v21+s24+$0x0] =	vst.idx.add.f32.msk $0xffff, v22  }
0x366: {  	[tilespmem:v16+s28+$0x0] =	vst.idx.msk $0xffff, v22  }
0x367: {  	v21 =	vld [tilespmem:$0x1DB40]  }
0x368: {  	v22 =	vld [tilespmem:$0x1DBC0];
	_ =	sdelay $0x4  }
0x369: {  	v21 =	vshll.u32 v21, $0x3;
	v23 =	vshll.u32 v22, $0x3  }
0x36a: {  	v53 =	vor.u32 $0x4, v23;
	_ =	sdelay $0x3  }
0x36b: {  	v25 =	vld.idx.msk [tilespmem:v21+s2+$0x0], $0xffff  }
0x36c: {  	v24 =	vld.idx.msk [tilespmem:v53+s2+$0x0], $0xffff;
	_ =	sdelay $0x4  }
0x36d: {  	v24 =	vadd.f32 v24, v25;
	_ =	sdelay $0x1  }
0x36e: {  	v25 =	vmul.f32 $2.000000030e-01, v24  }
0x36f: {  	vm12 =	vge.f32 v24, $0.0e+00  }
0x370: {  	v24 =	vsel vm12, v24, v25  }
0x371: {  	v24 =	vmul.f32 $1.442695020e+00, v24;
	_ =	sdelay $0x1  }
0x372: {  	(erf) = vpow2.f32 v24;
	_ =	sdelay $0x6  }
0x373: {  	v54 =	vor.u32 $0x1, v21  }
0x374: {  	v55 =	vor.u32 $0x5, v23  }
0x375: {  	v56 =	vpop (erf)  }
0x376: {  	[tilespmem:v22+s24+$0x0] =	vst.idx.add.f32.msk $0xffff, v56  }
0x377: {  	[tilespmem:v17+s28+$0x0] =	vst.idx.msk $0xffff, v56  }
0x378: {  	v24 =	vld.idx.msk [tilespmem:v54+s2+$0x0], $0xffff  }
0x379: {  	v25 =	vld.idx.msk [tilespmem:v55+s2+$0x0], $0xffff;
	_ =	sdelay $0x4  }
0x37a: {  	v24 =	vadd.f32 v25, v24;
	_ =	sdelay $0x1  }
0x37b: {  	v25 =	vmul.f32 $2.000000030e-01, v24  }
0x37c: {  	vm13 =	vge.f32 v24, $0.0e+00  }
0x37d: {  	v24 =	vsel vm13, v24, v25  }
0x37e: {  	v24 =	vmul.f32 $1.442695020e+00, v24;
	_ =	sdelay $0x1  }
0x37f: {  	(erf) = vpow2.f32 v24;
	_ =	sdelay $0x4  }
0x380: {  	v57 =	vadd.s32 $0x2800, v22;
	_ =	sdelay $0x1  }
0x381: {  	v58 =	vor.u32 $0x2, v21  }
0x382: {  	v59 =	vor.u32 $0x6, v23  }
0x383: {  	v60 =	vpop (erf)  }
0x384: {  	[tilespmem:v57+s24+$0x0] =	vst.idx.add.f32.msk $0xffff, v60  }
0x385: {  	[tilespmem:v18+s28+$0x0] =	vst.idx.msk $0xffff, v60  }
0x386: {  	v24 =	vld.idx.msk [tilespmem:v58+s2+$0x0], $0xffff  }
0x387: {  	v61 =	vld.idx.msk [tilespmem:v59+s2+$0x0], $0xffff;
	_ =	sdelay $0x4  }
0x388: {  	v24 =	vadd.f32 v61, v24;
	_ =	sdelay $0x1  }
0x389: {  	v25 =	vmul.f32 $2.000000030e-01, v24  }
0x38a: {  	vm14 =	vge.f32 v24, $0.0e+00  }
0x38b: {  	v24 =	vsel vm14, v24, v25  }
0x38c: {  	v24 =	vmul.f32 $1.442695020e+00, v24;
	_ =	sdelay $0x1  }
0x38d: {  	(erf) = vpow2.f32 v24;
	_ =	sdelay $0x4  }
0x38e: {  	v62 =	vadd.s32 $0x5000, v22;
	_ =	sdelay $0x1  }
0x38f: {  	v21 =	vor.u32 $0x3, v21  }
0x390: {  	v23 =	vor.u32 $0x7, v23  }
0x391: {  	v63 =	vpop (erf)  }
0x392: {  	[tilespmem:v62+s24+$0x0] =	vst.idx.add.f32.msk $0xffff, v63  }
0x393: {  	[tilespmem:v19+s28+$0x0] =	vst.idx.msk $0xffff, v63  }
0x394: {  	v21 =	vld.idx.msk [tilespmem:v21+s2+$0x0], $0xffff  }
0x395: {  	v23 =	vld.idx.msk [tilespmem:v23+s2+$0x0], $0xffff;
	_ =	sdelay $0x4  }
0x396: {  	v21 =	vadd.f32 v23, v21;
	_ =	sdelay $0x1  }
0x397: {  	v23 =	vmul.f32 $2.000000030e-01, v21  }
0x398: {  	vm15 =	vge.f32 v21, $0.0e+00  }
0x399: {  	v21 =	vsel vm15, v21, v23  }
0x39a: {  	v21 =	vmul.f32 $1.442695020e+00, v21;
	_ =	sdelay $0x1  }
0x39b: {  	(erf) = vpow2.f32 v21;
	_ =	sdelay $0x4  }
0x39c: {  	v21 =	vadd.s32 $0x7800, v22;
	_ =	sdelay $0x3  }
0x39d: {  	v22 =	vpop (erf)  }
0x39e: {  	p0 =	seq.s32 s0, $0x4C4;
	[tilespmem:v21+s24+$0x0] =	vst.idx.add.f32.msk $0xffff, v22  }
.Ltmp3:
0x39f: {  	[tilespmem:v20+s28+$0x0] =	vst.idx.msk $0xffff, v22;
	(pc) =	sbr.rel @p0 .LBB2_6-.Ltmp3, $4  }
0x3a0: {  	[hbm4b:s15+s2] =	stream.linear.scatter [tilespmem:s28], [sflag:$0x3], $0x140, $0x38;
	[tilespmem:$0x1DD80] =	vst v63  }
0x3a1: {  	_ =	swait.ge [sflag:s18], $0x140  }
0x3a2: {  	[sflag:s18] =	ssyncset.done $0x0  }
0x3a3: {  	[sflag:s18] =	ssyncadd.s32 $0xFFFFFEC0  }
.Ltmp4:
0x3a4: {  	(pc) =	sbr.rel .LBB2_4-.Ltmp4, $4  }
0x3a5: {  	s3 =	sadd.s32 s0, s14;
	s6 =	sadd.s32 s0, s13;
	s0 =	sadd.s32 $0x14, s0  }
0x3a6: {  	[tilespmem:s21], [sflag:$0x2] =	stream.linear.gather [hbm4b:s3+s2], $0x50, $0x38;
	[tilespmem:$0x1DD80] =	vst v63  }
0x3a7: {  	s15 =	sadd.s32 $0x50, s15;
	s16 =	sadd.s32 $0xA0, s16;
	s17 =	sadd.s32 $0x50, s17  }
0x3a8: {  	[tilespmem:s22], [sflag:$0x2] =	stream.linear.gather [hbm4b:s6+s2], $0x50, $0x38;
	[tilespmem:$0x1DD80] =	vst v63  }
.LBB2_7:
0x3a9: {  	_ =	sfence.sel $0x180000  }
0x3aa: {  	[bflag:$0x0] =	sbarrier.arrive $0xFFFF  }
0x3ab: {  	_ =	strace $0x90000047  }
0x3ac: {  	s0 =	stileid.u32;
	[bflag:$0x2] =	sbarrier.arrive $0xFFFF  }
0x3ad: {  	p0 =	sne.s32 s0, $0x0;
	s0 =	rddreg [dreg:$0x1]  }
0x3ae: {  	s0 =	sadd.s32 @!p0 $0x100000, s0  }
0x3af: {  	[sflag:s0] =	ssyncadd.tile.s32 @!p0 $0x1;
	_ =	shalt  }
.Lfunc_end2:
_tile_overlayer_lowered:
.L_overlay_start_2:
0x3b0: {  	(tag) =	ssettag $0x2  }
0x3b1: {  	s0 =	rddreg [dreg:$0x0];
	s2 =	stileid.u32  }
0x3b2: {  	s1 =	rddreg [dreg:$0x1];
	p0 =	sne.s32 s2, $0x0  }
0x3b3: {  	s3 =	rddreg [dreg:$0x2];
	[bflag:$0x3] =	sbarrier.arrive $0xFFFF;
	s2 =	simm.s32 @!p0 $0x1C03  }
0x3b4: {  	[timem:s3], [sflag:s2] =	dma.local @!p0 [hbm:s0], s1  }
0x3b5: {  	s0 =	simm.s32 @!p0 $0x3  }
0x3b6: {  	_ =	swait.ge @!p0 [sflag:s0], s1  }
0x3b7: {  	s1 =	ssub.s32 @!p0 $0x0, s1;
	[sflag:s0] =	ssyncset.done @!p0 $0x0  }
0x3b8: {  	[sflag:s0] =	ssyncadd.s32 @!p0 s1  }
0x3b9: {  	[bflag:$0x3] =	sbarrier.arrive $0xFFFF  }
0x3ba: {  	_ =	shalt  }

// kernel: kernel.9.cloned.1.call-start
scs
__scs_entry_jumppad:
0x0: {  	(pc) =	sbr.rel $0x88, $3  }
0x1: {  	(tag) =	ssettag $0x0;
	lr =	simm.s32 $0x1  }
0x2: {  	[smem:$0x3F9B] =	sst lr;
	_ =	strace $0xD0000000  }
0x3: {  	_ = 	snop  }
0x4: {  	_ = 	snop  }
0x5: {  	_ = 	snop  }
0x6: {  	_ = 	snop  }
0x7: {  	_ = 	snop  }
__scs_overlays_trampoline_lowered:
0x8: {  	[smem:$0x3FAA] =	sst s0  }
0x9: {  	[smem:$0x3FAB] =	sst s1  }
0xa: {  	[smem:$0x3FAC] =	sst s2  }
0xb: {  	[smem:$0x3FAD] =	sst s3  }
0xc: {  	[smem:$0x3FAE] =	sst s4  }
0xd: {  	[smem:$0x3FAF] =	sst s5  }
0xe: {  	[smem:$0x3FB0] =	sst s6  }
0xf: {  	[smem:$0x3FB1] =	sst s7  }
0x10: {  	[smem:$0x3FB2] =	sst s8  }
0x11: {  	[smem:$0x3FB3] =	sst s9;
	s0 =	simm.s32 @!p0 $0x0  }
0x12: {  	s1 =	sld [smem:$0x3F99];
	s0 =	simm.s32 @p0 $0x1  }
0x13: {  	[smem:$0x3FB4] =	sst s0;
	s0 =	simm.s32 @!p1 $0x0  }
0x14: {  	s2 =	sld [smem:$0x3F98];
	s0 =	simm.s32 @p1 $0x1  }
0x15: {  	[smem:$0x3FB5] =	sst s0;
	s0 =	simm.s32 @!p2 $0x0  }
0x16: {  	s3 =	sld [smem:$0x3FDB];
	s0 =	simm.s32 @p2 $0x1  }
0x17: {  	s4 =	simm.s32 $0x1BF5;
	[smem:$0x3FB7] =	sst s0  }
0x18: {  	s0 =	sld [smem:$0x3F9A];
	_ =	swait.ge [sflag:s4], $0x0  }
0x19: {  	s7 =	sld [smem:$0x3F9B]  }
0x1a: {  	s8 =	sadd.s32 $0xFFFFE003, lr  }
0x1b: {  	s9 =	sadd.s32 $0xFFFFFEF7, lr;
	s5 =	simm.s32 $0xFFFFFFFF;
	p2 =	slt.u32 s8, $0xFFFFF086  }
0x1c: {  	p1 =	slt.u32 s9, $0xF7A;
	s5 =	simm.s32 @!p2 $0x0  }
0x1d: {  	s5 =	simm.s32 @p1 $0x1;
	p0 =	seq.s32 s7, s2  }
0x1e: {  	s7 =	smul.u32 @!p0 $0xF7A, s2;
	p2 =	seq.s32 @!p0 s5, $0x0  }
0x1f: {  	s9 =	smul.u32 $0xF7A, s1;
	s8 =	simm.s32 @!p0 $0x1BF5;
	p2 =	por !p2, p0  }
0x20: {  	[sflag:s8] =	ssyncset.s32 @!p0 $0xFFFFF086;
	s6 =	sadd.s32 @!p0 s3, s7;
	s7 =	simm.s32 @!p0 $0x108  }
0x21: {  	s3 =	sadd.s32 s3, s9;
	s6 =	sadd.s32 @!p0 $0x88, s6;
	s7 =	simm.s32 @p2 $0x1082  }
0x22: {  	[simem:s7], [sflag:s8] =	dma.local @!p0 [hbm:s6], $0xF7A  }
0x23: {  	s9 =	sor.u32 $0xD0000000, s2;
	s6 =	simm.s32 $0x108;
	_ =	swait.ge @!p0 [sflag:s8], $0x0  }
0x24: {  	s3 =	sadd.s32 $0x88, s3;
	s6 =	simm.s32 @!p1 $0x1082;
	[sflag:s4] =	ssyncset.s32 $0xFFFFF086  }
0x25: {  	[simem:s6], [sflag:s4] =	dma.local [hbm:s3], $0xF7A  }
0x26: {  	[smem:$0x3F9B] =	sst s1;
	(tag) =	ssettag s2;
	_ =	strace s9  }
0x27: {  	s1 =	sld [smem:$0x3FAB]  }
0x28: {  	s2 =	sld [smem:$0x3FAC]  }
0x29: {  	s4 =	sld [smem:$0x3FAE]  }
0x2a: {  	p0 =	seq.s32 s5, $0x0;
	s5 =	sld [smem:$0x3FAF]  }
0x2b: {  	s6 =	sld [smem:$0x3FB0]  }
0x2c: {  	s7 =	sld [smem:$0x3FB1]  }
0x2d: {  	s3 =	simm.s32 $0x108;
	s8 =	sld [smem:$0x3FB2]  }
0x2e: {  	s3 =	simm.s32 @!p0 $0x1082;
	s9 =	sld [smem:$0x3FB3]  }
0x2f: {  	lr =	sadd.s32 s0, s3;
	s0 =	sld [smem:$0x3FAA]  }
0x30: {  	s3 =	sld [smem:$0x3FAD]  }
0x31: {  	[smem:$0x3FB6] =	sst s10  }
0x32: {  	s10 =	sld [smem:$0x3FB4];
	_ =	sdelay $0x3  }
0x33: {  	p0 =	seq.s32 s10, $0x1;
	s10 =	sld [smem:$0x3FB6];
	_ =	sdelay $0x3  }
0x34: {  	[smem:$0x3FB6] =	sst s10  }
0x35: {  	s10 =	sld [smem:$0x3FB5];
	_ =	sdelay $0x3  }
0x36: {  	p1 =	seq.s32 s10, $0x1;
	s10 =	sld [smem:$0x3FB6];
	_ =	sdelay $0x3  }
0x37: {  	[smem:$0x3FB6] =	sst s10  }
0x38: {  	s10 =	sld [smem:$0x3FB7]  }
0x39: {  	_ = 	snop;
	(pc) =	sbr.ind lr, $3  }
0x3a: {  	_ = 	snop  }
0x3b: {  	_ = 	snop  }
0x3c: {  	p2 =	seq.s32 s10, $0x1;
	s10 =	sld [smem:$0x3FB6]  }
0x3d: {  	_ =	shalt  }
0x3e: {  	_ =	shalt  }
0x3f: {  	_ =	shalt  }
0x40: {  	_ =	shalt  }
0x41: {  	_ =	shalt  }
0x42: {  	_ =	shalt  }
0x43: {  	_ =	shalt  }
0x44: {  	_ =	shalt  }
0x45: {  	_ =	shalt  }
0x46: {  	_ =	shalt  }
0x47: {  	_ =	shalt  }
0x48: {  	_ =	shalt  }
0x49: {  	_ =	shalt  }
0x4a: {  	_ =	shalt  }
0x4b: {  	_ =	shalt  }
0x4c: {  	_ =	shalt  }
0x4d: {  	_ =	shalt  }
0x4e: {  	_ =	shalt  }
0x4f: {  	_ =	shalt  }
0x50: {  	_ =	shalt  }
0x51: {  	_ =	shalt  }
0x52: {  	_ =	shalt  }
0x53: {  	_ =	shalt  }
0x54: {  	_ =	shalt  }
0x55: {  	_ =	shalt  }
0x56: {  	_ =	shalt  }
0x57: {  	_ =	shalt  }
0x58: {  	_ =	shalt  }
0x59: {  	_ =	shalt  }
0x5a: {  	_ =	shalt  }
0x5b: {  	_ =	shalt  }
0x5c: {  	_ =	shalt  }
0x5d: {  	_ =	shalt  }
0x5e: {  	_ =	shalt  }
0x5f: {  	_ =	shalt  }
0x60: {  	_ =	shalt  }
0x61: {  	_ =	shalt  }
0x62: {  	_ =	shalt  }
0x63: {  	_ =	shalt  }
0x64: {  	_ =	shalt  }
0x65: {  	_ =	shalt  }
0x66: {  	_ =	shalt  }
0x67: {  	_ =	shalt  }
0x68: {  	_ =	shalt  }
0x69: {  	_ =	shalt  }
0x6a: {  	_ =	shalt  }
0x6b: {  	_ =	shalt  }
0x6c: {  	_ =	shalt  }
0x6d: {  	_ =	shalt  }
0x6e: {  	_ =	shalt  }
0x6f: {  	_ =	shalt  }
0x70: {  	_ =	shalt  }
0x71: {  	_ =	shalt  }
0x72: {  	_ =	shalt  }
0x73: {  	_ =	shalt  }
0x74: {  	_ =	shalt  }
0x75: {  	_ =	shalt  }
0x76: {  	_ =	shalt  }
0x77: {  	_ =	shalt  }
0x78: {  	_ =	shalt  }
0x79: {  	_ =	shalt  }
0x7a: {  	_ =	shalt  }
0x7b: {  	_ =	shalt  }
0x7c: {  	_ =	shalt  }
0x7d: {  	_ =	shalt  }
0x7e: {  	_ =	shalt  }
0x7f: {  	_ =	shalt  }
0x80: {  	_ =	shalt  }
0x81: {  	_ =	shalt  }
0x82: {  	_ =	shalt  }
0x83: {  	_ =	shalt  }
0x84: {  	_ =	shalt  }
0x85: {  	_ =	shalt  }
0x86: {  	_ =	shalt  }
0x87: {  	_ =	shalt  }
.Lfunc_end0:
.L_simem_size_0:
called_computation.1_lowered:
.L_overlay_start_0:
0x88: {  	s2 =	sld [smem:$0x3FD9]  }
0x89: {  	s3 =	sld [smem:$0x3FFE];
	_ =	sdelay $0x1  }
0x8a: {  	s1 =	srdreg.scid  }
0x8b: {  	s0 =	sand.u32 $0x1, s1  }
0x8c: {  	s17 =	sshll.u32 s0, $0xA;
	s2 =	sadd.s32 s3, s2  }
0x8d: {  	s2 =	sadd.s32 s2, s17  }
0x8e: {  	[smem:$0x3FC2] =	sst s2  }
0x8f: {  	_ = 	snop  }
0x90: {  	s2 =	sld [smem:$0x3FD0];
	(tm) =	ssettm $0x1  }
0x91: {  	s18 =	sld [smem:$0x3FFB];
	_ =	sdelay $0x3  }
0x92: {  	_ =	strace s18  }
0x93: {  	s3 =	sld [smem:$0x3FFC];
	_ =	sdelay $0x3  }
0x94: {  	_ =	strace s3  }
0x95: {  	s3 =	sld [smem:$0x3FFD];
	_ =	sdelay $0x3  }
0x96: {  	_ =	strace s3  }
0x97: {  	_ =	strace $0x8FFFFFFF  }
0x98: {  	s19 =	sld [smem:$0x3FDB];
	_ =	sdelay $0x1  }
0x99: {  	s4 =	simm.s32 $_scs_section_size  }
0x9a: {  	s5 =	simm.s32 $_size__tile_overlayer_lowered;
	s6 =	simm.s32 $_tile_overlayer_lowered  }
0x9b: {  	s22 =	simm.s32 $0x1BFF;
	s21 =	sshll.u32 s6, $0x1;
	s3 =	sadd.s32 s4, s19  }
0x9c: {  	s7 =	simm.s32 $0x0;
	s20 =	sshll.u32 s5, $0x1;
	s5 =	sadd.s32 s21, s3  }
0x9d: {  	[timem:s7], [sflag:s22] =	dma.local [hbm:s5], s20  }
0x9e: {  	_ =	swait.ge [sflag:s22], s20  }
0x9f: {  	s4 =	ssub.s32 $0x0, s20;
	[sflag:s22] =	ssyncset.done $0x0  }
0xa0: {  	[sflag:s22] =	ssyncadd.s32 s4;
	_ =	sdelay $0x1  }
0xa1: {  	s23 =	simm.s32 $0x1B8B  }
0xa2: {  	_ =	swait.ge [sflag:s23], $0x1  }
0xa3: {  	[sflag:s23] =	ssyncset.done $0x0  }
0xa4: {  	s25 =	simm.s32 $0x1B8E;
	s24 =	sld [smem:$0x3FFE];
	[sflag:s23] =	ssyncadd.s32 $0xFFFFFFFF  }
0xa5: {  	s26 =	simm.s32 $execute0_lowered;
	[smem:$0x3FD2] =	sst s25  }
0xa6: {  	s5 =	sshll.u32 s26, $0x1;
	_ =	strace $0x80000049;
	[dreg:$0x1] =	wrdreg $0xFFFFFFFF  }
0xa7: {  	s28 =	simm.s32 $_size_execute0_lowered;
	s3 =	sadd.s32 s3, s5;
	[dreg:$0x0] =	wrdreg $0x0  }
0xa8: {  	s5 =	sshll.u32 s28, $0x1;
	[dreg:$0x2] =	wrdreg s3  }
0xa9: {  	[dreg:$0x3] =	wrdreg s5  }
0xaa: {  	[dreg:$0x4] =	wrdreg $0xC0  }
0xab: {  	_ =	task [dreg:s7], $0x5FFFF  }
0xac: {  	[dreg:$0x1] =	wrdreg $0xFFFFFFFF  }
0xad: {  	[dreg:$0x0] =	wrdreg $0x60  }
0xae: {  	[dreg:$0x2] =	wrdreg s2  }
0xaf: {  	[dreg:$0x3] =	wrdreg s24  }
0xb0: {  	[dreg:$0x4] =	wrdreg $0x0  }
0xb1: {  	[dreg:$0x5] =	wrdreg $0x9  }
0xb2: {  	_ =	task.clear_ibuf [dreg:s7], $0x6FFFF;
	_ =	strace $0x90000049  }
0xb3: {  	s29 =	simm.s32 $0x9;
	_ =	strace $0x8000004B  }
0xb4: {  	_ =	swait.ge [sflag:s29], $0x1  }
0xb5: {  	[sflag:s29] =	ssyncadd.s32 $0xFFFFFFFF  }
0xb6: {  	_ =	strace $0x9000004B  }
0xb7: {  	_ =	sfence  }
0xb8: {  	s30 =	sld [smem:$0x0];
	_ =	sdelay $0x2  }
0xb9: {  	s31 =	sshll.u32 s1, $0xD;
	s1 =	sshrl.u32 s1, $0x2  }
0xba: {  	s3 =	sand.u32 $0x4000, s31;
	s1 =	sadd.s32 s1, s30  }
0xbb: {  	s0 =	sor.u32 s3, s0;
	s1 =	sshll.u32 s1, $0x11  }
0xbc: {  	s0 =	sor.u32 s1, s0  }
0xbd: {  	s0 =	sadd.s32 $0x8F2B, s0  }
0xbe: {  	[sflag:s0] =	ssyncadd.remote.s32 $0x1  }
0xbf: {  	_ =	sfence.sel $0xFFFF  }
0xc0: {  	[dreg:$0x0] =	wrdreg $0xFFFFFFFF;
	(pc) =	sbr.abs _section_cstart, $3  }
0xc1: {  	[dreg:$0x1] =	wrdreg $0xFFFFFFFF  }
0xc2: {  	_ =	task.clear_ibuf [dreg:s7], $0x2FFFF;
	_ =	strace $0x9FFFFFFF  }
0xc3: {  	(tm) =	ssettm $0x7FFFFFFF  }
tec
execute0_lowered:
.L_overlay_start_1:
0x0: {  	(tag) =	ssettag $0x1  }
0x1: {  	s1 =	rddreg [dreg:$0x0]  }
0x2: {  	s0 =	rddreg [dreg:$0x1]  }
0x3: {  	s2 =	rddreg [dreg:$0x2];
	s3 =	srdreg.scid;
	s4 =	simm.s32 $0x0  }
0x4: {  	s13 =	stileid.u32;
	s28 =	simm.s32 $0x14080;
	s29 =	simm.s32 $0x16900  }
0x5: {  	s30 =	simm.s32 $0x1;
	s31 =	simm.s32 $0x50;
	s3 =	sand.u32 $0x1, s3  }
0x6: {  	[smem:$0x7FF] =	sst s4;
	s10 =	smul.u32 $0x14000, s13;
	s5 =	sadd.s32 $0x3EC00, s0  }
0x7: {  	s6 =	sadd.s32 $0xCE00, s0;
	s7 =	sadd.s32 $0x3000, s0;
	s8 =	sadd.s32 $0x800, s0  }
0x8: {  	s11 =	smul.u32 $0x50000, s13;
	s12 =	sshll.u32 s13, $0x1;
	s23 =	sshll.u32 s13, $0x6  }
0x9: {  	s13 =	simm.s32 $0x3;
	s9 =	smul.u32 $0x140000, s3;
	_ =	strace $0x8000004A  }
0xa: {  	s20 =	ssub.s32 $0x2, s3;
	s3 =	sor.u32 s3, s12;
	s12 =	simm.s32 $0x19380  }
0xb: {  	s21 =	sshrl.u32 s20, $0x1;
	s22 =	sshrl.u32 s11, $0x2;
	s24 =	smul.u32 $0x2710, s3  }
0xc: {  	s3 =	smul.u32 $0x1388, s3;
	s11 =	simm.s32 $0x16B00;
	s9 =	sadd.s32 s10, s9  }
0xd: {  	s16 =	sadd.s32 s22, s2;
	s10 =	sor.u32 $0x1C05, s23;
	s9 =	sshrl.u32 s9, $0x3  }
0xe: {  	s25 =	sadd.s32 $0x4000, s16;
	s26 =	sadd.s32 $0x8000, s16;
	s14 =	sadd.s32 $0xC000, s16  }
0xf: {  	s15 =	sshrl.u32 s24, $0x3;
	[dreg:$0x4] =	wrdreg s16;
	s16 =	sadd.s32 $0x10000, s16  }
0x10: {  	s18 =	sadd.s32 $0x50, s24;
	s3 =	sadd.s32 s5, s3;
	s0 =	sadd.s32 s9, s0  }
0x11: {  	s9 =	ssub.s32 s20, s21;
	s17 =	sadd.s32 s6, s15;
	[dreg:$0x7] =	wrdreg s3  }
0x12: {  	s15 =	sadd.s32 s7, s15;
	s19 =	sshrl.u32 s18, $0x3;
	[dreg:$0x5] =	wrdreg s17  }
0x13: {  	s21 =	sshrl.u32 s18, $0x1;
	s23 =	sshrl.u32 s25, $0x3;
	[dreg:$0x6] =	wrdreg s15  }
0x14: {  	s18 =	sadd.s32 $0xF0, s24;
	s25 =	sshrl.u32 s14, $0x3;
	[dreg:$0xd] =	wrdreg s23  }
0x15: {  	s14 =	simm.s32 $0x16B80;
	s20 =	sadd.s32 s6, s19;
	[dreg:$0xf] =	wrdreg s25  }
0x16: {  	s3 =	sadd.s32 s7, s19;
	s17 =	sadd.s32 $0xA0, s24;
	[dreg:$0x8] =	wrdreg s20  }
0x17: {  	s0 =	sadd.s32 $0x65E00, s0;
	s22 =	smax.u32 s9, $0x1;
	[dreg:$0x9] =	wrdreg s3  }
0x18: {  	s24 =	sshrl.u32 s26, $0x3;
	s26 =	sshrl.u32 s16, $0x3;
	[dreg:$0xb] =	wrdreg s0  }
0x19: {  	s15 =	simm.s32 $0x2;
	s16 =	simm.s32 $0x4;
	[dreg:$0xc] =	wrdreg s22  }
0x1a: {  	s19 =	simm.s32 $0x0;
	s3 =	sadd.s32 s5, s21;
	[dreg:$0xe] =	wrdreg s24  }
0x1b: {  	s21 =	simm.s32 $0x5;
	[dreg:$0x10] =	wrdreg s26;
	s26 =	simm.s32 $0x14000  }
0x1c: {  	s0 =	simm.s32 $0x14100;
	[dreg:$0xa] =	wrdreg s3;
	s3 =	simm.s32 $0x16A80  }
.LBB2_1:
0x1d: {  	s9 =	rddreg [dreg:$0x4]  }
0x1e: {  	s9 =	sshrl.u32 s9, $0x3  }
0x1f: {  	[dreg:$0x11] =	wrdreg s9  }
0x20: {  	[spmem:s9], [sflag:s10] =	dma.local [hbm:s8], $0x800  }
0x21: {  	_ =	swait.ge [sflag:s21], $0x800  }
0x22: {  	[sflag:s21] =	ssyncset.done $0x0  }
0x23: {  	s20 =	rddreg [dreg:$0xd];
	[sflag:s21] =	ssyncadd.s32 $0xFFFFF800  }
0x24: {  	[spmem:s20], [sflag:s10] =	dma.local [hbm:s8], $0x800  }
0x25: {  	_ =	swait.ge [sflag:s21], $0x800  }
0x26: {  	[sflag:s21] =	ssyncset.done $0x0  }
0x27: {  	s22 =	rddreg [dreg:$0xe];
	[sflag:s21] =	ssyncadd.s32 $0xFFFFF800  }
0x28: {  	[spmem:s22], [sflag:s10] =	dma.local [hbm:s8], $0x800  }
0x29: {  	_ =	swait.ge [sflag:s21], $0x800  }
0x2a: {  	[sflag:s21] =	ssyncset.done $0x0  }
0x2b: {  	s23 =	rddreg [dreg:$0xf];
	[sflag:s21] =	ssyncadd.s32 $0xFFFFF800  }
0x2c: {  	[spmem:s23], [sflag:s10] =	dma.local [hbm:s8], $0x800  }
0x2d: {  	_ =	swait.ge [sflag:s21], $0x800  }
0x2e: {  	[sflag:s21] =	ssyncset.done $0x0  }
0x2f: {  	s24 =	rddreg [dreg:$0x10];
	[sflag:s21] =	ssyncadd.s32 $0xFFFFF800  }
0x30: {  	[spmem:s24], [sflag:s10] =	dma.local [hbm:s8], $0x800  }
0x31: {  	_ =	swait.ge [sflag:s21], $0x800  }
0x32: {  	[sflag:s21] =	ssyncset.done $0x0  }
0x33: {  	[sflag:s21] =	ssyncadd.s32 $0xFFFFF800  }
0x34: {  	[bflag:$0x0] =	sbarrier.arrive $0xFFFF  }
0x35: {  	s25 =	rddreg [dreg:$0x5]  }
0x36: {  	[tilespmem:s26], [sflag:$0x1] =	stream.linear.gather [hbm4b:s25+s4], $0x50, $0x38;
	[tilespmem:$0x19500] =	vst v63  }
0x37: {  	s20 =	rddreg [dreg:$0x6]  }
0x38: {  	[tilespmem:s28], [sflag:$0x1] =	stream.linear.gather [hbm4b:s20+s4], $0x50, $0x38;
	[tilespmem:$0x19500] =	vst v63  }
0x39: {  	s22 =	rddreg [dreg:$0x7]  }
0x3a: {  	[tilespmem:s29], [sflag:$0x1] =	stream.linear.gather [hbm4b:s22+s4], $0x140, $0x38;
	[tilespmem:$0x19500] =	vst v63  }
0x3b: {  	_ =	swait.ge [sflag:s30], $0x50  }
0x3c: {  	[sflag:s30] =	ssyncset.done $0x0  }
0x3d: {  	[sflag:s30] =	ssyncadd.s32 $0xFFFFFFB0  }
0x3e: {  	_ =	swait.ge [sflag:s30], $0x50  }
0x3f: {  	[sflag:s30] =	ssyncset.done $0x0  }
0x40: {  	[sflag:s30] =	ssyncadd.s32 $0xFFFFFFB0  }
0x41: {  	_ =	swait.ge [sflag:s30], $0x140  }
0x42: {  	[sflag:s30] =	ssyncset.done $0x0  }
0x43: {  	[sflag:s30] =	ssyncadd.s32 $0xFFFFFEC0  }
0x44: {  	[tilespmem:s0], [sflag:$0x2] =	stream.indirect.gather [hbm4b:s1+s31], $0x80, s26, s31, $0xb8;
	[tilespmem:$0x19500] =	vst v63  }
0x45: {  	s23 =	rddreg [dreg:$0x8]  }
0x46: {  	[tilespmem:s3], [sflag:$0x3] =	stream.linear.gather [hbm4b:s23+s4], $0x50, $0x38;
	[tilespmem:$0x19500] =	vst v63  }
0x47: {  	s24 =	rddreg [dreg:$0x9]  }
0x48: {  	[tilespmem:s11], [sflag:$0x3] =	stream.linear.gather [hbm4b:s24+s4], $0x50, $0x38;
	[tilespmem:$0x19500] =	vst v63  }
0x49: {  	s25 =	rddreg [dreg:$0xa]  }
0x4a: {  	[tilespmem:s12], [sflag:$0x3] =	stream.linear.gather [hbm4b:s25+s4], $0x140, $0x38;
	[tilespmem:$0x19500] =	vst v63  }
0x4b: {  	_ =	swait.ge [sflag:s13], $0x50  }
0x4c: {  	[sflag:s13] =	ssyncset.done $0x0  }
0x4d: {  	[sflag:s13] =	ssyncadd.s32 $0xFFFFFFB0  }
0x4e: {  	_ =	swait.ge [sflag:s13], $0x50  }
0x4f: {  	[sflag:s13] =	ssyncset.done $0x0  }
0x50: {  	[sflag:s13] =	ssyncadd.s32 $0xFFFFFFB0  }
0x51: {  	_ =	swait.ge [sflag:s13], $0x140  }
0x52: {  	[sflag:s13] =	ssyncset.done $0x0  }
0x53: {  	s22 =	simm.s32 $0x0;
	[sflag:s13] =	ssyncadd.s32 $0xFFFFFEC0  }
0x54: {  	[tilespmem:s14], [sflag:$0x4] =	stream.indirect.gather [hbm4b:s1+s31], $0x80, s3, s31, $0xb8;
	[tilespmem:$0x19500] =	vst v63  }
.LBB2_2:
0x55: {  	_ =	swait.ge [sflag:s15], $0x2800  }
0x56: {  	[sflag:s15] =	ssyncset.done $0x0  }
0x57: {  	s23 =	simm.s32 $0x14200;
	[sflag:s15] =	ssyncadd.s32 $0xFFFFD800  }
0x58: {  	v5 =	vld [tilespmem:s23+$0xFFFFFFA0]  }
0x59: {  	v3 =	vld [tilespmem:s23+$0xFFFFFFF0]  }
0x5a: {  	v0 =	vld [tilespmem:s23+$0xFFFFFF60]  }
0x5b: {  	v6 =	vld [tilespmem:s23+$0xFFFFFFD0]  }
0x5c: {  	v7 =	vld [tilespmem:s23+$0x80]  }
0x5d: {  	v10 =	vld [tilespmem:s23+$0xFFFFFF10]  }
0x5e: {  	v14 =	vld [tilespmem:s23+$0xE0]  }
0x5f: {  	v9 =	vld [tilespmem:s23+$0xFFFFFF40]  }
0x60: {  	s9 =	simm.s32 $0x0;
	v1 =	vld [tilespmem:s23+$0xFFFFFF90]  }
0x61: {  	v2 =	vld [tilespmem:s9+$0x16900]  }
0x62: {  	v8 =	vld [tilespmem:s23+$0xFFFFFFC0]  }
0x63: {  	v11 =	vld [tilespmem:s23+$0xFFFFFF00]  }
0x64: {  	v12 =	vld [tilespmem:s23+$0xD0]  }
0x65: {  	v21 =	vld [tilespmem:s23+$0xC0]  }
0x66: {  	v19 =	vld [tilespmem:s23+$0x90];
	v17 =	vbroadcast v2, $0x0;
	v4 =	vbroadcast v2, $0xF  }
0x67: {  	v20 =	vld [tilespmem:s23+$0xFFFFFF50];
	v18 =	vbroadcast v2, $0x2;
	v16 =	vbroadcast v2, $0xE  }
0x68: {  	v15 =	vld [tilespmem:s23+$0xB0];
	v13 =	vbroadcast v2, $0xC;
	v23 =	vmul.f32 v17, v11  }
0x69: {  	s24 =	simm.s32 $0x40;
	s25 =	simm.s32 $0x14200;
	v11 =	vbroadcast v2, $0xD;
	v22 =	vmul.f32 v9, v18;
	v9 =	vld [tilespmem:s23+$0x60]  }
.LBB2_3:
0x6a: {  	p0 =	sne.s32 s24, $0x4C0  }
0x6b: {  	[tilespmem:s23+$0xFFFFFF00] =	vst v23;
	v23 =	vld [tilespmem:s23+$0xFFFFFFB0];
	v21 =	vmul.f32 v21, v16;
	v14 =	vmul.f32 v14, v4;
	s25 =	sadd.s32 $0x200, s25;
	s9 =	smov.u32 s24;
	s24 =	sadd.s32 $0x40, s24  }
0x6c: {  	[tilespmem:s23+$0xFFFFFF40] =	vst v22;
	v22 =	vbroadcast v2, $0xA;
	v19 =	vmul.f32 v19, v13;
	v24 =	vld [tilespmem:s23+$0xA0]  }
0x6d: {  	v10 =	vmul.f32 v10, v17;
	v17 =	vmul.f32 v20, v18;
	v18 =	vld [tilespmem:s23+$0x70];
	[tilespmem:s23+$0xE0] =	vst v14  }
0x6e: {  	v14 =	vbroadcast v2, $0x5;
	v20 =	vld [tilespmem:s23+$0xFFFFFFE0];
	v15 =	vmul.f32 v15, v11;
	[tilespmem:s23+$0xC0] =	vst v21  }
0x6f: {  	v12 =	vmul.f32 v12, v16;
	[tilespmem:s23+$0xFFFFFF10] =	vst v10;
	v10 =	vbroadcast v2, $0x6;
	v21 =	vld [tilespmem:s23+$0x40]  }
0x70: {  	v25 =	vbroadcast v2, $0xB;
	v5 =	vmul.f32 v5, v14;
	v16 =	vld [tilespmem:s23+$0xFFFFFF20];
	[tilespmem:s23+$0x90] =	vst v19  }
0x71: {  	v19 =	vbroadcast v2, $0x9;
	[tilespmem:s23+$0xFFFFFF50] =	vst v17;
	v17 =	vld [tilespmem:s23+$0x20];
	v11 =	vmul.f32 v24, v11  }
0x72: {  	v14 =	vmul.f32 v23, v14;
	v23 =	vld [tilespmem:s23+$0x50];
	v18 =	vmul.f32 v18, v25;
	[tilespmem:s23+$0xD0] =	vst v12  }
0x73: {  	v7 =	vmul.f32 v7, v13;
	v12 =	vbroadcast v2, $0x7;
	v24 =	vld [tilespmem:s23+$0x30];
	[tilespmem:s23+$0xA0] =	vst v11  }
0x74: {  	v8 =	vmul.f32 v8, v10;
	v11 =	vbroadcast v2, $0x3;
	v13 =	vld [tilespmem:s23+$0x0];
	[tilespmem:s23+$0x70] =	vst v18  }
0x75: {  	v9 =	vmul.f32 v9, v25;
	v6 =	vmul.f32 v6, v10;
	v10 =	vld [tilespmem:s23+$0x10];
	[tilespmem:s23+$0x80] =	vst v7  }
0x76: {  	v18 =	vbroadcast v2, $0x8;
	v21 =	vmul.f32 v21, v22;
	v7 =	vld [tilespmem:s23+$0xFFFFFF30];
	[tilespmem:s23+$0xB0] =	vst v15  }
0x77: {  	v15 =	vbroadcast v2, $0x1;
	v25 =	vld [tilespmem:s23+$0xFFFFFF70];
	[tilespmem:s23+$0xFFFFFFD0] =	vst v6;
	v22 =	vmul.f32 v23, v22  }
0x78: {  	v3 =	vmul.f32 v3, v12;
	v6 =	vmul.f32 v20, v12;
	[tilespmem:s23+$0xFFFFFFC0] =	vst v8;
	v8 =	vld [tilespmem:s23+$0xF0]  }
0x79: {  	v20 =	vmul.f32 v24, v19;
	v12 =	vld [tilespmem:s23+$0xFFFFFF80];
	[tilespmem:s23+$0xFFFFFFA0] =	vst v5;
	v13 =	vmul.f32 v13, v18  }
0x7a: {  	v5 =	vld [tilespmem:s25+$0xFFFFFFA0];
	[tilespmem:s23+$0xFFFFFFF0] =	vst v3;
	v18 =	vmul.f32 v10, v18;
	v10 =	vmul.f32 v17, v19  }
0x7b: {  	v3 =	vmul.f32 v16, v15;
	v15 =	vmul.f32 v7, v15;
	[tilespmem:s23+$0x60] =	vst v9  }
0x7c: {  	v0 =	vmul.f32 v0, v11;
	v7 =	vmul.f32 v25, v11;
	[tilespmem:s23+$0xFFFFFFB0] =	vst v14  }
0x7d: {  	v2 =	vbroadcast v2, $0x4;
	[tilespmem:s23+$0xFFFFFF20] =	vst v3;
	v3 =	vmul.f32 v8, v4  }
0x7e: {  	[tilespmem:s23+$0xFFFFFF60] =	vst v0  }
0x7f: {  	v4 =	vmul.f32 v12, v2;
	v0 =	vmul.f32 v1, v2;
	[tilespmem:s23+$0x40] =	vst v21  }
0x80: {  	[tilespmem:s23+$0xFFFFFFE0] =	vst v6  }
0x81: {  	[tilespmem:s23+$0xF0] =	vst v3  }
0x82: {  	[tilespmem:s23+$0xFFFFFF90] =	vst v0  }
0x83: {  	v3 =	vld [tilespmem:s25+$0xFFFFFFF0];
	[tilespmem:s23+$0xFFFFFF70] =	vst v7  }
0x84: {  	v0 =	vld [tilespmem:s25+$0xFFFFFF60];
	[tilespmem:s23+$0x20] =	vst v10  }
0x85: {  	v6 =	vld [tilespmem:s25+$0xFFFFFFD0];
	[tilespmem:s23+$0x30] =	vst v20  }
0x86: {  	v7 =	vld [tilespmem:s25+$0x80];
	[tilespmem:s23+$0xFFFFFF80] =	vst v4  }
0x87: {  	v10 =	vld [tilespmem:s25+$0xFFFFFF10];
	[tilespmem:s23+$0x50] =	vst v22  }
0x88: {  	v14 =	vld [tilespmem:s25+$0xE0];
	[tilespmem:s23+$0x0] =	vst v13  }
0x89: {  	v9 =	vld [tilespmem:s25+$0xFFFFFF40];
	[tilespmem:s23+$0xFFFFFF30] =	vst v15  }
0x8a: {  	s9 =	sshra.s32 s9, $0x2;
	v1 =	vld [tilespmem:s25+$0xFFFFFF90];
	[tilespmem:s23+$0x10] =	vst v18;
	s23 =	smov.u32 s25  }
0x8b: {  	v2 =	vld [tilespmem:s9+$0x16900]  }
0x8c: {  	v8 =	vld [tilespmem:s25+$0xFFFFFFC0]  }
0x8d: {  	v11 =	vld [tilespmem:s25+$0xFFFFFF00]  }
0x8e: {  	v12 =	vld [tilespmem:s25+$0xD0]  }
.Ltmp0:
0x8f: {  	v21 =	vld [tilespmem:s25+$0xC0];
	(pc) =	sbr.rel @p0 .LBB2_3-.Ltmp0, $4  }
0x90: {  	v17 =	vbroadcast v2, $0x0;
	v19 =	vld [tilespmem:s25+$0x90];
	v4 =	vbroadcast v2, $0xF  }
0x91: {  	v18 =	vbroadcast v2, $0x2;
	v16 =	vbroadcast v2, $0xE;
	v20 =	vld [tilespmem:s25+$0xFFFFFF50]  }
0x92: {  	v23 =	vmul.f32 v17, v11;
	v11 =	vbroadcast v2, $0xD;
	v15 =	vld [tilespmem:s25+$0xB0]  }
0x93: {  	v13 =	vbroadcast v2, $0xC;
	v22 =	vmul.f32 v9, v18;
	v9 =	vld [tilespmem:s25+$0x60]  }
0x94: {  	[tilespmem:s23+$0xFFFFFF00] =	vst v23;
	v14 =	vmul.f32 v14, v4  }
0x95: {  	v21 =	vmul.f32 v21, v16;
	[tilespmem:s23+$0xFFFFFF40] =	vst v22  }
0x96: {  	v10 =	vmul.f32 v10, v17;
	[tilespmem:s23+$0xE0] =	vst v14  }
0x97: {  	v17 =	vld [tilespmem:s23+$0x70];
	v7 =	vmul.f32 v7, v13;
	[tilespmem:s23+$0xC0] =	vst v21  }
0x98: {  	v14 =	vmul.f32 v19, v13;
	v18 =	vmul.f32 v20, v18;
	[tilespmem:s23+$0xFFFFFF10] =	vst v10  }
0x99: {  	v22 =	vld [tilespmem:s23+$0xA0];
	v10 =	vmul.f32 v12, v16;
	v16 =	vbroadcast v2, $0xB;
	[tilespmem:s23+$0x80] =	vst v7  }
0x9a: {  	[tilespmem:s23+$0x90] =	vst v14  }
0x9b: {  	v7 =	vbroadcast v2, $0x7;
	[tilespmem:s23+$0xFFFFFF50] =	vst v18;
	v9 =	vmul.f32 v9, v16  }
0x9c: {  	[tilespmem:s23+$0xD0] =	vst v10;
	v17 =	vmul.f32 v17, v16  }
0x9d: {  	v12 =	vld [tilespmem:s23+$0xFFFFFF20];
	v3 =	vmul.f32 v3, v7;
	[tilespmem:s23+$0x60] =	vst v9  }
0x9e: {  	v10 =	vbroadcast v2, $0x6;
	v18 =	vmul.f32 v22, v11;
	[tilespmem:s23+$0x70] =	vst v17  }
0x9f: {  	v14 =	vld [tilespmem:s23+$0xFFFFFFE0];
	v11 =	vmul.f32 v15, v11;
	[tilespmem:s23+$0xFFFFFFF0] =	vst v3  }
0xa0: {  	v19 =	vld [tilespmem:s23+$0xFFFFFFB0];
	v16 =	vbroadcast v2, $0x1;
	v6 =	vmul.f32 v6, v10;
	[tilespmem:s23+$0xA0] =	vst v18  }
0xa1: {  	v15 =	vbroadcast v2, $0x5;
	v8 =	vmul.f32 v8, v10;
	[tilespmem:s23+$0xB0] =	vst v11  }
0xa2: {  	v12 =	vmul.f32 v12, v16;
	[tilespmem:s23+$0xFFFFFFD0] =	vst v6  }
0xa3: {  	v20 =	vld [tilespmem:s23+$0x40];
	v5 =	vmul.f32 v5, v15;
	[tilespmem:s23+$0xFFFFFFC0] =	vst v8  }
0xa4: {  	v18 =	vld [tilespmem:s23+$0xF0];
	[tilespmem:s23+$0xFFFFFF20] =	vst v12;
	v7 =	vmul.f32 v14, v7;
	v12 =	vbroadcast v2, $0x4  }
0xa5: {  	v11 =	vld [tilespmem:s23+$0xFFFFFF70];
	[tilespmem:s23+$0xFFFFFFA0] =	vst v5;
	v5 =	vmul.f32 v19, v15;
	v15 =	vbroadcast v2, $0x3  }
0xa6: {  	v13 =	vld [tilespmem:s23+$0x20];
	v3 =	vbroadcast v2, $0xA;
	v1 =	vmul.f32 v1, v12;
	[tilespmem:s23+$0xFFFFFFE0] =	vst v7  }
0xa7: {  	v17 =	vld [tilespmem:s23+$0x30];
	v0 =	vmul.f32 v0, v15;
	[tilespmem:s23+$0xFFFFFFB0] =	vst v5  }
0xa8: {  	v6 =	vld [tilespmem:s23+$0xFFFFFF80];
	v5 =	vmul.f32 v20, v3;
	[tilespmem:s23+$0xFFFFFF90] =	vst v1  }
0xa9: {  	v21 =	vld [tilespmem:s23+$0x50];
	[tilespmem:s23+$0xFFFFFF60] =	vst v0;
	v0 =	vmul.f32 v18, v4;
	v4 =	vbroadcast v2, $0x9  }
0xaa: {  	v10 =	vld [tilespmem:s23+$0x0];
	[tilespmem:s23+$0x40] =	vst v5;
	v5 =	vmul.f32 v11, v15  }
0xab: {  	v9 =	vld [tilespmem:s23+$0xFFFFFF30];
	[tilespmem:s23+$0xF0] =	vst v0;
	v0 =	vmul.f32 v13, v4  }
0xac: {  	v8 =	vld [tilespmem:s23+$0x10];
	v1 =	vmul.f32 v17, v4;
	[tilespmem:s23+$0xFFFFFF70] =	vst v5  }
0xad: {  	v2 =	vbroadcast v2, $0x8;
	v4 =	vmul.f32 v6, v12;
	[tilespmem:s23+$0x20] =	vst v0  }
0xae: {  	v0 =	vmul.f32 v21, v3;
	[tilespmem:s23+$0x30] =	vst v1  }
0xaf: {  	v1 =	vmul.f32 v10, v2;
	[tilespmem:s23+$0xFFFFFF80] =	vst v4  }
0xb0: {  	v3 =	vmul.f32 v9, v16;
	[tilespmem:s23+$0x50] =	vst v0  }
0xb1: {  	v0 =	vmul.f32 v8, v2;
	[tilespmem:s23+$0x0] =	vst v1  }
0xb2: {  	[tilespmem:s23+$0xFFFFFF30] =	vst v3  }
0xb3: {  	[tilespmem:s23+$0x10] =	vst v0;
	s23 =	smul.u32 $0xA0, s22  }
0xb4: {  	[spmem:s2] =	stream.indirect.scatter.add.f32 [tilespmem:s0], [sflag:$0x5], $0x80, s28, s31, $0xb8;
	[tilespmem:$0x19500] =	vst v63  }
0xb5: {  	_ =	swait.ge [sflag:s21], $0x2800;
	s9 =	sadd.s32 s23, s17  }
0xb6: {  	s25 =	simm.s32 $0x0;
	[sflag:s21] =	ssyncset.done $0x0;
	s20 =	sshrl.u32 s9, $0x3  }
0xb7: {  	s9 =	sshrl.u32 s9, $0x1;
	[sflag:s21] =	ssyncadd.s32 $0xFFFFD800;
	s24 =	sadd.s32 s6, s20  }
0xb8: {  	[tilespmem:s26], [sflag:$0x1] =	stream.linear.gather [hbm4b:s24+s25], $0x50, $0x38;
	[tilespmem:$0x19500] =	vst v63  }
0xb9: {  	s20 =	sadd.s32 s7, s20;
	s9 =	sand.u32 $0x1FFFFFF8, s9  }
0xba: {  	[tilespmem:s28], [sflag:$0x1] =	stream.linear.gather [hbm4b:s20+s25], $0x50, $0x38;
	[tilespmem:$0x19500] =	vst v63  }
0xbb: {  	s9 =	sadd.s32 s5, s9  }
0xbc: {  	[tilespmem:s29], [sflag:$0x1] =	stream.linear.gather [hbm4b:s9+s25], $0x140, $0x38;
	[tilespmem:$0x19500] =	vst v63  }
0xbd: {  	_ =	swait.ge [sflag:s30], $0x50  }
0xbe: {  	[sflag:s30] =	ssyncset.done $0x0  }
0xbf: {  	[sflag:s30] =	ssyncadd.s32 $0xFFFFFFB0  }
0xc0: {  	_ =	swait.ge [sflag:s30], $0x50  }
0xc1: {  	[sflag:s30] =	ssyncset.done $0x0  }
0xc2: {  	[sflag:s30] =	ssyncadd.s32 $0xFFFFFFB0  }
0xc3: {  	_ =	swait.ge [sflag:s30], $0x140  }
0xc4: {  	[sflag:s30] =	ssyncset.done $0x0  }
0xc5: {  	[sflag:s30] =	ssyncadd.s32 $0xFFFFFEC0  }
0xc6: {  	[tilespmem:s0], [sflag:$0x2] =	stream.indirect.gather [hbm4b:s1+s31], $0x80, s26, s31, $0xb8;
	[tilespmem:$0x19500] =	vst v63  }
0xc7: {  	_ =	swait.ge [sflag:s16], $0x2800  }
0xc8: {  	[sflag:s16] =	ssyncset.done $0x0  }
0xc9: {  	s24 =	simm.s32 $0x16C80;
	[sflag:s16] =	ssyncadd.s32 $0xFFFFD800  }
0xca: {  	v5 =	vld [tilespmem:s24+$0xFFFFFFA0]  }
0xcb: {  	v3 =	vld [tilespmem:s24+$0xFFFFFFF0]  }
0xcc: {  	v0 =	vld [tilespmem:s24+$0xFFFFFF60]  }
0xcd: {  	v6 =	vld [tilespmem:s24+$0xFFFFFFD0]  }
0xce: {  	v7 =	vld [tilespmem:s24+$0x80]  }
0xcf: {  	v10 =	vld [tilespmem:s24+$0xFFFFFF10]  }
0xd0: {  	v14 =	vld [tilespmem:s24+$0xE0]  }
0xd1: {  	v9 =	vld [tilespmem:s24+$0xFFFFFF40]  }
0xd2: {  	s25 =	simm.s32 $0x0;
	v1 =	vld [tilespmem:s24+$0xFFFFFF90]  }
0xd3: {  	v2 =	vld [tilespmem:s25+$0x19380]  }
0xd4: {  	v8 =	vld [tilespmem:s24+$0xFFFFFFC0]  }
0xd5: {  	v11 =	vld [tilespmem:s24+$0xFFFFFF00]  }
0xd6: {  	v12 =	vld [tilespmem:s24+$0xD0]  }
0xd7: {  	v21 =	vld [tilespmem:s24+$0xC0]  }
0xd8: {  	v19 =	vld [tilespmem:s24+$0x90];
	v17 =	vbroadcast v2, $0x0;
	v4 =	vbroadcast v2, $0xF  }
0xd9: {  	v20 =	vld [tilespmem:s24+$0xFFFFFF50];
	v18 =	vbroadcast v2, $0x2;
	v16 =	vbroadcast v2, $0xE  }
0xda: {  	v15 =	vld [tilespmem:s24+$0xB0];
	v13 =	vbroadcast v2, $0xC;
	v23 =	vmul.f32 v17, v11  }
0xdb: {  	s9 =	simm.s32 $0x16C80;
	s25 =	simm.s32 $0x40;
	v11 =	vbroadcast v2, $0xD;
	v22 =	vmul.f32 v9, v18;
	v9 =	vld [tilespmem:s24+$0x60]  }
.LBB2_5:
0xdc: {  	p0 =	sne.s32 s25, $0x4C0  }
0xdd: {  	[tilespmem:s24+$0xFFFFFF00] =	vst v23;
	v23 =	vld [tilespmem:s24+$0xFFFFFFB0];
	v21 =	vmul.f32 v21, v16;
	v14 =	vmul.f32 v14, v4;
	s9 =	sadd.s32 $0x200, s9;
	s20 =	smov.u32 s25;
	s25 =	sadd.s32 $0x40, s25  }
0xde: {  	[tilespmem:s24+$0xFFFFFF40] =	vst v22;
	v22 =	vbroadcast v2, $0xA;
	v19 =	vmul.f32 v19, v13;
	v24 =	vld [tilespmem:s24+$0xA0]  }
0xdf: {  	v10 =	vmul.f32 v10, v17;
	v17 =	vmul.f32 v20, v18;
	v18 =	vld [tilespmem:s24+$0x70];
	[tilespmem:s24+$0xE0] =	vst v14  }
0xe0: {  	v14 =	vbroadcast v2, $0x5;
	v20 =	vld [tilespmem:s24+$0xFFFFFFE0];
	v15 =	vmul.f32 v15, v11;
	[tilespmem:s24+$0xC0] =	vst v21  }
0xe1: {  	v12 =	vmul.f32 v12, v16;
	[tilespmem:s24+$0xFFFFFF10] =	vst v10;
	v10 =	vbroadcast v2, $0x6;
	v21 =	vld [tilespmem:s24+$0x40]  }
0xe2: {  	v25 =	vbroadcast v2, $0xB;
	v5 =	vmul.f32 v5, v14;
	v16 =	vld [tilespmem:s24+$0xFFFFFF20];
	[tilespmem:s24+$0x90] =	vst v19  }
0xe3: {  	v19 =	vbroadcast v2, $0x9;
	[tilespmem:s24+$0xFFFFFF50] =	vst v17;
	v17 =	vld [tilespmem:s24+$0x20];
	v11 =	vmul.f32 v24, v11  }
0xe4: {  	v14 =	vmul.f32 v23, v14;
	v23 =	vld [tilespmem:s24+$0x50];
	v18 =	vmul.f32 v18, v25;
	[tilespmem:s24+$0xD0] =	vst v12  }
0xe5: {  	v7 =	vmul.f32 v7, v13;
	v12 =	vbroadcast v2, $0x7;
	v24 =	vld [tilespmem:s24+$0x30];
	[tilespmem:s24+$0xA0] =	vst v11  }
0xe6: {  	v8 =	vmul.f32 v8, v10;
	v11 =	vbroadcast v2, $0x3;
	v13 =	vld [tilespmem:s24+$0x0];
	[tilespmem:s24+$0x70] =	vst v18  }
0xe7: {  	v9 =	vmul.f32 v9, v25;
	v6 =	vmul.f32 v6, v10;
	v10 =	vld [tilespmem:s24+$0x10];
	[tilespmem:s24+$0x80] =	vst v7  }
0xe8: {  	v18 =	vbroadcast v2, $0x8;
	v21 =	vmul.f32 v21, v22;
	v7 =	vld [tilespmem:s24+$0xFFFFFF30];
	[tilespmem:s24+$0xB0] =	vst v15  }
0xe9: {  	v15 =	vbroadcast v2, $0x1;
	v25 =	vld [tilespmem:s24+$0xFFFFFF70];
	[tilespmem:s24+$0xFFFFFFD0] =	vst v6;
	v22 =	vmul.f32 v23, v22  }
0xea: {  	v3 =	vmul.f32 v3, v12;
	v6 =	vmul.f32 v20, v12;
	[tilespmem:s24+$0xFFFFFFC0] =	vst v8;
	v8 =	vld [tilespmem:s24+$0xF0]  }
0xeb: {  	v20 =	vmul.f32 v24, v19;
	v12 =	vld [tilespmem:s24+$0xFFFFFF80];
	[tilespmem:s24+$0xFFFFFFA0] =	vst v5;
	v13 =	vmul.f32 v13, v18  }
0xec: {  	v5 =	vld [tilespmem:s9+$0xFFFFFFA0];
	[tilespmem:s24+$0xFFFFFFF0] =	vst v3;
	v18 =	vmul.f32 v10, v18;
	v10 =	vmul.f32 v17, v19  }
0xed: {  	v3 =	vmul.f32 v16, v15;
	v15 =	vmul.f32 v7, v15;
	[tilespmem:s24+$0x60] =	vst v9  }
0xee: {  	v0 =	vmul.f32 v0, v11;
	v7 =	vmul.f32 v25, v11;
	[tilespmem:s24+$0xFFFFFFB0] =	vst v14  }
0xef: {  	v2 =	vbroadcast v2, $0x4;
	[tilespmem:s24+$0xFFFFFF20] =	vst v3;
	v3 =	vmul.f32 v8, v4  }
0xf0: {  	[tilespmem:s24+$0xFFFFFF60] =	vst v0  }
0xf1: {  	v4 =	vmul.f32 v12, v2;
	v0 =	vmul.f32 v1, v2;
	[tilespmem:s24+$0x40] =	vst v21  }
0xf2: {  	[tilespmem:s24+$0xFFFFFFE0] =	vst v6  }
0xf3: {  	[tilespmem:s24+$0xF0] =	vst v3  }
0xf4: {  	[tilespmem:s24+$0xFFFFFF90] =	vst v0  }
0xf5: {  	v3 =	vld [tilespmem:s9+$0xFFFFFFF0];
	[tilespmem:s24+$0xFFFFFF70] =	vst v7  }
0xf6: {  	v0 =	vld [tilespmem:s9+$0xFFFFFF60];
	[tilespmem:s24+$0x20] =	vst v10  }
0xf7: {  	v6 =	vld [tilespmem:s9+$0xFFFFFFD0];
	[tilespmem:s24+$0x30] =	vst v20  }
0xf8: {  	v7 =	vld [tilespmem:s9+$0x80];
	[tilespmem:s24+$0xFFFFFF80] =	vst v4  }
0xf9: {  	v10 =	vld [tilespmem:s9+$0xFFFFFF10];
	[tilespmem:s24+$0x50] =	vst v22  }
0xfa: {  	v14 =	vld [tilespmem:s9+$0xE0];
	[tilespmem:s24+$0x0] =	vst v13  }
0xfb: {  	v9 =	vld [tilespmem:s9+$0xFFFFFF40];
	[tilespmem:s24+$0xFFFFFF30] =	vst v15  }
0xfc: {  	s20 =	sshra.s32 s20, $0x2;
	v1 =	vld [tilespmem:s9+$0xFFFFFF90];
	[tilespmem:s24+$0x10] =	vst v18;
	s24 =	smov.u32 s9  }
0xfd: {  	v2 =	vld [tilespmem:s20+$0x19380]  }
0xfe: {  	v8 =	vld [tilespmem:s9+$0xFFFFFFC0]  }
0xff: {  	v11 =	vld [tilespmem:s9+$0xFFFFFF00]  }
0x100: {  	v12 =	vld [tilespmem:s9+$0xD0]  }
.Ltmp1:
0x101: {  	v21 =	vld [tilespmem:s9+$0xC0];
	(pc) =	sbr.rel @p0 .LBB2_5-.Ltmp1, $4  }
0x102: {  	v17 =	vbroadcast v2, $0x0;
	v19 =	vld [tilespmem:s9+$0x90];
	v4 =	vbroadcast v2, $0xF  }
0x103: {  	v18 =	vbroadcast v2, $0x2;
	v16 =	vbroadcast v2, $0xE;
	v20 =	vld [tilespmem:s9+$0xFFFFFF50]  }
0x104: {  	v23 =	vmul.f32 v17, v11;
	v11 =	vbroadcast v2, $0xD;
	v15 =	vld [tilespmem:s9+$0xB0]  }
0x105: {  	v13 =	vbroadcast v2, $0xC;
	v22 =	vmul.f32 v9, v18;
	v9 =	vld [tilespmem:s9+$0x60]  }
0x106: {  	[tilespmem:s24+$0xFFFFFF00] =	vst v23;
	v14 =	vmul.f32 v14, v4  }
0x107: {  	v21 =	vmul.f32 v21, v16;
	[tilespmem:s24+$0xFFFFFF40] =	vst v22  }
0x108: {  	v10 =	vmul.f32 v10, v17;
	[tilespmem:s24+$0xE0] =	vst v14  }
0x109: {  	v28 =	vmul.f32 v12, v16;
	[tilespmem:s24+$0xC0] =	vst v21  }
0x10a: {  	v26 =	vmul.f32 v19, v13;
	[tilespmem:s24+$0xFFFFFF10] =	vst v10  }
0x10b: {  	v34 =	vbroadcast v2, $0x6;
	v7 =	vmul.f32 v7, v13;
	[tilespmem:s24+$0xD0] =	vst v28  }
0x10c: {  	v18 =	vmul.f32 v20, v18;
	[tilespmem:s24+$0x90] =	vst v26  }
0x10d: {  	v38 =	vbroadcast v2, $0x5;
	v6 =	vmul.f32 v6, v34;
	[tilespmem:s24+$0x80] =	vst v7  }
0x10e: {  	v40 =	vbroadcast v2, $0x7;
	v8 =	vmul.f32 v8, v34;
	[tilespmem:s24+$0xFFFFFF50] =	vst v18  }
0x10f: {  	v47 =	vbroadcast v2, $0x3;
	v5 =	vmul.f32 v5, v38;
	[tilespmem:s24+$0xFFFFFFD0] =	vst v6  }
0x110: {  	v24 =	vld [tilespmem:s24+$0xA0];
	v52 =	vbroadcast v2, $0x4;
	v3 =	vmul.f32 v3, v40;
	[tilespmem:s24+$0xFFFFFFC0] =	vst v8  }
0x111: {  	v25 =	vld [tilespmem:s24+$0x70];
	v0 =	vmul.f32 v0, v47;
	[tilespmem:s24+$0xFFFFFFA0] =	vst v5  }
0x112: {  	v27 =	vld [tilespmem:s24+$0xFFFFFFB0];
	v30 =	vbroadcast v2, $0xB;
	v1 =	vmul.f32 v1, v52;
	[tilespmem:s24+$0xFFFFFFF0] =	vst v3  }
0x113: {  	v29 =	vld [tilespmem:s24+$0xFFFFFF20];
	v36 =	vmul.f32 v15, v11;
	[tilespmem:s24+$0xFFFFFF60] =	vst v0  }
0x114: {  	v33 =	vld [tilespmem:s24+$0x40];
	v9 =	vmul.f32 v9, v30;
	[tilespmem:s24+$0xFFFFFF90] =	vst v1  }
0x115: {  	v31 =	vld [tilespmem:s24+$0xFFFFFFE0];
	v32 =	vmul.f32 v24, v11;
	[tilespmem:s24+$0xB0] =	vst v36  }
0x116: {  	v45 =	vbroadcast v2, $0x1;
	v48 =	vld [tilespmem:s24+$0xF0];
	v17 =	vmul.f32 v25, v30;
	[tilespmem:s24+$0x60] =	vst v9  }
0x117: {  	v42 =	vld [tilespmem:s24+$0xFFFFFF70];
	v49 =	vbroadcast v2, $0xA;
	v46 =	vmul.f32 v27, v38;
	[tilespmem:s24+$0xA0] =	vst v32  }
0x118: {  	v37 =	vld [tilespmem:s24+$0x20];
	v12 =	vmul.f32 v29, v45;
	[tilespmem:s24+$0x70] =	vst v17  }
0x119: {  	v39 =	vld [tilespmem:s24+$0x30];
	v51 =	vmul.f32 v33, v49;
	[tilespmem:s24+$0xFFFFFFB0] =	vst v46  }
0x11a: {  	v43 =	vld [tilespmem:s24+$0xFFFFFF80];
	v7 =	vmul.f32 v31, v40;
	[tilespmem:s24+$0xFFFFFF20] =	vst v12  }
0x11b: {  	v35 =	vld [tilespmem:s24+$0x50];
	v54 =	vbroadcast v2, $0x9;
	v53 =	vmul.f32 v48, v4;
	[tilespmem:s24+$0x40] =	vst v51  }
0x11c: {  	v41 =	vld [tilespmem:s24+$0x0];
	v55 =	vmul.f32 v42, v47;
	[tilespmem:s24+$0xFFFFFFE0] =	vst v7  }
0x11d: {  	v50 =	vld [tilespmem:s24+$0xFFFFFF30];
	v56 =	vmul.f32 v37, v54;
	[tilespmem:s24+$0xF0] =	vst v53  }
0x11e: {  	v44 =	vld [tilespmem:s24+$0x10];
	v57 =	vmul.f32 v39, v54;
	[tilespmem:s24+$0xFFFFFF70] =	vst v55  }
0x11f: {  	v58 =	vbroadcast v2, $0x8;
	v59 =	vmul.f32 v43, v52;
	[tilespmem:s24+$0x20] =	vst v56  }
0x120: {  	v60 =	vmul.f32 v35, v49;
	[tilespmem:s24+$0x30] =	vst v57  }
0x121: {  	v61 =	vmul.f32 v41, v58;
	[tilespmem:s24+$0xFFFFFF80] =	vst v59  }
0x122: {  	v62 =	vmul.f32 v50, v45;
	[tilespmem:s24+$0x50] =	vst v60  }
0x123: {  	v63 =	vmul.f32 v44, v58;
	[tilespmem:s24+$0x0] =	vst v61  }
0x124: {  	p0 =	seq.s32 s22, $0x3D;
	[tilespmem:s24+$0xFFFFFF30] =	vst v62  }
.Ltmp2:
0x125: {  	[tilespmem:s24+$0x10] =	vst v63;
	(pc) =	sbr.rel @p0 .LBB2_8-.Ltmp2, $4  }
0x126: {  	[spmem:s2] =	stream.indirect.scatter.add.f32 [tilespmem:s14], [sflag:$0x5], $0x80, s11, s31, $0xb8;
	[tilespmem:$0x19500] =	vst v63  }
0x127: {  	_ =	swait.ge [sflag:s21], $0x2800  }
0x128: {  	[sflag:s21] =	ssyncset.done $0x0  }
0x129: {  	[sflag:s21] =	ssyncadd.s32 $0xFFFFD800  }
0x12a: {  	s9 =	sadd.s32 s23, s18  }
0x12b: {  	s20 =	sshrl.u32 s9, $0x3  }
0x12c: {  	s25 =	sadd.s32 s6, s20  }
0x12d: {  	[tilespmem:s3], [sflag:$0x3] =	stream.linear.gather [hbm4b:s25+s4], $0x50, $0x38;
	[tilespmem:$0x19500] =	vst v63  }
0x12e: {  	s9 =	sshrl.u32 s9, $0x1;
	s20 =	sadd.s32 s7, s20  }
0x12f: {  	[tilespmem:s11], [sflag:$0x3] =	stream.linear.gather [hbm4b:s20+s4], $0x50, $0x38;
	[tilespmem:$0x19500] =	vst v63  }
0x130: {  	s9 =	sadd.s32 s5, s9  }
0x131: {  	[tilespmem:s12], [sflag:$0x3] =	stream.linear.gather [hbm4b:s9+s4], $0x140, $0x38;
	[tilespmem:$0x19500] =	vst v63  }
0x132: {  	_ =	swait.ge [sflag:s13], $0x50  }
0x133: {  	[sflag:s13] =	ssyncset.done $0x0  }
0x134: {  	[sflag:s13] =	ssyncadd.s32 $0xFFFFFFB0  }
0x135: {  	_ =	swait.ge [sflag:s13], $0x50  }
0x136: {  	[sflag:s13] =	ssyncset.done $0x0  }
.Ltmp3:
0x137: {  	[sflag:s13] =	ssyncadd.s32 $0xFFFFFFB0;
	(pc) =	sbr.rel .LBB2_2-.Ltmp3, $4  }
0x138: {  	_ =	swait.ge [sflag:s13], $0x140  }
0x139: {  	[sflag:s13] =	ssyncset.done $0x0  }
0x13a: {  	s22 =	sadd.s32 $0x1, s22;
	[sflag:s13] =	ssyncadd.s32 $0xFFFFFEC0  }
0x13b: {  	[tilespmem:s14], [sflag:$0x4] =	stream.indirect.gather [hbm4b:s1+s31], $0x80, s3, s31, $0xb8;
	[tilespmem:$0x19500] =	vst v63  }
.LBB2_8:
0x13c: {  	_ =	swait.ge [sflag:s15], $0x2800  }
0x13d: {  	[sflag:s15] =	ssyncset.done $0x0  }
0x13e: {  	s22 =	simm.s32 $0x14200;
	[sflag:s15] =	ssyncadd.s32 $0xFFFFD800  }
0x13f: {  	v5 =	vld [tilespmem:s22+$0xFFFFFFA0]  }
0x140: {  	v3 =	vld [tilespmem:s22+$0xFFFFFFF0]  }
0x141: {  	v0 =	vld [tilespmem:s22+$0xFFFFFF60]  }
0x142: {  	v6 =	vld [tilespmem:s22+$0xFFFFFFD0]  }
0x143: {  	v7 =	vld [tilespmem:s22+$0x80]  }
0x144: {  	v10 =	vld [tilespmem:s22+$0xFFFFFF10]  }
0x145: {  	v14 =	vld [tilespmem:s22+$0xE0]  }
0x146: {  	v9 =	vld [tilespmem:s22+$0xFFFFFF40]  }
0x147: {  	s9 =	simm.s32 $0x0;
	v1 =	vld [tilespmem:s22+$0xFFFFFF90]  }
0x148: {  	v2 =	vld [tilespmem:s9+$0x16900]  }
0x149: {  	v8 =	vld [tilespmem:s22+$0xFFFFFFC0]  }
0x14a: {  	v11 =	vld [tilespmem:s22+$0xFFFFFF00]  }
0x14b: {  	v12 =	vld [tilespmem:s22+$0xD0]  }
0x14c: {  	v21 =	vld [tilespmem:s22+$0xC0]  }
0x14d: {  	v19 =	vld [tilespmem:s22+$0x90];
	v17 =	vbroadcast v2, $0x0;
	v4 =	vbroadcast v2, $0xF  }
0x14e: {  	v20 =	vld [tilespmem:s22+$0xFFFFFF50];
	v18 =	vbroadcast v2, $0x2;
	v16 =	vbroadcast v2, $0xE  }
0x14f: {  	v15 =	vld [tilespmem:s22+$0xB0];
	v13 =	vbroadcast v2, $0xC;
	v23 =	vmul.f32 v17, v11  }
0x150: {  	s23 =	simm.s32 $0x40;
	s9 =	simm.s32 $0x14200;
	v11 =	vbroadcast v2, $0xD;
	v22 =	vmul.f32 v9, v18;
	v9 =	vld [tilespmem:s22+$0x60]  }
.LBB2_9:
0x151: {  	p0 =	sne.s32 s23, $0x4C0  }
0x152: {  	[tilespmem:s22+$0xFFFFFF00] =	vst v23;
	v23 =	vld [tilespmem:s22+$0xFFFFFFB0];
	v21 =	vmul.f32 v21, v16;
	v14 =	vmul.f32 v14, v4;
	s9 =	sadd.s32 $0x200, s9;
	s20 =	smov.u32 s23;
	s23 =	sadd.s32 $0x40, s23  }
0x153: {  	[tilespmem:s22+$0xFFFFFF40] =	vst v22;
	v22 =	vbroadcast v2, $0xA;
	v19 =	vmul.f32 v19, v13;
	v24 =	vld [tilespmem:s22+$0xA0]  }
0x154: {  	v10 =	vmul.f32 v10, v17;
	v17 =	vmul.f32 v20, v18;
	v18 =	vld [tilespmem:s22+$0x70];
	[tilespmem:s22+$0xE0] =	vst v14  }
0x155: {  	v14 =	vbroadcast v2, $0x5;
	v20 =	vld [tilespmem:s22+$0xFFFFFFE0];
	v15 =	vmul.f32 v15, v11;
	[tilespmem:s22+$0xC0] =	vst v21  }
0x156: {  	v12 =	vmul.f32 v12, v16;
	[tilespmem:s22+$0xFFFFFF10] =	vst v10;
	v10 =	vbroadcast v2, $0x6;
	v21 =	vld [tilespmem:s22+$0x40]  }
0x157: {  	v25 =	vbroadcast v2, $0xB;
	v5 =	vmul.f32 v5, v14;
	v16 =	vld [tilespmem:s22+$0xFFFFFF20];
	[tilespmem:s22+$0x90] =	vst v19  }
0x158: {  	v19 =	vbroadcast v2, $0x9;
	[tilespmem:s22+$0xFFFFFF50] =	vst v17;
	v17 =	vld [tilespmem:s22+$0x20];
	v11 =	vmul.f32 v24, v11  }
0x159: {  	v14 =	vmul.f32 v23, v14;
	v23 =	vld [tilespmem:s22+$0x50];
	v18 =	vmul.f32 v18, v25;
	[tilespmem:s22+$0xD0] =	vst v12  }
0x15a: {  	v7 =	vmul.f32 v7, v13;
	v12 =	vbroadcast v2, $0x7;
	v24 =	vld [tilespmem:s22+$0x30];
	[tilespmem:s22+$0xA0] =	vst v11  }
0x15b: {  	v8 =	vmul.f32 v8, v10;
	v11 =	vbroadcast v2, $0x3;
	v13 =	vld [tilespmem:s22+$0x0];
	[tilespmem:s22+$0x70] =	vst v18  }
0x15c: {  	v9 =	vmul.f32 v9, v25;
	v6 =	vmul.f32 v6, v10;
	v10 =	vld [tilespmem:s22+$0x10];
	[tilespmem:s22+$0x80] =	vst v7  }
0x15d: {  	v18 =	vbroadcast v2, $0x8;
	v21 =	vmul.f32 v21, v22;
	v7 =	vld [tilespmem:s22+$0xFFFFFF30];
	[tilespmem:s22+$0xB0] =	vst v15  }
0x15e: {  	v15 =	vbroadcast v2, $0x1;
	v25 =	vld [tilespmem:s22+$0xFFFFFF70];
	[tilespmem:s22+$0xFFFFFFD0] =	vst v6;
	v22 =	vmul.f32 v23, v22  }
0x15f: {  	v3 =	vmul.f32 v3, v12;
	v6 =	vmul.f32 v20, v12;
	[tilespmem:s22+$0xFFFFFFC0] =	vst v8;
	v8 =	vld [tilespmem:s22+$0xF0]  }
0x160: {  	v20 =	vmul.f32 v24, v19;
	v12 =	vld [tilespmem:s22+$0xFFFFFF80];
	[tilespmem:s22+$0xFFFFFFA0] =	vst v5;
	v13 =	vmul.f32 v13, v18  }
0x161: {  	v5 =	vld [tilespmem:s9+$0xFFFFFFA0];
	[tilespmem:s22+$0xFFFFFFF0] =	vst v3;
	v18 =	vmul.f32 v10, v18;
	v10 =	vmul.f32 v17, v19  }
0x162: {  	v3 =	vmul.f32 v16, v15;
	v15 =	vmul.f32 v7, v15;
	[tilespmem:s22+$0x60] =	vst v9  }
0x163: {  	v0 =	vmul.f32 v0, v11;
	v7 =	vmul.f32 v25, v11;
	[tilespmem:s22+$0xFFFFFFB0] =	vst v14  }
0x164: {  	v2 =	vbroadcast v2, $0x4;
	[tilespmem:s22+$0xFFFFFF20] =	vst v3;
	v3 =	vmul.f32 v8, v4  }
0x165: {  	[tilespmem:s22+$0xFFFFFF60] =	vst v0  }
0x166: {  	v4 =	vmul.f32 v12, v2;
	v0 =	vmul.f32 v1, v2;
	[tilespmem:s22+$0x40] =	vst v21  }
0x167: {  	[tilespmem:s22+$0xFFFFFFE0] =	vst v6  }
0x168: {  	[tilespmem:s22+$0xF0] =	vst v3  }
0x169: {  	[tilespmem:s22+$0xFFFFFF90] =	vst v0  }
0x16a: {  	v3 =	vld [tilespmem:s9+$0xFFFFFFF0];
	[tilespmem:s22+$0xFFFFFF70] =	vst v7  }
0x16b: {  	v0 =	vld [tilespmem:s9+$0xFFFFFF60];
	[tilespmem:s22+$0x20] =	vst v10  }
0x16c: {  	v6 =	vld [tilespmem:s9+$0xFFFFFFD0];
	[tilespmem:s22+$0x30] =	vst v20  }
0x16d: {  	v7 =	vld [tilespmem:s9+$0x80];
	[tilespmem:s22+$0xFFFFFF80] =	vst v4  }
0x16e: {  	v10 =	vld [tilespmem:s9+$0xFFFFFF10];
	[tilespmem:s22+$0x50] =	vst v22  }
0x16f: {  	v14 =	vld [tilespmem:s9+$0xE0];
	[tilespmem:s22+$0x0] =	vst v13  }
0x170: {  	v9 =	vld [tilespmem:s9+$0xFFFFFF40];
	[tilespmem:s22+$0xFFFFFF30] =	vst v15  }
0x171: {  	s20 =	sshra.s32 s20, $0x2;
	v1 =	vld [tilespmem:s9+$0xFFFFFF90];
	[tilespmem:s22+$0x10] =	vst v18;
	s22 =	smov.u32 s9  }
0x172: {  	v2 =	vld [tilespmem:s20+$0x16900]  }
0x173: {  	v8 =	vld [tilespmem:s9+$0xFFFFFFC0]  }
0x174: {  	v11 =	vld [tilespmem:s9+$0xFFFFFF00]  }
0x175: {  	v12 =	vld [tilespmem:s9+$0xD0]  }
.Ltmp4:
0x176: {  	v21 =	vld [tilespmem:s9+$0xC0];
	(pc) =	sbr.rel @p0 .LBB2_9-.Ltmp4, $4  }
0x177: {  	v17 =	vbroadcast v2, $0x0;
	v19 =	vld [tilespmem:s9+$0x90];
	v4 =	vbroadcast v2, $0xF  }
0x178: {  	v18 =	vbroadcast v2, $0x2;
	v16 =	vbroadcast v2, $0xE;
	v20 =	vld [tilespmem:s9+$0xFFFFFF50]  }
0x179: {  	v23 =	vmul.f32 v17, v11;
	v11 =	vbroadcast v2, $0xD;
	v15 =	vld [tilespmem:s9+$0xB0]  }
0x17a: {  	v13 =	vbroadcast v2, $0xC;
	v22 =	vmul.f32 v9, v18;
	v9 =	vld [tilespmem:s9+$0x60]  }
0x17b: {  	[tilespmem:s22+$0xFFFFFF00] =	vst v23;
	v14 =	vmul.f32 v14, v4  }
0x17c: {  	v21 =	vmul.f32 v21, v16;
	[tilespmem:s22+$0xFFFFFF40] =	vst v22  }
0x17d: {  	v10 =	vmul.f32 v10, v17;
	[tilespmem:s22+$0xE0] =	vst v14  }
0x17e: {  	v28 =	vmul.f32 v12, v16;
	[tilespmem:s22+$0xC0] =	vst v21  }
0x17f: {  	v26 =	vmul.f32 v19, v13;
	[tilespmem:s22+$0xFFFFFF10] =	vst v10  }
0x180: {  	v34 =	vbroadcast v2, $0x6;
	v7 =	vmul.f32 v7, v13;
	[tilespmem:s22+$0xD0] =	vst v28  }
0x181: {  	v18 =	vmul.f32 v20, v18;
	[tilespmem:s22+$0x90] =	vst v26  }
0x182: {  	v38 =	vbroadcast v2, $0x5;
	v6 =	vmul.f32 v6, v34;
	[tilespmem:s22+$0x80] =	vst v7  }
0x183: {  	v40 =	vbroadcast v2, $0x7;
	v8 =	vmul.f32 v8, v34;
	[tilespmem:s22+$0xFFFFFF50] =	vst v18  }
0x184: {  	v47 =	vbroadcast v2, $0x3;
	v5 =	vmul.f32 v5, v38;
	[tilespmem:s22+$0xFFFFFFD0] =	vst v6  }
0x185: {  	v24 =	vld [tilespmem:s22+$0xA0];
	v52 =	vbroadcast v2, $0x4;
	v3 =	vmul.f32 v3, v40;
	[tilespmem:s22+$0xFFFFFFC0] =	vst v8  }
0x186: {  	v25 =	vld [tilespmem:s22+$0x70];
	v0 =	vmul.f32 v0, v47;
	[tilespmem:s22+$0xFFFFFFA0] =	vst v5  }
0x187: {  	v27 =	vld [tilespmem:s22+$0xFFFFFFB0];
	v30 =	vbroadcast v2, $0xB;
	v1 =	vmul.f32 v1, v52;
	[tilespmem:s22+$0xFFFFFFF0] =	vst v3  }
0x188: {  	v29 =	vld [tilespmem:s22+$0xFFFFFF20];
	v36 =	vmul.f32 v15, v11;
	[tilespmem:s22+$0xFFFFFF60] =	vst v0  }
0x189: {  	v33 =	vld [tilespmem:s22+$0x40];
	v9 =	vmul.f32 v9, v30;
	[tilespmem:s22+$0xFFFFFF90] =	vst v1  }
0x18a: {  	v31 =	vld [tilespmem:s22+$0xFFFFFFE0];
	v32 =	vmul.f32 v24, v11;
	[tilespmem:s22+$0xB0] =	vst v36  }
0x18b: {  	v45 =	vbroadcast v2, $0x1;
	v48 =	vld [tilespmem:s22+$0xF0];
	v17 =	vmul.f32 v25, v30;
	[tilespmem:s22+$0x60] =	vst v9  }
0x18c: {  	v42 =	vld [tilespmem:s22+$0xFFFFFF70];
	v49 =	vbroadcast v2, $0xA;
	v46 =	vmul.f32 v27, v38;
	[tilespmem:s22+$0xA0] =	vst v32  }
0x18d: {  	v37 =	vld [tilespmem:s22+$0x20];
	v12 =	vmul.f32 v29, v45;
	[tilespmem:s22+$0x70] =	vst v17  }
0x18e: {  	v39 =	vld [tilespmem:s22+$0x30];
	v51 =	vmul.f32 v33, v49;
	[tilespmem:s22+$0xFFFFFFB0] =	vst v46  }
0x18f: {  	v43 =	vld [tilespmem:s22+$0xFFFFFF80];
	v7 =	vmul.f32 v31, v40;
	[tilespmem:s22+$0xFFFFFF20] =	vst v12  }
0x190: {  	v35 =	vld [tilespmem:s22+$0x50];
	v54 =	vbroadcast v2, $0x9;
	v53 =	vmul.f32 v48, v4;
	[tilespmem:s22+$0x40] =	vst v51  }
0x191: {  	v41 =	vld [tilespmem:s22+$0x0];
	v55 =	vmul.f32 v42, v47;
	[tilespmem:s22+$0xFFFFFFE0] =	vst v7  }
0x192: {  	v50 =	vld [tilespmem:s22+$0xFFFFFF30];
	v56 =	vmul.f32 v37, v54;
	[tilespmem:s22+$0xF0] =	vst v53  }
0x193: {  	v44 =	vld [tilespmem:s22+$0x10];
	v57 =	vmul.f32 v39, v54;
	[tilespmem:s22+$0xFFFFFF70] =	vst v55  }
0x194: {  	v58 =	vbroadcast v2, $0x8;
	v59 =	vmul.f32 v43, v52;
	[tilespmem:s22+$0x20] =	vst v56  }
0x195: {  	v60 =	vmul.f32 v35, v49;
	[tilespmem:s22+$0x30] =	vst v57  }
0x196: {  	v61 =	vmul.f32 v41, v58;
	[tilespmem:s22+$0xFFFFFF80] =	vst v59  }
0x197: {  	v62 =	vmul.f32 v50, v45;
	[tilespmem:s22+$0x50] =	vst v60  }
0x198: {  	v63 =	vmul.f32 v44, v58;
	[tilespmem:s22+$0x0] =	vst v61  }
0x199: {  	[tilespmem:s22+$0xFFFFFF30] =	vst v62  }
0x19a: {  	[tilespmem:s22+$0x10] =	vst v63  }
0x19b: {  	[spmem:s2] =	stream.indirect.scatter.add.f32 [tilespmem:s0], [sflag:$0x5], $0x80, s28, s31, $0xb8;
	[tilespmem:$0x19500] =	vst v63  }
0x19c: {  	_ =	swait.ge [sflag:s21], $0x2800  }
0x19d: {  	[sflag:s21] =	ssyncset.done $0x0  }
0x19e: {  	[sflag:s21] =	ssyncadd.s32 $0xFFFFD800  }
0x19f: {  	[bflag:$0x0] =	sbarrier.arrive $0xFFFF  }
0x1a0: {  	s9 =	rddreg [dreg:$0xb]  }
0x1a1: {  	s20 =	rddreg [dreg:$0x11]  }
0x1a2: {  	[hbm:s9], [sflag:s10] =	dma.local [spmem:s20], $0x2800  }
0x1a3: {  	_ =	swait.ge [sflag:s21], $0x2800  }
0x1a4: {  	s19 =	sadd.s32 $0x1, s19;
	s25 =	rddreg [dreg:$0xc]  }
0x1a5: {  	p0 =	sne.s32 s19, s25  }
.Ltmp5:
0x1a6: {  	_ = 	snop;
	(pc) =	sbr.rel @p0 .LBB2_1-.Ltmp5, $3  }
0x1a7: {  	_ =	sdelay $0x1  }
0x1a8: {  	[sflag:s21] =	ssyncset.done $0x0  }
0x1a9: {  	[sflag:s21] =	ssyncadd.s32 $0xFFFFD800  }
0x1aa: {  	_ =	sfence.sel $0x180000  }
0x1ab: {  	[bflag:$0x0] =	sbarrier.arrive $0xFFFF  }
0x1ac: {  	_ =	strace $0x9000004A  }
0x1ad: {  	s0 =	stileid.u32;
	[bflag:$0x2] =	sbarrier.arrive $0xFFFF  }
0x1ae: {  	p0 =	sne.s32 s0, $0x0;
	s0 =	rddreg [dreg:$0x3]  }
0x1af: {  	s0 =	sadd.s32 @!p0 $0x100000, s0  }
0x1b0: {  	[sflag:s0] =	ssyncadd.tile.s32 @!p0 $0x1;
	_ =	shalt  }
.Lfunc_end2:
_tile_overlayer_lowered:
.L_overlay_start_2:
0x1b1: {  	(tag) =	ssettag $0x2  }
0x1b2: {  	s0 =	rddreg [dreg:$0x0];
	s2 =	stileid.u32  }
0x1b3: {  	s1 =	rddreg [dreg:$0x1];
	p0 =	sne.s32 s2, $0x0  }
0x1b4: {  	s3 =	rddreg [dreg:$0x2];
	[bflag:$0x3] =	sbarrier.arrive $0xFFFF;
	s2 =	simm.s32 @!p0 $0x1C05  }
0x1b5: {  	[timem:s3], [sflag:s2] =	dma.local @!p0 [hbm:s0], s1  }
0x1b6: {  	s0 =	simm.s32 @!p0 $0x5  }
0x1b7: {  	_ =	swait.ge @!p0 [sflag:s0], s1  }
0x1b8: {  	s1 =	ssub.s32 @!p0 $0x0, s1;
	[sflag:s0] =	ssyncset.done @!p0 $0x0  }
0x1b9: {  	[sflag:s0] =	ssyncadd.s32 @!p0 s1  }
0x1ba: {  	[bflag:$0x3] =	sbarrier.arrive $0xFFFF  }
0x1bb: {  	_ =	shalt  }

</sc_bundles>
